<compile_context>
chip_gen: v7x
topology: tpu7x:2x2x1
jax: 0.10.2.dev20260603
libtpu: 0.0.44.dev20260713+nightly
codegen_flags: <defaults>
</compile_context>

<pallas_src>
import functools

import jax
import jax.numpy as jnp
from jax import lax
from jax.experimental import pallas as pl
from jax.experimental.pallas import tpu as pltpu
from jax.experimental.pallas import tpu_sc as plsc

NC = 2
NS = 16


def _sc_aggregate(h, src, dst, zrows):
    N, D = h.shape
    E = src.shape[0]
    NW = NC * NS
    EPW = E // NW
    CH = 80
    NCHUNK = EPW // CH
    RPT = (N // NS) // 8 * 8
    REM = N - RPT * NS

    mesh = plsc.VectorSubcoreMesh(core_axis_name="c", subcore_axis_name="s")

    @functools.partial(
        pl.kernel,
        out_type=jax.ShapeDtypeStruct((NC, N, D), jnp.float32),
        mesh=mesh,
        scratch_types=[
            pltpu.VMEM((2, CH), jnp.int32),
            pltpu.VMEM((2, CH), jnp.int32),
            pltpu.VMEM((2, CH), jnp.int32),
            pltpu.VMEM((CH, D), jnp.float32),
            pltpu.VMEM((CH, D), jnp.float32),
            pltpu.VMEM((CH, D), jnp.float32),
            pltpu.VMEM_SHARED((N, D), jnp.float32),
            pltpu.SemaphoreType.DMA,
            pltpu.SemaphoreType.DMA,
            pltpu.SemaphoreType.DMA,
        ],
    )
    def agg_kernel(h_hbm, ei_hbm, z_hbm, out_hbm, i0, i1, i2, r0, r1, r2, acc, sem0, sem1, sem2):
        c = lax.axis_index("c")
        s = lax.axis_index("s")
        wid = c * NS + s

        pltpu.sync_copy(z_hbm.at[pl.ds(0, RPT)], acc.at[pl.ds(s * RPT, RPT)])

        @pl.when(s == NS - 1)
        def _():
            pltpu.sync_copy(z_hbm.at[pl.ds(0, REM)],
                            acc.at[pl.ds(NS * RPT, REM)])

        plsc.subcore_barrier()

        def load_idx(j, ib):
            pltpu.sync_copy(ei_hbm.at[wid, j], ib)

        def gather(ib, rbuf, sem):
            return pltpu.make_async_copy(h_hbm.at[ib.at[0]], rbuf, sem)

        def scatter_add(ib, rbuf):
            pltpu.sync_copy(rbuf, acc.at[ib.at[1]], add=True)

        load_idx(0, i0)
        gather(i0, r0, sem0).start()
        load_idx(1, i1)
        gather(i1, r1, sem1).start()

        @pl.loop(0, NCHUNK, step=3)
        def _(j):
            @pl.when(j + 2 < NCHUNK)
            def _():
                load_idx(j + 2, i2)
                gather(i2, r2, sem2).start()

            gather(i0, r0, sem0).wait()
            scatter_add(i0, r0)

            @pl.when(j + 3 < NCHUNK)
            def _():
                load_idx(j + 3, i0)
                gather(i0, r0, sem0).start()

            @pl.when(j + 1 < NCHUNK)
            def _():
                gather(i1, r1, sem1).wait()
                scatter_add(i1, r1)

            @pl.when(j + 4 < NCHUNK)
            def _():
                load_idx(j + 4, i1)
                gather(i1, r1, sem1).start()

            @pl.when(j + 2 < NCHUNK)
            def _():
                gather(i2, r2, sem2).wait()
                scatter_add(i2, r2)

        plsc.subcore_barrier()
        pltpu.sync_copy(acc.at[pl.ds(s * RPT, RPT)],
                        out_hbm.at[c, pl.ds(s * RPT, RPT)])

        @pl.when(s == NS - 1)
        def _():
            pltpu.sync_copy(acc.at[pl.ds(NS * RPT, REM)],
                            out_hbm.at[c, pl.ds(NS * RPT, REM)])

    src3 = src.reshape(NW, NCHUNK, CH)
    dst3 = dst.reshape(NW, NCHUNK, CH)
    ei4 = jnp.stack([src3, dst3], axis=2)
    return agg_kernel(h, ei4, zrows)


def _tc_layer(h, agg, W1, b1, W2, b2, gamma, beta):
    N, D = h.shape

    def body(h_ref, a_ref, w1_ref, b1_ref, w2_ref, b2_ref, g_ref, bt_ref, o_ref):
        m = h_ref[...] + a_ref[0] + a_ref[1]
        t = jnp.dot(m.astype(jnp.bfloat16), w1_ref[...].astype(jnp.bfloat16),
                    preferred_element_type=jnp.float32)
        t = jnp.maximum(t + b1_ref[...], 0.0)
        u = jnp.dot(t.astype(jnp.bfloat16), w2_ref[...].astype(jnp.bfloat16),
                    preferred_element_type=jnp.float32)
        u = jnp.maximum(u + b2_ref[...], 0.0)
        mu = jnp.mean(u, axis=0, keepdims=True)
        d = u - mu
        var = jnp.mean(d * d, axis=0, keepdims=True)
        o_ref[...] = d * lax.rsqrt(var + 1e-5) * g_ref[...] + bt_ref[...]

    return pl.pallas_call(
        body,
        out_shape=jax.ShapeDtypeStruct((N, D), jnp.float32),
    )(h, agg, W1, b1.reshape(1, D), W2, b2.reshape(1, D),
      gamma.reshape(1, D), beta.reshape(1, D))


def _tc_pool(h, batch, G, fc_w, fc_b):
    N, D = h.shape

    def body(h_ref, b_ref, w_ref, bias_ref, o_ref):
        bvec = b_ref[...]
        gids = lax.broadcasted_iota(jnp.int32, (1, G), 1)
        onehot = (bvec == gids).astype(jnp.float32)
        cnt = jnp.sum(onehot, axis=0, keepdims=True)
        w = onehot * (1.0 / jnp.maximum(cnt, 1.0))
        pooled = lax.dot_general(w, h_ref[...], (((0,), (0,)), ((), ())),
                                 preferred_element_type=jnp.float32,
                                 precision=lax.Precision.HIGHEST)
        z = jnp.dot(pooled.astype(jnp.bfloat16), w_ref[...].astype(jnp.bfloat16),
                    preferred_element_type=jnp.float32)
        o_ref[...] = jnp.tanh(z + bias_ref[...])

    return pl.pallas_call(
        body,
        out_shape=jax.ShapeDtypeStruct((G, D), jnp.float32),
    )(h, batch.reshape(N, 1), fc_w, fc_b.reshape(1, D))


def kernel(x, edge_index, batch, W1, b1, W2, b2, gamma, beta, fc_w, fc_b):
    N, D = x.shape
    G = 64
    zrows = jnp.zeros(((N // NS) // 8 * 8, D), dtype=jnp.float32)
    src = edge_index[0]
    dst = edge_index[1]
    h = x
    for i in range(5):
        agg = _sc_aggregate(h, src, dst, zrows)
        h = _tc_layer(h, agg, W1[i], b1[i], W2[i], b2[i], gamma[i], beta[i])
    return _tc_pool(h, batch, G, fc_w, fc_b)

# --- scband reference (transcript-rebuilt; emitter-appended) ---
"""Pipeline reference for scband-ginfeatures-71150428225937 (READ-ONLY COPY).

The authoritative reference and input builder live on the scoring server;
editing this copy changes nothing except your own understanding.
"""

import jax, jax.numpy as jnp
import numpy as np

N = 10000
E = 320000
D = 128
G = 64


def setup_inputs(seed: int = 0) -> dict:
    key = jax.random.key(seed)
    ks = jax.random.split(key, 12)
    x = jax.random.normal(ks[0], (N, D), dtype=jnp.float32)
    edge_index = jax.random.randint(ks[1], (2, E), 0, N, dtype=jnp.int32)
    batch = jnp.sort(jax.random.randint(ks[2], (N,), 0, G, dtype=jnp.int32))
    s = 1.0 / np.sqrt(D)
    W1 = jax.random.uniform(ks[3], (5, D, D), minval=-s, maxval=s, dtype=jnp.float32)
    b1 = jax.random.uniform(ks[4], (5, D), minval=-s, maxval=s, dtype=jnp.float32)
    W2 = jax.random.uniform(ks[5], (5, D, D), minval=-s, maxval=s, dtype=jnp.float32)
    b2 = jax.random.uniform(ks[6], (5, D), minval=-s, maxval=s, dtype=jnp.float32)
    gamma = jnp.ones((5, D), dtype=jnp.float32)
    beta = jnp.zeros((5, D), dtype=jnp.float32)
    fc_w = jax.random.uniform(ks[7], (D, D), minval=-s, maxval=s, dtype=jnp.float32)
    fc_b = jax.random.uniform(ks[8], (D,), minval=-s, maxval=s, dtype=jnp.float32)
    return {"x": x, "edge_index": edge_index, "batch": batch, "W1": W1, "b1": b1,
            "W2": W2, "b2": b2, "gamma": gamma, "beta": beta, "fc_w": fc_w, "fc_b": fc_b}


def reference(x, edge_index, batch, W1, b1, W2, b2, gamma, beta, fc_w, fc_b):
    src = edge_index[0]
    dst = edge_index[1]
    h = x
    for i in range(5):
        # GINConv with eps=0: nn((1+eps)*x + sum_{j in N(i)} x_j)
        agg = jnp.zeros_like(h).at[dst].add(h[src])
        m = h + agg
        m = jnp.maximum(m @ W1[i] + b1[i], 0.0) @ W2[i] + b2[i]
        # outer activation
        m = jnp.maximum(m, 0.0)
        # BatchNorm1d (training-mode batch statistics, eps=1e-5)
        mu = jnp.mean(m, axis=0)
        var = jnp.var(m, axis=0)
        h = (m - mu) / jnp.sqrt(var + 1e-5) * gamma[i] + beta[i]
    # global_mean_pool over graph assignment
    ones = jnp.ones((h.shape[0],), dtype=h.dtype)
    sums = jax.ops.segment_sum(h, batch, num_segments=G)
    cnt = jax.ops.segment_sum(ones, batch, num_segments=G)
    pooled = sums / jnp.maximum(cnt, 1.0)[:, None]
    return jnp.tanh(pooled @ fc_w + fc_b)

if __name__ == "__main__":
    import jax
    _d = setup_inputs()
    print(jax.jit(kernel)(*tuple(_d.values())))

</pallas_src>

<mosaic_0001>
#map = affine_map<(d0, d1) -> (0, 0)>
#map1 = affine_map<(d0, d1) -> (0, 0, 0, 0)>
#map2 = affine_map<(d0, d1) -> (0, 0, 0)>
module attributes {stable_mosaic.version = 14 : i64} {
  func.func @agg_kernel(%arg0: i32, %arg1: i32, %arg2: memref<10000x128xf32, #tpu.memory_space<hbm>>, %arg3: memref<32x125x2x80xi32, #tpu.memory_space<hbm>>, %arg4: memref<624x128xf32, #tpu.memory_space<hbm>>, %arg5: memref<2x10000x128xf32, #tpu.memory_space<hbm>>, %arg6: memref<2x80xi32, #tpu.memory_space<vmem>>, %arg7: memref<2x80xi32, #tpu.memory_space<vmem>>, %arg8: memref<2x80xi32, #tpu.memory_space<vmem>>, %arg9: memref<80x128xf32, #tpu.memory_space<vmem>>, %arg10: memref<80x128xf32, #tpu.memory_space<vmem>>, %arg11: memref<80x128xf32, #tpu.memory_space<vmem>>, %arg12: memref<10000x128xf32, #tpu.memory_space<vmem_shared>>, %arg13: memref<!tpu.dma_semaphore, #tpu.memory_space<semaphore_mem>>, %arg14: memref<!tpu.dma_semaphore, #tpu.memory_space<semaphore_mem>>, %arg15: memref<!tpu.dma_semaphore, #tpu.memory_space<semaphore_mem>>) attributes {dimension_semantics = [#tpu.dimension_semantics<core_parallel>, #tpu.dimension_semantics<subcore_parallel>], iteration_bounds = array<i64: 2, 16>, scalar_prefetch = 0 : i64, scratch_operands = 10 : i64, tpu.core_type = #tpu.core_type<sc_vector_subcore>, window_params = [{transform_indices = #map}, {transform_indices = #map1}, {transform_indices = #map}, {transform_indices = #map2}]} {
    %mul3A = arith.constant 16 : i32
    %mul3A_0 = arith.muli %arg0, %mul3A : i32
    %add3A = arith.addi %mul3A_0, %arg1 : i32
    %mul3A_1 = arith.constant 624 : i32
    %mul3A_2 = arith.muli %arg1, %mul3A_1 : i32
    "tpu.region"() ({
      %run_scoped3A_33 = tpu.sem_alloc : memref<!tpu.dma_semaphore, #tpu.memory_space<semaphore_mem>>
      %dma_start3A_34 = arith.constant 0 : i32
      %dma_start3A_35 = tpu.memref_slice %arg12[%mul3A_2, %dma_start3A_34] : memref<10000x128xf32, #tpu.memory_space<vmem_shared>> -> memref<624x128xf32, #tpu.memory_space<vmem_shared>>
      %dma_start3A_36 = arith.constant 0 : i32
      %dma_start3A_37 = arith.constant 0 : i32
      %dma_start3A_38 = tpu.memref_slice %arg4[%dma_start3A_36, %dma_start3A_37] : memref<624x128xf32, #tpu.memory_space<hbm>> -> memref<624x128xf32, #tpu.memory_space<hbm>>
      tpu.enqueue_dma source(%dma_start3A_38 : memref<624x128xf32, #tpu.memory_space<hbm>>) target(%dma_start3A_35 : memref<624x128xf32, #tpu.memory_space<vmem_shared>>) target_semaphore(%run_scoped3A_33 : memref<!tpu.dma_semaphore, #tpu.memory_space<semaphore_mem>>)
      %dma_wait3A = arith.constant 0 : i32
      %dma_wait3A_39 = tpu.memref_slice %arg12[%mul3A_2, %dma_wait3A] : memref<10000x128xf32, #tpu.memory_space<vmem_shared>> -> memref<624x128xf32, #tpu.memory_space<vmem_shared>>
      %dma_wait3A_40 = arith.constant 0 : i32
      %dma_wait3A_41 = arith.constant 0 : i32
      %dma_wait3A_42 = tpu.memref_slice %arg4[%dma_wait3A_40, %dma_wait3A_41] : memref<624x128xf32, #tpu.memory_space<hbm>> -> memref<624x128xf32, #tpu.memory_space<hbm>>
      tpu.wait_dma2 semaphore(%run_scoped3A_33 : memref<!tpu.dma_semaphore, #tpu.memory_space<semaphore_mem>>) src(%dma_wait3A_42 : memref<624x128xf32, #tpu.memory_space<hbm>>) dst(%dma_wait3A_39 : memref<624x128xf32, #tpu.memory_space<vmem_shared>>)
      tpu.yield
    }) : () -> ()
    %eq3A = arith.constant 15 : i32
    %eq3A_3 = arith.cmpi eq, %arg1, %eq3A : i32
    %convert_element_type3A = arith.extui %eq3A_3 : i1 to i32
    %cond3A = arith.constant 0 : i32
    %cond3A_4 = arith.cmpi ne, %convert_element_type3A, %cond3A : i32
    scf.if %cond3A_4 {
      "tpu.region"() ({
        %run_scoped3A_33 = tpu.sem_alloc : memref<!tpu.dma_semaphore, #tpu.memory_space<semaphore_mem>>
        %dma_start3A_34 = arith.constant 9984 : i32
        %dma_start3A_35 = arith.constant 0 : i32
        %dma_start3A_36 = tpu.memref_slice %arg12[%dma_start3A_34, %dma_start3A_35] : memref<10000x128xf32, #tpu.memory_space<vmem_shared>> -> memref<16x128xf32, #tpu.memory_space<vmem_shared>>
        %dma_start3A_37 = arith.constant 0 : i32
        %dma_start3A_38 = arith.constant 0 : i32
        %dma_start3A_39 = tpu.memref_slice %arg4[%dma_start3A_37, %dma_start3A_38] : memref<624x128xf32, #tpu.memory_space<hbm>> -> memref<16x128xf32, #tpu.memory_space<hbm>>
        tpu.enqueue_dma source(%dma_start3A_39 : memref<16x128xf32, #tpu.memory_space<hbm>>) target(%dma_start3A_36 : memref<16x128xf32, #tpu.memory_space<vmem_shared>>) target_semaphore(%run_scoped3A_33 : memref<!tpu.dma_semaphore, #tpu.memory_space<semaphore_mem>>)
        %dma_wait3A = arith.constant 9984 : i32
        %dma_wait3A_40 = arith.constant 0 : i32
        %dma_wait3A_41 = tpu.memref_slice %arg12[%dma_wait3A, %dma_wait3A_40] : memref<10000x128xf32, #tpu.memory_space<vmem_shared>> -> memref<16x128xf32, #tpu.memory_space<vmem_shared>>
        %dma_wait3A_42 = arith.constant 0 : i32
        %dma_wait3A_43 = arith.constant 0 : i32
        %dma_wait3A_44 = tpu.memref_slice %arg4[%dma_wait3A_42, %dma_wait3A_43] : memref<624x128xf32, #tpu.memory_space<hbm>> -> memref<16x128xf32, #tpu.memory_space<hbm>>
        tpu.wait_dma2 semaphore(%run_scoped3A_33 : memref<!tpu.dma_semaphore, #tpu.memory_space<semaphore_mem>>) src(%dma_wait3A_44 : memref<16x128xf32, #tpu.memory_space<hbm>>) dst(%dma_wait3A_41 : memref<16x128xf32, #tpu.memory_space<vmem_shared>>)
        tpu.yield
      }) : () -> ()
    } else {
    }
    %barrier3A = arith.constant 0 : index
    tpu.barrier barrier_id(%barrier3A)
    %run_scoped3A = arith.constant 0 : i32
    "tpu.region"() ({
      %run_scoped3A_33 = tpu.sem_alloc : memref<!tpu.dma_semaphore, #tpu.memory_space<semaphore_mem>>
      %dma_start3A_34 = arith.constant 0 : i32
      %dma_start3A_35 = arith.constant 0 : i32
      %dma_start3A_36 = tpu.memref_slice %arg3[%add3A, %run_scoped3A, %dma_start3A_34, %dma_start3A_35] : memref<32x125x2x80xi32, #tpu.memory_space<hbm>> -> memref<1x1x2x80xi32, #tpu.memory_space<hbm>>
      %dma_start3A_37 = tpu.memref_squeeze %dma_start3A_36 : memref<1x1x2x80xi32, #tpu.memory_space<hbm>> -> memref<2x80xi32, #tpu.memory_space<hbm>>
      %dma_start3A_38 = arith.constant 0 : i32
      %dma_start3A_39 = arith.constant 0 : i32
      %dma_start3A_40 = tpu.memref_slice %arg3[%add3A, %run_scoped3A, %dma_start3A_38, %dma_start3A_39] : memref<32x125x2x80xi32, #tpu.memory_space<hbm>> -> memref<1x1x2x80xi32, #tpu.memory_space<hbm>>
      %dma_start3A_41 = tpu.memref_squeeze %dma_start3A_40 : memref<1x1x2x80xi32, #tpu.memory_space<hbm>> -> memref<2x80xi32, #tpu.memory_space<hbm>>
      tpu.enqueue_dma source(%dma_start3A_41 : memref<2x80xi32, #tpu.memory_space<hbm>>) target(%arg6 : memref<2x80xi32, #tpu.memory_space<vmem>>) target_semaphore(%run_scoped3A_33 : memref<!tpu.dma_semaphore, #tpu.memory_space<semaphore_mem>>)
      %dma_wait3A = arith.constant 0 : i32
      %dma_wait3A_42 = arith.constant 0 : i32
      %dma_wait3A_43 = tpu.memref_slice %arg3[%add3A, %run_scoped3A, %dma_wait3A, %dma_wait3A_42] : memref<32x125x2x80xi32, #tpu.memory_space<hbm>> -> memref<1x1x2x80xi32, #tpu.memory_space<hbm>>
      %dma_wait3A_44 = tpu.memref_squeeze %dma_wait3A_43 : memref<1x1x2x80xi32, #tpu.memory_space<hbm>> -> memref<2x80xi32, #tpu.memory_space<hbm>>
      %dma_wait3A_45 = arith.constant 0 : i32
      %dma_wait3A_46 = arith.constant 0 : i32
      %dma_wait3A_47 = tpu.memref_slice %arg3[%add3A, %run_scoped3A, %dma_wait3A_45, %dma_wait3A_46] : memref<32x125x2x80xi32, #tpu.memory_space<hbm>> -> memref<1x1x2x80xi32, #tpu.memory_space<hbm>>
      %dma_wait3A_48 = tpu.memref_squeeze %dma_wait3A_47 : memref<1x1x2x80xi32, #tpu.memory_space<hbm>> -> memref<2x80xi32, #tpu.memory_space<hbm>>
      tpu.wait_dma2 semaphore(%run_scoped3A_33 : memref<!tpu.dma_semaphore, #tpu.memory_space<semaphore_mem>>) src(%dma_wait3A_48 : memref<2x80xi32, #tpu.memory_space<hbm>>) dst(%arg6 : memref<2x80xi32, #tpu.memory_space<vmem>>)
      tpu.yield
    }) : () -> ()
    %dma_start3A = arith.constant 0 : i32
    %dma_start3A_5 = arith.constant 0 : i32
    %dma_start3A_6 = tpu.memref_slice %arg6[%dma_start3A, %dma_start3A_5] : memref<2x80xi32, #tpu.memory_space<vmem>> -> memref<1x80xi32, #tpu.memory_space<vmem>>
    %dma_start3A_7 = tpu.memref_squeeze %dma_start3A_6 : memref<1x80xi32, #tpu.memory_space<vmem>> -> memref<80xi32, #tpu.memory_space<vmem>>
    %dma_start3A_8 = arith.constant 0 : i32
    %dma_start3A_9 = arith.constant 0 : i32
    %dma_start3A_10 = tpu.memref_slice %arg2[%dma_start3A_8, %dma_start3A_9] : memref<10000x128xf32, #tpu.memory_space<hbm>> -> memref<10000x128xf32, #tpu.memory_space<hbm>>
    tpu.enqueue_indirect_dma source(%dma_start3A_10 : memref<10000x128xf32, #tpu.memory_space<hbm>>) target(%arg9 : memref<80x128xf32, #tpu.memory_space<vmem>>) offsets(%dma_start3A_7 : memref<80xi32, #tpu.memory_space<vmem>>) semaphore(%arg13 : memref<!tpu.dma_semaphore, #tpu.memory_space<semaphore_mem>>)
    %run_scoped3A_11 = arith.constant 1 : i32
    "tpu.region"() ({
      %run_scoped3A_33 = tpu.sem_alloc : memref<!tpu.dma_semaphore, #tpu.memory_space<semaphore_mem>>
      %dma_start3A_34 = arith.constant 0 : i32
      %dma_start3A_35 = arith.constant 0 : i32
      %dma_start3A_36 = tpu.memref_slice %arg3[%add3A, %run_scoped3A_11, %dma_start3A_34, %dma_start3A_35] : memref<32x125x2x80xi32, #tpu.memory_space<hbm>> -> memref<1x1x2x80xi32, #tpu.memory_space<hbm>>
      %dma_start3A_37 = tpu.memref_squeeze %dma_start3A_36 : memref<1x1x2x80xi32, #tpu.memory_space<hbm>> -> memref<2x80xi32, #tpu.memory_space<hbm>>
      %dma_start3A_38 = arith.constant 0 : i32
      %dma_start3A_39 = arith.constant 0 : i32
      %dma_start3A_40 = tpu.memref_slice %arg3[%add3A, %run_scoped3A_11, %dma_start3A_38, %dma_start3A_39] : memref<32x125x2x80xi32, #tpu.memory_space<hbm>> -> memref<1x1x2x80xi32, #tpu.memory_space<hbm>>
      %dma_start3A_41 = tpu.memref_squeeze %dma_start3A_40 : memref<1x1x2x80xi32, #tpu.memory_space<hbm>> -> memref<2x80xi32, #tpu.memory_space<hbm>>
      tpu.enqueue_dma source(%dma_start3A_41 : memref<2x80xi32, #tpu.memory_space<hbm>>) target(%arg7 : memref<2x80xi32, #tpu.memory_space<vmem>>) target_semaphore(%run_scoped3A_33 : memref<!tpu.dma_semaphore, #tpu.memory_space<semaphore_mem>>)
      %dma_wait3A = arith.constant 0 : i32
      %dma_wait3A_42 = arith.constant 0 : i32
      %dma_wait3A_43 = tpu.memref_slice %arg3[%add3A, %run_scoped3A_11, %dma_wait3A, %dma_wait3A_42] : memref<32x125x2x80xi32, #tpu.memory_space<hbm>> -> memref<1x1x2x80xi32, #tpu.memory_space<hbm>>
      %dma_wait3A_44 = tpu.memref_squeeze %dma_wait3A_43 : memref<1x1x2x80xi32, #tpu.memory_space<hbm>> -> memref<2x80xi32, #tpu.memory_space<hbm>>
      %dma_wait3A_45 = arith.constant 0 : i32
      %dma_wait3A_46 = arith.constant 0 : i32
      %dma_wait3A_47 = tpu.memref_slice %arg3[%add3A, %run_scoped3A_11, %dma_wait3A_45, %dma_wait3A_46] : memref<32x125x2x80xi32, #tpu.memory_space<hbm>> -> memref<1x1x2x80xi32, #tpu.memory_space<hbm>>
      %dma_wait3A_48 = tpu.memref_squeeze %dma_wait3A_47 : memref<1x1x2x80xi32, #tpu.memory_space<hbm>> -> memref<2x80xi32, #tpu.memory_space<hbm>>
      tpu.wait_dma2 semaphore(%run_scoped3A_33 : memref<!tpu.dma_semaphore, #tpu.memory_space<semaphore_mem>>) src(%dma_wait3A_48 : memref<2x80xi32, #tpu.memory_space<hbm>>) dst(%arg7 : memref<2x80xi32, #tpu.memory_space<vmem>>)
      tpu.yield
    }) : () -> ()
    %dma_start3A_12 = arith.constant 0 : i32
    %dma_start3A_13 = arith.constant 0 : i32
    %dma_start3A_14 = tpu.memref_slice %arg7[%dma_start3A_12, %dma_start3A_13] : memref<2x80xi32, #tpu.memory_space<vmem>> -> memref<1x80xi32, #tpu.memory_space<vmem>>
    %dma_start3A_15 = tpu.memref_squeeze %dma_start3A_14 : memref<1x80xi32, #tpu.memory_space<vmem>> -> memref<80xi32, #tpu.memory_space<vmem>>
    %dma_start3A_16 = arith.constant 0 : i32
    %dma_start3A_17 = arith.constant 0 : i32
    %dma_start3A_18 = tpu.memref_slice %arg2[%dma_start3A_16, %dma_start3A_17] : memref<10000x128xf32, #tpu.memory_space<hbm>> -> memref<10000x128xf32, #tpu.memory_space<hbm>>
    tpu.enqueue_indirect_dma source(%dma_start3A_18 : memref<10000x128xf32, #tpu.memory_space<hbm>>) target(%arg10 : memref<80x128xf32, #tpu.memory_space<vmem>>) offsets(%dma_start3A_15 : memref<80xi32, #tpu.memory_space<vmem>>) semaphore(%arg14 : memref<!tpu.dma_semaphore, #tpu.memory_space<semaphore_mem>>)
    %scan3A = arith.constant 0 : i32
    %scan3A_19 = arith.constant 42 : i32
    %scan3A_20 = arith.addi %scan3A, %scan3A_19 : i32
    %scan3A_21 = arith.constant 1 : i32
    scf.for %scan3A_33 = %scan3A to %scan3A_20 step %scan3A_21  : i32 {
      %mul3A_34 = arith.constant 3 : i32
      %mul3A_35 = arith.muli %scan3A_33, %mul3A_34 : i32
      %add3A_36 = arith.constant 0 : i32
      %add3A_37 = arith.addi %add3A_36, %mul3A_35 : i32
      %add3A_38 = arith.constant 2 : i32
      %add3A_39 = arith.addi %add3A_37, %add3A_38 : i32
      %lt3A = arith.constant 125 : i32
      %lt3A_40 = arith.cmpi slt, %add3A_39, %lt3A : i32
      %convert_element_type3A_41 = arith.extui %lt3A_40 : i1 to i32
      %cond3A_42 = arith.constant 0 : i32
      %cond3A_43 = arith.cmpi ne, %convert_element_type3A_41, %cond3A_42 : i32
      scf.if %cond3A_43 {
        %add3A_79 = arith.constant 2 : i32
        %add3A_80 = arith.addi %add3A_37, %add3A_79 : i32
        "tpu.region"() ({
          %run_scoped3A_88 = tpu.sem_alloc : memref<!tpu.dma_semaphore, #tpu.memory_space<semaphore_mem>>
          %dma_start3A_89 = arith.constant 0 : i32
          %dma_start3A_90 = arith.constant 0 : i32
          %dma_start3A_91 = tpu.memref_slice %arg3[%add3A, %add3A_80, %dma_start3A_89, %dma_start3A_90] : memref<32x125x2x80xi32, #tpu.memory_space<hbm>> -> memref<1x1x2x80xi32, #tpu.memory_space<hbm>>
          %dma_start3A_92 = tpu.memref_squeeze %dma_start3A_91 : memref<1x1x2x80xi32, #tpu.memory_space<hbm>> -> memref<2x80xi32, #tpu.memory_space<hbm>>
          %dma_start3A_93 = arith.constant 0 : i32
          %dma_start3A_94 = arith.constant 0 : i32
          %dma_start3A_95 = tpu.memref_slice %arg3[%add3A, %add3A_80, %dma_start3A_93, %dma_start3A_94] : memref<32x125x2x80xi32, #tpu.memory_space<hbm>> -> memref<1x1x2x80xi32, #tpu.memory_space<hbm>>
          %dma_start3A_96 = tpu.memref_squeeze %dma_start3A_95 : memref<1x1x2x80xi32, #tpu.memory_space<hbm>> -> memref<2x80xi32, #tpu.memory_space<hbm>>
          tpu.enqueue_dma source(%dma_start3A_96 : memref<2x80xi32, #tpu.memory_space<hbm>>) target(%arg8 : memref<2x80xi32, #tpu.memory_space<vmem>>) target_semaphore(%run_scoped3A_88 : memref<!tpu.dma_semaphore, #tpu.memory_space<semaphore_mem>>)
          %dma_wait3A_97 = arith.constant 0 : i32
          %dma_wait3A_98 = arith.constant 0 : i32
          %dma_wait3A_99 = tpu.memref_slice %arg3[%add3A, %add3A_80, %dma_wait3A_97, %dma_wait3A_98] : memref<32x125x2x80xi32, #tpu.memory_space<hbm>> -> memref<1x1x2x80xi32, #tpu.memory_space<hbm>>
          %dma_wait3A_100 = tpu.memref_squeeze %dma_wait3A_99 : memref<1x1x2x80xi32, #tpu.memory_space<hbm>> -> memref<2x80xi32, #tpu.memory_space<hbm>>
          %dma_wait3A_101 = arith.constant 0 : i32
          %dma_wait3A_102 = arith.constant 0 : i32
          %dma_wait3A_103 = tpu.memref_slice %arg3[%add3A, %add3A_80, %dma_wait3A_101, %dma_wait3A_102] : memref<32x125x2x80xi32, #tpu.memory_space<hbm>> -> memref<1x1x2x80xi32, #tpu.memory_space<hbm>>
          %dma_wait3A_104 = tpu.memref_squeeze %dma_wait3A_103 : memref<1x1x2x80xi32, #tpu.memory_space<hbm>> -> memref<2x80xi32, #tpu.memory_space<hbm>>
          tpu.wait_dma2 semaphore(%run_scoped3A_88 : memref<!tpu.dma_semaphore, #tpu.memory_space<semaphore_mem>>) src(%dma_wait3A_104 : memref<2x80xi32, #tpu.memory_space<hbm>>) dst(%arg8 : memref<2x80xi32, #tpu.memory_space<vmem>>)
          tpu.yield
        }) : () -> ()
        %dma_start3A_81 = arith.constant 0 : i32
        %dma_start3A_82 = arith.constant 0 : i32
        %dma_start3A_83 = tpu.memref_slice %arg8[%dma_start3A_81, %dma_start3A_82] : memref<2x80xi32, #tpu.memory_space<vmem>> -> memref<1x80xi32, #tpu.memory_space<vmem>>
        %dma_start3A_84 = tpu.memref_squeeze %dma_start3A_83 : memref<1x80xi32, #tpu.memory_space<vmem>> -> memref<80xi32, #tpu.memory_space<vmem>>
        %dma_start3A_85 = arith.constant 0 : i32
        %dma_start3A_86 = arith.constant 0 : i32
        %dma_start3A_87 = tpu.memref_slice %arg2[%dma_start3A_85, %dma_start3A_86] : memref<10000x128xf32, #tpu.memory_space<hbm>> -> memref<10000x128xf32, #tpu.memory_space<hbm>>
        tpu.enqueue_indirect_dma source(%dma_start3A_87 : memref<10000x128xf32, #tpu.memory_space<hbm>>) target(%arg11 : memref<80x128xf32, #tpu.memory_space<vmem>>) offsets(%dma_start3A_84 : memref<80xi32, #tpu.memory_space<vmem>>) semaphore(%arg15 : memref<!tpu.dma_semaphore, #tpu.memory_space<semaphore_mem>>)
      } else {
      }
      %dma_wait3A = arith.constant 0 : i32
      %dma_wait3A_44 = arith.constant 0 : i32
      %dma_wait3A_45 = tpu.memref_slice %arg6[%dma_wait3A, %dma_wait3A_44] : memref<2x80xi32, #tpu.memory_space<vmem>> -> memref<1x80xi32, #tpu.memory_space<vmem>>
      %dma_wait3A_46 = tpu.memref_squeeze %dma_wait3A_45 : memref<1x80xi32, #tpu.memory_space<vmem>> -> memref<80xi32, #tpu.memory_space<vmem>>
      %dma_wait3A_47 = arith.constant 0 : i32
      %dma_wait3A_48 = arith.constant 0 : i32
      %dma_wait3A_49 = tpu.memref_slice %arg2[%dma_wait3A_47, %dma_wait3A_48] : memref<10000x128xf32, #tpu.memory_space<hbm>> -> memref<10000x128xf32, #tpu.memory_space<hbm>>
      tpu.wait_indirect_dma semaphore(%arg13 : memref<!tpu.dma_semaphore, #tpu.memory_space<semaphore_mem>>) src(%dma_wait3A_49 : memref<10000x128xf32, #tpu.memory_space<hbm>>) dst(%arg9 : memref<80x128xf32, #tpu.memory_space<vmem>>)
      %run_scoped3A_50 = arith.constant 1 : i32
      "tpu.region"() ({
        %run_scoped3A_79 = tpu.sem_alloc : memref<!tpu.dma_semaphore, #tpu.memory_space<semaphore_mem>>
        %dma_start3A_80 = arith.constant 0 : i32
        %dma_start3A_81 = tpu.memref_slice %arg6[%run_scoped3A_50, %dma_start3A_80] : memref<2x80xi32, #tpu.memory_space<vmem>> -> memref<1x80xi32, #tpu.memory_space<vmem>>
        %dma_start3A_82 = tpu.memref_squeeze %dma_start3A_81 : memref<1x80xi32, #tpu.memory_space<vmem>> -> memref<80xi32, #tpu.memory_space<vmem>>
        %dma_start3A_83 = arith.constant 0 : i32
        %dma_start3A_84 = arith.constant 0 : i32
        %dma_start3A_85 = tpu.memref_slice %arg12[%dma_start3A_83, %dma_start3A_84] : memref<10000x128xf32, #tpu.memory_space<vmem_shared>> -> memref<10000x128xf32, #tpu.memory_space<vmem_shared>>
        tpu.enqueue_indirect_dma source(%arg9 : memref<80x128xf32, #tpu.memory_space<vmem>>) target(%dma_start3A_85 : memref<10000x128xf32, #tpu.memory_space<vmem_shared>>) offsets(%dma_start3A_82 : memref<80xi32, #tpu.memory_space<vmem>>) semaphore(%run_scoped3A_79 : memref<!tpu.dma_semaphore, #tpu.memory_space<semaphore_mem>>) {add = true}
        %dma_wait3A_86 = arith.constant 0 : i32
        %dma_wait3A_87 = tpu.memref_slice %arg6[%run_scoped3A_50, %dma_wait3A_86] : memref<2x80xi32, #tpu.memory_space<vmem>> -> memref<1x80xi32, #tpu.memory_space<vmem>>
        %dma_wait3A_88 = tpu.memref_squeeze %dma_wait3A_87 : memref<1x80xi32, #tpu.memory_space<vmem>> -> memref<80xi32, #tpu.memory_space<vmem>>
        %dma_wait3A_89 = arith.constant 0 : i32
        %dma_wait3A_90 = arith.constant 0 : i32
        %dma_wait3A_91 = tpu.memref_slice %arg12[%dma_wait3A_89, %dma_wait3A_90] : memref<10000x128xf32, #tpu.memory_space<vmem_shared>> -> memref<10000x128xf32, #tpu.memory_space<vmem_shared>>
        tpu.wait_indirect_dma semaphore(%run_scoped3A_79 : memref<!tpu.dma_semaphore, #tpu.memory_space<semaphore_mem>>) src(%arg9 : memref<80x128xf32, #tpu.memory_space<vmem>>) dst(%dma_wait3A_91 : memref<10000x128xf32, #tpu.memory_space<vmem_shared>>)
        tpu.yield
      }) : () -> ()
      %add3A_51 = arith.constant 3 : i32
      %add3A_52 = arith.addi %add3A_37, %add3A_51 : i32
      %lt3A_53 = arith.constant 125 : i32
      %lt3A_54 = arith.cmpi slt, %add3A_52, %lt3A_53 : i32
      %convert_element_type3A_55 = arith.extui %lt3A_54 : i1 to i32
      %cond3A_56 = arith.constant 0 : i32
      %cond3A_57 = arith.cmpi ne, %convert_element_type3A_55, %cond3A_56 : i32
      scf.if %cond3A_57 {
        %add3A_79 = arith.constant 3 : i32
        %add3A_80 = arith.addi %add3A_37, %add3A_79 : i32
        "tpu.region"() ({
          %run_scoped3A_88 = tpu.sem_alloc : memref<!tpu.dma_semaphore, #tpu.memory_space<semaphore_mem>>
          %dma_start3A_89 = arith.constant 0 : i32
          %dma_start3A_90 = arith.constant 0 : i32
          %dma_start3A_91 = tpu.memref_slice %arg3[%add3A, %add3A_80, %dma_start3A_89, %dma_start3A_90] : memref<32x125x2x80xi32, #tpu.memory_space<hbm>> -> memref<1x1x2x80xi32, #tpu.memory_space<hbm>>
          %dma_start3A_92 = tpu.memref_squeeze %dma_start3A_91 : memref<1x1x2x80xi32, #tpu.memory_space<hbm>> -> memref<2x80xi32, #tpu.memory_space<hbm>>
          %dma_start3A_93 = arith.constant 0 : i32
          %dma_start3A_94 = arith.constant 0 : i32
          %dma_start3A_95 = tpu.memref_slice %arg3[%add3A, %add3A_80, %dma_start3A_93, %dma_start3A_94] : memref<32x125x2x80xi32, #tpu.memory_space<hbm>> -> memref<1x1x2x80xi32, #tpu.memory_space<hbm>>
          %dma_start3A_96 = tpu.memref_squeeze %dma_start3A_95 : memref<1x1x2x80xi32, #tpu.memory_space<hbm>> -> memref<2x80xi32, #tpu.memory_space<hbm>>
          tpu.enqueue_dma source(%dma_start3A_96 : memref<2x80xi32, #tpu.memory_space<hbm>>) target(%arg6 : memref<2x80xi32, #tpu.memory_space<vmem>>) target_semaphore(%run_scoped3A_88 : memref<!tpu.dma_semaphore, #tpu.memory_space<semaphore_mem>>)
          %dma_wait3A_97 = arith.constant 0 : i32
          %dma_wait3A_98 = arith.constant 0 : i32
          %dma_wait3A_99 = tpu.memref_slice %arg3[%add3A, %add3A_80, %dma_wait3A_97, %dma_wait3A_98] : memref<32x125x2x80xi32, #tpu.memory_space<hbm>> -> memref<1x1x2x80xi32, #tpu.memory_space<hbm>>
          %dma_wait3A_100 = tpu.memref_squeeze %dma_wait3A_99 : memref<1x1x2x80xi32, #tpu.memory_space<hbm>> -> memref<2x80xi32, #tpu.memory_space<hbm>>
          %dma_wait3A_101 = arith.constant 0 : i32
          %dma_wait3A_102 = arith.constant 0 : i32
          %dma_wait3A_103 = tpu.memref_slice %arg3[%add3A, %add3A_80, %dma_wait3A_101, %dma_wait3A_102] : memref<32x125x2x80xi32, #tpu.memory_space<hbm>> -> memref<1x1x2x80xi32, #tpu.memory_space<hbm>>
          %dma_wait3A_104 = tpu.memref_squeeze %dma_wait3A_103 : memref<1x1x2x80xi32, #tpu.memory_space<hbm>> -> memref<2x80xi32, #tpu.memory_space<hbm>>
          tpu.wait_dma2 semaphore(%run_scoped3A_88 : memref<!tpu.dma_semaphore, #tpu.memory_space<semaphore_mem>>) src(%dma_wait3A_104 : memref<2x80xi32, #tpu.memory_space<hbm>>) dst(%arg6 : memref<2x80xi32, #tpu.memory_space<vmem>>)
          tpu.yield
        }) : () -> ()
        %dma_start3A_81 = arith.constant 0 : i32
        %dma_start3A_82 = arith.constant 0 : i32
        %dma_start3A_83 = tpu.memref_slice %arg6[%dma_start3A_81, %dma_start3A_82] : memref<2x80xi32, #tpu.memory_space<vmem>> -> memref<1x80xi32, #tpu.memory_space<vmem>>
        %dma_start3A_84 = tpu.memref_squeeze %dma_start3A_83 : memref<1x80xi32, #tpu.memory_space<vmem>> -> memref<80xi32, #tpu.memory_space<vmem>>
        %dma_start3A_85 = arith.constant 0 : i32
        %dma_start3A_86 = arith.constant 0 : i32
        %dma_start3A_87 = tpu.memref_slice %arg2[%dma_start3A_85, %dma_start3A_86] : memref<10000x128xf32, #tpu.memory_space<hbm>> -> memref<10000x128xf32, #tpu.memory_space<hbm>>
        tpu.enqueue_indirect_dma source(%dma_start3A_87 : memref<10000x128xf32, #tpu.memory_space<hbm>>) target(%arg9 : memref<80x128xf32, #tpu.memory_space<vmem>>) offsets(%dma_start3A_84 : memref<80xi32, #tpu.memory_space<vmem>>) semaphore(%arg13 : memref<!tpu.dma_semaphore, #tpu.memory_space<semaphore_mem>>)
      } else {
      }
      %add3A_58 = arith.constant 1 : i32
      %add3A_59 = arith.addi %add3A_37, %add3A_58 : i32
      %lt3A_60 = arith.constant 125 : i32
      %lt3A_61 = arith.cmpi slt, %add3A_59, %lt3A_60 : i32
      %convert_element_type3A_62 = arith.extui %lt3A_61 : i1 to i32
      %cond3A_63 = arith.constant 0 : i32
      %cond3A_64 = arith.cmpi ne, %convert_element_type3A_62, %cond3A_63 : i32
      scf.if %cond3A_64 {
        %dma_wait3A_79 = arith.constant 0 : i32
        %dma_wait3A_80 = arith.constant 0 : i32
        %dma_wait3A_81 = tpu.memref_slice %arg7[%dma_wait3A_79, %dma_wait3A_80] : memref<2x80xi32, #tpu.memory_space<vmem>> -> memref<1x80xi32, #tpu.memory_space<vmem>>
        %dma_wait3A_82 = tpu.memref_squeeze %dma_wait3A_81 : memref<1x80xi32, #tpu.memory_space<vmem>> -> memref<80xi32, #tpu.memory_space<vmem>>
        %dma_wait3A_83 = arith.constant 0 : i32
        %dma_wait3A_84 = arith.constant 0 : i32
        %dma_wait3A_85 = tpu.memref_slice %arg2[%dma_wait3A_83, %dma_wait3A_84] : memref<10000x128xf32, #tpu.memory_space<hbm>> -> memref<10000x128xf32, #tpu.memory_space<hbm>>
        tpu.wait_indirect_dma semaphore(%arg14 : memref<!tpu.dma_semaphore, #tpu.memory_space<semaphore_mem>>) src(%dma_wait3A_85 : memref<10000x128xf32, #tpu.memory_space<hbm>>) dst(%arg10 : memref<80x128xf32, #tpu.memory_space<vmem>>)
        %run_scoped3A_86 = arith.constant 1 : i32
        "tpu.region"() ({
          %run_scoped3A_87 = tpu.sem_alloc : memref<!tpu.dma_semaphore, #tpu.memory_space<semaphore_mem>>
          %dma_start3A_88 = arith.constant 0 : i32
          %dma_start3A_89 = tpu.memref_slice %arg7[%run_scoped3A_86, %dma_start3A_88] : memref<2x80xi32, #tpu.memory_space<vmem>> -> memref<1x80xi32, #tpu.memory_space<vmem>>
          %dma_start3A_90 = tpu.memref_squeeze %dma_start3A_89 : memref<1x80xi32, #tpu.memory_space<vmem>> -> memref<80xi32, #tpu.memory_space<vmem>>
          %dma_start3A_91 = arith.constant 0 : i32
          %dma_start3A_92 = arith.constant 0 : i32
          %dma_start3A_93 = tpu.memref_slice %arg12[%dma_start3A_91, %dma_start3A_92] : memref<10000x128xf32, #tpu.memory_space<vmem_shared>> -> memref<10000x128xf32, #tpu.memory_space<vmem_shared>>
          tpu.enqueue_indirect_dma source(%arg10 : memref<80x128xf32, #tpu.memory_space<vmem>>) target(%dma_start3A_93 : memref<10000x128xf32, #tpu.memory_space<vmem_shared>>) offsets(%dma_start3A_90 : memref<80xi32, #tpu.memory_space<vmem>>) semaphore(%run_scoped3A_87 : memref<!tpu.dma_semaphore, #tpu.memory_space<semaphore_mem>>) {add = true}
          %dma_wait3A_94 = arith.constant 0 : i32
          %dma_wait3A_95 = tpu.memref_slice %arg7[%run_scoped3A_86, %dma_wait3A_94] : memref<2x80xi32, #tpu.memory_space<vmem>> -> memref<1x80xi32, #tpu.memory_space<vmem>>
          %dma_wait3A_96 = tpu.memref_squeeze %dma_wait3A_95 : memref<1x80xi32, #tpu.memory_space<vmem>> -> memref<80xi32, #tpu.memory_space<vmem>>
          %dma_wait3A_97 = arith.constant 0 : i32
          %dma_wait3A_98 = arith.constant 0 : i32
          %dma_wait3A_99 = tpu.memref_slice %arg12[%dma_wait3A_97, %dma_wait3A_98] : memref<10000x128xf32, #tpu.memory_space<vmem_shared>> -> memref<10000x128xf32, #tpu.memory_space<vmem_shared>>
          tpu.wait_indirect_dma semaphore(%run_scoped3A_87 : memref<!tpu.dma_semaphore, #tpu.memory_space<semaphore_mem>>) src(%arg10 : memref<80x128xf32, #tpu.memory_space<vmem>>) dst(%dma_wait3A_99 : memref<10000x128xf32, #tpu.memory_space<vmem_shared>>)
          tpu.yield
        }) : () -> ()
      } else {
      }
      %add3A_65 = arith.constant 4 : i32
      %add3A_66 = arith.addi %add3A_37, %add3A_65 : i32
      %lt3A_67 = arith.constant 125 : i32
      %lt3A_68 = arith.cmpi slt, %add3A_66, %lt3A_67 : i32
      %convert_element_type3A_69 = arith.extui %lt3A_68 : i1 to i32
      %cond3A_70 = arith.constant 0 : i32
      %cond3A_71 = arith.cmpi ne, %convert_element_type3A_69, %cond3A_70 : i32
      scf.if %cond3A_71 {
        %add3A_79 = arith.constant 4 : i32
        %add3A_80 = arith.addi %add3A_37, %add3A_79 : i32
        "tpu.region"() ({
          %run_scoped3A_88 = tpu.sem_alloc : memref<!tpu.dma_semaphore, #tpu.memory_space<semaphore_mem>>
          %dma_start3A_89 = arith.constant 0 : i32
          %dma_start3A_90 = arith.constant 0 : i32
          %dma_start3A_91 = tpu.memref_slice %arg3[%add3A, %add3A_80, %dma_start3A_89, %dma_start3A_90] : memref<32x125x2x80xi32, #tpu.memory_space<hbm>> -> memref<1x1x2x80xi32, #tpu.memory_space<hbm>>
          %dma_start3A_92 = tpu.memref_squeeze %dma_start3A_91 : memref<1x1x2x80xi32, #tpu.memory_space<hbm>> -> memref<2x80xi32, #tpu.memory_space<hbm>>
          %dma_start3A_93 = arith.constant 0 : i32
          %dma_start3A_94 = arith.constant 0 : i32
          %dma_start3A_95 = tpu.memref_slice %arg3[%add3A, %add3A_80, %dma_start3A_93, %dma_start3A_94] : memref<32x125x2x80xi32, #tpu.memory_space<hbm>> -> memref<1x1x2x80xi32, #tpu.memory_space<hbm>>
          %dma_start3A_96 = tpu.memref_squeeze %dma_start3A_95 : memref<1x1x2x80xi32, #tpu.memory_space<hbm>> -> memref<2x80xi32, #tpu.memory_space<hbm>>
          tpu.enqueue_dma source(%dma_start3A_96 : memref<2x80xi32, #tpu.memory_space<hbm>>) target(%arg7 : memref<2x80xi32, #tpu.memory_space<vmem>>) target_semaphore(%run_scoped3A_88 : memref<!tpu.dma_semaphore, #tpu.memory_space<semaphore_mem>>)
          %dma_wait3A_97 = arith.constant 0 : i32
          %dma_wait3A_98 = arith.constant 0 : i32
          %dma_wait3A_99 = tpu.memref_slice %arg3[%add3A, %add3A_80, %dma_wait3A_97, %dma_wait3A_98] : memref<32x125x2x80xi32, #tpu.memory_space<hbm>> -> memref<1x1x2x80xi32, #tpu.memory_space<hbm>>
          %dma_wait3A_100 = tpu.memref_squeeze %dma_wait3A_99 : memref<1x1x2x80xi32, #tpu.memory_space<hbm>> -> memref<2x80xi32, #tpu.memory_space<hbm>>
          %dma_wait3A_101 = arith.constant 0 : i32
          %dma_wait3A_102 = arith.constant 0 : i32
          %dma_wait3A_103 = tpu.memref_slice %arg3[%add3A, %add3A_80, %dma_wait3A_101, %dma_wait3A_102] : memref<32x125x2x80xi32, #tpu.memory_space<hbm>> -> memref<1x1x2x80xi32, #tpu.memory_space<hbm>>
          %dma_wait3A_104 = tpu.memref_squeeze %dma_wait3A_103 : memref<1x1x2x80xi32, #tpu.memory_space<hbm>> -> memref<2x80xi32, #tpu.memory_space<hbm>>
          tpu.wait_dma2 semaphore(%run_scoped3A_88 : memref<!tpu.dma_semaphore, #tpu.memory_space<semaphore_mem>>) src(%dma_wait3A_104 : memref<2x80xi32, #tpu.memory_space<hbm>>) dst(%arg7 : memref<2x80xi32, #tpu.memory_space<vmem>>)
          tpu.yield
        }) : () -> ()
        %dma_start3A_81 = arith.constant 0 : i32
        %dma_start3A_82 = arith.constant 0 : i32
        %dma_start3A_83 = tpu.memref_slice %arg7[%dma_start3A_81, %dma_start3A_82] : memref<2x80xi32, #tpu.memory_space<vmem>> -> memref<1x80xi32, #tpu.memory_space<vmem>>
        %dma_start3A_84 = tpu.memref_squeeze %dma_start3A_83 : memref<1x80xi32, #tpu.memory_space<vmem>> -> memref<80xi32, #tpu.memory_space<vmem>>
        %dma_start3A_85 = arith.constant 0 : i32
        %dma_start3A_86 = arith.constant 0 : i32
        %dma_start3A_87 = tpu.memref_slice %arg2[%dma_start3A_85, %dma_start3A_86] : memref<10000x128xf32, #tpu.memory_space<hbm>> -> memref<10000x128xf32, #tpu.memory_space<hbm>>
        tpu.enqueue_indirect_dma source(%dma_start3A_87 : memref<10000x128xf32, #tpu.memory_space<hbm>>) target(%arg10 : memref<80x128xf32, #tpu.memory_space<vmem>>) offsets(%dma_start3A_84 : memref<80xi32, #tpu.memory_space<vmem>>) semaphore(%arg14 : memref<!tpu.dma_semaphore, #tpu.memory_space<semaphore_mem>>)
      } else {
      }
      %add3A_72 = arith.constant 2 : i32
      %add3A_73 = arith.addi %add3A_37, %add3A_72 : i32
      %lt3A_74 = arith.constant 125 : i32
      %lt3A_75 = arith.cmpi slt, %add3A_73, %lt3A_74 : i32
      %convert_element_type3A_76 = arith.extui %lt3A_75 : i1 to i32
      %cond3A_77 = arith.constant 0 : i32
      %cond3A_78 = arith.cmpi ne, %convert_element_type3A_76, %cond3A_77 : i32
      scf.if %cond3A_78 {
        %dma_wait3A_79 = arith.constant 0 : i32
        %dma_wait3A_80 = arith.constant 0 : i32
        %dma_wait3A_81 = tpu.memref_slice %arg8[%dma_wait3A_79, %dma_wait3A_80] : memref<2x80xi32, #tpu.memory_space<vmem>> -> memref<1x80xi32, #tpu.memory_space<vmem>>
        %dma_wait3A_82 = tpu.memref_squeeze %dma_wait3A_81 : memref<1x80xi32, #tpu.memory_space<vmem>> -> memref<80xi32, #tpu.memory_space<vmem>>
        %dma_wait3A_83 = arith.constant 0 : i32
        %dma_wait3A_84 = arith.constant 0 : i32
        %dma_wait3A_85 = tpu.memref_slice %arg2[%dma_wait3A_83, %dma_wait3A_84] : memref<10000x128xf32, #tpu.memory_space<hbm>> -> memref<10000x128xf32, #tpu.memory_space<hbm>>
        tpu.wait_indirect_dma semaphore(%arg15 : memref<!tpu.dma_semaphore, #tpu.memory_space<semaphore_mem>>) src(%dma_wait3A_85 : memref<10000x128xf32, #tpu.memory_space<hbm>>) dst(%arg11 : memref<80x128xf32, #tpu.memory_space<vmem>>)
        %run_scoped3A_86 = arith.constant 1 : i32
        "tpu.region"() ({
          %run_scoped3A_87 = tpu.sem_alloc : memref<!tpu.dma_semaphore, #tpu.memory_space<semaphore_mem>>
          %dma_start3A_88 = arith.constant 0 : i32
          %dma_start3A_89 = tpu.memref_slice %arg8[%run_scoped3A_86, %dma_start3A_88] : memref<2x80xi32, #tpu.memory_space<vmem>> -> memref<1x80xi32, #tpu.memory_space<vmem>>
          %dma_start3A_90 = tpu.memref_squeeze %dma_start3A_89 : memref<1x80xi32, #tpu.memory_space<vmem>> -> memref<80xi32, #tpu.memory_space<vmem>>
          %dma_start3A_91 = arith.constant 0 : i32
          %dma_start3A_92 = arith.constant 0 : i32
          %dma_start3A_93 = tpu.memref_slice %arg12[%dma_start3A_91, %dma_start3A_92] : memref<10000x128xf32, #tpu.memory_space<vmem_shared>> -> memref<10000x128xf32, #tpu.memory_space<vmem_shared>>
          tpu.enqueue_indirect_dma source(%arg11 : memref<80x128xf32, #tpu.memory_space<vmem>>) target(%dma_start3A_93 : memref<10000x128xf32, #tpu.memory_space<vmem_shared>>) offsets(%dma_start3A_90 : memref<80xi32, #tpu.memory_space<vmem>>) semaphore(%run_scoped3A_87 : memref<!tpu.dma_semaphore, #tpu.memory_space<semaphore_mem>>) {add = true}
          %dma_wait3A_94 = arith.constant 0 : i32
          %dma_wait3A_95 = tpu.memref_slice %arg8[%run_scoped3A_86, %dma_wait3A_94] : memref<2x80xi32, #tpu.memory_space<vmem>> -> memref<1x80xi32, #tpu.memory_space<vmem>>
          %dma_wait3A_96 = tpu.memref_squeeze %dma_wait3A_95 : memref<1x80xi32, #tpu.memory_space<vmem>> -> memref<80xi32, #tpu.memory_space<vmem>>
          %dma_wait3A_97 = arith.constant 0 : i32
          %dma_wait3A_98 = arith.constant 0 : i32
          %dma_wait3A_99 = tpu.memref_slice %arg12[%dma_wait3A_97, %dma_wait3A_98] : memref<10000x128xf32, #tpu.memory_space<vmem_shared>> -> memref<10000x128xf32, #tpu.memory_space<vmem_shared>>
          tpu.wait_indirect_dma semaphore(%run_scoped3A_87 : memref<!tpu.dma_semaphore, #tpu.memory_space<semaphore_mem>>) src(%arg11 : memref<80x128xf32, #tpu.memory_space<vmem>>) dst(%dma_wait3A_99 : memref<10000x128xf32, #tpu.memory_space<vmem_shared>>)
          tpu.yield
        }) : () -> ()
      } else {
      }
    }
    %scan3A_22 = arith.constant 42 : i32
    %barrier3A_23 = arith.constant 0 : index
    tpu.barrier barrier_id(%barrier3A_23)
    %mul3A_24 = arith.constant 624 : i32
    %mul3A_25 = arith.muli %arg1, %mul3A_24 : i32
    %mul3A_26 = arith.constant 624 : i32
    %mul3A_27 = arith.muli %arg1, %mul3A_26 : i32
    "tpu.region"() ({
      %run_scoped3A_33 = tpu.sem_alloc : memref<!tpu.dma_semaphore, #tpu.memory_space<semaphore_mem>>
      %dma_start3A_34 = arith.constant 0 : i32
      %dma_start3A_35 = tpu.memref_slice %arg5[%arg0, %mul3A_27, %dma_start3A_34] : memref<2x10000x128xf32, #tpu.memory_space<hbm>> -> memref<1x624x128xf32, #tpu.memory_space<hbm>>
      %dma_start3A_36 = tpu.memref_squeeze %dma_start3A_35 : memref<1x624x128xf32, #tpu.memory_space<hbm>> -> memref<624x128xf32, #tpu.memory_space<hbm>>
      %dma_start3A_37 = arith.constant 0 : i32
      %dma_start3A_38 = tpu.memref_slice %arg12[%mul3A_25, %dma_start3A_37] : memref<10000x128xf32, #tpu.memory_space<vmem_shared>> -> memref<624x128xf32, #tpu.memory_space<vmem_shared>>
      tpu.enqueue_dma source(%dma_start3A_38 : memref<624x128xf32, #tpu.memory_space<vmem_shared>>) target(%dma_start3A_36 : memref<624x128xf32, #tpu.memory_space<hbm>>) target_semaphore(%run_scoped3A_33 : memref<!tpu.dma_semaphore, #tpu.memory_space<semaphore_mem>>)
      %dma_wait3A = arith.constant 0 : i32
      %dma_wait3A_39 = tpu.memref_slice %arg5[%arg0, %mul3A_27, %dma_wait3A] : memref<2x10000x128xf32, #tpu.memory_space<hbm>> -> memref<1x624x128xf32, #tpu.memory_space<hbm>>
      %dma_wait3A_40 = tpu.memref_squeeze %dma_wait3A_39 : memref<1x624x128xf32, #tpu.memory_space<hbm>> -> memref<624x128xf32, #tpu.memory_space<hbm>>
      %dma_wait3A_41 = arith.constant 0 : i32
      %dma_wait3A_42 = tpu.memref_slice %arg12[%mul3A_25, %dma_wait3A_41] : memref<10000x128xf32, #tpu.memory_space<vmem_shared>> -> memref<624x128xf32, #tpu.memory_space<vmem_shared>>
      tpu.wait_dma2 semaphore(%run_scoped3A_33 : memref<!tpu.dma_semaphore, #tpu.memory_space<semaphore_mem>>) src(%dma_wait3A_42 : memref<624x128xf32, #tpu.memory_space<vmem_shared>>) dst(%dma_wait3A_40 : memref<624x128xf32, #tpu.memory_space<hbm>>)
      tpu.yield
    }) : () -> ()
    %eq3A_28 = arith.constant 15 : i32
    %eq3A_29 = arith.cmpi eq, %arg1, %eq3A_28 : i32
    %convert_element_type3A_30 = arith.extui %eq3A_29 : i1 to i32
    %cond3A_31 = arith.constant 0 : i32
    %cond3A_32 = arith.cmpi ne, %convert_element_type3A_30, %cond3A_31 : i32
    scf.if %cond3A_32 {
      "tpu.region"() ({
        %run_scoped3A_33 = tpu.sem_alloc : memref<!tpu.dma_semaphore, #tpu.memory_space<semaphore_mem>>
        %dma_start3A_34 = arith.constant 9984 : i32
        %dma_start3A_35 = arith.constant 0 : i32
        %dma_start3A_36 = tpu.memref_slice %arg5[%arg0, %dma_start3A_34, %dma_start3A_35] : memref<2x10000x128xf32, #tpu.memory_space<hbm>> -> memref<1x16x128xf32, #tpu.memory_space<hbm>>
        %dma_start3A_37 = tpu.memref_squeeze %dma_start3A_36 : memref<1x16x128xf32, #tpu.memory_space<hbm>> -> memref<16x128xf32, #tpu.memory_space<hbm>>
        %dma_start3A_38 = arith.constant 9984 : i32
        %dma_start3A_39 = arith.constant 0 : i32
        %dma_start3A_40 = tpu.memref_slice %arg12[%dma_start3A_38, %dma_start3A_39] : memref<10000x128xf32, #tpu.memory_space<vmem_shared>> -> memref<16x128xf32, #tpu.memory_space<vmem_shared>>
        tpu.enqueue_dma source(%dma_start3A_40 : memref<16x128xf32, #tpu.memory_space<vmem_shared>>) target(%dma_start3A_37 : memref<16x128xf32, #tpu.memory_space<hbm>>) target_semaphore(%run_scoped3A_33 : memref<!tpu.dma_semaphore, #tpu.memory_space<semaphore_mem>>)
        %dma_wait3A = arith.constant 9984 : i32
        %dma_wait3A_41 = arith.constant 0 : i32
        %dma_wait3A_42 = tpu.memref_slice %arg5[%arg0, %dma_wait3A, %dma_wait3A_41] : memref<2x10000x128xf32, #tpu.memory_space<hbm>> -> memref<1x16x128xf32, #tpu.memory_space<hbm>>
        %dma_wait3A_43 = tpu.memref_squeeze %dma_wait3A_42 : memref<1x16x128xf32, #tpu.memory_space<hbm>> -> memref<16x128xf32, #tpu.memory_space<hbm>>
        %dma_wait3A_44 = arith.constant 9984 : i32
        %dma_wait3A_45 = arith.constant 0 : i32
        %dma_wait3A_46 = tpu.memref_slice %arg12[%dma_wait3A_44, %dma_wait3A_45] : memref<10000x128xf32, #tpu.memory_space<vmem_shared>> -> memref<16x128xf32, #tpu.memory_space<vmem_shared>>
        tpu.wait_dma2 semaphore(%run_scoped3A_33 : memref<!tpu.dma_semaphore, #tpu.memory_space<semaphore_mem>>) src(%dma_wait3A_46 : memref<16x128xf32, #tpu.memory_space<vmem_shared>>) dst(%dma_wait3A_43 : memref<16x128xf32, #tpu.memory_space<hbm>>)
        tpu.yield
      }) : () -> ()
    } else {
    }
    return
  }
}

#map = affine_map<(d0, d1) -> (0, 0)>
#map1 = affine_map<(d0, d1) -> (0, 0, 0, 0)>
#map2 = affine_map<(d0, d1) -> (0, 0, 0)>
module attributes {stable_mosaic.version = 14 : i64} {
  func.func @agg_kernel(%arg0: i32, %arg1: i32, %arg2: memref<10000x128xf32, #tpu.memory_space<hbm>>, %arg3: memref<32x125x2x80xi32, #tpu.memory_space<hbm>>, %arg4: memref<624x128xf32, #tpu.memory_space<hbm>>, %arg5: memref<2x10000x128xf32, #tpu.memory_space<hbm>>, %arg6: memref<2x80xi32, #tpu.memory_space<vmem>>, %arg7: memref<2x80xi32, #tpu.memory_space<vmem>>, %arg8: memref<2x80xi32, #tpu.memory_space<vmem>>, %arg9: memref<80x128xf32, #tpu.memory_space<vmem>>, %arg10: memref<80x128xf32, #tpu.memory_space<vmem>>, %arg11: memref<80x128xf32, #tpu.memory_space<vmem>>, %arg12: memref<10000x128xf32, #tpu.memory_space<vmem_shared>>, %arg13: memref<!tpu.dma_semaphore, #tpu.memory_space<semaphore_mem>>, %arg14: memref<!tpu.dma_semaphore, #tpu.memory_space<semaphore_mem>>, %arg15: memref<!tpu.dma_semaphore, #tpu.memory_space<semaphore_mem>>) attributes {dimension_semantics = [#tpu.dimension_semantics<core_parallel>, #tpu.dimension_semantics<subcore_parallel>], iteration_bounds = array<i64: 2, 16>, scalar_prefetch = 0 : i64, scratch_operands = 10 : i64, tpu.core_type = #tpu.core_type<sc_vector_subcore>, window_params = [{transform_indices = #map}, {transform_indices = #map1}, {transform_indices = #map}, {transform_indices = #map2}]} {
    %mul3A = arith.constant 16 : i32
    %mul3A_0 = arith.muli %arg0, %mul3A : i32
    %add3A = arith.addi %mul3A_0, %arg1 : i32
    %mul3A_1 = arith.constant 624 : i32
    %mul3A_2 = arith.muli %arg1, %mul3A_1 : i32
    "tpu.region"() ({
      %run_scoped3A_33 = tpu.sem_alloc : memref<!tpu.dma_semaphore, #tpu.memory_space<semaphore_mem>>
      %dma_start3A_34 = arith.constant 0 : i32
      %dma_start3A_35 = tpu.memref_slice %arg12[%mul3A_2, %dma_start3A_34] : memref<10000x128xf32, #tpu.memory_space<vmem_shared>> -> memref<624x128xf32, #tpu.memory_space<vmem_shared>>
      %dma_start3A_36 = arith.constant 0 : i32
      %dma_start3A_37 = arith.constant 0 : i32
      %dma_start3A_38 = tpu.memref_slice %arg4[%dma_start3A_36, %dma_start3A_37] : memref<624x128xf32, #tpu.memory_space<hbm>> -> memref<624x128xf32, #tpu.memory_space<hbm>>
      tpu.enqueue_dma source(%dma_start3A_38 : memref<624x128xf32, #tpu.memory_space<hbm>>) target(%dma_start3A_35 : memref<624x128xf32, #tpu.memory_space<vmem_shared>>) target_semaphore(%run_scoped3A_33 : memref<!tpu.dma_semaphore, #tpu.memory_space<semaphore_mem>>)
      %dma_wait3A = arith.constant 0 : i32
      %dma_wait3A_39 = tpu.memref_slice %arg12[%mul3A_2, %dma_wait3A] : memref<10000x128xf32, #tpu.memory_space<vmem_shared>> -> memref<624x128xf32, #tpu.memory_space<vmem_shared>>
      %dma_wait3A_40 = arith.constant 0 : i32
      %dma_wait3A_41 = arith.constant 0 : i32
      %dma_wait3A_42 = tpu.memref_slice %arg4[%dma_wait3A_40, %dma_wait3A_41] : memref<624x128xf32, #tpu.memory_space<hbm>> -> memref<624x128xf32, #tpu.memory_space<hbm>>
      tpu.wait_dma2 semaphore(%run_scoped3A_33 : memref<!tpu.dma_semaphore, #tpu.memory_space<semaphore_mem>>) src(%dma_wait3A_42 : memref<624x128xf32, #tpu.memory_space<hbm>>) dst(%dma_wait3A_39 : memref<624x128xf32, #tpu.memory_space<vmem_shared>>)
      tpu.yield
    }) : () -> ()
    %eq3A = arith.constant 15 : i32
    %eq3A_3 = arith.cmpi eq, %arg1, %eq3A : i32
    %convert_element_type3A = arith.extui %eq3A_3 : i1 to i32
    %cond3A = arith.constant 0 : i32
    %cond3A_4 = arith.cmpi ne, %convert_element_type3A, %cond3A : i32
    scf.if %cond3A_4 {
      "tpu.region"() ({
        %run_scoped3A_33 = tpu.sem_alloc : memref<!tpu.dma_semaphore, #tpu.memory_space<semaphore_mem>>
        %dma_start3A_34 = arith.constant 9984 : i32
        %dma_start3A_35 = arith.constant 0 : i32
        %dma_start3A_36 = tpu.memref_slice %arg12[%dma_start3A_34, %dma_start3A_35] : memref<10000x128xf32, #tpu.memory_space<vmem_shared>> -> memref<16x128xf32, #tpu.memory_space<vmem_shared>>
        %dma_start3A_37 = arith.constant 0 : i32
        %dma_start3A_38 = arith.constant 0 : i32
        %dma_start3A_39 = tpu.memref_slice %arg4[%dma_start3A_37, %dma_start3A_38] : memref<624x128xf32, #tpu.memory_space<hbm>> -> memref<16x128xf32, #tpu.memory_space<hbm>>
        tpu.enqueue_dma source(%dma_start3A_39 : memref<16x128xf32, #tpu.memory_space<hbm>>) target(%dma_start3A_36 : memref<16x128xf32, #tpu.memory_space<vmem_shared>>) target_semaphore(%run_scoped3A_33 : memref<!tpu.dma_semaphore, #tpu.memory_space<semaphore_mem>>)
        %dma_wait3A = arith.constant 9984 : i32
        %dma_wait3A_40 = arith.constant 0 : i32
        %dma_wait3A_41 = tpu.memref_slice %arg12[%dma_wait3A, %dma_wait3A_40] : memref<10000x128xf32, #tpu.memory_space<vmem_shared>> -> memref<16x128xf32, #tpu.memory_space<vmem_shared>>
        %dma_wait3A_42 = arith.constant 0 : i32
        %dma_wait3A_43 = arith.constant 0 : i32
        %dma_wait3A_44 = tpu.memref_slice %arg4[%dma_wait3A_42, %dma_wait3A_43] : memref<624x128xf32, #tpu.memory_space<hbm>> -> memref<16x128xf32, #tpu.memory_space<hbm>>
        tpu.wait_dma2 semaphore(%run_scoped3A_33 : memref<!tpu.dma_semaphore, #tpu.memory_space<semaphore_mem>>) src(%dma_wait3A_44 : memref<16x128xf32, #tpu.memory_space<hbm>>) dst(%dma_wait3A_41 : memref<16x128xf32, #tpu.memory_space<vmem_shared>>)
        tpu.yield
      }) : () -> ()
    } else {
    }
    %barrier3A = arith.constant 0 : index
    tpu.barrier barrier_id(%barrier3A)
    %run_scoped3A = arith.constant 0 : i32
    "tpu.region"() ({
      %run_scoped3A_33 = tpu.sem_alloc : memref<!tpu.dma_semaphore, #tpu.memory_space<semaphore_mem>>
      %dma_start3A_34 = arith.constant 0 : i32
      %dma_start3A_35 = arith.constant 0 : i32
      %dma_start3A_36 = tpu.memref_slice %arg3[%add3A, %run_scoped3A, %dma_start3A_34, %dma_start3A_35] : memref<32x125x2x80xi32, #tpu.memory_space<hbm>> -> memref<1x1x2x80xi32, #tpu.memory_space<hbm>>
      %dma_start3A_37 = tpu.memref_squeeze %dma_start3A_36 : memref<1x1x2x80xi32, #tpu.memory_space<hbm>> -> memref<2x80xi32, #tpu.memory_space<hbm>>
      %dma_start3A_38 = arith.constant 0 : i32
      %dma_start3A_39 = arith.constant 0 : i32
      %dma_start3A_40 = tpu.memref_slice %arg3[%add3A, %run_scoped3A, %dma_start3A_38, %dma_start3A_39] : memref<32x125x2x80xi32, #tpu.memory_space<hbm>> -> memref<1x1x2x80xi32, #tpu.memory_space<hbm>>
      %dma_start3A_41 = tpu.memref_squeeze %dma_start3A_40 : memref<1x1x2x80xi32, #tpu.memory_space<hbm>> -> memref<2x80xi32, #tpu.memory_space<hbm>>
      tpu.enqueue_dma source(%dma_start3A_41 : memref<2x80xi32, #tpu.memory_space<hbm>>) target(%arg6 : memref<2x80xi32, #tpu.memory_space<vmem>>) target_semaphore(%run_scoped3A_33 : memref<!tpu.dma_semaphore, #tpu.memory_space<semaphore_mem>>)
      %dma_wait3A = arith.constant 0 : i32
      %dma_wait3A_42 = arith.constant 0 : i32
      %dma_wait3A_43 = tpu.memref_slice %arg3[%add3A, %run_scoped3A, %dma_wait3A, %dma_wait3A_42] : memref<32x125x2x80xi32, #tpu.memory_space<hbm>> -> memref<1x1x2x80xi32, #tpu.memory_space<hbm>>
      %dma_wait3A_44 = tpu.memref_squeeze %dma_wait3A_43 : memref<1x1x2x80xi32, #tpu.memory_space<hbm>> -> memref<2x80xi32, #tpu.memory_space<hbm>>
      %dma_wait3A_45 = arith.constant 0 : i32
      %dma_wait3A_46 = arith.constant 0 : i32
      %dma_wait3A_47 = tpu.memref_slice %arg3[%add3A, %run_scoped3A, %dma_wait3A_45, %dma_wait3A_46] : memref<32x125x2x80xi32, #tpu.memory_space<hbm>> -> memref<1x1x2x80xi32, #tpu.memory_space<hbm>>
      %dma_wait3A_48 = tpu.memref_squeeze %dma_wait3A_47 : memref<1x1x2x80xi32, #tpu.memory_space<hbm>> -> memref<2x80xi32, #tpu.memory_space<hbm>>
      tpu.wait_dma2 semaphore(%run_scoped3A_33 : memref<!tpu.dma_semaphore, #tpu.memory_space<semaphore_mem>>) src(%dma_wait3A_48 : memref<2x80xi32, #tpu.memory_space<hbm>>) dst(%arg6 : memref<2x80xi32, #tpu.memory_space<vmem>>)
      tpu.yield
    }) : () -> ()
    %dma_start3A = arith.constant 0 : i32
    %dma_start3A_5 = arith.constant 0 : i32
    %dma_start3A_6 = tpu.memref_slice %arg6[%dma_start3A, %dma_start3A_5] : memref<2x80xi32, #tpu.memory_space<vmem>> -> memref<1x80xi32, #tpu.memory_space<vmem>>
    %dma_start3A_7 = tpu.memref_squeeze %dma_start3A_6 : memref<1x80xi32, #tpu.memory_space<vmem>> -> memref<80xi32, #tpu.memory_space<vmem>>
    %dma_start3A_8 = arith.constant 0 : i32
    %dma_start3A_9 = arith.constant 0 : i32
    %dma_start3A_10 = tpu.memref_slice %arg2[%dma_start3A_8, %dma_start3A_9] : memref<10000x128xf32, #tpu.memory_space<hbm>> -> memref<10000x128xf32, #tpu.memory_space<hbm>>
    tpu.enqueue_indirect_dma source(%dma_start3A_10 : memref<10000x128xf32, #tpu.memory_space<hbm>>) target(%arg9 : memref<80x128xf32, #tpu.memory_space<vmem>>) offsets(%dma_start3A_7 : memref<80xi32, #tpu.memory_space<vmem>>) semaphore(%arg13 : memref<!tpu.dma_semaphore, #tpu.memory_space<semaphore_mem>>)
    %run_scoped3A_11 = arith.constant 1 : i32
    "tpu.region"() ({
      %run_scoped3A_33 = tpu.sem_alloc : memref<!tpu.dma_semaphore, #tpu.memory_space<semaphore_mem>>
      %dma_start3A_34 = arith.constant 0 : i32
      %dma_start3A_35 = arith.constant 0 : i32
      %dma_start3A_36 = tpu.memref_slice %arg3[%add3A, %run_scoped3A_11, %dma_start3A_34, %dma_start3A_35] : memref<32x125x2x80xi32, #tpu.memory_space<hbm>> -> memref<1x1x2x80xi32, #tpu.memory_space<hbm>>
      %dma_start3A_37 = tpu.memref_squeeze %dma_start3A_36 : memref<1x1x2x80xi32, #tpu.memory_space<hbm>> -> memref<2x80xi32, #tpu.memory_space<hbm>>
      %dma_start3A_38 = arith.constant 0 : i32
      %dma_start3A_39 = arith.constant 0 : i32
      %dma_start3A_40 = tpu.memref_slice %arg3[%add3A, %run_scoped3A_11, %dma_start3A_38, %dma_start3A_39] : memref<32x125x2x80xi32, #tpu.memory_space<hbm>> -> memref<1x1x2x80xi32, #tpu.memory_space<hbm>>
      %dma_start3A_41 = tpu.memref_squeeze %dma_start3A_40 : memref<1x1x2x80xi32, #tpu.memory_space<hbm>> -> memref<2x80xi32, #tpu.memory_space<hbm>>
      tpu.enqueue_dma source(%dma_start3A_41 : memref<2x80xi32, #tpu.memory_space<hbm>>) target(%arg7 : memref<2x80xi32, #tpu.memory_space<vmem>>) target_semaphore(%run_scoped3A_33 : memref<!tpu.dma_semaphore, #tpu.memory_space<semaphore_mem>>)
      %dma_wait3A = arith.constant 0 : i32
      %dma_wait3A_42 = arith.constant 0 : i32
      %dma_wait3A_43 = tpu.memref_slice %arg3[%add3A, %run_scoped3A_11, %dma_wait3A, %dma_wait3A_42] : memref<32x125x2x80xi32, #tpu.memory_space<hbm>> -> memref<1x1x2x80xi32, #tpu.memory_space<hbm>>
      %dma_wait3A_44 = tpu.memref_squeeze %dma_wait3A_43 : memref<1x1x2x80xi32, #tpu.memory_space<hbm>> -> memref<2x80xi32, #tpu.memory_space<hbm>>
      %dma_wait3A_45 = arith.constant 0 : i32
      %dma_wait3A_46 = arith.constant 0 : i32
      %dma_wait3A_47 = tpu.memref_slice %arg3[%add3A, %run_scoped3A_11, %dma_wait3A_45, %dma_wait3A_46] : memref<32x125x2x80xi32, #tpu.memory_space<hbm>> -> memref<1x1x2x80xi32, #tpu.memory_space<hbm>>
      %dma_wait3A_48 = tpu.memref_squeeze %dma_wait3A_47 : memref<1x1x2x80xi32, #tpu.memory_space<hbm>> -> memref<2x80xi32, #tpu.memory_space<hbm>>
      tpu.wait_dma2 semaphore(%run_scoped3A_33 : memref<!tpu.dma_semaphore, #tpu.memory_space<semaphore_mem>>) src(%dma_wait3A_48 : memref<2x80xi32, #tpu.memory_space<hbm>>) dst(%arg7 : memref<2x80xi32, #tpu.memory_space<vmem>>)
      tpu.yield
    }) : () -> ()
    %dma_start3A_12 = arith.constant 0 : i32
    %dma_start3A_13 = arith.constant 0 : i32
    %dma_start3A_14 = tpu.memref_slice %arg7[%dma_start3A_12, %dma_start3A_13] : memref<2x80xi32, #tpu.memory_space<vmem>> -> memref<1x80xi32, #tpu.memory_space<vmem>>
    %dma_start3A_15 = tpu.memref_squeeze %dma_start3A_14 : memref<1x80xi32, #tpu.memory_space<vmem>> -> memref<80xi32, #tpu.memory_space<vmem>>
    %dma_start3A_16 = arith.constant 0 : i32
    %dma_start3A_17 = arith.constant 0 : i32
    %dma_start3A_18 = tpu.memref_slice %arg2[%dma_start3A_16, %dma_start3A_17] : memref<10000x128xf32, #tpu.memory_space<hbm>> -> memref<10000x128xf32, #tpu.memory_space<hbm>>
    tpu.enqueue_indirect_dma source(%dma_start3A_18 : memref<10000x128xf32, #tpu.memory_space<hbm>>) target(%arg10 : memref<80x128xf32, #tpu.memory_space<vmem>>) offsets(%dma_start3A_15 : memref<80xi32, #tpu.memory_space<vmem>>) semaphore(%arg14 : memref<!tpu.dma_semaphore, #tpu.memory_space<semaphore_mem>>)
    %scan3A = arith.constant 0 : i32
    %scan3A_19 = arith.constant 42 : i32
    %scan3A_20 = arith.addi %scan3A, %scan3A_19 : i32
    %scan3A_21 = arith.constant 1 : i32
    scf.for %scan3A_33 = %scan3A to %scan3A_20 step %scan3A_21  : i32 {
      %mul3A_34 = arith.constant 3 : i32
      %mul3A_35 = arith.muli %scan3A_33, %mul3A_34 : i32
      %add3A_36 = arith.constant 0 : i32
      %add3A_37 = arith.addi %add3A_36, %mul3A_35 : i32
      %add3A_38 = arith.constant 2 : i32
      %add3A_39 = arith.addi %add3A_37, %add3A_38 : i32
      %lt3A = arith.constant 125 : i32
      %lt3A_40 = arith.cmpi slt, %add3A_39, %lt3A : i32
      %convert_element_type3A_41 = arith.extui %lt3A_40 : i1 to i32
      %cond3A_42 = arith.constant 0 : i32
      %cond3A_43 = arith.cmpi ne, %convert_element_type3A_41, %cond3A_42 : i32
      scf.if %cond3A_43 {
        %add3A_79 = arith.constant 2 : i32
        %add3A_80 = arith.addi %add3A_37, %add3A_79 : i32
        "tpu.region"() ({
          %run_scoped3A_88 = tpu.sem_alloc : memref<!tpu.dma_semaphore, #tpu.memory_space<semaphore_mem>>
          %dma_start3A_89 = arith.constant 0 : i32
          %dma_start3A_90 = arith.constant 0 : i32
          %dma_start3A_91 = tpu.memref_slice %arg3[%add3A, %add3A_80, %dma_start3A_89, %dma_start3A_90] : memref<32x125x2x80xi32, #tpu.memory_space<hbm>> -> memref<1x1x2x80xi32, #tpu.memory_space<hbm>>
          %dma_start3A_92 = tpu.memref_squeeze %dma_start3A_91 : memref<1x1x2x80xi32, #tpu.memory_space<hbm>> -> memref<2x80xi32, #tpu.memory_space<hbm>>
          %dma_start3A_93 = arith.constant 0 : i32
          %dma_start3A_94 = arith.constant 0 : i32
          %dma_start3A_95 = tpu.memref_slice %arg3[%add3A, %add3A_80, %dma_start3A_93, %dma_start3A_94] : memref<32x125x2x80xi32, #tpu.memory_space<hbm>> -> memref<1x1x2x80xi32, #tpu.memory_space<hbm>>
          %dma_start3A_96 = tpu.memref_squeeze %dma_start3A_95 : memref<1x1x2x80xi32, #tpu.memory_space<hbm>> -> memref<2x80xi32, #tpu.memory_space<hbm>>
          tpu.enqueue_dma source(%dma_start3A_96 : memref<2x80xi32, #tpu.memory_space<hbm>>) target(%arg8 : memref<2x80xi32, #tpu.memory_space<vmem>>) target_semaphore(%run_scoped3A_88 : memref<!tpu.dma_semaphore, #tpu.memory_space<semaphore_mem>>)
          %dma_wait3A_97 = arith.constant 0 : i32
          %dma_wait3A_98 = arith.constant 0 : i32
          %dma_wait3A_99 = tpu.memref_slice %arg3[%add3A, %add3A_80, %dma_wait3A_97, %dma_wait3A_98] : memref<32x125x2x80xi32, #tpu.memory_space<hbm>> -> memref<1x1x2x80xi32, #tpu.memory_space<hbm>>
          %dma_wait3A_100 = tpu.memref_squeeze %dma_wait3A_99 : memref<1x1x2x80xi32, #tpu.memory_space<hbm>> -> memref<2x80xi32, #tpu.memory_space<hbm>>
          %dma_wait3A_101 = arith.constant 0 : i32
          %dma_wait3A_102 = arith.constant 0 : i32
          %dma_wait3A_103 = tpu.memref_slice %arg3[%add3A, %add3A_80, %dma_wait3A_101, %dma_wait3A_102] : memref<32x125x2x80xi32, #tpu.memory_space<hbm>> -> memref<1x1x2x80xi32, #tpu.memory_space<hbm>>
          %dma_wait3A_104 = tpu.memref_squeeze %dma_wait3A_103 : memref<1x1x2x80xi32, #tpu.memory_space<hbm>> -> memref<2x80xi32, #tpu.memory_space<hbm>>
          tpu.wait_dma2 semaphore(%run_scoped3A_88 : memref<!tpu.dma_semaphore, #tpu.memory_space<semaphore_mem>>) src(%dma_wait3A_104 : memref<2x80xi32, #tpu.memory_space<hbm>>) dst(%arg8 : memref<2x80xi32, #tpu.memory_space<vmem>>)
          tpu.yield
        }) : () -> ()
        %dma_start3A_81 = arith.constant 0 : i32
        %dma_start3A_82 = arith.constant 0 : i32
        %dma_start3A_83 = tpu.memref_slice %arg8[%dma_start3A_81, %dma_start3A_82] : memref<2x80xi32, #tpu.memory_space<vmem>> -> memref<1x80xi32, #tpu.memory_space<vmem>>
        %dma_start3A_84 = tpu.memref_squeeze %dma_start3A_83 : memref<1x80xi32, #tpu.memory_space<vmem>> -> memref<80xi32, #tpu.memory_space<vmem>>
        %dma_start3A_85 = arith.constant 0 : i32
        %dma_start3A_86 = arith.constant 0 : i32
        %dma_start3A_87 = tpu.memref_slice %arg2[%dma_start3A_85, %dma_start3A_86] : memref<10000x128xf32, #tpu.memory_space<hbm>> -> memref<10000x128xf32, #tpu.memory_space<hbm>>
        tpu.enqueue_indirect_dma source(%dma_start3A_87 : memref<10000x128xf32, #tpu.memory_space<hbm>>) target(%arg11 : memref<80x128xf32, #tpu.memory_space<vmem>>) offsets(%dma_start3A_84 : memref<80xi32, #tpu.memory_space<vmem>>) semaphore(%arg15 : memref<!tpu.dma_semaphore, #tpu.memory_space<semaphore_mem>>)
      } else {
      }
      %dma_wait3A = arith.constant 0 : i32
      %dma_wait3A_44 = arith.constant 0 : i32
      %dma_wait3A_45 = tpu.memref_slice %arg6[%dma_wait3A, %dma_wait3A_44] : memref<2x80xi32, #tpu.memory_space<vmem>> -> memref<1x80xi32, #tpu.memory_space<vmem>>
      %dma_wait3A_46 = tpu.memref_squeeze %dma_wait3A_45 : memref<1x80xi32, #tpu.memory_space<vmem>> -> memref<80xi32, #tpu.memory_space<vmem>>
      %dma_wait3A_47 = arith.constant 0 : i32
      %dma_wait3A_48 = arith.constant 0 : i32
      %dma_wait3A_49 = tpu.memref_slice %arg2[%dma_wait3A_47, %dma_wait3A_48] : memref<10000x128xf32, #tpu.memory_space<hbm>> -> memref<10000x128xf32, #tpu.memory_space<hbm>>
      tpu.wait_indirect_dma semaphore(%arg13 : memref<!tpu.dma_semaphore, #tpu.memory_space<semaphore_mem>>) src(%dma_wait3A_49 : memref<10000x128xf32, #tpu.memory_space<hbm>>) dst(%arg9 : memref<80x128xf32, #tpu.memory_space<vmem>>)
      %run_scoped3A_50 = arith.constant 1 : i32
      "tpu.region"() ({
        %run_scoped3A_79 = tpu.sem_alloc : memref<!tpu.dma_semaphore, #tpu.memory_space<semaphore_mem>>
        %dma_start3A_80 = arith.constant 0 : i32
        %dma_start3A_81 = tpu.memref_slice %arg6[%run_scoped3A_50, %dma_start3A_80] : memref<2x80xi32, #tpu.memory_space<vmem>> -> memref<1x80xi32, #tpu.memory_space<vmem>>
        %dma_start3A_82 = tpu.memref_squeeze %dma_start3A_81 : memref<1x80xi32, #tpu.memory_space<vmem>> -> memref<80xi32, #tpu.memory_space<vmem>>
        %dma_start3A_83 = arith.constant 0 : i32
        %dma_start3A_84 = arith.constant 0 : i32
        %dma_start3A_85 = tpu.memref_slice %arg12[%dma_start3A_83, %dma_start3A_84] : memref<10000x128xf32, #tpu.memory_space<vmem_shared>> -> memref<10000x128xf32, #tpu.memory_space<vmem_shared>>
        tpu.enqueue_indirect_dma source(%arg9 : memref<80x128xf32, #tpu.memory_space<vmem>>) target(%dma_start3A_85 : memref<10000x128xf32, #tpu.memory_space<vmem_shared>>) offsets(%dma_start3A_82 : memref<80xi32, #tpu.memory_space<vmem>>) semaphore(%run_scoped3A_79 : memref<!tpu.dma_semaphore, #tpu.memory_space<semaphore_mem>>) {add = true}
        %dma_wait3A_86 = arith.constant 0 : i32
        %dma_wait3A_87 = tpu.memref_slice %arg6[%run_scoped3A_50, %dma_wait3A_86] : memref<2x80xi32, #tpu.memory_space<vmem>> -> memref<1x80xi32, #tpu.memory_space<vmem>>
        %dma_wait3A_88 = tpu.memref_squeeze %dma_wait3A_87 : memref<1x80xi32, #tpu.memory_space<vmem>> -> memref<80xi32, #tpu.memory_space<vmem>>
        %dma_wait3A_89 = arith.constant 0 : i32
        %dma_wait3A_90 = arith.constant 0 : i32
        %dma_wait3A_91 = tpu.memref_slice %arg12[%dma_wait3A_89, %dma_wait3A_90] : memref<10000x128xf32, #tpu.memory_space<vmem_shared>> -> memref<10000x128xf32, #tpu.memory_space<vmem_shared>>
        tpu.wait_indirect_dma semaphore(%run_scoped3A_79 : memref<!tpu.dma_semaphore, #tpu.memory_space<semaphore_mem>>) src(%arg9 : memref<80x128xf32, #tpu.memory_space<vmem>>) dst(%dma_wait3A_91 : memref<10000x128xf32, #tpu.memory_space<vmem_shared>>)
        tpu.yield
      }) : () -> ()
      %add3A_51 = arith.constant 3 : i32
      %add3A_52 = arith.addi %add3A_37, %add3A_51 : i32
      %lt3A_53 = arith.constant 125 : i32
      %lt3A_54 = arith.cmpi slt, %add3A_52, %lt3A_53 : i32
      %convert_element_type3A_55 = arith.extui %lt3A_54 : i1 to i32
      %cond3A_56 = arith.constant 0 : i32
      %cond3A_57 = arith.cmpi ne, %convert_element_type3A_55, %cond3A_56 : i32
      scf.if %cond3A_57 {
        %add3A_79 = arith.constant 3 : i32
        %add3A_80 = arith.addi %add3A_37, %add3A_79 : i32
        "tpu.region"() ({
          %run_scoped3A_88 = tpu.sem_alloc : memref<!tpu.dma_semaphore, #tpu.memory_space<semaphore_mem>>
          %dma_start3A_89 = arith.constant 0 : i32
          %dma_start3A_90 = arith.constant 0 : i32
          %dma_start3A_91 = tpu.memref_slice %arg3[%add3A, %add3A_80, %dma_start3A_89, %dma_start3A_90] : memref<32x125x2x80xi32, #tpu.memory_space<hbm>> -> memref<1x1x2x80xi32, #tpu.memory_space<hbm>>
          %dma_start3A_92 = tpu.memref_squeeze %dma_start3A_91 : memref<1x1x2x80xi32, #tpu.memory_space<hbm>> -> memref<2x80xi32, #tpu.memory_space<hbm>>
          %dma_start3A_93 = arith.constant 0 : i32
          %dma_start3A_94 = arith.constant 0 : i32
          %dma_start3A_95 = tpu.memref_slice %arg3[%add3A, %add3A_80, %dma_start3A_93, %dma_start3A_94] : memref<32x125x2x80xi32, #tpu.memory_space<hbm>> -> memref<1x1x2x80xi32, #tpu.memory_space<hbm>>
          %dma_start3A_96 = tpu.memref_squeeze %dma_start3A_95 : memref<1x1x2x80xi32, #tpu.memory_space<hbm>> -> memref<2x80xi32, #tpu.memory_space<hbm>>
          tpu.enqueue_dma source(%dma_start3A_96 : memref<2x80xi32, #tpu.memory_space<hbm>>) target(%arg6 : memref<2x80xi32, #tpu.memory_space<vmem>>) target_semaphore(%run_scoped3A_88 : memref<!tpu.dma_semaphore, #tpu.memory_space<semaphore_mem>>)
          %dma_wait3A_97 = arith.constant 0 : i32
          %dma_wait3A_98 = arith.constant 0 : i32
          %dma_wait3A_99 = tpu.memref_slice %arg3[%add3A, %add3A_80, %dma_wait3A_97, %dma_wait3A_98] : memref<32x125x2x80xi32, #tpu.memory_space<hbm>> -> memref<1x1x2x80xi32, #tpu.memory_space<hbm>>
          %dma_wait3A_100 = tpu.memref_squeeze %dma_wait3A_99 : memref<1x1x2x80xi32, #tpu.memory_space<hbm>> -> memref<2x80xi32, #tpu.memory_space<hbm>>
          %dma_wait3A_101 = arith.constant 0 : i32
          %dma_wait3A_102 = arith.constant 0 : i32
          %dma_wait3A_103 = tpu.memref_slice %arg3[%add3A, %add3A_80, %dma_wait3A_101, %dma_wait3A_102] : memref<32x125x2x80xi32, #tpu.memory_space<hbm>> -> memref<1x1x2x80xi32, #tpu.memory_space<hbm>>
          %dma_wait3A_104 = tpu.memref_squeeze %dma_wait3A_103 : memref<1x1x2x80xi32, #tpu.memory_space<hbm>> -> memref<2x80xi32, #tpu.memory_space<hbm>>
          tpu.wait_dma2 semaphore(%run_scoped3A_88 : memref<!tpu.dma_semaphore, #tpu.memory_space<semaphore_mem>>) src(%dma_wait3A_104 : memref<2x80xi32, #tpu.memory_space<hbm>>) dst(%arg6 : memref<2x80xi32, #tpu.memory_space<vmem>>)
          tpu.yield
        }) : () -> ()
        %dma_start3A_81 = arith.constant 0 : i32
        %dma_start3A_82 = arith.constant 0 : i32
        %dma_start3A_83 = tpu.memref_slice %arg6[%dma_start3A_81, %dma_start3A_82] : memref<2x80xi32, #tpu.memory_space<vmem>> -> memref<1x80xi32, #tpu.memory_space<vmem>>
        %dma_start3A_84 = tpu.memref_squeeze %dma_start3A_83 : memref<1x80xi32, #tpu.memory_space<vmem>> -> memref<80xi32, #tpu.memory_space<vmem>>
        %dma_start3A_85 = arith.constant 0 : i32
        %dma_start3A_86 = arith.constant 0 : i32
        %dma_start3A_87 = tpu.memref_slice %arg2[%dma_start3A_85, %dma_start3A_86] : memref<10000x128xf32, #tpu.memory_space<hbm>> -> memref<10000x128xf32, #tpu.memory_space<hbm>>
        tpu.enqueue_indirect_dma source(%dma_start3A_87 : memref<10000x128xf32, #tpu.memory_space<hbm>>) target(%arg9 : memref<80x128xf32, #tpu.memory_space<vmem>>) offsets(%dma_start3A_84 : memref<80xi32, #tpu.memory_space<vmem>>) semaphore(%arg13 : memref<!tpu.dma_semaphore, #tpu.memory_space<semaphore_mem>>)
      } else {
      }
      %add3A_58 = arith.constant 1 : i32
      %add3A_59 = arith.addi %add3A_37, %add3A_58 : i32
      %lt3A_60 = arith.constant 125 : i32
      %lt3A_61 = arith.cmpi slt, %add3A_59, %lt3A_60 : i32
      %convert_element_type3A_62 = arith.extui %lt3A_61 : i1 to i32
      %cond3A_63 = arith.constant 0 : i32
      %cond3A_64 = arith.cmpi ne, %convert_element_type3A_62, %cond3A_63 : i32
      scf.if %cond3A_64 {
        %dma_wait3A_79 = arith.constant 0 : i32
        %dma_wait3A_80 = arith.constant 0 : i32
        %dma_wait3A_81 = tpu.memref_slice %arg7[%dma_wait3A_79, %dma_wait3A_80] : memref<2x80xi32, #tpu.memory_space<vmem>> -> memref<1x80xi32, #tpu.memory_space<vmem>>
        %dma_wait3A_82 = tpu.memref_squeeze %dma_wait3A_81 : memref<1x80xi32, #tpu.memory_space<vmem>> -> memref<80xi32, #tpu.memory_space<vmem>>
        %dma_wait3A_83 = arith.constant 0 : i32
        %dma_wait3A_84 = arith.constant 0 : i32
        %dma_wait3A_85 = tpu.memref_slice %arg2[%dma_wait3A_83, %dma_wait3A_84] : memref<10000x128xf32, #tpu.memory_space<hbm>> -> memref<10000x128xf32, #tpu.memory_space<hbm>>
        tpu.wait_indirect_dma semaphore(%arg14 : memref<!tpu.dma_semaphore, #tpu.memory_space<semaphore_mem>>) src(%dma_wait3A_85 : memref<10000x128xf32, #tpu.memory_space<hbm>>) dst(%arg10 : memref<80x128xf32, #tpu.memory_space<vmem>>)
        %run_scoped3A_86 = arith.constant 1 : i32
        "tpu.region"() ({
          %run_scoped3A_87 = tpu.sem_alloc : memref<!tpu.dma_semaphore, #tpu.memory_space<semaphore_mem>>
          %dma_start3A_88 = arith.constant 0 : i32
          %dma_start3A_89 = tpu.memref_slice %arg7[%run_scoped3A_86, %dma_start3A_88] : memref<2x80xi32, #tpu.memory_space<vmem>> -> memref<1x80xi32, #tpu.memory_space<vmem>>
          %dma_start3A_90 = tpu.memref_squeeze %dma_start3A_89 : memref<1x80xi32, #tpu.memory_space<vmem>> -> memref<80xi32, #tpu.memory_space<vmem>>
          %dma_start3A_91 = arith.constant 0 : i32
          %dma_start3A_92 = arith.constant 0 : i32
          %dma_start3A_93 = tpu.memref_slice %arg12[%dma_start3A_91, %dma_start3A_92] : memref<10000x128xf32, #tpu.memory_space<vmem_shared>> -> memref<10000x128xf32, #tpu.memory_space<vmem_shared>>
          tpu.enqueue_indirect_dma source(%arg10 : memref<80x128xf32, #tpu.memory_space<vmem>>) target(%dma_start3A_93 : memref<10000x128xf32, #tpu.memory_space<vmem_shared>>) offsets(%dma_start3A_90 : memref<80xi32, #tpu.memory_space<vmem>>) semaphore(%run_scoped3A_87 : memref<!tpu.dma_semaphore, #tpu.memory_space<semaphore_mem>>) {add = true}
          %dma_wait3A_94 = arith.constant 0 : i32
          %dma_wait3A_95 = tpu.memref_slice %arg7[%run_scoped3A_86, %dma_wait3A_94] : memref<2x80xi32, #tpu.memory_space<vmem>> -> memref<1x80xi32, #tpu.memory_space<vmem>>
          %dma_wait3A_96 = tpu.memref_squeeze %dma_wait3A_95 : memref<1x80xi32, #tpu.memory_space<vmem>> -> memref<80xi32, #tpu.memory_space<vmem>>
          %dma_wait3A_97 = arith.constant 0 : i32
          %dma_wait3A_98 = arith.constant 0 : i32
          %dma_wait3A_99 = tpu.memref_slice %arg12[%dma_wait3A_97, %dma_wait3A_98] : memref<10000x128xf32, #tpu.memory_space<vmem_shared>> -> memref<10000x128xf32, #tpu.memory_space<vmem_shared>>
          tpu.wait_indirect_dma semaphore(%run_scoped3A_87 : memref<!tpu.dma_semaphore, #tpu.memory_space<semaphore_mem>>) src(%arg10 : memref<80x128xf32, #tpu.memory_space<vmem>>) dst(%dma_wait3A_99 : memref<10000x128xf32, #tpu.memory_space<vmem_shared>>)
          tpu.yield
        }) : () -> ()
      } else {
      }
      %add3A_65 = arith.constant 4 : i32
      %add3A_66 = arith.addi %add3A_37, %add3A_65 : i32
      %lt3A_67 = arith.constant 125 : i32
      %lt3A_68 = arith.cmpi slt, %add3A_66, %lt3A_67 : i32
      %convert_element_type3A_69 = arith.extui %lt3A_68 : i1 to i32
      %cond3A_70 = arith.constant 0 : i32
      %cond3A_71 = arith.cmpi ne, %convert_element_type3A_69, %cond3A_70 : i32
      scf.if %cond3A_71 {
        %add3A_79 = arith.constant 4 : i32
        %add3A_80 = arith.addi %add3A_37, %add3A_79 : i32
        "tpu.region"() ({
          %run_scoped3A_88 = tpu.sem_alloc : memref<!tpu.dma_semaphore, #tpu.memory_space<semaphore_mem>>
          %dma_start3A_89 = arith.constant 0 : i32
          %dma_start3A_90 = arith.constant 0 : i32
          %dma_start3A_91 = tpu.memref_slice %arg3[%add3A, %add3A_80, %dma_start3A_89, %dma_start3A_90] : memref<32x125x2x80xi32, #tpu.memory_space<hbm>> -> memref<1x1x2x80xi32, #tpu.memory_space<hbm>>
          %dma_start3A_92 = tpu.memref_squeeze %dma_start3A_91 : memref<1x1x2x80xi32, #tpu.memory_space<hbm>> -> memref<2x80xi32, #tpu.memory_space<hbm>>
          %dma_start3A_93 = arith.constant 0 : i32
          %dma_start3A_94 = arith.constant 0 : i32
          %dma_start3A_95 = tpu.memref_slice %arg3[%add3A, %add3A_80, %dma_start3A_93, %dma_start3A_94] : memref<32x125x2x80xi32, #tpu.memory_space<hbm>> -> memref<1x1x2x80xi32, #tpu.memory_space<hbm>>
          %dma_start3A_96 = tpu.memref_squeeze %dma_start3A_95 : memref<1x1x2x80xi32, #tpu.memory_space<hbm>> -> memref<2x80xi32, #tpu.memory_space<hbm>>
          tpu.enqueue_dma source(%dma_start3A_96 : memref<2x80xi32, #tpu.memory_space<hbm>>) target(%arg7 : memref<2x80xi32, #tpu.memory_space<vmem>>) target_semaphore(%run_scoped3A_88 : memref<!tpu.dma_semaphore, #tpu.memory_space<semaphore_mem>>)
          %dma_wait3A_97 = arith.constant 0 : i32
          %dma_wait3A_98 = arith.constant 0 : i32
          %dma_wait3A_99 = tpu.memref_slice %arg3[%add3A, %add3A_80, %dma_wait3A_97, %dma_wait3A_98] : memref<32x125x2x80xi32, #tpu.memory_space<hbm>> -> memref<1x1x2x80xi32, #tpu.memory_space<hbm>>
          %dma_wait3A_100 = tpu.memref_squeeze %dma_wait3A_99 : memref<1x1x2x80xi32, #tpu.memory_space<hbm>> -> memref<2x80xi32, #tpu.memory_space<hbm>>
          %dma_wait3A_101 = arith.constant 0 : i32
          %dma_wait3A_102 = arith.constant 0 : i32
          %dma_wait3A_103 = tpu.memref_slice %arg3[%add3A, %add3A_80, %dma_wait3A_101, %dma_wait3A_102] : memref<32x125x2x80xi32, #tpu.memory_space<hbm>> -> memref<1x1x2x80xi32, #tpu.memory_space<hbm>>
          %dma_wait3A_104 = tpu.memref_squeeze %dma_wait3A_103 : memref<1x1x2x80xi32, #tpu.memory_space<hbm>> -> memref<2x80xi32, #tpu.memory_space<hbm>>
          tpu.wait_dma2 semaphore(%run_scoped3A_88 : memref<!tpu.dma_semaphore, #tpu.memory_space<semaphore_mem>>) src(%dma_wait3A_104 : memref<2x80xi32, #tpu.memory_space<hbm>>) dst(%arg7 : memref<2x80xi32, #tpu.memory_space<vmem>>)
          tpu.yield
        }) : () -> ()
        %dma_start3A_81 = arith.constant 0 : i32
        %dma_start3A_82 = arith.constant 0 : i32
        %dma_start3A_83 = tpu.memref_slice %arg7[%dma_start3A_81, %dma_start3A_82] : memref<2x80xi32, #tpu.memory_space<vmem>> -> memref<1x80xi32, #tpu.memory_space<vmem>>
        %dma_start3A_84 = tpu.memref_squeeze %dma_start3A_83 : memref<1x80xi32, #tpu.memory_space<vmem>> -> memref<80xi32, #tpu.memory_space<vmem>>
        %dma_start3A_85 = arith.constant 0 : i32
        %dma_start3A_86 = arith.constant 0 : i32
        %dma_start3A_87 = tpu.memref_slice %arg2[%dma_start3A_85, %dma_start3A_86] : memref<10000x128xf32, #tpu.memory_space<hbm>> -> memref<10000x128xf32, #tpu.memory_space<hbm>>
        tpu.enqueue_indirect_dma source(%dma_start3A_87 : memref<10000x128xf32, #tpu.memory_space<hbm>>) target(%arg10 : memref<80x128xf32, #tpu.memory_space<vmem>>) offsets(%dma_start3A_84 : memref<80xi32, #tpu.memory_space<vmem>>) semaphore(%arg14 : memref<!tpu.dma_semaphore, #tpu.memory_space<semaphore_mem>>)
      } else {
      }
      %add3A_72 = arith.constant 2 : i32
      %add3A_73 = arith.addi %add3A_37, %add3A_72 : i32
      %lt3A_74 = arith.constant 125 : i32
      %lt3A_75 = arith.cmpi slt, %add3A_73, %lt3A_74 : i32
      %convert_element_type3A_76 = arith.extui %lt3A_75 : i1 to i32
      %cond3A_77 = arith.constant 0 : i32
      %cond3A_78 = arith.cmpi ne, %convert_element_type3A_76, %cond3A_77 : i32
      scf.if %cond3A_78 {
        %dma_wait3A_79 = arith.constant 0 : i32
        %dma_wait3A_80 = arith.constant 0 : i32
        %dma_wait3A_81 = tpu.memref_slice %arg8[%dma_wait3A_79, %dma_wait3A_80] : memref<2x80xi32, #tpu.memory_space<vmem>> -> memref<1x80xi32, #tpu.memory_space<vmem>>
        %dma_wait3A_82 = tpu.memref_squeeze %dma_wait3A_81 : memref<1x80xi32, #tpu.memory_space<vmem>> -> memref<80xi32, #tpu.memory_space<vmem>>
        %dma_wait3A_83 = arith.constant 0 : i32
        %dma_wait3A_84 = arith.constant 0 : i32
        %dma_wait3A_85 = tpu.memref_slice %arg2[%dma_wait3A_83, %dma_wait3A_84] : memref<10000x128xf32, #tpu.memory_space<hbm>> -> memref<10000x128xf32, #tpu.memory_space<hbm>>
        tpu.wait_indirect_dma semaphore(%arg15 : memref<!tpu.dma_semaphore, #tpu.memory_space<semaphore_mem>>) src(%dma_wait3A_85 : memref<10000x128xf32, #tpu.memory_space<hbm>>) dst(%arg11 : memref<80x128xf32, #tpu.memory_space<vmem>>)
        %run_scoped3A_86 = arith.constant 1 : i32
        "tpu.region"() ({
          %run_scoped3A_87 = tpu.sem_alloc : memref<!tpu.dma_semaphore, #tpu.memory_space<semaphore_mem>>
          %dma_start3A_88 = arith.constant 0 : i32
          %dma_start3A_89 = tpu.memref_slice %arg8[%run_scoped3A_86, %dma_start3A_88] : memref<2x80xi32, #tpu.memory_space<vmem>> -> memref<1x80xi32, #tpu.memory_space<vmem>>
          %dma_start3A_90 = tpu.memref_squeeze %dma_start3A_89 : memref<1x80xi32, #tpu.memory_space<vmem>> -> memref<80xi32, #tpu.memory_space<vmem>>
          %dma_start3A_91 = arith.constant 0 : i32
          %dma_start3A_92 = arith.constant 0 : i32
          %dma_start3A_93 = tpu.memref_slice %arg12[%dma_start3A_91, %dma_start3A_92] : memref<10000x128xf32, #tpu.memory_space<vmem_shared>> -> memref<10000x128xf32, #tpu.memory_space<vmem_shared>>
          tpu.enqueue_indirect_dma source(%arg11 : memref<80x128xf32, #tpu.memory_space<vmem>>) target(%dma_start3A_93 : memref<10000x128xf32, #tpu.memory_space<vmem_shared>>) offsets(%dma_start3A_90 : memref<80xi32, #tpu.memory_space<vmem>>) semaphore(%run_scoped3A_87 : memref<!tpu.dma_semaphore, #tpu.memory_space<semaphore_mem>>) {add = true}
          %dma_wait3A_94 = arith.constant 0 : i32
          %dma_wait3A_95 = tpu.memref_slice %arg8[%run_scoped3A_86, %dma_wait3A_94] : memref<2x80xi32, #tpu.memory_space<vmem>> -> memref<1x80xi32, #tpu.memory_space<vmem>>
          %dma_wait3A_96 = tpu.memref_squeeze %dma_wait3A_95 : memref<1x80xi32, #tpu.memory_space<vmem>> -> memref<80xi32, #tpu.memory_space<vmem>>
          %dma_wait3A_97 = arith.constant 0 : i32
          %dma_wait3A_98 = arith.constant 0 : i32
          %dma_wait3A_99 = tpu.memref_slice %arg12[%dma_wait3A_97, %dma_wait3A_98] : memref<10000x128xf32, #tpu.memory_space<vmem_shared>> -> memref<10000x128xf32, #tpu.memory_space<vmem_shared>>
          tpu.wait_indirect_dma semaphore(%run_scoped3A_87 : memref<!tpu.dma_semaphore, #tpu.memory_space<semaphore_mem>>) src(%arg11 : memref<80x128xf32, #tpu.memory_space<vmem>>) dst(%dma_wait3A_99 : memref<10000x128xf32, #tpu.memory_space<vmem_shared>>)
          tpu.yield
        }) : () -> ()
      } else {
      }
    }
    %scan3A_22 = arith.constant 42 : i32
    %barrier3A_23 = arith.constant 0 : index
    tpu.barrier barrier_id(%barrier3A_23)
    %mul3A_24 = arith.constant 624 : i32
    %mul3A_25 = arith.muli %arg1, %mul3A_24 : i32
    %mul3A_26 = arith.constant 624 : i32
    %mul3A_27 = arith.muli %arg1, %mul3A_26 : i32
    "tpu.region"() ({
      %run_scoped3A_33 = tpu.sem_alloc : memref<!tpu.dma_semaphore, #tpu.memory_space<semaphore_mem>>
      %dma_start3A_34 = arith.constant 0 : i32
      %dma_start3A_35 = tpu.memref_slice %arg5[%arg0, %mul3A_27, %dma_start3A_34] : memref<2x10000x128xf32, #tpu.memory_space<hbm>> -> memref<1x624x128xf32, #tpu.memory_space<hbm>>
      %dma_start3A_36 = tpu.memref_squeeze %dma_start3A_35 : memref<1x624x128xf32, #tpu.memory_space<hbm>> -> memref<624x128xf32, #tpu.memory_space<hbm>>
      %dma_start3A_37 = arith.constant 0 : i32
      %dma_start3A_38 = tpu.memref_slice %arg12[%mul3A_25, %dma_start3A_37] : memref<10000x128xf32, #tpu.memory_space<vmem_shared>> -> memref<624x128xf32, #tpu.memory_space<vmem_shared>>
      tpu.enqueue_dma source(%dma_start3A_38 : memref<624x128xf32, #tpu.memory_space<vmem_shared>>) target(%dma_start3A_36 : memref<624x128xf32, #tpu.memory_space<hbm>>) target_semaphore(%run_scoped3A_33 : memref<!tpu.dma_semaphore, #tpu.memory_space<semaphore_mem>>)
      %dma_wait3A = arith.constant 0 : i32
      %dma_wait3A_39 = tpu.memref_slice %arg5[%arg0, %mul3A_27, %dma_wait3A] : memref<2x10000x128xf32, #tpu.memory_space<hbm>> -> memref<1x624x128xf32, #tpu.memory_space<hbm>>
      %dma_wait3A_40 = tpu.memref_squeeze %dma_wait3A_39 : memref<1x624x128xf32, #tpu.memory_space<hbm>> -> memref<624x128xf32, #tpu.memory_space<hbm>>
      %dma_wait3A_41 = arith.constant 0 : i32
      %dma_wait3A_42 = tpu.memref_slice %arg12[%mul3A_25, %dma_wait3A_41] : memref<10000x128xf32, #tpu.memory_space<vmem_shared>> -> memref<624x128xf32, #tpu.memory_space<vmem_shared>>
      tpu.wait_dma2 semaphore(%run_scoped3A_33 : memref<!tpu.dma_semaphore, #tpu.memory_space<semaphore_mem>>) src(%dma_wait3A_42 : memref<624x128xf32, #tpu.memory_space<vmem_shared>>) dst(%dma_wait3A_40 : memref<624x128xf32, #tpu.memory_space<hbm>>)
      tpu.yield
    }) : () -> ()
    %eq3A_28 = arith.constant 15 : i32
    %eq3A_29 = arith.cmpi eq, %arg1, %eq3A_28 : i32
    %convert_element_type3A_30 = arith.extui %eq3A_29 : i1 to i32
    %cond3A_31 = arith.constant 0 : i32
    %cond3A_32 = arith.cmpi ne, %convert_element_type3A_30, %cond3A_31 : i32
    scf.if %cond3A_32 {
      "tpu.region"() ({
        %run_scoped3A_33 = tpu.sem_alloc : memref<!tpu.dma_semaphore, #tpu.memory_space<semaphore_mem>>
        %dma_start3A_34 = arith.constant 9984 : i32
        %dma_start3A_35 = arith.constant 0 : i32
        %dma_start3A_36 = tpu.memref_slice %arg5[%arg0, %dma_start3A_34, %dma_start3A_35] : memref<2x10000x128xf32, #tpu.memory_space<hbm>> -> memref<1x16x128xf32, #tpu.memory_space<hbm>>
        %dma_start3A_37 = tpu.memref_squeeze %dma_start3A_36 : memref<1x16x128xf32, #tpu.memory_space<hbm>> -> memref<16x128xf32, #tpu.memory_space<hbm>>
        %dma_start3A_38 = arith.constant 9984 : i32
        %dma_start3A_39 = arith.constant 0 : i32
        %dma_start3A_40 = tpu.memref_slice %arg12[%dma_start3A_38, %dma_start3A_39] : memref<10000x128xf32, #tpu.memory_space<vmem_shared>> -> memref<16x128xf32, #tpu.memory_space<vmem_shared>>
        tpu.enqueue_dma source(%dma_start3A_40 : memref<16x128xf32, #tpu.memory_space<vmem_shared>>) target(%dma_start3A_37 : memref<16x128xf32, #tpu.memory_space<hbm>>) target_semaphore(%run_scoped3A_33 : memref<!tpu.dma_semaphore, #tpu.memory_space<semaphore_mem>>)
        %dma_wait3A = arith.constant 9984 : i32
        %dma_wait3A_41 = arith.constant 0 : i32
        %dma_wait3A_42 = tpu.memref_slice %arg5[%arg0, %dma_wait3A, %dma_wait3A_41] : memref<2x10000x128xf32, #tpu.memory_space<hbm>> -> memref<1x16x128xf32, #tpu.memory_space<hbm>>
        %dma_wait3A_43 = tpu.memref_squeeze %dma_wait3A_42 : memref<1x16x128xf32, #tpu.memory_space<hbm>> -> memref<16x128xf32, #tpu.memory_space<hbm>>
        %dma_wait3A_44 = arith.constant 9984 : i32
        %dma_wait3A_45 = arith.constant 0 : i32
        %dma_wait3A_46 = tpu.memref_slice %arg12[%dma_wait3A_44, %dma_wait3A_45] : memref<10000x128xf32, #tpu.memory_space<vmem_shared>> -> memref<16x128xf32, #tpu.memory_space<vmem_shared>>
        tpu.wait_dma2 semaphore(%run_scoped3A_33 : memref<!tpu.dma_semaphore, #tpu.memory_space<semaphore_mem>>) src(%dma_wait3A_46 : memref<16x128xf32, #tpu.memory_space<vmem_shared>>) dst(%dma_wait3A_43 : memref<16x128xf32, #tpu.memory_space<hbm>>)
        tpu.yield
      }) : () -> ()
    } else {
    }
    return
  }
}

#map = affine_map<(d0, d1) -> (0, 0)>
#map1 = affine_map<(d0, d1) -> (0, 0, 0, 0)>
#map2 = affine_map<(d0, d1) -> (0, 0, 0)>
module attributes {stable_mosaic.version = 14 : i64} {
  func.func @agg_kernel(%arg0: i32, %arg1: i32, %arg2: memref<10000x128xf32, #tpu.memory_space<hbm>>, %arg3: memref<32x125x2x80xi32, #tpu.memory_space<hbm>>, %arg4: memref<624x128xf32, #tpu.memory_space<hbm>>, %arg5: memref<2x10000x128xf32, #tpu.memory_space<hbm>>, %arg6: memref<2x80xi32, #tpu.memory_space<vmem>>, %arg7: memref<2x80xi32, #tpu.memory_space<vmem>>, %arg8: memref<2x80xi32, #tpu.memory_space<vmem>>, %arg9: memref<80x128xf32, #tpu.memory_space<vmem>>, %arg10: memref<80x128xf32, #tpu.memory_space<vmem>>, %arg11: memref<80x128xf32, #tpu.memory_space<vmem>>, %arg12: memref<10000x128xf32, #tpu.memory_space<vmem_shared>>, %arg13: memref<!tpu.dma_semaphore, #tpu.memory_space<semaphore_mem>>, %arg14: memref<!tpu.dma_semaphore, #tpu.memory_space<semaphore_mem>>, %arg15: memref<!tpu.dma_semaphore, #tpu.memory_space<semaphore_mem>>) attributes {dimension_semantics = [#tpu.dimension_semantics<core_parallel>, #tpu.dimension_semantics<subcore_parallel>], iteration_bounds = array<i64: 2, 16>, scalar_prefetch = 0 : i64, scratch_operands = 10 : i64, tpu.core_type = #tpu.core_type<sc_vector_subcore>, window_params = [{transform_indices = #map}, {transform_indices = #map1}, {transform_indices = #map}, {transform_indices = #map2}]} {
    %mul3A = arith.constant 16 : i32
    %mul3A_0 = arith.muli %arg0, %mul3A : i32
    %add3A = arith.addi %mul3A_0, %arg1 : i32
    %mul3A_1 = arith.constant 624 : i32
    %mul3A_2 = arith.muli %arg1, %mul3A_1 : i32
    "tpu.region"() ({
      %run_scoped3A_33 = tpu.sem_alloc : memref<!tpu.dma_semaphore, #tpu.memory_space<semaphore_mem>>
      %dma_start3A_34 = arith.constant 0 : i32
      %dma_start3A_35 = tpu.memref_slice %arg12[%mul3A_2, %dma_start3A_34] : memref<10000x128xf32, #tpu.memory_space<vmem_shared>> -> memref<624x128xf32, #tpu.memory_space<vmem_shared>>
      %dma_start3A_36 = arith.constant 0 : i32
      %dma_start3A_37 = arith.constant 0 : i32
      %dma_start3A_38 = tpu.memref_slice %arg4[%dma_start3A_36, %dma_start3A_37] : memref<624x128xf32, #tpu.memory_space<hbm>> -> memref<624x128xf32, #tpu.memory_space<hbm>>
      tpu.enqueue_dma source(%dma_start3A_38 : memref<624x128xf32, #tpu.memory_space<hbm>>) target(%dma_start3A_35 : memref<624x128xf32, #tpu.memory_space<vmem_shared>>) target_semaphore(%run_scoped3A_33 : memref<!tpu.dma_semaphore, #tpu.memory_space<semaphore_mem>>)
      %dma_wait3A = arith.constant 0 : i32
      %dma_wait3A_39 = tpu.memref_slice %arg12[%mul3A_2, %dma_wait3A] : memref<10000x128xf32, #tpu.memory_space<vmem_shared>> -> memref<624x128xf32, #tpu.memory_space<vmem_shared>>
      %dma_wait3A_40 = arith.constant 0 : i32
      %dma_wait3A_41 = arith.constant 0 : i32
      %dma_wait3A_42 = tpu.memref_slice %arg4[%dma_wait3A_40, %dma_wait3A_41] : memref<624x128xf32, #tpu.memory_space<hbm>> -> memref<624x128xf32, #tpu.memory_space<hbm>>
      tpu.wait_dma2 semaphore(%run_scoped3A_33 : memref<!tpu.dma_semaphore, #tpu.memory_space<semaphore_mem>>) src(%dma_wait3A_42 : memref<624x128xf32, #tpu.memory_space<hbm>>) dst(%dma_wait3A_39 : memref<624x128xf32, #tpu.memory_space<vmem_shared>>)
      tpu.yield
    }) : () -> ()
    %eq3A = arith.constant 15 : i32
    %eq3A_3 = arith.cmpi eq, %arg1, %eq3A : i32
    %convert_element_type3A = arith.extui %eq3A_3 : i1 to i32
    %cond3A = arith.constant 0 : i32
    %cond3A_4 = arith.cmpi ne, %convert_element_type3A, %cond3A : i32
    scf.if %cond3A_4 {
      "tpu.region"() ({
        %run_scoped3A_33 = tpu.sem_alloc : memref<!tpu.dma_semaphore, #tpu.memory_space<semaphore_mem>>
        %dma_start3A_34 = arith.constant 9984 : i32
        %dma_start3A_35 = arith.constant 0 : i32
        %dma_start3A_36 = tpu.memref_slice %arg12[%dma_start3A_34, %dma_start3A_35] : memref<10000x128xf32, #tpu.memory_space<vmem_shared>> -> memref<16x128xf32, #tpu.memory_space<vmem_shared>>
        %dma_start3A_37 = arith.constant 0 : i32
        %dma_start3A_38 = arith.constant 0 : i32
        %dma_start3A_39 = tpu.memref_slice %arg4[%dma_start3A_37, %dma_start3A_38] : memref<624x128xf32, #tpu.memory_space<hbm>> -> memref<16x128xf32, #tpu.memory_space<hbm>>
        tpu.enqueue_dma source(%dma_start3A_39 : memref<16x128xf32, #tpu.memory_space<hbm>>) target(%dma_start3A_36 : memref<16x128xf32, #tpu.memory_space<vmem_shared>>) target_semaphore(%run_scoped3A_33 : memref<!tpu.dma_semaphore, #tpu.memory_space<semaphore_mem>>)
        %dma_wait3A = arith.constant 9984 : i32
        %dma_wait3A_40 = arith.constant 0 : i32
        %dma_wait3A_41 = tpu.memref_slice %arg12[%dma_wait3A, %dma_wait3A_40] : memref<10000x128xf32, #tpu.memory_space<vmem_shared>> -> memref<16x128xf32, #tpu.memory_space<vmem_shared>>
        %dma_wait3A_42 = arith.constant 0 : i32
        %dma_wait3A_43 = arith.constant 0 : i32
        %dma_wait3A_44 = tpu.memref_slice %arg4[%dma_wait3A_42, %dma_wait3A_43] : memref<624x128xf32, #tpu.memory_space<hbm>> -> memref<16x128xf32, #tpu.memory_space<hbm>>
        tpu.wait_dma2 semaphore(%run_scoped3A_33 : memref<!tpu.dma_semaphore, #tpu.memory_space<semaphore_mem>>) src(%dma_wait3A_44 : memref<16x128xf32, #tpu.memory_space<hbm>>) dst(%dma_wait3A_41 : memref<16x128xf32, #tpu.memory_space<vmem_shared>>)
        tpu.yield
      }) : () -> ()
    } else {
    }
    %barrier3A = arith.constant 0 : index
    tpu.barrier barrier_id(%barrier3A)
    %run_scoped3A = arith.constant 0 : i32
    "tpu.region"() ({
      %run_scoped3A_33 = tpu.sem_alloc : memref<!tpu.dma_semaphore, #tpu.memory_space<semaphore_mem>>
      %dma_start3A_34 = arith.constant 0 : i32
      %dma_start3A_35 = arith.constant 0 : i32
      %dma_start3A_36 = tpu.memref_slice %arg3[%add3A, %run_scoped3A, %dma_start3A_34, %dma_start3A_35] : memref<32x125x2x80xi32, #tpu.memory_space<hbm>> -> memref<1x1x2x80xi32, #tpu.memory_space<hbm>>
      %dma_start3A_37 = tpu.memref_squeeze %dma_start3A_36 : memref<1x1x2x80xi32, #tpu.memory_space<hbm>> -> memref<2x80xi32, #tpu.memory_space<hbm>>
      %dma_start3A_38 = arith.constant 0 : i32
      %dma_start3A_39 = arith.constant 0 : i32
      %dma_start3A_40 = tpu.memref_slice %arg3[%add3A, %run_scoped3A, %dma_start3A_38, %dma_start3A_39] : memref<32x125x2x80xi32, #tpu.memory_space<hbm>> -> memref<1x1x2x80xi32, #tpu.memory_space<hbm>>
      %dma_start3A_41 = tpu.memref_squeeze %dma_start3A_40 : memref<1x1x2x80xi32, #tpu.memory_space<hbm>> -> memref<2x80xi32, #tpu.memory_space<hbm>>
      tpu.enqueue_dma source(%dma_start3A_41 : memref<2x80xi32, #tpu.memory_space<hbm>>) target(%arg6 : memref<2x80xi32, #tpu.memory_space<vmem>>) target_semaphore(%run_scoped3A_33 : memref<!tpu.dma_semaphore, #tpu.memory_space<semaphore_mem>>)
      %dma_wait3A = arith.constant 0 : i32
      %dma_wait3A_42 = arith.constant 0 : i32
      %dma_wait3A_43 = tpu.memref_slice %arg3[%add3A, %run_scoped3A, %dma_wait3A, %dma_wait3A_42] : memref<32x125x2x80xi32, #tpu.memory_space<hbm>> -> memref<1x1x2x80xi32, #tpu.memory_space<hbm>>
      %dma_wait3A_44 = tpu.memref_squeeze %dma_wait3A_43 : memref<1x1x2x80xi32, #tpu.memory_space<hbm>> -> memref<2x80xi32, #tpu.memory_space<hbm>>
      %dma_wait3A_45 = arith.constant 0 : i32
      %dma_wait3A_46 = arith.constant 0 : i32
      %dma_wait3A_47 = tpu.memref_slice %arg3[%add3A, %run_scoped3A, %dma_wait3A_45, %dma_wait3A_46] : memref<32x125x2x80xi32, #tpu.memory_space<hbm>> -> memref<1x1x2x80xi32, #tpu.memory_space<hbm>>
      %dma_wait3A_48 = tpu.memref_squeeze %dma_wait3A_47 : memref<1x1x2x80xi32, #tpu.memory_space<hbm>> -> memref<2x80xi32, #tpu.memory_space<hbm>>
      tpu.wait_dma2 semaphore(%run_scoped3A_33 : memref<!tpu.dma_semaphore, #tpu.memory_space<semaphore_mem>>) src(%dma_wait3A_48 : memref<2x80xi32, #tpu.memory_space<hbm>>) dst(%arg6 : memref<2x80xi32, #tpu.memory_space<vmem>>)
      tpu.yield
    }) : () -> ()
    %dma_start3A = arith.constant 0 : i32
    %dma_start3A_5 = arith.constant 0 : i32
    %dma_start3A_6 = tpu.memref_slice %arg6[%dma_start3A, %dma_start3A_5] : memref<2x80xi32, #tpu.memory_space<vmem>> -> memref<1x80xi32, #tpu.memory_space<vmem>>
    %dma_start3A_7 = tpu.memref_squeeze %dma_start3A_6 : memref<1x80xi32, #tpu.memory_space<vmem>> -> memref<80xi32, #tpu.memory_space<vmem>>
    %dma_start3A_8 = arith.constant 0 : i32
    %dma_start3A_9 = arith.constant 0 : i32
    %dma_start3A_10 = tpu.memref_slice %arg2[%dma_start3A_8, %dma_start3A_9] : memref<10000x128xf32, #tpu.memory_space<hbm>> -> memref<10000x128xf32, #tpu.memory_space<hbm>>
    tpu.enqueue_indirect_dma source(%dma_start3A_10 : memref<10000x128xf32, #tpu.memory_space<hbm>>) target(%arg9 : memref<80x128xf32, #tpu.memory_space<vmem>>) offsets(%dma_start3A_7 : memref<80xi32, #tpu.memory_space<vmem>>) semaphore(%arg13 : memref<!tpu.dma_semaphore, #tpu.memory_space<semaphore_mem>>)
    %run_scoped3A_11 = arith.constant 1 : i32
    "tpu.region"() ({
      %run_scoped3A_33 = tpu.sem_alloc : memref<!tpu.dma_semaphore, #tpu.memory_space<semaphore_mem>>
      %dma_start3A_34 = arith.constant 0 : i32
      %dma_start3A_35 = arith.constant 0 : i32
      %dma_start3A_36 = tpu.memref_slice %arg3[%add3A, %run_scoped3A_11, %dma_start3A_34, %dma_start3A_35] : memref<32x125x2x80xi32, #tpu.memory_space<hbm>> -> memref<1x1x2x80xi32, #tpu.memory_space<hbm>>
      %dma_start3A_37 = tpu.memref_squeeze %dma_start3A_36 : memref<1x1x2x80xi32, #tpu.memory_space<hbm>> -> memref<2x80xi32, #tpu.memory_space<hbm>>
      %dma_start3A_38 = arith.constant 0 : i32
      %dma_start3A_39 = arith.constant 0 : i32
      %dma_start3A_40 = tpu.memref_slice %arg3[%add3A, %run_scoped3A_11, %dma_start3A_38, %dma_start3A_39] : memref<32x125x2x80xi32, #tpu.memory_space<hbm>> -> memref<1x1x2x80xi32, #tpu.memory_space<hbm>>
      %dma_start3A_41 = tpu.memref_squeeze %dma_start3A_40 : memref<1x1x2x80xi32, #tpu.memory_space<hbm>> -> memref<2x80xi32, #tpu.memory_space<hbm>>
      tpu.enqueue_dma source(%dma_start3A_41 : memref<2x80xi32, #tpu.memory_space<hbm>>) target(%arg7 : memref<2x80xi32, #tpu.memory_space<vmem>>) target_semaphore(%run_scoped3A_33 : memref<!tpu.dma_semaphore, #tpu.memory_space<semaphore_mem>>)
      %dma_wait3A = arith.constant 0 : i32
      %dma_wait3A_42 = arith.constant 0 : i32
      %dma_wait3A_43 = tpu.memref_slice %arg3[%add3A, %run_scoped3A_11, %dma_wait3A, %dma_wait3A_42] : memref<32x125x2x80xi32, #tpu.memory_space<hbm>> -> memref<1x1x2x80xi32, #tpu.memory_space<hbm>>
      %dma_wait3A_44 = tpu.memref_squeeze %dma_wait3A_43 : memref<1x1x2x80xi32, #tpu.memory_space<hbm>> -> memref<2x80xi32, #tpu.memory_space<hbm>>
      %dma_wait3A_45 = arith.constant 0 : i32
      %dma_wait3A_46 = arith.constant 0 : i32
      %dma_wait3A_47 = tpu.memref_slice %arg3[%add3A, %run_scoped3A_11, %dma_wait3A_45, %dma_wait3A_46] : memref<32x125x2x80xi32, #tpu.memory_space<hbm>> -> memref<1x1x2x80xi32, #tpu.memory_space<hbm>>
      %dma_wait3A_48 = tpu.memref_squeeze %dma_wait3A_47 : memref<1x1x2x80xi32, #tpu.memory_space<hbm>> -> memref<2x80xi32, #tpu.memory_space<hbm>>
      tpu.wait_dma2 semaphore(%run_scoped3A_33 : memref<!tpu.dma_semaphore, #tpu.memory_space<semaphore_mem>>) src(%dma_wait3A_48 : memref<2x80xi32, #tpu.memory_space<hbm>>) dst(%arg7 : memref<2x80xi32, #tpu.memory_space<vmem>>)
      tpu.yield
    }) : () -> ()
    %dma_start3A_12 = arith.constant 0 : i32
    %dma_start3A_13 = arith.constant 0 : i32
    %dma_start3A_14 = tpu.memref_slice %arg7[%dma_start3A_12, %dma_start3A_13] : memref<2x80xi32, #tpu.memory_space<vmem>> -> memref<1x80xi32, #tpu.memory_space<vmem>>
    %dma_start3A_15 = tpu.memref_squeeze %dma_start3A_14 : memref<1x80xi32, #tpu.memory_space<vmem>> -> memref<80xi32, #tpu.memory_space<vmem>>
    %dma_start3A_16 = arith.constant 0 : i32
    %dma_start3A_17 = arith.constant 0 : i32
    %dma_start3A_18 = tpu.memref_slice %arg2[%dma_start3A_16, %dma_start3A_17] : memref<10000x128xf32, #tpu.memory_space<hbm>> -> memref<10000x128xf32, #tpu.memory_space<hbm>>
    tpu.enqueue_indirect_dma source(%dma_start3A_18 : memref<10000x128xf32, #tpu.memory_space<hbm>>) target(%arg10 : memref<80x128xf32, #tpu.memory_space<vmem>>) offsets(%dma_start3A_15 : memref<80xi32, #tpu.memory_space<vmem>>) semaphore(%arg14 : memref<!tpu.dma_semaphore, #tpu.memory_space<semaphore_mem>>)
    %scan3A = arith.constant 0 : i32
    %scan3A_19 = arith.constant 42 : i32
    %scan3A_20 = arith.addi %scan3A, %scan3A_19 : i32
    %scan3A_21 = arith.constant 1 : i32
    scf.for %scan3A_33 = %scan3A to %scan3A_20 step %scan3A_21  : i32 {
      %mul3A_34 = arith.constant 3 : i32
      %mul3A_35 = arith.muli %scan3A_33, %mul3A_34 : i32
      %add3A_36 = arith.constant 0 : i32
      %add3A_37 = arith.addi %add3A_36, %mul3A_35 : i32
      %add3A_38 = arith.constant 2 : i32
      %add3A_39 = arith.addi %add3A_37, %add3A_38 : i32
      %lt3A = arith.constant 125 : i32
      %lt3A_40 = arith.cmpi slt, %add3A_39, %lt3A : i32
      %convert_element_type3A_41 = arith.extui %lt3A_40 : i1 to i32
      %cond3A_42 = arith.constant 0 : i32
      %cond3A_43 = arith.cmpi ne, %convert_element_type3A_41, %cond3A_42 : i32
      scf.if %cond3A_43 {
        %add3A_79 = arith.constant 2 : i32
        %add3A_80 = arith.addi %add3A_37, %add3A_79 : i32
        "tpu.region"() ({
          %run_scoped3A_88 = tpu.sem_alloc : memref<!tpu.dma_semaphore, #tpu.memory_space<semaphore_mem>>
          %dma_start3A_89 = arith.constant 0 : i32
          %dma_start3A_90 = arith.constant 0 : i32
          %dma_start3A_91 = tpu.memref_slice %arg3[%add3A, %add3A_80, %dma_start3A_89, %dma_start3A_90] : memref<32x125x2x80xi32, #tpu.memory_space<hbm>> -> memref<1x1x2x80xi32, #tpu.memory_space<hbm>>
          %dma_start3A_92 = tpu.memref_squeeze %dma_start3A_91 : memref<1x1x2x80xi32, #tpu.memory_space<hbm>> -> memref<2x80xi32, #tpu.memory_space<hbm>>
          %dma_start3A_93 = arith.constant 0 : i32
          %dma_start3A_94 = arith.constant 0 : i32
          %dma_start3A_95 = tpu.memref_slice %arg3[%add3A, %add3A_80, %dma_start3A_93, %dma_start3A_94] : memref<32x125x2x80xi32, #tpu.memory_space<hbm>> -> memref<1x1x2x80xi32, #tpu.memory_space<hbm>>
          %dma_start3A_96 = tpu.memref_squeeze %dma_start3A_95 : memref<1x1x2x80xi32, #tpu.memory_space<hbm>> -> memref<2x80xi32, #tpu.memory_space<hbm>>
          tpu.enqueue_dma source(%dma_start3A_96 : memref<2x80xi32, #tpu.memory_space<hbm>>) target(%arg8 : memref<2x80xi32, #tpu.memory_space<vmem>>) target_semaphore(%run_scoped3A_88 : memref<!tpu.dma_semaphore, #tpu.memory_space<semaphore_mem>>)
          %dma_wait3A_97 = arith.constant 0 : i32
          %dma_wait3A_98 = arith.constant 0 : i32
          %dma_wait3A_99 = tpu.memref_slice %arg3[%add3A, %add3A_80, %dma_wait3A_97, %dma_wait3A_98] : memref<32x125x2x80xi32, #tpu.memory_space<hbm>> -> memref<1x1x2x80xi32, #tpu.memory_space<hbm>>
          %dma_wait3A_100 = tpu.memref_squeeze %dma_wait3A_99 : memref<1x1x2x80xi32, #tpu.memory_space<hbm>> -> memref<2x80xi32, #tpu.memory_space<hbm>>
          %dma_wait3A_101 = arith.constant 0 : i32
          %dma_wait3A_102 = arith.constant 0 : i32
          %dma_wait3A_103 = tpu.memref_slice %arg3[%add3A, %add3A_80, %dma_wait3A_101, %dma_wait3A_102] : memref<32x125x2x80xi32, #tpu.memory_space<hbm>> -> memref<1x1x2x80xi32, #tpu.memory_space<hbm>>
          %dma_wait3A_104 = tpu.memref_squeeze %dma_wait3A_103 : memref<1x1x2x80xi32, #tpu.memory_space<hbm>> -> memref<2x80xi32, #tpu.memory_space<hbm>>
          tpu.wait_dma2 semaphore(%run_scoped3A_88 : memref<!tpu.dma_semaphore, #tpu.memory_space<semaphore_mem>>) src(%dma_wait3A_104 : memref<2x80xi32, #tpu.memory_space<hbm>>) dst(%arg8 : memref<2x80xi32, #tpu.memory_space<vmem>>)
          tpu.yield
        }) : () -> ()
        %dma_start3A_81 = arith.constant 0 : i32
        %dma_start3A_82 = arith.constant 0 : i32
        %dma_start3A_83 = tpu.memref_slice %arg8[%dma_start3A_81, %dma_start3A_82] : memref<2x80xi32, #tpu.memory_space<vmem>> -> memref<1x80xi32, #tpu.memory_space<vmem>>
        %dma_start3A_84 = tpu.memref_squeeze %dma_start3A_83 : memref<1x80xi32, #tpu.memory_space<vmem>> -> memref<80xi32, #tpu.memory_space<vmem>>
        %dma_start3A_85 = arith.constant 0 : i32
        %dma_start3A_86 = arith.constant 0 : i32
        %dma_start3A_87 = tpu.memref_slice %arg2[%dma_start3A_85, %dma_start3A_86] : memref<10000x128xf32, #tpu.memory_space<hbm>> -> memref<10000x128xf32, #tpu.memory_space<hbm>>
        tpu.enqueue_indirect_dma source(%dma_start3A_87 : memref<10000x128xf32, #tpu.memory_space<hbm>>) target(%arg11 : memref<80x128xf32, #tpu.memory_space<vmem>>) offsets(%dma_start3A_84 : memref<80xi32, #tpu.memory_space<vmem>>) semaphore(%arg15 : memref<!tpu.dma_semaphore, #tpu.memory_space<semaphore_mem>>)
      } else {
      }
      %dma_wait3A = arith.constant 0 : i32
      %dma_wait3A_44 = arith.constant 0 : i32
      %dma_wait3A_45 = tpu.memref_slice %arg6[%dma_wait3A, %dma_wait3A_44] : memref<2x80xi32, #tpu.memory_space<vmem>> -> memref<1x80xi32, #tpu.memory_space<vmem>>
      %dma_wait3A_46 = tpu.memref_squeeze %dma_wait3A_45 : memref<1x80xi32, #tpu.memory_space<vmem>> -> memref<80xi32, #tpu.memory_space<vmem>>
      %dma_wait3A_47 = arith.constant 0 : i32
      %dma_wait3A_48 = arith.constant 0 : i32
      %dma_wait3A_49 = tpu.memref_slice %arg2[%dma_wait3A_47, %dma_wait3A_48] : memref<10000x128xf32, #tpu.memory_space<hbm>> -> memref<10000x128xf32, #tpu.memory_space<hbm>>
      tpu.wait_indirect_dma semaphore(%arg13 : memref<!tpu.dma_semaphore, #tpu.memory_space<semaphore_mem>>) src(%dma_wait3A_49 : memref<10000x128xf32, #tpu.memory_space<hbm>>) dst(%arg9 : memref<80x128xf32, #tpu.memory_space<vmem>>)
      %run_scoped3A_50 = arith.constant 1 : i32
      "tpu.region"() ({
        %run_scoped3A_79 = tpu.sem_alloc : memref<!tpu.dma_semaphore, #tpu.memory_space<semaphore_mem>>
        %dma_start3A_80 = arith.constant 0 : i32
        %dma_start3A_81 = tpu.memref_slice %arg6[%run_scoped3A_50, %dma_start3A_80] : memref<2x80xi32, #tpu.memory_space<vmem>> -> memref<1x80xi32, #tpu.memory_space<vmem>>
        %dma_start3A_82 = tpu.memref_squeeze %dma_start3A_81 : memref<1x80xi32, #tpu.memory_space<vmem>> -> memref<80xi32, #tpu.memory_space<vmem>>
        %dma_start3A_83 = arith.constant 0 : i32
        %dma_start3A_84 = arith.constant 0 : i32
        %dma_start3A_85 = tpu.memref_slice %arg12[%dma_start3A_83, %dma_start3A_84] : memref<10000x128xf32, #tpu.memory_space<vmem_shared>> -> memref<10000x128xf32, #tpu.memory_space<vmem_shared>>
        tpu.enqueue_indirect_dma source(%arg9 : memref<80x128xf32, #tpu.memory_space<vmem>>) target(%dma_start3A_85 : memref<10000x128xf32, #tpu.memory_space<vmem_shared>>) offsets(%dma_start3A_82 : memref<80xi32, #tpu.memory_space<vmem>>) semaphore(%run_scoped3A_79 : memref<!tpu.dma_semaphore, #tpu.memory_space<semaphore_mem>>) {add = true}
        %dma_wait3A_86 = arith.constant 0 : i32
        %dma_wait3A_87 = tpu.memref_slice %arg6[%run_scoped3A_50, %dma_wait3A_86] : memref<2x80xi32, #tpu.memory_space<vmem>> -> memref<1x80xi32, #tpu.memory_space<vmem>>
        %dma_wait3A_88 = tpu.memref_squeeze %dma_wait3A_87 : memref<1x80xi32, #tpu.memory_space<vmem>> -> memref<80xi32, #tpu.memory_space<vmem>>
        %dma_wait3A_89 = arith.constant 0 : i32
        %dma_wait3A_90 = arith.constant 0 : i32
        %dma_wait3A_91 = tpu.memref_slice %arg12[%dma_wait3A_89, %dma_wait3A_90] : memref<10000x128xf32, #tpu.memory_space<vmem_shared>> -> memref<10000x128xf32, #tpu.memory_space<vmem_shared>>
        tpu.wait_indirect_dma semaphore(%run_scoped3A_79 : memref<!tpu.dma_semaphore, #tpu.memory_space<semaphore_mem>>) src(%arg9 : memref<80x128xf32, #tpu.memory_space<vmem>>) dst(%dma_wait3A_91 : memref<10000x128xf32, #tpu.memory_space<vmem_shared>>)
        tpu.yield
      }) : () -> ()
      %add3A_51 = arith.constant 3 : i32
      %add3A_52 = arith.addi %add3A_37, %add3A_51 : i32
      %lt3A_53 = arith.constant 125 : i32
      %lt3A_54 = arith.cmpi slt, %add3A_52, %lt3A_53 : i32
      %convert_element_type3A_55 = arith.extui %lt3A_54 : i1 to i32
      %cond3A_56 = arith.constant 0 : i32
      %cond3A_57 = arith.cmpi ne, %convert_element_type3A_55, %cond3A_56 : i32
      scf.if %cond3A_57 {
        %add3A_79 = arith.constant 3 : i32
        %add3A_80 = arith.addi %add3A_37, %add3A_79 : i32
        "tpu.region"() ({
          %run_scoped3A_88 = tpu.sem_alloc : memref<!tpu.dma_semaphore, #tpu.memory_space<semaphore_mem>>
          %dma_start3A_89 = arith.constant 0 : i32
          %dma_start3A_90 = arith.constant 0 : i32
          %dma_start3A_91 = tpu.memref_slice %arg3[%add3A, %add3A_80, %dma_start3A_89, %dma_start3A_90] : memref<32x125x2x80xi32, #tpu.memory_space<hbm>> -> memref<1x1x2x80xi32, #tpu.memory_space<hbm>>
          %dma_start3A_92 = tpu.memref_squeeze %dma_start3A_91 : memref<1x1x2x80xi32, #tpu.memory_space<hbm>> -> memref<2x80xi32, #tpu.memory_space<hbm>>
          %dma_start3A_93 = arith.constant 0 : i32
          %dma_start3A_94 = arith.constant 0 : i32
          %dma_start3A_95 = tpu.memref_slice %arg3[%add3A, %add3A_80, %dma_start3A_93, %dma_start3A_94] : memref<32x125x2x80xi32, #tpu.memory_space<hbm>> -> memref<1x1x2x80xi32, #tpu.memory_space<hbm>>
          %dma_start3A_96 = tpu.memref_squeeze %dma_start3A_95 : memref<1x1x2x80xi32, #tpu.memory_space<hbm>> -> memref<2x80xi32, #tpu.memory_space<hbm>>
          tpu.enqueue_dma source(%dma_start3A_96 : memref<2x80xi32, #tpu.memory_space<hbm>>) target(%arg6 : memref<2x80xi32, #tpu.memory_space<vmem>>) target_semaphore(%run_scoped3A_88 : memref<!tpu.dma_semaphore, #tpu.memory_space<semaphore_mem>>)
          %dma_wait3A_97 = arith.constant 0 : i32
          %dma_wait3A_98 = arith.constant 0 : i32
          %dma_wait3A_99 = tpu.memref_slice %arg3[%add3A, %add3A_80, %dma_wait3A_97, %dma_wait3A_98] : memref<32x125x2x80xi32, #tpu.memory_space<hbm>> -> memref<1x1x2x80xi32, #tpu.memory_space<hbm>>
          %dma_wait3A_100 = tpu.memref_squeeze %dma_wait3A_99 : memref<1x1x2x80xi32, #tpu.memory_space<hbm>> -> memref<2x80xi32, #tpu.memory_space<hbm>>
          %dma_wait3A_101 = arith.constant 0 : i32
          %dma_wait3A_102 = arith.constant 0 : i32
          %dma_wait3A_103 = tpu.memref_slice %arg3[%add3A, %add3A_80, %dma_wait3A_101, %dma_wait3A_102] : memref<32x125x2x80xi32, #tpu.memory_space<hbm>> -> memref<1x1x2x80xi32, #tpu.memory_space<hbm>>
          %dma_wait3A_104 = tpu.memref_squeeze %dma_wait3A_103 : memref<1x1x2x80xi32, #tpu.memory_space<hbm>> -> memref<2x80xi32, #tpu.memory_space<hbm>>
          tpu.wait_dma2 semaphore(%run_scoped3A_88 : memref<!tpu.dma_semaphore, #tpu.memory_space<semaphore_mem>>) src(%dma_wait3A_104 : memref<2x80xi32, #tpu.memory_space<hbm>>) dst(%arg6 : memref<2x80xi32, #tpu.memory_space<vmem>>)
          tpu.yield
        }) : () -> ()
        %dma_start3A_81 = arith.constant 0 : i32
        %dma_start3A_82 = arith.constant 0 : i32
        %dma_start3A_83 = tpu.memref_slice %arg6[%dma_start3A_81, %dma_start3A_82] : memref<2x80xi32, #tpu.memory_space<vmem>> -> memref<1x80xi32, #tpu.memory_space<vmem>>
        %dma_start3A_84 = tpu.memref_squeeze %dma_start3A_83 : memref<1x80xi32, #tpu.memory_space<vmem>> -> memref<80xi32, #tpu.memory_space<vmem>>
        %dma_start3A_85 = arith.constant 0 : i32
        %dma_start3A_86 = arith.constant 0 : i32
        %dma_start3A_87 = tpu.memref_slice %arg2[%dma_start3A_85, %dma_start3A_86] : memref<10000x128xf32, #tpu.memory_space<hbm>> -> memref<10000x128xf32, #tpu.memory_space<hbm>>
        tpu.enqueue_indirect_dma source(%dma_start3A_87 : memref<10000x128xf32, #tpu.memory_space<hbm>>) target(%arg9 : memref<80x128xf32, #tpu.memory_space<vmem>>) offsets(%dma_start3A_84 : memref<80xi32, #tpu.memory_space<vmem>>) semaphore(%arg13 : memref<!tpu.dma_semaphore, #tpu.memory_space<semaphore_mem>>)
      } else {
      }
      %add3A_58 = arith.constant 1 : i32
      %add3A_59 = arith.addi %add3A_37, %add3A_58 : i32
      %lt3A_60 = arith.constant 125 : i32
      %lt3A_61 = arith.cmpi slt, %add3A_59, %lt3A_60 : i32
      %convert_element_type3A_62 = arith.extui %lt3A_61 : i1 to i32
      %cond3A_63 = arith.constant 0 : i32
      %cond3A_64 = arith.cmpi ne, %convert_element_type3A_62, %cond3A_63 : i32
      scf.if %cond3A_64 {
        %dma_wait3A_79 = arith.constant 0 : i32
        %dma_wait3A_80 = arith.constant 0 : i32
        %dma_wait3A_81 = tpu.memref_slice %arg7[%dma_wait3A_79, %dma_wait3A_80] : memref<2x80xi32, #tpu.memory_space<vmem>> -> memref<1x80xi32, #tpu.memory_space<vmem>>
        %dma_wait3A_82 = tpu.memref_squeeze %dma_wait3A_81 : memref<1x80xi32, #tpu.memory_space<vmem>> -> memref<80xi32, #tpu.memory_space<vmem>>
        %dma_wait3A_83 = arith.constant 0 : i32
        %dma_wait3A_84 = arith.constant 0 : i32
        %dma_wait3A_85 = tpu.memref_slice %arg2[%dma_wait3A_83, %dma_wait3A_84] : memref<10000x128xf32, #tpu.memory_space<hbm>> -> memref<10000x128xf32, #tpu.memory_space<hbm>>
        tpu.wait_indirect_dma semaphore(%arg14 : memref<!tpu.dma_semaphore, #tpu.memory_space<semaphore_mem>>) src(%dma_wait3A_85 : memref<10000x128xf32, #tpu.memory_space<hbm>>) dst(%arg10 : memref<80x128xf32, #tpu.memory_space<vmem>>)
        %run_scoped3A_86 = arith.constant 1 : i32
        "tpu.region"() ({
          %run_scoped3A_87 = tpu.sem_alloc : memref<!tpu.dma_semaphore, #tpu.memory_space<semaphore_mem>>
          %dma_start3A_88 = arith.constant 0 : i32
          %dma_start3A_89 = tpu.memref_slice %arg7[%run_scoped3A_86, %dma_start3A_88] : memref<2x80xi32, #tpu.memory_space<vmem>> -> memref<1x80xi32, #tpu.memory_space<vmem>>
          %dma_start3A_90 = tpu.memref_squeeze %dma_start3A_89 : memref<1x80xi32, #tpu.memory_space<vmem>> -> memref<80xi32, #tpu.memory_space<vmem>>
          %dma_start3A_91 = arith.constant 0 : i32
          %dma_start3A_92 = arith.constant 0 : i32
          %dma_start3A_93 = tpu.memref_slice %arg12[%dma_start3A_91, %dma_start3A_92] : memref<10000x128xf32, #tpu.memory_space<vmem_shared>> -> memref<10000x128xf32, #tpu.memory_space<vmem_shared>>
          tpu.enqueue_indirect_dma source(%arg10 : memref<80x128xf32, #tpu.memory_space<vmem>>) target(%dma_start3A_93 : memref<10000x128xf32, #tpu.memory_space<vmem_shared>>) offsets(%dma_start3A_90 : memref<80xi32, #tpu.memory_space<vmem>>) semaphore(%run_scoped3A_87 : memref<!tpu.dma_semaphore, #tpu.memory_space<semaphore_mem>>) {add = true}
          %dma_wait3A_94 = arith.constant 0 : i32
          %dma_wait3A_95 = tpu.memref_slice %arg7[%run_scoped3A_86, %dma_wait3A_94] : memref<2x80xi32, #tpu.memory_space<vmem>> -> memref<1x80xi32, #tpu.memory_space<vmem>>
          %dma_wait3A_96 = tpu.memref_squeeze %dma_wait3A_95 : memref<1x80xi32, #tpu.memory_space<vmem>> -> memref<80xi32, #tpu.memory_space<vmem>>
          %dma_wait3A_97 = arith.constant 0 : i32
          %dma_wait3A_98 = arith.constant 0 : i32
          %dma_wait3A_99 = tpu.memref_slice %arg12[%dma_wait3A_97, %dma_wait3A_98] : memref<10000x128xf32, #tpu.memory_space<vmem_shared>> -> memref<10000x128xf32, #tpu.memory_space<vmem_shared>>
          tpu.wait_indirect_dma semaphore(%run_scoped3A_87 : memref<!tpu.dma_semaphore, #tpu.memory_space<semaphore_mem>>) src(%arg10 : memref<80x128xf32, #tpu.memory_space<vmem>>) dst(%dma_wait3A_99 : memref<10000x128xf32, #tpu.memory_space<vmem_shared>>)
          tpu.yield
        }) : () -> ()
      } else {
      }
      %add3A_65 = arith.constant 4 : i32
      %add3A_66 = arith.addi %add3A_37, %add3A_65 : i32
      %lt3A_67 = arith.constant 125 : i32
      %lt3A_68 = arith.cmpi slt, %add3A_66, %lt3A_67 : i32
      %convert_element_type3A_69 = arith.extui %lt3A_68 : i1 to i32
      %cond3A_70 = arith.constant 0 : i32
      %cond3A_71 = arith.cmpi ne, %convert_element_type3A_69, %cond3A_70 : i32
      scf.if %cond3A_71 {
        %add3A_79 = arith.constant 4 : i32
        %add3A_80 = arith.addi %add3A_37, %add3A_79 : i32
        "tpu.region"() ({
          %run_scoped3A_88 = tpu.sem_alloc : memref<!tpu.dma_semaphore, #tpu.memory_space<semaphore_mem>>
          %dma_start3A_89 = arith.constant 0 : i32
          %dma_start3A_90 = arith.constant 0 : i32
          %dma_start3A_91 = tpu.memref_slice %arg3[%add3A, %add3A_80, %dma_start3A_89, %dma_start3A_90] : memref<32x125x2x80xi32, #tpu.memory_space<hbm>> -> memref<1x1x2x80xi32, #tpu.memory_space<hbm>>
          %dma_start3A_92 = tpu.memref_squeeze %dma_start3A_91 : memref<1x1x2x80xi32, #tpu.memory_space<hbm>> -> memref<2x80xi32, #tpu.memory_space<hbm>>
          %dma_start3A_93 = arith.constant 0 : i32
          %dma_start3A_94 = arith.constant 0 : i32
          %dma_start3A_95 = tpu.memref_slice %arg3[%add3A, %add3A_80, %dma_start3A_93, %dma_start3A_94] : memref<32x125x2x80xi32, #tpu.memory_space<hbm>> -> memref<1x1x2x80xi32, #tpu.memory_space<hbm>>
          %dma_start3A_96 = tpu.memref_squeeze %dma_start3A_95 : memref<1x1x2x80xi32, #tpu.memory_space<hbm>> -> memref<2x80xi32, #tpu.memory_space<hbm>>
          tpu.enqueue_dma source(%dma_start3A_96 : memref<2x80xi32, #tpu.memory_space<hbm>>) target(%arg7 : memref<2x80xi32, #tpu.memory_space<vmem>>) target_semaphore(%run_scoped3A_88 : memref<!tpu.dma_semaphore, #tpu.memory_space<semaphore_mem>>)
          %dma_wait3A_97 = arith.constant 0 : i32
          %dma_wait3A_98 = arith.constant 0 : i32
          %dma_wait3A_99 = tpu.memref_slice %arg3[%add3A, %add3A_80, %dma_wait3A_97, %dma_wait3A_98] : memref<32x125x2x80xi32, #tpu.memory_space<hbm>> -> memref<1x1x2x80xi32, #tpu.memory_space<hbm>>
          %dma_wait3A_100 = tpu.memref_squeeze %dma_wait3A_99 : memref<1x1x2x80xi32, #tpu.memory_space<hbm>> -> memref<2x80xi32, #tpu.memory_space<hbm>>
          %dma_wait3A_101 = arith.constant 0 : i32
          %dma_wait3A_102 = arith.constant 0 : i32
          %dma_wait3A_103 = tpu.memref_slice %arg3[%add3A, %add3A_80, %dma_wait3A_101, %dma_wait3A_102] : memref<32x125x2x80xi32, #tpu.memory_space<hbm>> -> memref<1x1x2x80xi32, #tpu.memory_space<hbm>>
          %dma_wait3A_104 = tpu.memref_squeeze %dma_wait3A_103 : memref<1x1x2x80xi32, #tpu.memory_space<hbm>> -> memref<2x80xi32, #tpu.memory_space<hbm>>
          tpu.wait_dma2 semaphore(%run_scoped3A_88 : memref<!tpu.dma_semaphore, #tpu.memory_space<semaphore_mem>>) src(%dma_wait3A_104 : memref<2x80xi32, #tpu.memory_space<hbm>>) dst(%arg7 : memref<2x80xi32, #tpu.memory_space<vmem>>)
          tpu.yield
        }) : () -> ()
        %dma_start3A_81 = arith.constant 0 : i32
        %dma_start3A_82 = arith.constant 0 : i32
        %dma_start3A_83 = tpu.memref_slice %arg7[%dma_start3A_81, %dma_start3A_82] : memref<2x80xi32, #tpu.memory_space<vmem>> -> memref<1x80xi32, #tpu.memory_space<vmem>>
        %dma_start3A_84 = tpu.memref_squeeze %dma_start3A_83 : memref<1x80xi32, #tpu.memory_space<vmem>> -> memref<80xi32, #tpu.memory_space<vmem>>
        %dma_start3A_85 = arith.constant 0 : i32
        %dma_start3A_86 = arith.constant 0 : i32
        %dma_start3A_87 = tpu.memref_slice %arg2[%dma_start3A_85, %dma_start3A_86] : memref<10000x128xf32, #tpu.memory_space<hbm>> -> memref<10000x128xf32, #tpu.memory_space<hbm>>
        tpu.enqueue_indirect_dma source(%dma_start3A_87 : memref<10000x128xf32, #tpu.memory_space<hbm>>) target(%arg10 : memref<80x128xf32, #tpu.memory_space<vmem>>) offsets(%dma_start3A_84 : memref<80xi32, #tpu.memory_space<vmem>>) semaphore(%arg14 : memref<!tpu.dma_semaphore, #tpu.memory_space<semaphore_mem>>)
      } else {
      }
      %add3A_72 = arith.constant 2 : i32
      %add3A_73 = arith.addi %add3A_37, %add3A_72 : i32
      %lt3A_74 = arith.constant 125 : i32
      %lt3A_75 = arith.cmpi slt, %add3A_73, %lt3A_74 : i32
      %convert_element_type3A_76 = arith.extui %lt3A_75 : i1 to i32
      %cond3A_77 = arith.constant 0 : i32
      %cond3A_78 = arith.cmpi ne, %convert_element_type3A_76, %cond3A_77 : i32
      scf.if %cond3A_78 {
        %dma_wait3A_79 = arith.constant 0 : i32
        %dma_wait3A_80 = arith.constant 0 : i32
        %dma_wait3A_81 = tpu.memref_slice %arg8[%dma_wait3A_79, %dma_wait3A_80] : memref<2x80xi32, #tpu.memory_space<vmem>> -> memref<1x80xi32, #tpu.memory_space<vmem>>
        %dma_wait3A_82 = tpu.memref_squeeze %dma_wait3A_81 : memref<1x80xi32, #tpu.memory_space<vmem>> -> memref<80xi32, #tpu.memory_space<vmem>>
        %dma_wait3A_83 = arith.constant 0 : i32
        %dma_wait3A_84 = arith.constant 0 : i32
        %dma_wait3A_85 = tpu.memref_slice %arg2[%dma_wait3A_83, %dma_wait3A_84] : memref<10000x128xf32, #tpu.memory_space<hbm>> -> memref<10000x128xf32, #tpu.memory_space<hbm>>
        tpu.wait_indirect_dma semaphore(%arg15 : memref<!tpu.dma_semaphore, #tpu.memory_space<semaphore_mem>>) src(%dma_wait3A_85 : memref<10000x128xf32, #tpu.memory_space<hbm>>) dst(%arg11 : memref<80x128xf32, #tpu.memory_space<vmem>>)
        %run_scoped3A_86 = arith.constant 1 : i32
        "tpu.region"() ({
          %run_scoped3A_87 = tpu.sem_alloc : memref<!tpu.dma_semaphore, #tpu.memory_space<semaphore_mem>>
          %dma_start3A_88 = arith.constant 0 : i32
          %dma_start3A_89 = tpu.memref_slice %arg8[%run_scoped3A_86, %dma_start3A_88] : memref<2x80xi32, #tpu.memory_space<vmem>> -> memref<1x80xi32, #tpu.memory_space<vmem>>
          %dma_start3A_90 = tpu.memref_squeeze %dma_start3A_89 : memref<1x80xi32, #tpu.memory_space<vmem>> -> memref<80xi32, #tpu.memory_space<vmem>>
          %dma_start3A_91 = arith.constant 0 : i32
          %dma_start3A_92 = arith.constant 0 : i32
          %dma_start3A_93 = tpu.memref_slice %arg12[%dma_start3A_91, %dma_start3A_92] : memref<10000x128xf32, #tpu.memory_space<vmem_shared>> -> memref<10000x128xf32, #tpu.memory_space<vmem_shared>>
          tpu.enqueue_indirect_dma source(%arg11 : memref<80x128xf32, #tpu.memory_space<vmem>>) target(%dma_start3A_93 : memref<10000x128xf32, #tpu.memory_space<vmem_shared>>) offsets(%dma_start3A_90 : memref<80xi32, #tpu.memory_space<vmem>>) semaphore(%run_scoped3A_87 : memref<!tpu.dma_semaphore, #tpu.memory_space<semaphore_mem>>) {add = true}
          %dma_wait3A_94 = arith.constant 0 : i32
          %dma_wait3A_95 = tpu.memref_slice %arg8[%run_scoped3A_86, %dma_wait3A_94] : memref<2x80xi32, #tpu.memory_space<vmem>> -> memref<1x80xi32, #tpu.memory_space<vmem>>
          %dma_wait3A_96 = tpu.memref_squeeze %dma_wait3A_95 : memref<1x80xi32, #tpu.memory_space<vmem>> -> memref<80xi32, #tpu.memory_space<vmem>>
          %dma_wait3A_97 = arith.constant 0 : i32
          %dma_wait3A_98 = arith.constant 0 : i32
          %dma_wait3A_99 = tpu.memref_slice %arg12[%dma_wait3A_97, %dma_wait3A_98] : memref<10000x128xf32, #tpu.memory_space<vmem_shared>> -> memref<10000x128xf32, #tpu.memory_space<vmem_shared>>
          tpu.wait_indirect_dma semaphore(%run_scoped3A_87 : memref<!tpu.dma_semaphore, #tpu.memory_space<semaphore_mem>>) src(%arg11 : memref<80x128xf32, #tpu.memory_space<vmem>>) dst(%dma_wait3A_99 : memref<10000x128xf32, #tpu.memory_space<vmem_shared>>)
          tpu.yield
        }) : () -> ()
      } else {
      }
    }
    %scan3A_22 = arith.constant 42 : i32
    %barrier3A_23 = arith.constant 0 : index
    tpu.barrier barrier_id(%barrier3A_23)
    %mul3A_24 = arith.constant 624 : i32
    %mul3A_25 = arith.muli %arg1, %mul3A_24 : i32
    %mul3A_26 = arith.constant 624 : i32
    %mul3A_27 = arith.muli %arg1, %mul3A_26 : i32
    "tpu.region"() ({
      %run_scoped3A_33 = tpu.sem_alloc : memref<!tpu.dma_semaphore, #tpu.memory_space<semaphore_mem>>
      %dma_start3A_34 = arith.constant 0 : i32
      %dma_start3A_35 = tpu.memref_slice %arg5[%arg0, %mul3A_27, %dma_start3A_34] : memref<2x10000x128xf32, #tpu.memory_space<hbm>> -> memref<1x624x128xf32, #tpu.memory_space<hbm>>
      %dma_start3A_36 = tpu.memref_squeeze %dma_start3A_35 : memref<1x624x128xf32, #tpu.memory_space<hbm>> -> memref<624x128xf32, #tpu.memory_space<hbm>>
      %dma_start3A_37 = arith.constant 0 : i32
      %dma_start3A_38 = tpu.memref_slice %arg12[%mul3A_25, %dma_start3A_37] : memref<10000x128xf32, #tpu.memory_space<vmem_shared>> -> memref<624x128xf32, #tpu.memory_space<vmem_shared>>
      tpu.enqueue_dma source(%dma_start3A_38 : memref<624x128xf32, #tpu.memory_space<vmem_shared>>) target(%dma_start3A_36 : memref<624x128xf32, #tpu.memory_space<hbm>>) target_semaphore(%run_scoped3A_33 : memref<!tpu.dma_semaphore, #tpu.memory_space<semaphore_mem>>)
      %dma_wait3A = arith.constant 0 : i32
      %dma_wait3A_39 = tpu.memref_slice %arg5[%arg0, %mul3A_27, %dma_wait3A] : memref<2x10000x128xf32, #tpu.memory_space<hbm>> -> memref<1x624x128xf32, #tpu.memory_space<hbm>>
      %dma_wait3A_40 = tpu.memref_squeeze %dma_wait3A_39 : memref<1x624x128xf32, #tpu.memory_space<hbm>> -> memref<624x128xf32, #tpu.memory_space<hbm>>
      %dma_wait3A_41 = arith.constant 0 : i32
      %dma_wait3A_42 = tpu.memref_slice %arg12[%mul3A_25, %dma_wait3A_41] : memref<10000x128xf32, #tpu.memory_space<vmem_shared>> -> memref<624x128xf32, #tpu.memory_space<vmem_shared>>
      tpu.wait_dma2 semaphore(%run_scoped3A_33 : memref<!tpu.dma_semaphore, #tpu.memory_space<semaphore_mem>>) src(%dma_wait3A_42 : memref<624x128xf32, #tpu.memory_space<vmem_shared>>) dst(%dma_wait3A_40 : memref<624x128xf32, #tpu.memory_space<hbm>>)
      tpu.yield
    }) : () -> ()
    %eq3A_28 = arith.constant 15 : i32
    %eq3A_29 = arith.cmpi eq, %arg1, %eq3A_28 : i32
    %convert_element_type3A_30 = arith.extui %eq3A_29 : i1 to i32
    %cond3A_31 = arith.constant 0 : i32
    %cond3A_32 = arith.cmpi ne, %convert_element_type3A_30, %cond3A_31 : i32
    scf.if %cond3A_32 {
      "tpu.region"() ({
        %run_scoped3A_33 = tpu.sem_alloc : memref<!tpu.dma_semaphore, #tpu.memory_space<semaphore_mem>>
        %dma_start3A_34 = arith.constant 9984 : i32
        %dma_start3A_35 = arith.constant 0 : i32
        %dma_start3A_36 = tpu.memref_slice %arg5[%arg0, %dma_start3A_34, %dma_start3A_35] : memref<2x10000x128xf32, #tpu.memory_space<hbm>> -> memref<1x16x128xf32, #tpu.memory_space<hbm>>
        %dma_start3A_37 = tpu.memref_squeeze %dma_start3A_36 : memref<1x16x128xf32, #tpu.memory_space<hbm>> -> memref<16x128xf32, #tpu.memory_space<hbm>>
        %dma_start3A_38 = arith.constant 9984 : i32
        %dma_start3A_39 = arith.constant 0 : i32
        %dma_start3A_40 = tpu.memref_slice %arg12[%dma_start3A_38, %dma_start3A_39] : memref<10000x128xf32, #tpu.memory_space<vmem_shared>> -> memref<16x128xf32, #tpu.memory_space<vmem_shared>>
        tpu.enqueue_dma source(%dma_start3A_40 : memref<16x128xf32, #tpu.memory_space<vmem_shared>>) target(%dma_start3A_37 : memref<16x128xf32, #tpu.memory_space<hbm>>) target_semaphore(%run_scoped3A_33 : memref<!tpu.dma_semaphore, #tpu.memory_space<semaphore_mem>>)
        %dma_wait3A = arith.constant 9984 : i32
        %dma_wait3A_41 = arith.constant 0 : i32
        %dma_wait3A_42 = tpu.memref_slice %arg5[%arg0, %dma_wait3A, %dma_wait3A_41] : memref<2x10000x128xf32, #tpu.memory_space<hbm>> -> memref<1x16x128xf32, #tpu.memory_space<hbm>>
        %dma_wait3A_43 = tpu.memref_squeeze %dma_wait3A_42 : memref<1x16x128xf32, #tpu.memory_space<hbm>> -> memref<16x128xf32, #tpu.memory_space<hbm>>
        %dma_wait3A_44 = arith.constant 9984 : i32
        %dma_wait3A_45 = arith.constant 0 : i32
        %dma_wait3A_46 = tpu.memref_slice %arg12[%dma_wait3A_44, %dma_wait3A_45] : memref<10000x128xf32, #tpu.memory_space<vmem_shared>> -> memref<16x128xf32, #tpu.memory_space<vmem_shared>>
        tpu.wait_dma2 semaphore(%run_scoped3A_33 : memref<!tpu.dma_semaphore, #tpu.memory_space<semaphore_mem>>) src(%dma_wait3A_46 : memref<16x128xf32, #tpu.memory_space<vmem_shared>>) dst(%dma_wait3A_43 : memref<16x128xf32, #tpu.memory_space<hbm>>)
        tpu.yield
      }) : () -> ()
    } else {
    }
    return
  }
}

#map = affine_map<(d0, d1) -> (0, 0)>
#map1 = affine_map<(d0, d1) -> (0, 0, 0, 0)>
#map2 = affine_map<(d0, d1) -> (0, 0, 0)>
module attributes {stable_mosaic.version = 14 : i64} {
  func.func @agg_kernel(%arg0: i32, %arg1: i32, %arg2: memref<10000x128xf32, #tpu.memory_space<hbm>>, %arg3: memref<32x125x2x80xi32, #tpu.memory_space<hbm>>, %arg4: memref<624x128xf32, #tpu.memory_space<hbm>>, %arg5: memref<2x10000x128xf32, #tpu.memory_space<hbm>>, %arg6: memref<2x80xi32, #tpu.memory_space<vmem>>, %arg7: memref<2x80xi32, #tpu.memory_space<vmem>>, %arg8: memref<2x80xi32, #tpu.memory_space<vmem>>, %arg9: memref<80x128xf32, #tpu.memory_space<vmem>>, %arg10: memref<80x128xf32, #tpu.memory_space<vmem>>, %arg11: memref<80x128xf32, #tpu.memory_space<vmem>>, %arg12: memref<10000x128xf32, #tpu.memory_space<vmem_shared>>, %arg13: memref<!tpu.dma_semaphore, #tpu.memory_space<semaphore_mem>>, %arg14: memref<!tpu.dma_semaphore, #tpu.memory_space<semaphore_mem>>, %arg15: memref<!tpu.dma_semaphore, #tpu.memory_space<semaphore_mem>>) attributes {dimension_semantics = [#tpu.dimension_semantics<core_parallel>, #tpu.dimension_semantics<subcore_parallel>], iteration_bounds = array<i64: 2, 16>, scalar_prefetch = 0 : i64, scratch_operands = 10 : i64, tpu.core_type = #tpu.core_type<sc_vector_subcore>, window_params = [{transform_indices = #map}, {transform_indices = #map1}, {transform_indices = #map}, {transform_indices = #map2}]} {
    %mul3A = arith.constant 16 : i32
    %mul3A_0 = arith.muli %arg0, %mul3A : i32
    %add3A = arith.addi %mul3A_0, %arg1 : i32
    %mul3A_1 = arith.constant 624 : i32
    %mul3A_2 = arith.muli %arg1, %mul3A_1 : i32
    "tpu.region"() ({
      %run_scoped3A_33 = tpu.sem_alloc : memref<!tpu.dma_semaphore, #tpu.memory_space<semaphore_mem>>
      %dma_start3A_34 = arith.constant 0 : i32
      %dma_start3A_35 = tpu.memref_slice %arg12[%mul3A_2, %dma_start3A_34] : memref<10000x128xf32, #tpu.memory_space<vmem_shared>> -> memref<624x128xf32, #tpu.memory_space<vmem_shared>>
      %dma_start3A_36 = arith.constant 0 : i32
      %dma_start3A_37 = arith.constant 0 : i32
      %dma_start3A_38 = tpu.memref_slice %arg4[%dma_start3A_36, %dma_start3A_37] : memref<624x128xf32, #tpu.memory_space<hbm>> -> memref<624x128xf32, #tpu.memory_space<hbm>>
      tpu.enqueue_dma source(%dma_start3A_38 : memref<624x128xf32, #tpu.memory_space<hbm>>) target(%dma_start3A_35 : memref<624x128xf32, #tpu.memory_space<vmem_shared>>) target_semaphore(%run_scoped3A_33 : memref<!tpu.dma_semaphore, #tpu.memory_space<semaphore_mem>>)
      %dma_wait3A = arith.constant 0 : i32
      %dma_wait3A_39 = tpu.memref_slice %arg12[%mul3A_2, %dma_wait3A] : memref<10000x128xf32, #tpu.memory_space<vmem_shared>> -> memref<624x128xf32, #tpu.memory_space<vmem_shared>>
      %dma_wait3A_40 = arith.constant 0 : i32
      %dma_wait3A_41 = arith.constant 0 : i32
      %dma_wait3A_42 = tpu.memref_slice %arg4[%dma_wait3A_40, %dma_wait3A_41] : memref<624x128xf32, #tpu.memory_space<hbm>> -> memref<624x128xf32, #tpu.memory_space<hbm>>
      tpu.wait_dma2 semaphore(%run_scoped3A_33 : memref<!tpu.dma_semaphore, #tpu.memory_space<semaphore_mem>>) src(%dma_wait3A_42 : memref<624x128xf32, #tpu.memory_space<hbm>>) dst(%dma_wait3A_39 : memref<624x128xf32, #tpu.memory_space<vmem_shared>>)
      tpu.yield
    }) : () -> ()
    %eq3A = arith.constant 15 : i32
    %eq3A_3 = arith.cmpi eq, %arg1, %eq3A : i32
    %convert_element_type3A = arith.extui %eq3A_3 : i1 to i32
    %cond3A = arith.constant 0 : i32
    %cond3A_4 = arith.cmpi ne, %convert_element_type3A, %cond3A : i32
    scf.if %cond3A_4 {
      "tpu.region"() ({
        %run_scoped3A_33 = tpu.sem_alloc : memref<!tpu.dma_semaphore, #tpu.memory_space<semaphore_mem>>
        %dma_start3A_34 = arith.constant 9984 : i32
        %dma_start3A_35 = arith.constant 0 : i32
        %dma_start3A_36 = tpu.memref_slice %arg12[%dma_start3A_34, %dma_start3A_35] : memref<10000x128xf32, #tpu.memory_space<vmem_shared>> -> memref<16x128xf32, #tpu.memory_space<vmem_shared>>
        %dma_start3A_37 = arith.constant 0 : i32
        %dma_start3A_38 = arith.constant 0 : i32
        %dma_start3A_39 = tpu.memref_slice %arg4[%dma_start3A_37, %dma_start3A_38] : memref<624x128xf32, #tpu.memory_space<hbm>> -> memref<16x128xf32, #tpu.memory_space<hbm>>
        tpu.enqueue_dma source(%dma_start3A_39 : memref<16x128xf32, #tpu.memory_space<hbm>>) target(%dma_start3A_36 : memref<16x128xf32, #tpu.memory_space<vmem_shared>>) target_semaphore(%run_scoped3A_33 : memref<!tpu.dma_semaphore, #tpu.memory_space<semaphore_mem>>)
        %dma_wait3A = arith.constant 9984 : i32
        %dma_wait3A_40 = arith.constant 0 : i32
        %dma_wait3A_41 = tpu.memref_slice %arg12[%dma_wait3A, %dma_wait3A_40] : memref<10000x128xf32, #tpu.memory_space<vmem_shared>> -> memref<16x128xf32, #tpu.memory_space<vmem_shared>>
        %dma_wait3A_42 = arith.constant 0 : i32
        %dma_wait3A_43 = arith.constant 0 : i32
        %dma_wait3A_44 = tpu.memref_slice %arg4[%dma_wait3A_42, %dma_wait3A_43] : memref<624x128xf32, #tpu.memory_space<hbm>> -> memref<16x128xf32, #tpu.memory_space<hbm>>
        tpu.wait_dma2 semaphore(%run_scoped3A_33 : memref<!tpu.dma_semaphore, #tpu.memory_space<semaphore_mem>>) src(%dma_wait3A_44 : memref<16x128xf32, #tpu.memory_space<hbm>>) dst(%dma_wait3A_41 : memref<16x128xf32, #tpu.memory_space<vmem_shared>>)
        tpu.yield
      }) : () -> ()
    } else {
    }
    %barrier3A = arith.constant 0 : index
    tpu.barrier barrier_id(%barrier3A)
    %run_scoped3A = arith.constant 0 : i32
    "tpu.region"() ({
      %run_scoped3A_33 = tpu.sem_alloc : memref<!tpu.dma_semaphore, #tpu.memory_space<semaphore_mem>>
      %dma_start3A_34 = arith.constant 0 : i32
      %dma_start3A_35 = arith.constant 0 : i32
      %dma_start3A_36 = tpu.memref_slice %arg3[%add3A, %run_scoped3A, %dma_start3A_34, %dma_start3A_35] : memref<32x125x2x80xi32, #tpu.memory_space<hbm>> -> memref<1x1x2x80xi32, #tpu.memory_space<hbm>>
      %dma_start3A_37 = tpu.memref_squeeze %dma_start3A_36 : memref<1x1x2x80xi32, #tpu.memory_space<hbm>> -> memref<2x80xi32, #tpu.memory_space<hbm>>
      %dma_start3A_38 = arith.constant 0 : i32
      %dma_start3A_39 = arith.constant 0 : i32
      %dma_start3A_40 = tpu.memref_slice %arg3[%add3A, %run_scoped3A, %dma_start3A_38, %dma_start3A_39] : memref<32x125x2x80xi32, #tpu.memory_space<hbm>> -> memref<1x1x2x80xi32, #tpu.memory_space<hbm>>
      %dma_start3A_41 = tpu.memref_squeeze %dma_start3A_40 : memref<1x1x2x80xi32, #tpu.memory_space<hbm>> -> memref<2x80xi32, #tpu.memory_space<hbm>>
      tpu.enqueue_dma source(%dma_start3A_41 : memref<2x80xi32, #tpu.memory_space<hbm>>) target(%arg6 : memref<2x80xi32, #tpu.memory_space<vmem>>) target_semaphore(%run_scoped3A_33 : memref<!tpu.dma_semaphore, #tpu.memory_space<semaphore_mem>>)
      %dma_wait3A = arith.constant 0 : i32
      %dma_wait3A_42 = arith.constant 0 : i32
      %dma_wait3A_43 = tpu.memref_slice %arg3[%add3A, %run_scoped3A, %dma_wait3A, %dma_wait3A_42] : memref<32x125x2x80xi32, #tpu.memory_space<hbm>> -> memref<1x1x2x80xi32, #tpu.memory_space<hbm>>
      %dma_wait3A_44 = tpu.memref_squeeze %dma_wait3A_43 : memref<1x1x2x80xi32, #tpu.memory_space<hbm>> -> memref<2x80xi32, #tpu.memory_space<hbm>>
      %dma_wait3A_45 = arith.constant 0 : i32
      %dma_wait3A_46 = arith.constant 0 : i32
      %dma_wait3A_47 = tpu.memref_slice %arg3[%add3A, %run_scoped3A, %dma_wait3A_45, %dma_wait3A_46] : memref<32x125x2x80xi32, #tpu.memory_space<hbm>> -> memref<1x1x2x80xi32, #tpu.memory_space<hbm>>
      %dma_wait3A_48 = tpu.memref_squeeze %dma_wait3A_47 : memref<1x1x2x80xi32, #tpu.memory_space<hbm>> -> memref<2x80xi32, #tpu.memory_space<hbm>>
      tpu.wait_dma2 semaphore(%run_scoped3A_33 : memref<!tpu.dma_semaphore, #tpu.memory_space<semaphore_mem>>) src(%dma_wait3A_48 : memref<2x80xi32, #tpu.memory_space<hbm>>) dst(%arg6 : memref<2x80xi32, #tpu.memory_space<vmem>>)
      tpu.yield
    }) : () -> ()
    %dma_start3A = arith.constant 0 : i32
    %dma_start3A_5 = arith.constant 0 : i32
    %dma_start3A_6 = tpu.memref_slice %arg6[%dma_start3A, %dma_start3A_5] : memref<2x80xi32, #tpu.memory_space<vmem>> -> memref<1x80xi32, #tpu.memory_space<vmem>>
    %dma_start3A_7 = tpu.memref_squeeze %dma_start3A_6 : memref<1x80xi32, #tpu.memory_space<vmem>> -> memref<80xi32, #tpu.memory_space<vmem>>
    %dma_start3A_8 = arith.constant 0 : i32
    %dma_start3A_9 = arith.constant 0 : i32
    %dma_start3A_10 = tpu.memref_slice %arg2[%dma_start3A_8, %dma_start3A_9] : memref<10000x128xf32, #tpu.memory_space<hbm>> -> memref<10000x128xf32, #tpu.memory_space<hbm>>
    tpu.enqueue_indirect_dma source(%dma_start3A_10 : memref<10000x128xf32, #tpu.memory_space<hbm>>) target(%arg9 : memref<80x128xf32, #tpu.memory_space<vmem>>) offsets(%dma_start3A_7 : memref<80xi32, #tpu.memory_space<vmem>>) semaphore(%arg13 : memref<!tpu.dma_semaphore, #tpu.memory_space<semaphore_mem>>)
    %run_scoped3A_11 = arith.constant 1 : i32
    "tpu.region"() ({
      %run_scoped3A_33 = tpu.sem_alloc : memref<!tpu.dma_semaphore, #tpu.memory_space<semaphore_mem>>
      %dma_start3A_34 = arith.constant 0 : i32
      %dma_start3A_35 = arith.constant 0 : i32
      %dma_start3A_36 = tpu.memref_slice %arg3[%add3A, %run_scoped3A_11, %dma_start3A_34, %dma_start3A_35] : memref<32x125x2x80xi32, #tpu.memory_space<hbm>> -> memref<1x1x2x80xi32, #tpu.memory_space<hbm>>
      %dma_start3A_37 = tpu.memref_squeeze %dma_start3A_36 : memref<1x1x2x80xi32, #tpu.memory_space<hbm>> -> memref<2x80xi32, #tpu.memory_space<hbm>>
      %dma_start3A_38 = arith.constant 0 : i32
      %dma_start3A_39 = arith.constant 0 : i32
      %dma_start3A_40 = tpu.memref_slice %arg3[%add3A, %run_scoped3A_11, %dma_start3A_38, %dma_start3A_39] : memref<32x125x2x80xi32, #tpu.memory_space<hbm>> -> memref<1x1x2x80xi32, #tpu.memory_space<hbm>>
      %dma_start3A_41 = tpu.memref_squeeze %dma_start3A_40 : memref<1x1x2x80xi32, #tpu.memory_space<hbm>> -> memref<2x80xi32, #tpu.memory_space<hbm>>
      tpu.enqueue_dma source(%dma_start3A_41 : memref<2x80xi32, #tpu.memory_space<hbm>>) target(%arg7 : memref<2x80xi32, #tpu.memory_space<vmem>>) target_semaphore(%run_scoped3A_33 : memref<!tpu.dma_semaphore, #tpu.memory_space<semaphore_mem>>)
      %dma_wait3A = arith.constant 0 : i32
      %dma_wait3A_42 = arith.constant 0 : i32
      %dma_wait3A_43 = tpu.memref_slice %arg3[%add3A, %run_scoped3A_11, %dma_wait3A, %dma_wait3A_42] : memref<32x125x2x80xi32, #tpu.memory_space<hbm>> -> memref<1x1x2x80xi32, #tpu.memory_space<hbm>>
      %dma_wait3A_44 = tpu.memref_squeeze %dma_wait3A_43 : memref<1x1x2x80xi32, #tpu.memory_space<hbm>> -> memref<2x80xi32, #tpu.memory_space<hbm>>
      %dma_wait3A_45 = arith.constant 0 : i32
      %dma_wait3A_46 = arith.constant 0 : i32
      %dma_wait3A_47 = tpu.memref_slice %arg3[%add3A, %run_scoped3A_11, %dma_wait3A_45, %dma_wait3A_46] : memref<32x125x2x80xi32, #tpu.memory_space<hbm>> -> memref<1x1x2x80xi32, #tpu.memory_space<hbm>>
      %dma_wait3A_48 = tpu.memref_squeeze %dma_wait3A_47 : memref<1x1x2x80xi32, #tpu.memory_space<hbm>> -> memref<2x80xi32, #tpu.memory_space<hbm>>
      tpu.wait_dma2 semaphore(%run_scoped3A_33 : memref<!tpu.dma_semaphore, #tpu.memory_space<semaphore_mem>>) src(%dma_wait3A_48 : memref<2x80xi32, #tpu.memory_space<hbm>>) dst(%arg7 : memref<2x80xi32, #tpu.memory_space<vmem>>)
      tpu.yield
    }) : () -> ()
    %dma_start3A_12 = arith.constant 0 : i32
    %dma_start3A_13 = arith.constant 0 : i32
    %dma_start3A_14 = tpu.memref_slice %arg7[%dma_start3A_12, %dma_start3A_13] : memref<2x80xi32, #tpu.memory_space<vmem>> -> memref<1x80xi32, #tpu.memory_space<vmem>>
    %dma_start3A_15 = tpu.memref_squeeze %dma_start3A_14 : memref<1x80xi32, #tpu.memory_space<vmem>> -> memref<80xi32, #tpu.memory_space<vmem>>
    %dma_start3A_16 = arith.constant 0 : i32
    %dma_start3A_17 = arith.constant 0 : i32
    %dma_start3A_18 = tpu.memref_slice %arg2[%dma_start3A_16, %dma_start3A_17] : memref<10000x128xf32, #tpu.memory_space<hbm>> -> memref<10000x128xf32, #tpu.memory_space<hbm>>
    tpu.enqueue_indirect_dma source(%dma_start3A_18 : memref<10000x128xf32, #tpu.memory_space<hbm>>) target(%arg10 : memref<80x128xf32, #tpu.memory_space<vmem>>) offsets(%dma_start3A_15 : memref<80xi32, #tpu.memory_space<vmem>>) semaphore(%arg14 : memref<!tpu.dma_semaphore, #tpu.memory_space<semaphore_mem>>)
    %scan3A = arith.constant 0 : i32
    %scan3A_19 = arith.constant 42 : i32
    %scan3A_20 = arith.addi %scan3A, %scan3A_19 : i32
    %scan3A_21 = arith.constant 1 : i32
    scf.for %scan3A_33 = %scan3A to %scan3A_20 step %scan3A_21  : i32 {
      %mul3A_34 = arith.constant 3 : i32
      %mul3A_35 = arith.muli %scan3A_33, %mul3A_34 : i32
      %add3A_36 = arith.constant 0 : i32
      %add3A_37 = arith.addi %add3A_36, %mul3A_35 : i32
      %add3A_38 = arith.constant 2 : i32
      %add3A_39 = arith.addi %add3A_37, %add3A_38 : i32
      %lt3A = arith.constant 125 : i32
      %lt3A_40 = arith.cmpi slt, %add3A_39, %lt3A : i32
      %convert_element_type3A_41 = arith.extui %lt3A_40 : i1 to i32
      %cond3A_42 = arith.constant 0 : i32
      %cond3A_43 = arith.cmpi ne, %convert_element_type3A_41, %cond3A_42 : i32
      scf.if %cond3A_43 {
        %add3A_79 = arith.constant 2 : i32
        %add3A_80 = arith.addi %add3A_37, %add3A_79 : i32
        "tpu.region"() ({
          %run_scoped3A_88 = tpu.sem_alloc : memref<!tpu.dma_semaphore, #tpu.memory_space<semaphore_mem>>
          %dma_start3A_89 = arith.constant 0 : i32
          %dma_start3A_90 = arith.constant 0 : i32
          %dma_start3A_91 = tpu.memref_slice %arg3[%add3A, %add3A_80, %dma_start3A_89, %dma_start3A_90] : memref<32x125x2x80xi32, #tpu.memory_space<hbm>> -> memref<1x1x2x80xi32, #tpu.memory_space<hbm>>
          %dma_start3A_92 = tpu.memref_squeeze %dma_start3A_91 : memref<1x1x2x80xi32, #tpu.memory_space<hbm>> -> memref<2x80xi32, #tpu.memory_space<hbm>>
          %dma_start3A_93 = arith.constant 0 : i32
          %dma_start3A_94 = arith.constant 0 : i32
          %dma_start3A_95 = tpu.memref_slice %arg3[%add3A, %add3A_80, %dma_start3A_93, %dma_start3A_94] : memref<32x125x2x80xi32, #tpu.memory_space<hbm>> -> memref<1x1x2x80xi32, #tpu.memory_space<hbm>>
          %dma_start3A_96 = tpu.memref_squeeze %dma_start3A_95 : memref<1x1x2x80xi32, #tpu.memory_space<hbm>> -> memref<2x80xi32, #tpu.memory_space<hbm>>
          tpu.enqueue_dma source(%dma_start3A_96 : memref<2x80xi32, #tpu.memory_space<hbm>>) target(%arg8 : memref<2x80xi32, #tpu.memory_space<vmem>>) target_semaphore(%run_scoped3A_88 : memref<!tpu.dma_semaphore, #tpu.memory_space<semaphore_mem>>)
          %dma_wait3A_97 = arith.constant 0 : i32
          %dma_wait3A_98 = arith.constant 0 : i32
          %dma_wait3A_99 = tpu.memref_slice %arg3[%add3A, %add3A_80, %dma_wait3A_97, %dma_wait3A_98] : memref<32x125x2x80xi32, #tpu.memory_space<hbm>> -> memref<1x1x2x80xi32, #tpu.memory_space<hbm>>
          %dma_wait3A_100 = tpu.memref_squeeze %dma_wait3A_99 : memref<1x1x2x80xi32, #tpu.memory_space<hbm>> -> memref<2x80xi32, #tpu.memory_space<hbm>>
          %dma_wait3A_101 = arith.constant 0 : i32
          %dma_wait3A_102 = arith.constant 0 : i32
          %dma_wait3A_103 = tpu.memref_slice %arg3[%add3A, %add3A_80, %dma_wait3A_101, %dma_wait3A_102] : memref<32x125x2x80xi32, #tpu.memory_space<hbm>> -> memref<1x1x2x80xi32, #tpu.memory_space<hbm>>
          %dma_wait3A_104 = tpu.memref_squeeze %dma_wait3A_103 : memref<1x1x2x80xi32, #tpu.memory_space<hbm>> -> memref<2x80xi32, #tpu.memory_space<hbm>>
          tpu.wait_dma2 semaphore(%run_scoped3A_88 : memref<!tpu.dma_semaphore, #tpu.memory_space<semaphore_mem>>) src(%dma_wait3A_104 : memref<2x80xi32, #tpu.memory_space<hbm>>) dst(%arg8 : memref<2x80xi32, #tpu.memory_space<vmem>>)
          tpu.yield
        }) : () -> ()
        %dma_start3A_81 = arith.constant 0 : i32
        %dma_start3A_82 = arith.constant 0 : i32
        %dma_start3A_83 = tpu.memref_slice %arg8[%dma_start3A_81, %dma_start3A_82] : memref<2x80xi32, #tpu.memory_space<vmem>> -> memref<1x80xi32, #tpu.memory_space<vmem>>
        %dma_start3A_84 = tpu.memref_squeeze %dma_start3A_83 : memref<1x80xi32, #tpu.memory_space<vmem>> -> memref<80xi32, #tpu.memory_space<vmem>>
        %dma_start3A_85 = arith.constant 0 : i32
        %dma_start3A_86 = arith.constant 0 : i32
        %dma_start3A_87 = tpu.memref_slice %arg2[%dma_start3A_85, %dma_start3A_86] : memref<10000x128xf32, #tpu.memory_space<hbm>> -> memref<10000x128xf32, #tpu.memory_space<hbm>>
        tpu.enqueue_indirect_dma source(%dma_start3A_87 : memref<10000x128xf32, #tpu.memory_space<hbm>>) target(%arg11 : memref<80x128xf32, #tpu.memory_space<vmem>>) offsets(%dma_start3A_84 : memref<80xi32, #tpu.memory_space<vmem>>) semaphore(%arg15 : memref<!tpu.dma_semaphore, #tpu.memory_space<semaphore_mem>>)
      } else {
      }
      %dma_wait3A = arith.constant 0 : i32
      %dma_wait3A_44 = arith.constant 0 : i32
      %dma_wait3A_45 = tpu.memref_slice %arg6[%dma_wait3A, %dma_wait3A_44] : memref<2x80xi32, #tpu.memory_space<vmem>> -> memref<1x80xi32, #tpu.memory_space<vmem>>
      %dma_wait3A_46 = tpu.memref_squeeze %dma_wait3A_45 : memref<1x80xi32, #tpu.memory_space<vmem>> -> memref<80xi32, #tpu.memory_space<vmem>>
      %dma_wait3A_47 = arith.constant 0 : i32
      %dma_wait3A_48 = arith.constant 0 : i32
      %dma_wait3A_49 = tpu.memref_slice %arg2[%dma_wait3A_47, %dma_wait3A_48] : memref<10000x128xf32, #tpu.memory_space<hbm>> -> memref<10000x128xf32, #tpu.memory_space<hbm>>
      tpu.wait_indirect_dma semaphore(%arg13 : memref<!tpu.dma_semaphore, #tpu.memory_space<semaphore_mem>>) src(%dma_wait3A_49 : memref<10000x128xf32, #tpu.memory_space<hbm>>) dst(%arg9 : memref<80x128xf32, #tpu.memory_space<vmem>>)
      %run_scoped3A_50 = arith.constant 1 : i32
      "tpu.region"() ({
        %run_scoped3A_79 = tpu.sem_alloc : memref<!tpu.dma_semaphore, #tpu.memory_space<semaphore_mem>>
        %dma_start3A_80 = arith.constant 0 : i32
        %dma_start3A_81 = tpu.memref_slice %arg6[%run_scoped3A_50, %dma_start3A_80] : memref<2x80xi32, #tpu.memory_space<vmem>> -> memref<1x80xi32, #tpu.memory_space<vmem>>
        %dma_start3A_82 = tpu.memref_squeeze %dma_start3A_81 : memref<1x80xi32, #tpu.memory_space<vmem>> -> memref<80xi32, #tpu.memory_space<vmem>>
        %dma_start3A_83 = arith.constant 0 : i32
        %dma_start3A_84 = arith.constant 0 : i32
        %dma_start3A_85 = tpu.memref_slice %arg12[%dma_start3A_83, %dma_start3A_84] : memref<10000x128xf32, #tpu.memory_space<vmem_shared>> -> memref<10000x128xf32, #tpu.memory_space<vmem_shared>>
        tpu.enqueue_indirect_dma source(%arg9 : memref<80x128xf32, #tpu.memory_space<vmem>>) target(%dma_start3A_85 : memref<10000x128xf32, #tpu.memory_space<vmem_shared>>) offsets(%dma_start3A_82 : memref<80xi32, #tpu.memory_space<vmem>>) semaphore(%run_scoped3A_79 : memref<!tpu.dma_semaphore, #tpu.memory_space<semaphore_mem>>) {add = true}
        %dma_wait3A_86 = arith.constant 0 : i32
        %dma_wait3A_87 = tpu.memref_slice %arg6[%run_scoped3A_50, %dma_wait3A_86] : memref<2x80xi32, #tpu.memory_space<vmem>> -> memref<1x80xi32, #tpu.memory_space<vmem>>
        %dma_wait3A_88 = tpu.memref_squeeze %dma_wait3A_87 : memref<1x80xi32, #tpu.memory_space<vmem>> -> memref<80xi32, #tpu.memory_space<vmem>>
        %dma_wait3A_89 = arith.constant 0 : i32
        %dma_wait3A_90 = arith.constant 0 : i32
        %dma_wait3A_91 = tpu.memref_slice %arg12[%dma_wait3A_89, %dma_wait3A_90] : memref<10000x128xf32, #tpu.memory_space<vmem_shared>> -> memref<10000x128xf32, #tpu.memory_space<vmem_shared>>
        tpu.wait_indirect_dma semaphore(%run_scoped3A_79 : memref<!tpu.dma_semaphore, #tpu.memory_space<semaphore_mem>>) src(%arg9 : memref<80x128xf32, #tpu.memory_space<vmem>>) dst(%dma_wait3A_91 : memref<10000x128xf32, #tpu.memory_space<vmem_shared>>)
        tpu.yield
      }) : () -> ()
      %add3A_51 = arith.constant 3 : i32
      %add3A_52 = arith.addi %add3A_37, %add3A_51 : i32
      %lt3A_53 = arith.constant 125 : i32
      %lt3A_54 = arith.cmpi slt, %add3A_52, %lt3A_53 : i32
      %convert_element_type3A_55 = arith.extui %lt3A_54 : i1 to i32
      %cond3A_56 = arith.constant 0 : i32
      %cond3A_57 = arith.cmpi ne, %convert_element_type3A_55, %cond3A_56 : i32
      scf.if %cond3A_57 {
        %add3A_79 = arith.constant 3 : i32
        %add3A_80 = arith.addi %add3A_37, %add3A_79 : i32
        "tpu.region"() ({
          %run_scoped3A_88 = tpu.sem_alloc : memref<!tpu.dma_semaphore, #tpu.memory_space<semaphore_mem>>
          %dma_start3A_89 = arith.constant 0 : i32
          %dma_start3A_90 = arith.constant 0 : i32
          %dma_start3A_91 = tpu.memref_slice %arg3[%add3A, %add3A_80, %dma_start3A_89, %dma_start3A_90] : memref<32x125x2x80xi32, #tpu.memory_space<hbm>> -> memref<1x1x2x80xi32, #tpu.memory_space<hbm>>
          %dma_start3A_92 = tpu.memref_squeeze %dma_start3A_91 : memref<1x1x2x80xi32, #tpu.memory_space<hbm>> -> memref<2x80xi32, #tpu.memory_space<hbm>>
          %dma_start3A_93 = arith.constant 0 : i32
          %dma_start3A_94 = arith.constant 0 : i32
          %dma_start3A_95 = tpu.memref_slice %arg3[%add3A, %add3A_80, %dma_start3A_93, %dma_start3A_94] : memref<32x125x2x80xi32, #tpu.memory_space<hbm>> -> memref<1x1x2x80xi32, #tpu.memory_space<hbm>>
          %dma_start3A_96 = tpu.memref_squeeze %dma_start3A_95 : memref<1x1x2x80xi32, #tpu.memory_space<hbm>> -> memref<2x80xi32, #tpu.memory_space<hbm>>
          tpu.enqueue_dma source(%dma_start3A_96 : memref<2x80xi32, #tpu.memory_space<hbm>>) target(%arg6 : memref<2x80xi32, #tpu.memory_space<vmem>>) target_semaphore(%run_scoped3A_88 : memref<!tpu.dma_semaphore, #tpu.memory_space<semaphore_mem>>)
          %dma_wait3A_97 = arith.constant 0 : i32
          %dma_wait3A_98 = arith.constant 0 : i32
          %dma_wait3A_99 = tpu.memref_slice %arg3[%add3A, %add3A_80, %dma_wait3A_97, %dma_wait3A_98] : memref<32x125x2x80xi32, #tpu.memory_space<hbm>> -> memref<1x1x2x80xi32, #tpu.memory_space<hbm>>
          %dma_wait3A_100 = tpu.memref_squeeze %dma_wait3A_99 : memref<1x1x2x80xi32, #tpu.memory_space<hbm>> -> memref<2x80xi32, #tpu.memory_space<hbm>>
          %dma_wait3A_101 = arith.constant 0 : i32
          %dma_wait3A_102 = arith.constant 0 : i32
          %dma_wait3A_103 = tpu.memref_slice %arg3[%add3A, %add3A_80, %dma_wait3A_101, %dma_wait3A_102] : memref<32x125x2x80xi32, #tpu.memory_space<hbm>> -> memref<1x1x2x80xi32, #tpu.memory_space<hbm>>
          %dma_wait3A_104 = tpu.memref_squeeze %dma_wait3A_103 : memref<1x1x2x80xi32, #tpu.memory_space<hbm>> -> memref<2x80xi32, #tpu.memory_space<hbm>>
          tpu.wait_dma2 semaphore(%run_scoped3A_88 : memref<!tpu.dma_semaphore, #tpu.memory_space<semaphore_mem>>) src(%dma_wait3A_104 : memref<2x80xi32, #tpu.memory_space<hbm>>) dst(%arg6 : memref<2x80xi32, #tpu.memory_space<vmem>>)
          tpu.yield
        }) : () -> ()
        %dma_start3A_81 = arith.constant 0 : i32
        %dma_start3A_82 = arith.constant 0 : i32
        %dma_start3A_83 = tpu.memref_slice %arg6[%dma_start3A_81, %dma_start3A_82] : memref<2x80xi32, #tpu.memory_space<vmem>> -> memref<1x80xi32, #tpu.memory_space<vmem>>
        %dma_start3A_84 = tpu.memref_squeeze %dma_start3A_83 : memref<1x80xi32, #tpu.memory_space<vmem>> -> memref<80xi32, #tpu.memory_space<vmem>>
        %dma_start3A_85 = arith.constant 0 : i32
        %dma_start3A_86 = arith.constant 0 : i32
        %dma_start3A_87 = tpu.memref_slice %arg2[%dma_start3A_85, %dma_start3A_86] : memref<10000x128xf32, #tpu.memory_space<hbm>> -> memref<10000x128xf32, #tpu.memory_space<hbm>>
        tpu.enqueue_indirect_dma source(%dma_start3A_87 : memref<10000x128xf32, #tpu.memory_space<hbm>>) target(%arg9 : memref<80x128xf32, #tpu.memory_space<vmem>>) offsets(%dma_start3A_84 : memref<80xi32, #tpu.memory_space<vmem>>) semaphore(%arg13 : memref<!tpu.dma_semaphore, #tpu.memory_space<semaphore_mem>>)
      } else {
      }
      %add3A_58 = arith.constant 1 : i32
      %add3A_59 = arith.addi %add3A_37, %add3A_58 : i32
      %lt3A_60 = arith.constant 125 : i32
      %lt3A_61 = arith.cmpi slt, %add3A_59, %lt3A_60 : i32
      %convert_element_type3A_62 = arith.extui %lt3A_61 : i1 to i32
      %cond3A_63 = arith.constant 0 : i32
      %cond3A_64 = arith.cmpi ne, %convert_element_type3A_62, %cond3A_63 : i32
      scf.if %cond3A_64 {
        %dma_wait3A_79 = arith.constant 0 : i32
        %dma_wait3A_80 = arith.constant 0 : i32
        %dma_wait3A_81 = tpu.memref_slice %arg7[%dma_wait3A_79, %dma_wait3A_80] : memref<2x80xi32, #tpu.memory_space<vmem>> -> memref<1x80xi32, #tpu.memory_space<vmem>>
        %dma_wait3A_82 = tpu.memref_squeeze %dma_wait3A_81 : memref<1x80xi32, #tpu.memory_space<vmem>> -> memref<80xi32, #tpu.memory_space<vmem>>
        %dma_wait3A_83 = arith.constant 0 : i32
        %dma_wait3A_84 = arith.constant 0 : i32
        %dma_wait3A_85 = tpu.memref_slice %arg2[%dma_wait3A_83, %dma_wait3A_84] : memref<10000x128xf32, #tpu.memory_space<hbm>> -> memref<10000x128xf32, #tpu.memory_space<hbm>>
        tpu.wait_indirect_dma semaphore(%arg14 : memref<!tpu.dma_semaphore, #tpu.memory_space<semaphore_mem>>) src(%dma_wait3A_85 : memref<10000x128xf32, #tpu.memory_space<hbm>>) dst(%arg10 : memref<80x128xf32, #tpu.memory_space<vmem>>)
        %run_scoped3A_86 = arith.constant 1 : i32
        "tpu.region"() ({
          %run_scoped3A_87 = tpu.sem_alloc : memref<!tpu.dma_semaphore, #tpu.memory_space<semaphore_mem>>
          %dma_start3A_88 = arith.constant 0 : i32
          %dma_start3A_89 = tpu.memref_slice %arg7[%run_scoped3A_86, %dma_start3A_88] : memref<2x80xi32, #tpu.memory_space<vmem>> -> memref<1x80xi32, #tpu.memory_space<vmem>>
          %dma_start3A_90 = tpu.memref_squeeze %dma_start3A_89 : memref<1x80xi32, #tpu.memory_space<vmem>> -> memref<80xi32, #tpu.memory_space<vmem>>
          %dma_start3A_91 = arith.constant 0 : i32
          %dma_start3A_92 = arith.constant 0 : i32
          %dma_start3A_93 = tpu.memref_slice %arg12[%dma_start3A_91, %dma_start3A_92] : memref<10000x128xf32, #tpu.memory_space<vmem_shared>> -> memref<10000x128xf32, #tpu.memory_space<vmem_shared>>
          tpu.enqueue_indirect_dma source(%arg10 : memref<80x128xf32, #tpu.memory_space<vmem>>) target(%dma_start3A_93 : memref<10000x128xf32, #tpu.memory_space<vmem_shared>>) offsets(%dma_start3A_90 : memref<80xi32, #tpu.memory_space<vmem>>) semaphore(%run_scoped3A_87 : memref<!tpu.dma_semaphore, #tpu.memory_space<semaphore_mem>>) {add = true}
          %dma_wait3A_94 = arith.constant 0 : i32
          %dma_wait3A_95 = tpu.memref_slice %arg7[%run_scoped3A_86, %dma_wait3A_94] : memref<2x80xi32, #tpu.memory_space<vmem>> -> memref<1x80xi32, #tpu.memory_space<vmem>>
          %dma_wait3A_96 = tpu.memref_squeeze %dma_wait3A_95 : memref<1x80xi32, #tpu.memory_space<vmem>> -> memref<80xi32, #tpu.memory_space<vmem>>
          %dma_wait3A_97 = arith.constant 0 : i32
          %dma_wait3A_98 = arith.constant 0 : i32
          %dma_wait3A_99 = tpu.memref_slice %arg12[%dma_wait3A_97, %dma_wait3A_98] : memref<10000x128xf32, #tpu.memory_space<vmem_shared>> -> memref<10000x128xf32, #tpu.memory_space<vmem_shared>>
          tpu.wait_indirect_dma semaphore(%run_scoped3A_87 : memref<!tpu.dma_semaphore, #tpu.memory_space<semaphore_mem>>) src(%arg10 : memref<80x128xf32, #tpu.memory_space<vmem>>) dst(%dma_wait3A_99 : memref<10000x128xf32, #tpu.memory_space<vmem_shared>>)
          tpu.yield
        }) : () -> ()
      } else {
      }
      %add3A_65 = arith.constant 4 : i32
      %add3A_66 = arith.addi %add3A_37, %add3A_65 : i32
      %lt3A_67 = arith.constant 125 : i32
      %lt3A_68 = arith.cmpi slt, %add3A_66, %lt3A_67 : i32
      %convert_element_type3A_69 = arith.extui %lt3A_68 : i1 to i32
      %cond3A_70 = arith.constant 0 : i32
      %cond3A_71 = arith.cmpi ne, %convert_element_type3A_69, %cond3A_70 : i32
      scf.if %cond3A_71 {
        %add3A_79 = arith.constant 4 : i32
        %add3A_80 = arith.addi %add3A_37, %add3A_79 : i32
        "tpu.region"() ({
          %run_scoped3A_88 = tpu.sem_alloc : memref<!tpu.dma_semaphore, #tpu.memory_space<semaphore_mem>>
          %dma_start3A_89 = arith.constant 0 : i32
          %dma_start3A_90 = arith.constant 0 : i32
          %dma_start3A_91 = tpu.memref_slice %arg3[%add3A, %add3A_80, %dma_start3A_89, %dma_start3A_90] : memref<32x125x2x80xi32, #tpu.memory_space<hbm>> -> memref<1x1x2x80xi32, #tpu.memory_space<hbm>>
          %dma_start3A_92 = tpu.memref_squeeze %dma_start3A_91 : memref<1x1x2x80xi32, #tpu.memory_space<hbm>> -> memref<2x80xi32, #tpu.memory_space<hbm>>
          %dma_start3A_93 = arith.constant 0 : i32
          %dma_start3A_94 = arith.constant 0 : i32
          %dma_start3A_95 = tpu.memref_slice %arg3[%add3A, %add3A_80, %dma_start3A_93, %dma_start3A_94] : memref<32x125x2x80xi32, #tpu.memory_space<hbm>> -> memref<1x1x2x80xi32, #tpu.memory_space<hbm>>
          %dma_start3A_96 = tpu.memref_squeeze %dma_start3A_95 : memref<1x1x2x80xi32, #tpu.memory_space<hbm>> -> memref<2x80xi32, #tpu.memory_space<hbm>>
          tpu.enqueue_dma source(%dma_start3A_96 : memref<2x80xi32, #tpu.memory_space<hbm>>) target(%arg7 : memref<2x80xi32, #tpu.memory_space<vmem>>) target_semaphore(%run_scoped3A_88 : memref<!tpu.dma_semaphore, #tpu.memory_space<semaphore_mem>>)
          %dma_wait3A_97 = arith.constant 0 : i32
          %dma_wait3A_98 = arith.constant 0 : i32
          %dma_wait3A_99 = tpu.memref_slice %arg3[%add3A, %add3A_80, %dma_wait3A_97, %dma_wait3A_98] : memref<32x125x2x80xi32, #tpu.memory_space<hbm>> -> memref<1x1x2x80xi32, #tpu.memory_space<hbm>>
          %dma_wait3A_100 = tpu.memref_squeeze %dma_wait3A_99 : memref<1x1x2x80xi32, #tpu.memory_space<hbm>> -> memref<2x80xi32, #tpu.memory_space<hbm>>
          %dma_wait3A_101 = arith.constant 0 : i32
          %dma_wait3A_102 = arith.constant 0 : i32
          %dma_wait3A_103 = tpu.memref_slice %arg3[%add3A, %add3A_80, %dma_wait3A_101, %dma_wait3A_102] : memref<32x125x2x80xi32, #tpu.memory_space<hbm>> -> memref<1x1x2x80xi32, #tpu.memory_space<hbm>>
          %dma_wait3A_104 = tpu.memref_squeeze %dma_wait3A_103 : memref<1x1x2x80xi32, #tpu.memory_space<hbm>> -> memref<2x80xi32, #tpu.memory_space<hbm>>
          tpu.wait_dma2 semaphore(%run_scoped3A_88 : memref<!tpu.dma_semaphore, #tpu.memory_space<semaphore_mem>>) src(%dma_wait3A_104 : memref<2x80xi32, #tpu.memory_space<hbm>>) dst(%arg7 : memref<2x80xi32, #tpu.memory_space<vmem>>)
          tpu.yield
        }) : () -> ()
        %dma_start3A_81 = arith.constant 0 : i32
        %dma_start3A_82 = arith.constant 0 : i32
        %dma_start3A_83 = tpu.memref_slice %arg7[%dma_start3A_81, %dma_start3A_82] : memref<2x80xi32, #tpu.memory_space<vmem>> -> memref<1x80xi32, #tpu.memory_space<vmem>>
        %dma_start3A_84 = tpu.memref_squeeze %dma_start3A_83 : memref<1x80xi32, #tpu.memory_space<vmem>> -> memref<80xi32, #tpu.memory_space<vmem>>
        %dma_start3A_85 = arith.constant 0 : i32
        %dma_start3A_86 = arith.constant 0 : i32
        %dma_start3A_87 = tpu.memref_slice %arg2[%dma_start3A_85, %dma_start3A_86] : memref<10000x128xf32, #tpu.memory_space<hbm>> -> memref<10000x128xf32, #tpu.memory_space<hbm>>
        tpu.enqueue_indirect_dma source(%dma_start3A_87 : memref<10000x128xf32, #tpu.memory_space<hbm>>) target(%arg10 : memref<80x128xf32, #tpu.memory_space<vmem>>) offsets(%dma_start3A_84 : memref<80xi32, #tpu.memory_space<vmem>>) semaphore(%arg14 : memref<!tpu.dma_semaphore, #tpu.memory_space<semaphore_mem>>)
      } else {
      }
      %add3A_72 = arith.constant 2 : i32
      %add3A_73 = arith.addi %add3A_37, %add3A_72 : i32
      %lt3A_74 = arith.constant 125 : i32
      %lt3A_75 = arith.cmpi slt, %add3A_73, %lt3A_74 : i32
      %convert_element_type3A_76 = arith.extui %lt3A_75 : i1 to i32
      %cond3A_77 = arith.constant 0 : i32
      %cond3A_78 = arith.cmpi ne, %convert_element_type3A_76, %cond3A_77 : i32
      scf.if %cond3A_78 {
        %dma_wait3A_79 = arith.constant 0 : i32
        %dma_wait3A_80 = arith.constant 0 : i32
        %dma_wait3A_81 = tpu.memref_slice %arg8[%dma_wait3A_79, %dma_wait3A_80] : memref<2x80xi32, #tpu.memory_space<vmem>> -> memref<1x80xi32, #tpu.memory_space<vmem>>
        %dma_wait3A_82 = tpu.memref_squeeze %dma_wait3A_81 : memref<1x80xi32, #tpu.memory_space<vmem>> -> memref<80xi32, #tpu.memory_space<vmem>>
        %dma_wait3A_83 = arith.constant 0 : i32
        %dma_wait3A_84 = arith.constant 0 : i32
        %dma_wait3A_85 = tpu.memref_slice %arg2[%dma_wait3A_83, %dma_wait3A_84] : memref<10000x128xf32, #tpu.memory_space<hbm>> -> memref<10000x128xf32, #tpu.memory_space<hbm>>
        tpu.wait_indirect_dma semaphore(%arg15 : memref<!tpu.dma_semaphore, #tpu.memory_space<semaphore_mem>>) src(%dma_wait3A_85 : memref<10000x128xf32, #tpu.memory_space<hbm>>) dst(%arg11 : memref<80x128xf32, #tpu.memory_space<vmem>>)
        %run_scoped3A_86 = arith.constant 1 : i32
        "tpu.region"() ({
          %run_scoped3A_87 = tpu.sem_alloc : memref<!tpu.dma_semaphore, #tpu.memory_space<semaphore_mem>>
          %dma_start3A_88 = arith.constant 0 : i32
          %dma_start3A_89 = tpu.memref_slice %arg8[%run_scoped3A_86, %dma_start3A_88] : memref<2x80xi32, #tpu.memory_space<vmem>> -> memref<1x80xi32, #tpu.memory_space<vmem>>
          %dma_start3A_90 = tpu.memref_squeeze %dma_start3A_89 : memref<1x80xi32, #tpu.memory_space<vmem>> -> memref<80xi32, #tpu.memory_space<vmem>>
          %dma_start3A_91 = arith.constant 0 : i32
          %dma_start3A_92 = arith.constant 0 : i32
          %dma_start3A_93 = tpu.memref_slice %arg12[%dma_start3A_91, %dma_start3A_92] : memref<10000x128xf32, #tpu.memory_space<vmem_shared>> -> memref<10000x128xf32, #tpu.memory_space<vmem_shared>>
          tpu.enqueue_indirect_dma source(%arg11 : memref<80x128xf32, #tpu.memory_space<vmem>>) target(%dma_start3A_93 : memref<10000x128xf32, #tpu.memory_space<vmem_shared>>) offsets(%dma_start3A_90 : memref<80xi32, #tpu.memory_space<vmem>>) semaphore(%run_scoped3A_87 : memref<!tpu.dma_semaphore, #tpu.memory_space<semaphore_mem>>) {add = true}
          %dma_wait3A_94 = arith.constant 0 : i32
          %dma_wait3A_95 = tpu.memref_slice %arg8[%run_scoped3A_86, %dma_wait3A_94] : memref<2x80xi32, #tpu.memory_space<vmem>> -> memref<1x80xi32, #tpu.memory_space<vmem>>
          %dma_wait3A_96 = tpu.memref_squeeze %dma_wait3A_95 : memref<1x80xi32, #tpu.memory_space<vmem>> -> memref<80xi32, #tpu.memory_space<vmem>>
          %dma_wait3A_97 = arith.constant 0 : i32
          %dma_wait3A_98 = arith.constant 0 : i32
          %dma_wait3A_99 = tpu.memref_slice %arg12[%dma_wait3A_97, %dma_wait3A_98] : memref<10000x128xf32, #tpu.memory_space<vmem_shared>> -> memref<10000x128xf32, #tpu.memory_space<vmem_shared>>
          tpu.wait_indirect_dma semaphore(%run_scoped3A_87 : memref<!tpu.dma_semaphore, #tpu.memory_space<semaphore_mem>>) src(%arg11 : memref<80x128xf32, #tpu.memory_space<vmem>>) dst(%dma_wait3A_99 : memref<10000x128xf32, #tpu.memory_space<vmem_shared>>)
          tpu.yield
        }) : () -> ()
      } else {
      }
    }
    %scan3A_22 = arith.constant 42 : i32
    %barrier3A_23 = arith.constant 0 : index
    tpu.barrier barrier_id(%barrier3A_23)
    %mul3A_24 = arith.constant 624 : i32
    %mul3A_25 = arith.muli %arg1, %mul3A_24 : i32
    %mul3A_26 = arith.constant 624 : i32
    %mul3A_27 = arith.muli %arg1, %mul3A_26 : i32
    "tpu.region"() ({
      %run_scoped3A_33 = tpu.sem_alloc : memref<!tpu.dma_semaphore, #tpu.memory_space<semaphore_mem>>
      %dma_start3A_34 = arith.constant 0 : i32
      %dma_start3A_35 = tpu.memref_slice %arg5[%arg0, %mul3A_27, %dma_start3A_34] : memref<2x10000x128xf32, #tpu.memory_space<hbm>> -> memref<1x624x128xf32, #tpu.memory_space<hbm>>
      %dma_start3A_36 = tpu.memref_squeeze %dma_start3A_35 : memref<1x624x128xf32, #tpu.memory_space<hbm>> -> memref<624x128xf32, #tpu.memory_space<hbm>>
      %dma_start3A_37 = arith.constant 0 : i32
      %dma_start3A_38 = tpu.memref_slice %arg12[%mul3A_25, %dma_start3A_37] : memref<10000x128xf32, #tpu.memory_space<vmem_shared>> -> memref<624x128xf32, #tpu.memory_space<vmem_shared>>
      tpu.enqueue_dma source(%dma_start3A_38 : memref<624x128xf32, #tpu.memory_space<vmem_shared>>) target(%dma_start3A_36 : memref<624x128xf32, #tpu.memory_space<hbm>>) target_semaphore(%run_scoped3A_33 : memref<!tpu.dma_semaphore, #tpu.memory_space<semaphore_mem>>)
      %dma_wait3A = arith.constant 0 : i32
      %dma_wait3A_39 = tpu.memref_slice %arg5[%arg0, %mul3A_27, %dma_wait3A] : memref<2x10000x128xf32, #tpu.memory_space<hbm>> -> memref<1x624x128xf32, #tpu.memory_space<hbm>>
      %dma_wait3A_40 = tpu.memref_squeeze %dma_wait3A_39 : memref<1x624x128xf32, #tpu.memory_space<hbm>> -> memref<624x128xf32, #tpu.memory_space<hbm>>
      %dma_wait3A_41 = arith.constant 0 : i32
      %dma_wait3A_42 = tpu.memref_slice %arg12[%mul3A_25, %dma_wait3A_41] : memref<10000x128xf32, #tpu.memory_space<vmem_shared>> -> memref<624x128xf32, #tpu.memory_space<vmem_shared>>
      tpu.wait_dma2 semaphore(%run_scoped3A_33 : memref<!tpu.dma_semaphore, #tpu.memory_space<semaphore_mem>>) src(%dma_wait3A_42 : memref<624x128xf32, #tpu.memory_space<vmem_shared>>) dst(%dma_wait3A_40 : memref<624x128xf32, #tpu.memory_space<hbm>>)
      tpu.yield
    }) : () -> ()
    %eq3A_28 = arith.constant 15 : i32
    %eq3A_29 = arith.cmpi eq, %arg1, %eq3A_28 : i32
    %convert_element_type3A_30 = arith.extui %eq3A_29 : i1 to i32
    %cond3A_31 = arith.constant 0 : i32
    %cond3A_32 = arith.cmpi ne, %convert_element_type3A_30, %cond3A_31 : i32
    scf.if %cond3A_32 {
      "tpu.region"() ({
        %run_scoped3A_33 = tpu.sem_alloc : memref<!tpu.dma_semaphore, #tpu.memory_space<semaphore_mem>>
        %dma_start3A_34 = arith.constant 9984 : i32
        %dma_start3A_35 = arith.constant 0 : i32
        %dma_start3A_36 = tpu.memref_slice %arg5[%arg0, %dma_start3A_34, %dma_start3A_35] : memref<2x10000x128xf32, #tpu.memory_space<hbm>> -> memref<1x16x128xf32, #tpu.memory_space<hbm>>
        %dma_start3A_37 = tpu.memref_squeeze %dma_start3A_36 : memref<1x16x128xf32, #tpu.memory_space<hbm>> -> memref<16x128xf32, #tpu.memory_space<hbm>>
        %dma_start3A_38 = arith.constant 9984 : i32
        %dma_start3A_39 = arith.constant 0 : i32
        %dma_start3A_40 = tpu.memref_slice %arg12[%dma_start3A_38, %dma_start3A_39] : memref<10000x128xf32, #tpu.memory_space<vmem_shared>> -> memref<16x128xf32, #tpu.memory_space<vmem_shared>>
        tpu.enqueue_dma source(%dma_start3A_40 : memref<16x128xf32, #tpu.memory_space<vmem_shared>>) target(%dma_start3A_37 : memref<16x128xf32, #tpu.memory_space<hbm>>) target_semaphore(%run_scoped3A_33 : memref<!tpu.dma_semaphore, #tpu.memory_space<semaphore_mem>>)
        %dma_wait3A = arith.constant 9984 : i32
        %dma_wait3A_41 = arith.constant 0 : i32
        %dma_wait3A_42 = tpu.memref_slice %arg5[%arg0, %dma_wait3A, %dma_wait3A_41] : memref<2x10000x128xf32, #tpu.memory_space<hbm>> -> memref<1x16x128xf32, #tpu.memory_space<hbm>>
        %dma_wait3A_43 = tpu.memref_squeeze %dma_wait3A_42 : memref<1x16x128xf32, #tpu.memory_space<hbm>> -> memref<16x128xf32, #tpu.memory_space<hbm>>
        %dma_wait3A_44 = arith.constant 9984 : i32
        %dma_wait3A_45 = arith.constant 0 : i32
        %dma_wait3A_46 = tpu.memref_slice %arg12[%dma_wait3A_44, %dma_wait3A_45] : memref<10000x128xf32, #tpu.memory_space<vmem_shared>> -> memref<16x128xf32, #tpu.memory_space<vmem_shared>>
        tpu.wait_dma2 semaphore(%run_scoped3A_33 : memref<!tpu.dma_semaphore, #tpu.memory_space<semaphore_mem>>) src(%dma_wait3A_46 : memref<16x128xf32, #tpu.memory_space<vmem_shared>>) dst(%dma_wait3A_43 : memref<16x128xf32, #tpu.memory_space<hbm>>)
        tpu.yield
      }) : () -> ()
    } else {
    }
    return
  }
}

#map = affine_map<(d0, d1) -> (0, 0)>
#map1 = affine_map<(d0, d1) -> (0, 0, 0, 0)>
#map2 = affine_map<(d0, d1) -> (0, 0, 0)>
module attributes {stable_mosaic.version = 14 : i64} {
  func.func @agg_kernel(%arg0: i32, %arg1: i32, %arg2: memref<10000x128xf32, #tpu.memory_space<hbm>>, %arg3: memref<32x125x2x80xi32, #tpu.memory_space<hbm>>, %arg4: memref<624x128xf32, #tpu.memory_space<hbm>>, %arg5: memref<2x10000x128xf32, #tpu.memory_space<hbm>>, %arg6: memref<2x80xi32, #tpu.memory_space<vmem>>, %arg7: memref<2x80xi32, #tpu.memory_space<vmem>>, %arg8: memref<2x80xi32, #tpu.memory_space<vmem>>, %arg9: memref<80x128xf32, #tpu.memory_space<vmem>>, %arg10: memref<80x128xf32, #tpu.memory_space<vmem>>, %arg11: memref<80x128xf32, #tpu.memory_space<vmem>>, %arg12: memref<10000x128xf32, #tpu.memory_space<vmem_shared>>, %arg13: memref<!tpu.dma_semaphore, #tpu.memory_space<semaphore_mem>>, %arg14: memref<!tpu.dma_semaphore, #tpu.memory_space<semaphore_mem>>, %arg15: memref<!tpu.dma_semaphore, #tpu.memory_space<semaphore_mem>>) attributes {dimension_semantics = [#tpu.dimension_semantics<core_parallel>, #tpu.dimension_semantics<subcore_parallel>], iteration_bounds = array<i64: 2, 16>, scalar_prefetch = 0 : i64, scratch_operands = 10 : i64, tpu.core_type = #tpu.core_type<sc_vector_subcore>, window_params = [{transform_indices = #map}, {transform_indices = #map1}, {transform_indices = #map}, {transform_indices = #map2}]} {
    %mul3A = arith.constant 16 : i32
    %mul3A_0 = arith.muli %arg0, %mul3A : i32
    %add3A = arith.addi %mul3A_0, %arg1 : i32
    %mul3A_1 = arith.constant 624 : i32
    %mul3A_2 = arith.muli %arg1, %mul3A_1 : i32
    "tpu.region"() ({
      %run_scoped3A_33 = tpu.sem_alloc : memref<!tpu.dma_semaphore, #tpu.memory_space<semaphore_mem>>
      %dma_start3A_34 = arith.constant 0 : i32
      %dma_start3A_35 = tpu.memref_slice %arg12[%mul3A_2, %dma_start3A_34] : memref<10000x128xf32, #tpu.memory_space<vmem_shared>> -> memref<624x128xf32, #tpu.memory_space<vmem_shared>>
      %dma_start3A_36 = arith.constant 0 : i32
      %dma_start3A_37 = arith.constant 0 : i32
      %dma_start3A_38 = tpu.memref_slice %arg4[%dma_start3A_36, %dma_start3A_37] : memref<624x128xf32, #tpu.memory_space<hbm>> -> memref<624x128xf32, #tpu.memory_space<hbm>>
      tpu.enqueue_dma source(%dma_start3A_38 : memref<624x128xf32, #tpu.memory_space<hbm>>) target(%dma_start3A_35 : memref<624x128xf32, #tpu.memory_space<vmem_shared>>) target_semaphore(%run_scoped3A_33 : memref<!tpu.dma_semaphore, #tpu.memory_space<semaphore_mem>>)
      %dma_wait3A = arith.constant 0 : i32
      %dma_wait3A_39 = tpu.memref_slice %arg12[%mul3A_2, %dma_wait3A] : memref<10000x128xf32, #tpu.memory_space<vmem_shared>> -> memref<624x128xf32, #tpu.memory_space<vmem_shared>>
      %dma_wait3A_40 = arith.constant 0 : i32
      %dma_wait3A_41 = arith.constant 0 : i32
      %dma_wait3A_42 = tpu.memref_slice %arg4[%dma_wait3A_40, %dma_wait3A_41] : memref<624x128xf32, #tpu.memory_space<hbm>> -> memref<624x128xf32, #tpu.memory_space<hbm>>
      tpu.wait_dma2 semaphore(%run_scoped3A_33 : memref<!tpu.dma_semaphore, #tpu.memory_space<semaphore_mem>>) src(%dma_wait3A_42 : memref<624x128xf32, #tpu.memory_space<hbm>>) dst(%dma_wait3A_39 : memref<624x128xf32, #tpu.memory_space<vmem_shared>>)
      tpu.yield
    }) : () -> ()
    %eq3A = arith.constant 15 : i32
    %eq3A_3 = arith.cmpi eq, %arg1, %eq3A : i32
    %convert_element_type3A = arith.extui %eq3A_3 : i1 to i32
    %cond3A = arith.constant 0 : i32
    %cond3A_4 = arith.cmpi ne, %convert_element_type3A, %cond3A : i32
    scf.if %cond3A_4 {
      "tpu.region"() ({
        %run_scoped3A_33 = tpu.sem_alloc : memref<!tpu.dma_semaphore, #tpu.memory_space<semaphore_mem>>
        %dma_start3A_34 = arith.constant 9984 : i32
        %dma_start3A_35 = arith.constant 0 : i32
        %dma_start3A_36 = tpu.memref_slice %arg12[%dma_start3A_34, %dma_start3A_35] : memref<10000x128xf32, #tpu.memory_space<vmem_shared>> -> memref<16x128xf32, #tpu.memory_space<vmem_shared>>
        %dma_start3A_37 = arith.constant 0 : i32
        %dma_start3A_38 = arith.constant 0 : i32
        %dma_start3A_39 = tpu.memref_slice %arg4[%dma_start3A_37, %dma_start3A_38] : memref<624x128xf32, #tpu.memory_space<hbm>> -> memref<16x128xf32, #tpu.memory_space<hbm>>
        tpu.enqueue_dma source(%dma_start3A_39 : memref<16x128xf32, #tpu.memory_space<hbm>>) target(%dma_start3A_36 : memref<16x128xf32, #tpu.memory_space<vmem_shared>>) target_semaphore(%run_scoped3A_33 : memref<!tpu.dma_semaphore, #tpu.memory_space<semaphore_mem>>)
        %dma_wait3A = arith.constant 9984 : i32
        %dma_wait3A_40 = arith.constant 0 : i32
        %dma_wait3A_41 = tpu.memref_slice %arg12[%dma_wait3A, %dma_wait3A_40] : memref<10000x128xf32, #tpu.memory_space<vmem_shared>> -> memref<16x128xf32, #tpu.memory_space<vmem_shared>>
        %dma_wait3A_42 = arith.constant 0 : i32
        %dma_wait3A_43 = arith.constant 0 : i32
        %dma_wait3A_44 = tpu.memref_slice %arg4[%dma_wait3A_42, %dma_wait3A_43] : memref<624x128xf32, #tpu.memory_space<hbm>> -> memref<16x128xf32, #tpu.memory_space<hbm>>
        tpu.wait_dma2 semaphore(%run_scoped3A_33 : memref<!tpu.dma_semaphore, #tpu.memory_space<semaphore_mem>>) src(%dma_wait3A_44 : memref<16x128xf32, #tpu.memory_space<hbm>>) dst(%dma_wait3A_41 : memref<16x128xf32, #tpu.memory_space<vmem_shared>>)
        tpu.yield
      }) : () -> ()
    } else {
    }
    %barrier3A = arith.constant 0 : index
    tpu.barrier barrier_id(%barrier3A)
    %run_scoped3A = arith.constant 0 : i32
    "tpu.region"() ({
      %run_scoped3A_33 = tpu.sem_alloc : memref<!tpu.dma_semaphore, #tpu.memory_space<semaphore_mem>>
      %dma_start3A_34 = arith.constant 0 : i32
      %dma_start3A_35 = arith.constant 0 : i32
      %dma_start3A_36 = tpu.memref_slice %arg3[%add3A, %run_scoped3A, %dma_start3A_34, %dma_start3A_35] : memref<32x125x2x80xi32, #tpu.memory_space<hbm>> -> memref<1x1x2x80xi32, #tpu.memory_space<hbm>>
      %dma_start3A_37 = tpu.memref_squeeze %dma_start3A_36 : memref<1x1x2x80xi32, #tpu.memory_space<hbm>> -> memref<2x80xi32, #tpu.memory_space<hbm>>
      %dma_start3A_38 = arith.constant 0 : i32
      %dma_start3A_39 = arith.constant 0 : i32
      %dma_start3A_40 = tpu.memref_slice %arg3[%add3A, %run_scoped3A, %dma_start3A_38, %dma_start3A_39] : memref<32x125x2x80xi32, #tpu.memory_space<hbm>> -> memref<1x1x2x80xi32, #tpu.memory_space<hbm>>
      %dma_start3A_41 = tpu.memref_squeeze %dma_start3A_40 : memref<1x1x2x80xi32, #tpu.memory_space<hbm>> -> memref<2x80xi32, #tpu.memory_space<hbm>>
      tpu.enqueue_dma source(%dma_start3A_41 : memref<2x80xi32, #tpu.memory_space<hbm>>) target(%arg6 : memref<2x80xi32, #tpu.memory_space<vmem>>) target_semaphore(%run_scoped3A_33 : memref<!tpu.dma_semaphore, #tpu.memory_space<semaphore_mem>>)
      %dma_wait3A = arith.constant 0 : i32
      %dma_wait3A_42 = arith.constant 0 : i32
      %dma_wait3A_43 = tpu.memref_slice %arg3[%add3A, %run_scoped3A, %dma_wait3A, %dma_wait3A_42] : memref<32x125x2x80xi32, #tpu.memory_space<hbm>> -> memref<1x1x2x80xi32, #tpu.memory_space<hbm>>
      %dma_wait3A_44 = tpu.memref_squeeze %dma_wait3A_43 : memref<1x1x2x80xi32, #tpu.memory_space<hbm>> -> memref<2x80xi32, #tpu.memory_space<hbm>>
      %dma_wait3A_45 = arith.constant 0 : i32
      %dma_wait3A_46 = arith.constant 0 : i32
      %dma_wait3A_47 = tpu.memref_slice %arg3[%add3A, %run_scoped3A, %dma_wait3A_45, %dma_wait3A_46] : memref<32x125x2x80xi32, #tpu.memory_space<hbm>> -> memref<1x1x2x80xi32, #tpu.memory_space<hbm>>
      %dma_wait3A_48 = tpu.memref_squeeze %dma_wait3A_47 : memref<1x1x2x80xi32, #tpu.memory_space<hbm>> -> memref<2x80xi32, #tpu.memory_space<hbm>>
      tpu.wait_dma2 semaphore(%run_scoped3A_33 : memref<!tpu.dma_semaphore, #tpu.memory_space<semaphore_mem>>) src(%dma_wait3A_48 : memref<2x80xi32, #tpu.memory_space<hbm>>) dst(%arg6 : memref<2x80xi32, #tpu.memory_space<vmem>>)
      tpu.yield
    }) : () -> ()
    %dma_start3A = arith.constant 0 : i32
    %dma_start3A_5 = arith.constant 0 : i32
    %dma_start3A_6 = tpu.memref_slice %arg6[%dma_start3A, %dma_start3A_5] : memref<2x80xi32, #tpu.memory_space<vmem>> -> memref<1x80xi32, #tpu.memory_space<vmem>>
    %dma_start3A_7 = tpu.memref_squeeze %dma_start3A_6 : memref<1x80xi32, #tpu.memory_space<vmem>> -> memref<80xi32, #tpu.memory_space<vmem>>
    %dma_start3A_8 = arith.constant 0 : i32
    %dma_start3A_9 = arith.constant 0 : i32
    %dma_start3A_10 = tpu.memref_slice %arg2[%dma_start3A_8, %dma_start3A_9] : memref<10000x128xf32, #tpu.memory_space<hbm>> -> memref<10000x128xf32, #tpu.memory_space<hbm>>
    tpu.enqueue_indirect_dma source(%dma_start3A_10 : memref<10000x128xf32, #tpu.memory_space<hbm>>) target(%arg9 : memref<80x128xf32, #tpu.memory_space<vmem>>) offsets(%dma_start3A_7 : memref<80xi32, #tpu.memory_space<vmem>>) semaphore(%arg13 : memref<!tpu.dma_semaphore, #tpu.memory_space<semaphore_mem>>)
    %run_scoped3A_11 = arith.constant 1 : i32
    "tpu.region"() ({
      %run_scoped3A_33 = tpu.sem_alloc : memref<!tpu.dma_semaphore, #tpu.memory_space<semaphore_mem>>
      %dma_start3A_34 = arith.constant 0 : i32
      %dma_start3A_35 = arith.constant 0 : i32
      %dma_start3A_36 = tpu.memref_slice %arg3[%add3A, %run_scoped3A_11, %dma_start3A_34, %dma_start3A_35] : memref<32x125x2x80xi32, #tpu.memory_space<hbm>> -> memref<1x1x2x80xi32, #tpu.memory_space<hbm>>
      %dma_start3A_37 = tpu.memref_squeeze %dma_start3A_36 : memref<1x1x2x80xi32, #tpu.memory_space<hbm>> -> memref<2x80xi32, #tpu.memory_space<hbm>>
      %dma_start3A_38 = arith.constant 0 : i32
      %dma_start3A_39 = arith.constant 0 : i32
      %dma_start3A_40 = tpu.memref_slice %arg3[%add3A, %run_scoped3A_11, %dma_start3A_38, %dma_start3A_39] : memref<32x125x2x80xi32, #tpu.memory_space<hbm>> -> memref<1x1x2x80xi32, #tpu.memory_space<hbm>>
      %dma_start3A_41 = tpu.memref_squeeze %dma_start3A_40 : memref<1x1x2x80xi32, #tpu.memory_space<hbm>> -> memref<2x80xi32, #tpu.memory_space<hbm>>
      tpu.enqueue_dma source(%dma_start3A_41 : memref<2x80xi32, #tpu.memory_space<hbm>>) target(%arg7 : memref<2x80xi32, #tpu.memory_space<vmem>>) target_semaphore(%run_scoped3A_33 : memref<!tpu.dma_semaphore, #tpu.memory_space<semaphore_mem>>)
      %dma_wait3A = arith.constant 0 : i32
      %dma_wait3A_42 = arith.constant 0 : i32
      %dma_wait3A_43 = tpu.memref_slice %arg3[%add3A, %run_scoped3A_11, %dma_wait3A, %dma_wait3A_42] : memref<32x125x2x80xi32, #tpu.memory_space<hbm>> -> memref<1x1x2x80xi32, #tpu.memory_space<hbm>>
      %dma_wait3A_44 = tpu.memref_squeeze %dma_wait3A_43 : memref<1x1x2x80xi32, #tpu.memory_space<hbm>> -> memref<2x80xi32, #tpu.memory_space<hbm>>
      %dma_wait3A_45 = arith.constant 0 : i32
      %dma_wait3A_46 = arith.constant 0 : i32
      %dma_wait3A_47 = tpu.memref_slice %arg3[%add3A, %run_scoped3A_11, %dma_wait3A_45, %dma_wait3A_46] : memref<32x125x2x80xi32, #tpu.memory_space<hbm>> -> memref<1x1x2x80xi32, #tpu.memory_space<hbm>>
      %dma_wait3A_48 = tpu.memref_squeeze %dma_wait3A_47 : memref<1x1x2x80xi32, #tpu.memory_space<hbm>> -> memref<2x80xi32, #tpu.memory_space<hbm>>
      tpu.wait_dma2 semaphore(%run_scoped3A_33 : memref<!tpu.dma_semaphore, #tpu.memory_space<semaphore_mem>>) src(%dma_wait3A_48 : memref<2x80xi32, #tpu.memory_space<hbm>>) dst(%arg7 : memref<2x80xi32, #tpu.memory_space<vmem>>)
      tpu.yield
    }) : () -> ()
    %dma_start3A_12 = arith.constant 0 : i32
    %dma_start3A_13 = arith.constant 0 : i32
    %dma_start3A_14 = tpu.memref_slice %arg7[%dma_start3A_12, %dma_start3A_13] : memref<2x80xi32, #tpu.memory_space<vmem>> -> memref<1x80xi32, #tpu.memory_space<vmem>>
    %dma_start3A_15 = tpu.memref_squeeze %dma_start3A_14 : memref<1x80xi32, #tpu.memory_space<vmem>> -> memref<80xi32, #tpu.memory_space<vmem>>
    %dma_start3A_16 = arith.constant 0 : i32
    %dma_start3A_17 = arith.constant 0 : i32
    %dma_start3A_18 = tpu.memref_slice %arg2[%dma_start3A_16, %dma_start3A_17] : memref<10000x128xf32, #tpu.memory_space<hbm>> -> memref<10000x128xf32, #tpu.memory_space<hbm>>
    tpu.enqueue_indirect_dma source(%dma_start3A_18 : memref<10000x128xf32, #tpu.memory_space<hbm>>) target(%arg10 : memref<80x128xf32, #tpu.memory_space<vmem>>) offsets(%dma_start3A_15 : memref<80xi32, #tpu.memory_space<vmem>>) semaphore(%arg14 : memref<!tpu.dma_semaphore, #tpu.memory_space<semaphore_mem>>)
    %scan3A = arith.constant 0 : i32
    %scan3A_19 = arith.constant 42 : i32
    %scan3A_20 = arith.addi %scan3A, %scan3A_19 : i32
    %scan3A_21 = arith.constant 1 : i32
    scf.for %scan3A_33 = %scan3A to %scan3A_20 step %scan3A_21  : i32 {
      %mul3A_34 = arith.constant 3 : i32
      %mul3A_35 = arith.muli %scan3A_33, %mul3A_34 : i32
      %add3A_36 = arith.constant 0 : i32
      %add3A_37 = arith.addi %add3A_36, %mul3A_35 : i32
      %add3A_38 = arith.constant 2 : i32
      %add3A_39 = arith.addi %add3A_37, %add3A_38 : i32
      %lt3A = arith.constant 125 : i32
      %lt3A_40 = arith.cmpi slt, %add3A_39, %lt3A : i32
      %convert_element_type3A_41 = arith.extui %lt3A_40 : i1 to i32
      %cond3A_42 = arith.constant 0 : i32
      %cond3A_43 = arith.cmpi ne, %convert_element_type3A_41, %cond3A_42 : i32
      scf.if %cond3A_43 {
        %add3A_79 = arith.constant 2 : i32
        %add3A_80 = arith.addi %add3A_37, %add3A_79 : i32
        "tpu.region"() ({
          %run_scoped3A_88 = tpu.sem_alloc : memref<!tpu.dma_semaphore, #tpu.memory_space<semaphore_mem>>
          %dma_start3A_89 = arith.constant 0 : i32
          %dma_start3A_90 = arith.constant 0 : i32
          %dma_start3A_91 = tpu.memref_slice %arg3[%add3A, %add3A_80, %dma_start3A_89, %dma_start3A_90] : memref<32x125x2x80xi32, #tpu.memory_space<hbm>> -> memref<1x1x2x80xi32, #tpu.memory_space<hbm>>
          %dma_start3A_92 = tpu.memref_squeeze %dma_start3A_91 : memref<1x1x2x80xi32, #tpu.memory_space<hbm>> -> memref<2x80xi32, #tpu.memory_space<hbm>>
          %dma_start3A_93 = arith.constant 0 : i32
          %dma_start3A_94 = arith.constant 0 : i32
          %dma_start3A_95 = tpu.memref_slice %arg3[%add3A, %add3A_80, %dma_start3A_93, %dma_start3A_94] : memref<32x125x2x80xi32, #tpu.memory_space<hbm>> -> memref<1x1x2x80xi32, #tpu.memory_space<hbm>>
          %dma_start3A_96 = tpu.memref_squeeze %dma_start3A_95 : memref<1x1x2x80xi32, #tpu.memory_space<hbm>> -> memref<2x80xi32, #tpu.memory_space<hbm>>
          tpu.enqueue_dma source(%dma_start3A_96 : memref<2x80xi32, #tpu.memory_space<hbm>>) target(%arg8 : memref<2x80xi32, #tpu.memory_space<vmem>>) target_semaphore(%run_scoped3A_88 : memref<!tpu.dma_semaphore, #tpu.memory_space<semaphore_mem>>)
          %dma_wait3A_97 = arith.constant 0 : i32
          %dma_wait3A_98 = arith.constant 0 : i32
          %dma_wait3A_99 = tpu.memref_slice %arg3[%add3A, %add3A_80, %dma_wait3A_97, %dma_wait3A_98] : memref<32x125x2x80xi32, #tpu.memory_space<hbm>> -> memref<1x1x2x80xi32, #tpu.memory_space<hbm>>
          %dma_wait3A_100 = tpu.memref_squeeze %dma_wait3A_99 : memref<1x1x2x80xi32, #tpu.memory_space<hbm>> -> memref<2x80xi32, #tpu.memory_space<hbm>>
          %dma_wait3A_101 = arith.constant 0 : i32
          %dma_wait3A_102 = arith.constant 0 : i32
          %dma_wait3A_103 = tpu.memref_slice %arg3[%add3A, %add3A_80, %dma_wait3A_101, %dma_wait3A_102] : memref<32x125x2x80xi32, #tpu.memory_space<hbm>> -> memref<1x1x2x80xi32, #tpu.memory_space<hbm>>
          %dma_wait3A_104 = tpu.memref_squeeze %dma_wait3A_103 : memref<1x1x2x80xi32, #tpu.memory_space<hbm>> -> memref<2x80xi32, #tpu.memory_space<hbm>>
          tpu.wait_dma2 semaphore(%run_scoped3A_88 : memref<!tpu.dma_semaphore, #tpu.memory_space<semaphore_mem>>) src(%dma_wait3A_104 : memref<2x80xi32, #tpu.memory_space<hbm>>) dst(%arg8 : memref<2x80xi32, #tpu.memory_space<vmem>>)
          tpu.yield
        }) : () -> ()
        %dma_start3A_81 = arith.constant 0 : i32
        %dma_start3A_82 = arith.constant 0 : i32
        %dma_start3A_83 = tpu.memref_slice %arg8[%dma_start3A_81, %dma_start3A_82] : memref<2x80xi32, #tpu.memory_space<vmem>> -> memref<1x80xi32, #tpu.memory_space<vmem>>
        %dma_start3A_84 = tpu.memref_squeeze %dma_start3A_83 : memref<1x80xi32, #tpu.memory_space<vmem>> -> memref<80xi32, #tpu.memory_space<vmem>>
        %dma_start3A_85 = arith.constant 0 : i32
        %dma_start3A_86 = arith.constant 0 : i32
        %dma_start3A_87 = tpu.memref_slice %arg2[%dma_start3A_85, %dma_start3A_86] : memref<10000x128xf32, #tpu.memory_space<hbm>> -> memref<10000x128xf32, #tpu.memory_space<hbm>>
        tpu.enqueue_indirect_dma source(%dma_start3A_87 : memref<10000x128xf32, #tpu.memory_space<hbm>>) target(%arg11 : memref<80x128xf32, #tpu.memory_space<vmem>>) offsets(%dma_start3A_84 : memref<80xi32, #tpu.memory_space<vmem>>) semaphore(%arg15 : memref<!tpu.dma_semaphore, #tpu.memory_space<semaphore_mem>>)
      } else {
      }
      %dma_wait3A = arith.constant 0 : i32
      %dma_wait3A_44 = arith.constant 0 : i32
      %dma_wait3A_45 = tpu.memref_slice %arg6[%dma_wait3A, %dma_wait3A_44] : memref<2x80xi32, #tpu.memory_space<vmem>> -> memref<1x80xi32, #tpu.memory_space<vmem>>
      %dma_wait3A_46 = tpu.memref_squeeze %dma_wait3A_45 : memref<1x80xi32, #tpu.memory_space<vmem>> -> memref<80xi32, #tpu.memory_space<vmem>>
      %dma_wait3A_47 = arith.constant 0 : i32
      %dma_wait3A_48 = arith.constant 0 : i32
      %dma_wait3A_49 = tpu.memref_slice %arg2[%dma_wait3A_47, %dma_wait3A_48] : memref<10000x128xf32, #tpu.memory_space<hbm>> -> memref<10000x128xf32, #tpu.memory_space<hbm>>
      tpu.wait_indirect_dma semaphore(%arg13 : memref<!tpu.dma_semaphore, #tpu.memory_space<semaphore_mem>>) src(%dma_wait3A_49 : memref<10000x128xf32, #tpu.memory_space<hbm>>) dst(%arg9 : memref<80x128xf32, #tpu.memory_space<vmem>>)
      %run_scoped3A_50 = arith.constant 1 : i32
      "tpu.region"() ({
        %run_scoped3A_79 = tpu.sem_alloc : memref<!tpu.dma_semaphore, #tpu.memory_space<semaphore_mem>>
        %dma_start3A_80 = arith.constant 0 : i32
        %dma_start3A_81 = tpu.memref_slice %arg6[%run_scoped3A_50, %dma_start3A_80] : memref<2x80xi32, #tpu.memory_space<vmem>> -> memref<1x80xi32, #tpu.memory_space<vmem>>
        %dma_start3A_82 = tpu.memref_squeeze %dma_start3A_81 : memref<1x80xi32, #tpu.memory_space<vmem>> -> memref<80xi32, #tpu.memory_space<vmem>>
        %dma_start3A_83 = arith.constant 0 : i32
        %dma_start3A_84 = arith.constant 0 : i32
        %dma_start3A_85 = tpu.memref_slice %arg12[%dma_start3A_83, %dma_start3A_84] : memref<10000x128xf32, #tpu.memory_space<vmem_shared>> -> memref<10000x128xf32, #tpu.memory_space<vmem_shared>>
        tpu.enqueue_indirect_dma source(%arg9 : memref<80x128xf32, #tpu.memory_space<vmem>>) target(%dma_start3A_85 : memref<10000x128xf32, #tpu.memory_space<vmem_shared>>) offsets(%dma_start3A_82 : memref<80xi32, #tpu.memory_space<vmem>>) semaphore(%run_scoped3A_79 : memref<!tpu.dma_semaphore, #tpu.memory_space<semaphore_mem>>) {add = true}
        %dma_wait3A_86 = arith.constant 0 : i32
        %dma_wait3A_87 = tpu.memref_slice %arg6[%run_scoped3A_50, %dma_wait3A_86] : memref<2x80xi32, #tpu.memory_space<vmem>> -> memref<1x80xi32, #tpu.memory_space<vmem>>
        %dma_wait3A_88 = tpu.memref_squeeze %dma_wait3A_87 : memref<1x80xi32, #tpu.memory_space<vmem>> -> memref<80xi32, #tpu.memory_space<vmem>>
        %dma_wait3A_89 = arith.constant 0 : i32
        %dma_wait3A_90 = arith.constant 0 : i32
        %dma_wait3A_91 = tpu.memref_slice %arg12[%dma_wait3A_89, %dma_wait3A_90] : memref<10000x128xf32, #tpu.memory_space<vmem_shared>> -> memref<10000x128xf32, #tpu.memory_space<vmem_shared>>
        tpu.wait_indirect_dma semaphore(%run_scoped3A_79 : memref<!tpu.dma_semaphore, #tpu.memory_space<semaphore_mem>>) src(%arg9 : memref<80x128xf32, #tpu.memory_space<vmem>>) dst(%dma_wait3A_91 : memref<10000x128xf32, #tpu.memory_space<vmem_shared>>)
        tpu.yield
      }) : () -> ()
      %add3A_51 = arith.constant 3 : i32
      %add3A_52 = arith.addi %add3A_37, %add3A_51 : i32
      %lt3A_53 = arith.constant 125 : i32
      %lt3A_54 = arith.cmpi slt, %add3A_52, %lt3A_53 : i32
      %convert_element_type3A_55 = arith.extui %lt3A_54 : i1 to i32
      %cond3A_56 = arith.constant 0 : i32
      %cond3A_57 = arith.cmpi ne, %convert_element_type3A_55, %cond3A_56 : i32
      scf.if %cond3A_57 {
        %add3A_79 = arith.constant 3 : i32
        %add3A_80 = arith.addi %add3A_37, %add3A_79 : i32
        "tpu.region"() ({
          %run_scoped3A_88 = tpu.sem_alloc : memref<!tpu.dma_semaphore, #tpu.memory_space<semaphore_mem>>
          %dma_start3A_89 = arith.constant 0 : i32
          %dma_start3A_90 = arith.constant 0 : i32
          %dma_start3A_91 = tpu.memref_slice %arg3[%add3A, %add3A_80, %dma_start3A_89, %dma_start3A_90] : memref<32x125x2x80xi32, #tpu.memory_space<hbm>> -> memref<1x1x2x80xi32, #tpu.memory_space<hbm>>
          %dma_start3A_92 = tpu.memref_squeeze %dma_start3A_91 : memref<1x1x2x80xi32, #tpu.memory_space<hbm>> -> memref<2x80xi32, #tpu.memory_space<hbm>>
          %dma_start3A_93 = arith.constant 0 : i32
          %dma_start3A_94 = arith.constant 0 : i32
          %dma_start3A_95 = tpu.memref_slice %arg3[%add3A, %add3A_80, %dma_start3A_93, %dma_start3A_94] : memref<32x125x2x80xi32, #tpu.memory_space<hbm>> -> memref<1x1x2x80xi32, #tpu.memory_space<hbm>>
          %dma_start3A_96 = tpu.memref_squeeze %dma_start3A_95 : memref<1x1x2x80xi32, #tpu.memory_space<hbm>> -> memref<2x80xi32, #tpu.memory_space<hbm>>
          tpu.enqueue_dma source(%dma_start3A_96 : memref<2x80xi32, #tpu.memory_space<hbm>>) target(%arg6 : memref<2x80xi32, #tpu.memory_space<vmem>>) target_semaphore(%run_scoped3A_88 : memref<!tpu.dma_semaphore, #tpu.memory_space<semaphore_mem>>)
          %dma_wait3A_97 = arith.constant 0 : i32
          %dma_wait3A_98 = arith.constant 0 : i32
          %dma_wait3A_99 = tpu.memref_slice %arg3[%add3A, %add3A_80, %dma_wait3A_97, %dma_wait3A_98] : memref<32x125x2x80xi32, #tpu.memory_space<hbm>> -> memref<1x1x2x80xi32, #tpu.memory_space<hbm>>
          %dma_wait3A_100 = tpu.memref_squeeze %dma_wait3A_99 : memref<1x1x2x80xi32, #tpu.memory_space<hbm>> -> memref<2x80xi32, #tpu.memory_space<hbm>>
          %dma_wait3A_101 = arith.constant 0 : i32
          %dma_wait3A_102 = arith.constant 0 : i32
          %dma_wait3A_103 = tpu.memref_slice %arg3[%add3A, %add3A_80, %dma_wait3A_101, %dma_wait3A_102] : memref<32x125x2x80xi32, #tpu.memory_space<hbm>> -> memref<1x1x2x80xi32, #tpu.memory_space<hbm>>
          %dma_wait3A_104 = tpu.memref_squeeze %dma_wait3A_103 : memref<1x1x2x80xi32, #tpu.memory_space<hbm>> -> memref<2x80xi32, #tpu.memory_space<hbm>>
          tpu.wait_dma2 semaphore(%run_scoped3A_88 : memref<!tpu.dma_semaphore, #tpu.memory_space<semaphore_mem>>) src(%dma_wait3A_104 : memref<2x80xi32, #tpu.memory_space<hbm>>) dst(%arg6 : memref<2x80xi32, #tpu.memory_space<vmem>>)
          tpu.yield
        }) : () -> ()
        %dma_start3A_81 = arith.constant 0 : i32
        %dma_start3A_82 = arith.constant 0 : i32
        %dma_start3A_83 = tpu.memref_slice %arg6[%dma_start3A_81, %dma_start3A_82] : memref<2x80xi32, #tpu.memory_space<vmem>> -> memref<1x80xi32, #tpu.memory_space<vmem>>
        %dma_start3A_84 = tpu.memref_squeeze %dma_start3A_83 : memref<1x80xi32, #tpu.memory_space<vmem>> -> memref<80xi32, #tpu.memory_space<vmem>>
        %dma_start3A_85 = arith.constant 0 : i32
        %dma_start3A_86 = arith.constant 0 : i32
        %dma_start3A_87 = tpu.memref_slice %arg2[%dma_start3A_85, %dma_start3A_86] : memref<10000x128xf32, #tpu.memory_space<hbm>> -> memref<10000x128xf32, #tpu.memory_space<hbm>>
        tpu.enqueue_indirect_dma source(%dma_start3A_87 : memref<10000x128xf32, #tpu.memory_space<hbm>>) target(%arg9 : memref<80x128xf32, #tpu.memory_space<vmem>>) offsets(%dma_start3A_84 : memref<80xi32, #tpu.memory_space<vmem>>) semaphore(%arg13 : memref<!tpu.dma_semaphore, #tpu.memory_space<semaphore_mem>>)
      } else {
      }
      %add3A_58 = arith.constant 1 : i32
      %add3A_59 = arith.addi %add3A_37, %add3A_58 : i32
      %lt3A_60 = arith.constant 125 : i32
      %lt3A_61 = arith.cmpi slt, %add3A_59, %lt3A_60 : i32
      %convert_element_type3A_62 = arith.extui %lt3A_61 : i1 to i32
      %cond3A_63 = arith.constant 0 : i32
      %cond3A_64 = arith.cmpi ne, %convert_element_type3A_62, %cond3A_63 : i32
      scf.if %cond3A_64 {
        %dma_wait3A_79 = arith.constant 0 : i32
        %dma_wait3A_80 = arith.constant 0 : i32
        %dma_wait3A_81 = tpu.memref_slice %arg7[%dma_wait3A_79, %dma_wait3A_80] : memref<2x80xi32, #tpu.memory_space<vmem>> -> memref<1x80xi32, #tpu.memory_space<vmem>>
        %dma_wait3A_82 = tpu.memref_squeeze %dma_wait3A_81 : memref<1x80xi32, #tpu.memory_space<vmem>> -> memref<80xi32, #tpu.memory_space<vmem>>
        %dma_wait3A_83 = arith.constant 0 : i32
        %dma_wait3A_84 = arith.constant 0 : i32
        %dma_wait3A_85 = tpu.memref_slice %arg2[%dma_wait3A_83, %dma_wait3A_84] : memref<10000x128xf32, #tpu.memory_space<hbm>> -> memref<10000x128xf32, #tpu.memory_space<hbm>>
        tpu.wait_indirect_dma semaphore(%arg14 : memref<!tpu.dma_semaphore, #tpu.memory_space<semaphore_mem>>) src(%dma_wait3A_85 : memref<10000x128xf32, #tpu.memory_space<hbm>>) dst(%arg10 : memref<80x128xf32, #tpu.memory_space<vmem>>)
        %run_scoped3A_86 = arith.constant 1 : i32
        "tpu.region"() ({
          %run_scoped3A_87 = tpu.sem_alloc : memref<!tpu.dma_semaphore, #tpu.memory_space<semaphore_mem>>
          %dma_start3A_88 = arith.constant 0 : i32
          %dma_start3A_89 = tpu.memref_slice %arg7[%run_scoped3A_86, %dma_start3A_88] : memref<2x80xi32, #tpu.memory_space<vmem>> -> memref<1x80xi32, #tpu.memory_space<vmem>>
          %dma_start3A_90 = tpu.memref_squeeze %dma_start3A_89 : memref<1x80xi32, #tpu.memory_space<vmem>> -> memref<80xi32, #tpu.memory_space<vmem>>
          %dma_start3A_91 = arith.constant 0 : i32
          %dma_start3A_92 = arith.constant 0 : i32
          %dma_start3A_93 = tpu.memref_slice %arg12[%dma_start3A_91, %dma_start3A_92] : memref<10000x128xf32, #tpu.memory_space<vmem_shared>> -> memref<10000x128xf32, #tpu.memory_space<vmem_shared>>
          tpu.enqueue_indirect_dma source(%arg10 : memref<80x128xf32, #tpu.memory_space<vmem>>) target(%dma_start3A_93 : memref<10000x128xf32, #tpu.memory_space<vmem_shared>>) offsets(%dma_start3A_90 : memref<80xi32, #tpu.memory_space<vmem>>) semaphore(%run_scoped3A_87 : memref<!tpu.dma_semaphore, #tpu.memory_space<semaphore_mem>>) {add = true}
          %dma_wait3A_94 = arith.constant 0 : i32
          %dma_wait3A_95 = tpu.memref_slice %arg7[%run_scoped3A_86, %dma_wait3A_94] : memref<2x80xi32, #tpu.memory_space<vmem>> -> memref<1x80xi32, #tpu.memory_space<vmem>>
          %dma_wait3A_96 = tpu.memref_squeeze %dma_wait3A_95 : memref<1x80xi32, #tpu.memory_space<vmem>> -> memref<80xi32, #tpu.memory_space<vmem>>
          %dma_wait3A_97 = arith.constant 0 : i32
          %dma_wait3A_98 = arith.constant 0 : i32
          %dma_wait3A_99 = tpu.memref_slice %arg12[%dma_wait3A_97, %dma_wait3A_98] : memref<10000x128xf32, #tpu.memory_space<vmem_shared>> -> memref<10000x128xf32, #tpu.memory_space<vmem_shared>>
          tpu.wait_indirect_dma semaphore(%run_scoped3A_87 : memref<!tpu.dma_semaphore, #tpu.memory_space<semaphore_mem>>) src(%arg10 : memref<80x128xf32, #tpu.memory_space<vmem>>) dst(%dma_wait3A_99 : memref<10000x128xf32, #tpu.memory_space<vmem_shared>>)
          tpu.yield
        }) : () -> ()
      } else {
      }
      %add3A_65 = arith.constant 4 : i32
      %add3A_66 = arith.addi %add3A_37, %add3A_65 : i32
      %lt3A_67 = arith.constant 125 : i32
      %lt3A_68 = arith.cmpi slt, %add3A_66, %lt3A_67 : i32
      %convert_element_type3A_69 = arith.extui %lt3A_68 : i1 to i32
      %cond3A_70 = arith.constant 0 : i32
      %cond3A_71 = arith.cmpi ne, %convert_element_type3A_69, %cond3A_70 : i32
      scf.if %cond3A_71 {
        %add3A_79 = arith.constant 4 : i32
        %add3A_80 = arith.addi %add3A_37, %add3A_79 : i32
        "tpu.region"() ({
          %run_scoped3A_88 = tpu.sem_alloc : memref<!tpu.dma_semaphore, #tpu.memory_space<semaphore_mem>>
          %dma_start3A_89 = arith.constant 0 : i32
          %dma_start3A_90 = arith.constant 0 : i32
          %dma_start3A_91 = tpu.memref_slice %arg3[%add3A, %add3A_80, %dma_start3A_89, %dma_start3A_90] : memref<32x125x2x80xi32, #tpu.memory_space<hbm>> -> memref<1x1x2x80xi32, #tpu.memory_space<hbm>>
          %dma_start3A_92 = tpu.memref_squeeze %dma_start3A_91 : memref<1x1x2x80xi32, #tpu.memory_space<hbm>> -> memref<2x80xi32, #tpu.memory_space<hbm>>
          %dma_start3A_93 = arith.constant 0 : i32
          %dma_start3A_94 = arith.constant 0 : i32
          %dma_start3A_95 = tpu.memref_slice %arg3[%add3A, %add3A_80, %dma_start3A_93, %dma_start3A_94] : memref<32x125x2x80xi32, #tpu.memory_space<hbm>> -> memref<1x1x2x80xi32, #tpu.memory_space<hbm>>
          %dma_start3A_96 = tpu.memref_squeeze %dma_start3A_95 : memref<1x1x2x80xi32, #tpu.memory_space<hbm>> -> memref<2x80xi32, #tpu.memory_space<hbm>>
          tpu.enqueue_dma source(%dma_start3A_96 : memref<2x80xi32, #tpu.memory_space<hbm>>) target(%arg7 : memref<2x80xi32, #tpu.memory_space<vmem>>) target_semaphore(%run_scoped3A_88 : memref<!tpu.dma_semaphore, #tpu.memory_space<semaphore_mem>>)
          %dma_wait3A_97 = arith.constant 0 : i32
          %dma_wait3A_98 = arith.constant 0 : i32
          %dma_wait3A_99 = tpu.memref_slice %arg3[%add3A, %add3A_80, %dma_wait3A_97, %dma_wait3A_98] : memref<32x125x2x80xi32, #tpu.memory_space<hbm>> -> memref<1x1x2x80xi32, #tpu.memory_space<hbm>>
          %dma_wait3A_100 = tpu.memref_squeeze %dma_wait3A_99 : memref<1x1x2x80xi32, #tpu.memory_space<hbm>> -> memref<2x80xi32, #tpu.memory_space<hbm>>
          %dma_wait3A_101 = arith.constant 0 : i32
          %dma_wait3A_102 = arith.constant 0 : i32
          %dma_wait3A_103 = tpu.memref_slice %arg3[%add3A, %add3A_80, %dma_wait3A_101, %dma_wait3A_102] : memref<32x125x2x80xi32, #tpu.memory_space<hbm>> -> memref<1x1x2x80xi32, #tpu.memory_space<hbm>>
          %dma_wait3A_104 = tpu.memref_squeeze %dma_wait3A_103 : memref<1x1x2x80xi32, #tpu.memory_space<hbm>> -> memref<2x80xi32, #tpu.memory_space<hbm>>
          tpu.wait_dma2 semaphore(%run_scoped3A_88 : memref<!tpu.dma_semaphore, #tpu.memory_space<semaphore_mem>>) src(%dma_wait3A_104 : memref<2x80xi32, #tpu.memory_space<hbm>>) dst(%arg7 : memref<2x80xi32, #tpu.memory_space<vmem>>)
          tpu.yield
        }) : () -> ()
        %dma_start3A_81 = arith.constant 0 : i32
        %dma_start3A_82 = arith.constant 0 : i32
        %dma_start3A_83 = tpu.memref_slice %arg7[%dma_start3A_81, %dma_start3A_82] : memref<2x80xi32, #tpu.memory_space<vmem>> -> memref<1x80xi32, #tpu.memory_space<vmem>>
        %dma_start3A_84 = tpu.memref_squeeze %dma_start3A_83 : memref<1x80xi32, #tpu.memory_space<vmem>> -> memref<80xi32, #tpu.memory_space<vmem>>
        %dma_start3A_85 = arith.constant 0 : i32
        %dma_start3A_86 = arith.constant 0 : i32
        %dma_start3A_87 = tpu.memref_slice %arg2[%dma_start3A_85, %dma_start3A_86] : memref<10000x128xf32, #tpu.memory_space<hbm>> -> memref<10000x128xf32, #tpu.memory_space<hbm>>
        tpu.enqueue_indirect_dma source(%dma_start3A_87 : memref<10000x128xf32, #tpu.memory_space<hbm>>) target(%arg10 : memref<80x128xf32, #tpu.memory_space<vmem>>) offsets(%dma_start3A_84 : memref<80xi32, #tpu.memory_space<vmem>>) semaphore(%arg14 : memref<!tpu.dma_semaphore, #tpu.memory_space<semaphore_mem>>)
      } else {
      }
      %add3A_72 = arith.constant 2 : i32
      %add3A_73 = arith.addi %add3A_37, %add3A_72 : i32
      %lt3A_74 = arith.constant 125 : i32
      %lt3A_75 = arith.cmpi slt, %add3A_73, %lt3A_74 : i32
      %convert_element_type3A_76 = arith.extui %lt3A_75 : i1 to i32
      %cond3A_77 = arith.constant 0 : i32
      %cond3A_78 = arith.cmpi ne, %convert_element_type3A_76, %cond3A_77 : i32
      scf.if %cond3A_78 {
        %dma_wait3A_79 = arith.constant 0 : i32
        %dma_wait3A_80 = arith.constant 0 : i32
        %dma_wait3A_81 = tpu.memref_slice %arg8[%dma_wait3A_79, %dma_wait3A_80] : memref<2x80xi32, #tpu.memory_space<vmem>> -> memref<1x80xi32, #tpu.memory_space<vmem>>
        %dma_wait3A_82 = tpu.memref_squeeze %dma_wait3A_81 : memref<1x80xi32, #tpu.memory_space<vmem>> -> memref<80xi32, #tpu.memory_space<vmem>>
        %dma_wait3A_83 = arith.constant 0 : i32
        %dma_wait3A_84 = arith.constant 0 : i32
        %dma_wait3A_85 = tpu.memref_slice %arg2[%dma_wait3A_83, %dma_wait3A_84] : memref<10000x128xf32, #tpu.memory_space<hbm>> -> memref<10000x128xf32, #tpu.memory_space<hbm>>
        tpu.wait_indirect_dma semaphore(%arg15 : memref<!tpu.dma_semaphore, #tpu.memory_space<semaphore_mem>>) src(%dma_wait3A_85 : memref<10000x128xf32, #tpu.memory_space<hbm>>) dst(%arg11 : memref<80x128xf32, #tpu.memory_space<vmem>>)
        %run_scoped3A_86 = arith.constant 1 : i32
        "tpu.region"() ({
          %run_scoped3A_87 = tpu.sem_alloc : memref<!tpu.dma_semaphore, #tpu.memory_space<semaphore_mem>>
          %dma_start3A_88 = arith.constant 0 : i32
          %dma_start3A_89 = tpu.memref_slice %arg8[%run_scoped3A_86, %dma_start3A_88] : memref<2x80xi32, #tpu.memory_space<vmem>> -> memref<1x80xi32, #tpu.memory_space<vmem>>
          %dma_start3A_90 = tpu.memref_squeeze %dma_start3A_89 : memref<1x80xi32, #tpu.memory_space<vmem>> -> memref<80xi32, #tpu.memory_space<vmem>>
          %dma_start3A_91 = arith.constant 0 : i32
          %dma_start3A_92 = arith.constant 0 : i32
          %dma_start3A_93 = tpu.memref_slice %arg12[%dma_start3A_91, %dma_start3A_92] : memref<10000x128xf32, #tpu.memory_space<vmem_shared>> -> memref<10000x128xf32, #tpu.memory_space<vmem_shared>>
          tpu.enqueue_indirect_dma source(%arg11 : memref<80x128xf32, #tpu.memory_space<vmem>>) target(%dma_start3A_93 : memref<10000x128xf32, #tpu.memory_space<vmem_shared>>) offsets(%dma_start3A_90 : memref<80xi32, #tpu.memory_space<vmem>>) semaphore(%run_scoped3A_87 : memref<!tpu.dma_semaphore, #tpu.memory_space<semaphore_mem>>) {add = true}
          %dma_wait3A_94 = arith.constant 0 : i32
          %dma_wait3A_95 = tpu.memref_slice %arg8[%run_scoped3A_86, %dma_wait3A_94] : memref<2x80xi32, #tpu.memory_space<vmem>> -> memref<1x80xi32, #tpu.memory_space<vmem>>
          %dma_wait3A_96 = tpu.memref_squeeze %dma_wait3A_95 : memref<1x80xi32, #tpu.memory_space<vmem>> -> memref<80xi32, #tpu.memory_space<vmem>>
          %dma_wait3A_97 = arith.constant 0 : i32
          %dma_wait3A_98 = arith.constant 0 : i32
          %dma_wait3A_99 = tpu.memref_slice %arg12[%dma_wait3A_97, %dma_wait3A_98] : memref<10000x128xf32, #tpu.memory_space<vmem_shared>> -> memref<10000x128xf32, #tpu.memory_space<vmem_shared>>
          tpu.wait_indirect_dma semaphore(%run_scoped3A_87 : memref<!tpu.dma_semaphore, #tpu.memory_space<semaphore_mem>>) src(%arg11 : memref<80x128xf32, #tpu.memory_space<vmem>>) dst(%dma_wait3A_99 : memref<10000x128xf32, #tpu.memory_space<vmem_shared>>)
          tpu.yield
        }) : () -> ()
      } else {
      }
    }
    %scan3A_22 = arith.constant 42 : i32
    %barrier3A_23 = arith.constant 0 : index
    tpu.barrier barrier_id(%barrier3A_23)
    %mul3A_24 = arith.constant 624 : i32
    %mul3A_25 = arith.muli %arg1, %mul3A_24 : i32
    %mul3A_26 = arith.constant 624 : i32
    %mul3A_27 = arith.muli %arg1, %mul3A_26 : i32
    "tpu.region"() ({
      %run_scoped3A_33 = tpu.sem_alloc : memref<!tpu.dma_semaphore, #tpu.memory_space<semaphore_mem>>
      %dma_start3A_34 = arith.constant 0 : i32
      %dma_start3A_35 = tpu.memref_slice %arg5[%arg0, %mul3A_27, %dma_start3A_34] : memref<2x10000x128xf32, #tpu.memory_space<hbm>> -> memref<1x624x128xf32, #tpu.memory_space<hbm>>
      %dma_start3A_36 = tpu.memref_squeeze %dma_start3A_35 : memref<1x624x128xf32, #tpu.memory_space<hbm>> -> memref<624x128xf32, #tpu.memory_space<hbm>>
      %dma_start3A_37 = arith.constant 0 : i32
      %dma_start3A_38 = tpu.memref_slice %arg12[%mul3A_25, %dma_start3A_37] : memref<10000x128xf32, #tpu.memory_space<vmem_shared>> -> memref<624x128xf32, #tpu.memory_space<vmem_shared>>
      tpu.enqueue_dma source(%dma_start3A_38 : memref<624x128xf32, #tpu.memory_space<vmem_shared>>) target(%dma_start3A_36 : memref<624x128xf32, #tpu.memory_space<hbm>>) target_semaphore(%run_scoped3A_33 : memref<!tpu.dma_semaphore, #tpu.memory_space<semaphore_mem>>)
      %dma_wait3A = arith.constant 0 : i32
      %dma_wait3A_39 = tpu.memref_slice %arg5[%arg0, %mul3A_27, %dma_wait3A] : memref<2x10000x128xf32, #tpu.memory_space<hbm>> -> memref<1x624x128xf32, #tpu.memory_space<hbm>>
      %dma_wait3A_40 = tpu.memref_squeeze %dma_wait3A_39 : memref<1x624x128xf32, #tpu.memory_space<hbm>> -> memref<624x128xf32, #tpu.memory_space<hbm>>
      %dma_wait3A_41 = arith.constant 0 : i32
      %dma_wait3A_42 = tpu.memref_slice %arg12[%mul3A_25, %dma_wait3A_41] : memref<10000x128xf32, #tpu.memory_space<vmem_shared>> -> memref<624x128xf32, #tpu.memory_space<vmem_shared>>
      tpu.wait_dma2 semaphore(%run_scoped3A_33 : memref<!tpu.dma_semaphore, #tpu.memory_space<semaphore_mem>>) src(%dma_wait3A_42 : memref<624x128xf32, #tpu.memory_space<vmem_shared>>) dst(%dma_wait3A_40 : memref<624x128xf32, #tpu.memory_space<hbm>>)
      tpu.yield
    }) : () -> ()
    %eq3A_28 = arith.constant 15 : i32
    %eq3A_29 = arith.cmpi eq, %arg1, %eq3A_28 : i32
    %convert_element_type3A_30 = arith.extui %eq3A_29 : i1 to i32
    %cond3A_31 = arith.constant 0 : i32
    %cond3A_32 = arith.cmpi ne, %convert_element_type3A_30, %cond3A_31 : i32
    scf.if %cond3A_32 {
      "tpu.region"() ({
        %run_scoped3A_33 = tpu.sem_alloc : memref<!tpu.dma_semaphore, #tpu.memory_space<semaphore_mem>>
        %dma_start3A_34 = arith.constant 9984 : i32
        %dma_start3A_35 = arith.constant 0 : i32
        %dma_start3A_36 = tpu.memref_slice %arg5[%arg0, %dma_start3A_34, %dma_start3A_35] : memref<2x10000x128xf32, #tpu.memory_space<hbm>> -> memref<1x16x128xf32, #tpu.memory_space<hbm>>
        %dma_start3A_37 = tpu.memref_squeeze %dma_start3A_36 : memref<1x16x128xf32, #tpu.memory_space<hbm>> -> memref<16x128xf32, #tpu.memory_space<hbm>>
        %dma_start3A_38 = arith.constant 9984 : i32
        %dma_start3A_39 = arith.constant 0 : i32
        %dma_start3A_40 = tpu.memref_slice %arg12[%dma_start3A_38, %dma_start3A_39] : memref<10000x128xf32, #tpu.memory_space<vmem_shared>> -> memref<16x128xf32, #tpu.memory_space<vmem_shared>>
        tpu.enqueue_dma source(%dma_start3A_40 : memref<16x128xf32, #tpu.memory_space<vmem_shared>>) target(%dma_start3A_37 : memref<16x128xf32, #tpu.memory_space<hbm>>) target_semaphore(%run_scoped3A_33 : memref<!tpu.dma_semaphore, #tpu.memory_space<semaphore_mem>>)
        %dma_wait3A = arith.constant 9984 : i32
        %dma_wait3A_41 = arith.constant 0 : i32
        %dma_wait3A_42 = tpu.memref_slice %arg5[%arg0, %dma_wait3A, %dma_wait3A_41] : memref<2x10000x128xf32, #tpu.memory_space<hbm>> -> memref<1x16x128xf32, #tpu.memory_space<hbm>>
        %dma_wait3A_43 = tpu.memref_squeeze %dma_wait3A_42 : memref<1x16x128xf32, #tpu.memory_space<hbm>> -> memref<16x128xf32, #tpu.memory_space<hbm>>
        %dma_wait3A_44 = arith.constant 9984 : i32
        %dma_wait3A_45 = arith.constant 0 : i32
        %dma_wait3A_46 = tpu.memref_slice %arg12[%dma_wait3A_44, %dma_wait3A_45] : memref<10000x128xf32, #tpu.memory_space<vmem_shared>> -> memref<16x128xf32, #tpu.memory_space<vmem_shared>>
        tpu.wait_dma2 semaphore(%run_scoped3A_33 : memref<!tpu.dma_semaphore, #tpu.memory_space<semaphore_mem>>) src(%dma_wait3A_46 : memref<16x128xf32, #tpu.memory_space<vmem_shared>>) dst(%dma_wait3A_43 : memref<16x128xf32, #tpu.memory_space<hbm>>)
        tpu.yield
      }) : () -> ()
    } else {
    }
    return
  }
}

module attributes {stable_mosaic.version = 14 : i64} {
  func.func @body(%arg0: memref<10000x128xf32, #tpu.memory_space<vmem>>, %arg1: memref<2x10000x128xf32, #tpu.memory_space<vmem>>, %arg2: memref<128x128xf32, #tpu.memory_space<vmem>>, %arg3: memref<1x128xf32, #tpu.memory_space<vmem>>, %arg4: memref<128x128xf32, #tpu.memory_space<vmem>>, %arg5: memref<1x128xf32, #tpu.memory_space<vmem>>, %arg6: memref<1x128xf32, #tpu.memory_space<vmem>>, %arg7: memref<1x128xf32, #tpu.memory_space<vmem>>, %arg8: memref<10000x128xf32, #tpu.memory_space<vmem>>) attributes {dimension_semantics = [], scalar_prefetch = 0 : i64, scratch_operands = 0 : i64, tpu.core_type = #tpu.core_type<tc>} {
    %get3A = arith.constant 0 : index
    %get3A_0 = arith.constant 0 : index
    %get3A_1 = vector.load %arg0[%get3A, %get3A_0] : memref<10000x128xf32, #tpu.memory_space<vmem>>, vector<10000x128xf32>
    %get3A_2 = arith.constant 0 : index
    %get3A_3 = arith.constant 0 : index
    %get3A_4 = arith.constant 0 : index
    %get3A_5 = vector.load %arg1[%get3A_2, %get3A_3, %get3A_4] : memref<2x10000x128xf32, #tpu.memory_space<vmem>>, vector<1x10000x128xf32>
    %get3A_6 = vector.shape_cast %get3A_5 : vector<1x10000x128xf32> to vector<10000x128xf32>
    %add3A = arith.addf %get3A_1, %get3A_6 : vector<10000x128xf32>
    %get3A_7 = arith.constant 1 : index
    %get3A_8 = arith.constant 0 : index
    %get3A_9 = arith.constant 0 : index
    %get3A_10 = vector.load %arg1[%get3A_7, %get3A_8, %get3A_9] : memref<2x10000x128xf32, #tpu.memory_space<vmem>>, vector<1x10000x128xf32>
    %get3A_11 = vector.shape_cast %get3A_10 : vector<1x10000x128xf32> to vector<10000x128xf32>
    %add3A_12 = arith.addf %add3A, %get3A_11 : vector<10000x128xf32>
    %convert_element_type3A = arith.truncf %add3A_12 : vector<10000x128xf32> to vector<10000x128xbf16>
    %get3A_13 = arith.constant 0 : index
    %get3A_14 = arith.constant 0 : index
    %get3A_15 = vector.load %arg2[%get3A_13, %get3A_14] : memref<128x128xf32, #tpu.memory_space<vmem>>, vector<128x128xf32>
    %convert_element_type3A_16 = arith.truncf %get3A_15 : vector<128x128xf32> to vector<128x128xbf16>
    %dot_general3A = arith.constant dense<0.000000e+00> : vector<10000x128xf32>
    %dot_general3A_17 = tpu.matmul %convert_element_type3A, %convert_element_type3A_16, %dot_general3A {dimension_numbers = #tpu.dot_dimension_numbers<[1], [0], [0], [1], [0, 0, 1, 1], [], []>, transpose_lhs_hint = false} : vector<10000x128xbf16>, vector<128x128xbf16>, vector<10000x128xf32> -> vector<10000x128xf32>
    %get3A_18 = arith.constant 0 : index
    %get3A_19 = arith.constant 0 : index
    %get3A_20 = vector.load %arg3[%get3A_18, %get3A_19] : memref<1x128xf32, #tpu.memory_space<vmem>>, vector<1x128xf32>
    %add3A_21 = vector.broadcast %get3A_20 : vector<1x128xf32> to vector<10000x128xf32>
    %add3A_22 = arith.addf %dot_general3A_17, %add3A_21 : vector<10000x128xf32>
    %max3A = arith.constant 0.000000e+00 : f32
    %max3A_23 = vector.broadcast %max3A : f32 to vector<10000x128xf32>
    %max3A_24 = arith.maximumf %add3A_22, %max3A_23 : vector<10000x128xf32>
    %convert_element_type3A_25 = arith.truncf %max3A_24 : vector<10000x128xf32> to vector<10000x128xbf16>
    %get3A_26 = arith.constant 0 : index
    %get3A_27 = arith.constant 0 : index
    %get3A_28 = vector.load %arg4[%get3A_26, %get3A_27] : memref<128x128xf32, #tpu.memory_space<vmem>>, vector<128x128xf32>
    %convert_element_type3A_29 = arith.truncf %get3A_28 : vector<128x128xf32> to vector<128x128xbf16>
    %dot_general3A_30 = arith.constant dense<0.000000e+00> : vector<10000x128xf32>
    %dot_general3A_31 = tpu.matmul %convert_element_type3A_25, %convert_element_type3A_29, %dot_general3A_30 {dimension_numbers = #tpu.dot_dimension_numbers<[1], [0], [0], [1], [0, 0, 1, 1], [], []>, transpose_lhs_hint = false} : vector<10000x128xbf16>, vector<128x128xbf16>, vector<10000x128xf32> -> vector<10000x128xf32>
    %get3A_32 = arith.constant 0 : index
    %get3A_33 = arith.constant 0 : index
    %get3A_34 = vector.load %arg5[%get3A_32, %get3A_33] : memref<1x128xf32, #tpu.memory_space<vmem>>, vector<1x128xf32>
    %add3A_35 = vector.broadcast %get3A_34 : vector<1x128xf32> to vector<10000x128xf32>
    %add3A_36 = arith.addf %dot_general3A_31, %add3A_35 : vector<10000x128xf32>
    %max3A_37 = arith.constant 0.000000e+00 : f32
    %max3A_38 = vector.broadcast %max3A_37 : f32 to vector<10000x128xf32>
    %max3A_39 = arith.maximumf %add3A_36, %max3A_38 : vector<10000x128xf32>
    %reduce_sum3A = arith.constant dense<0.000000e+00> : vector<128xf32>
    %reduce_sum3A_40 = vector.multi_reduction <add>, %max3A_39, %reduce_sum3A [0] : vector<10000x128xf32> to vector<128xf32>
    %broadcast_in_dim3A = vector.shape_cast %reduce_sum3A_40 : vector<128xf32> to vector<1x128xf32>
    %div3A = arith.constant 1.000000e+04 : f32
    %div3A_41 = vector.broadcast %div3A : f32 to vector<1x128xf32>
    %div3A_42 = arith.divf %broadcast_in_dim3A, %div3A_41 : vector<1x128xf32>
    %sub3A = vector.broadcast %div3A_42 : vector<1x128xf32> to vector<10000x128xf32>
    %sub3A_43 = arith.subf %max3A_39, %sub3A : vector<10000x128xf32>
    %mul3A = arith.mulf %sub3A_43, %sub3A_43 : vector<10000x128xf32>
    %reduce_sum3A_44 = arith.constant dense<0.000000e+00> : vector<128xf32>
    %reduce_sum3A_45 = vector.multi_reduction <add>, %mul3A, %reduce_sum3A_44 [0] : vector<10000x128xf32> to vector<128xf32>
    %broadcast_in_dim3A_46 = vector.shape_cast %reduce_sum3A_45 : vector<128xf32> to vector<1x128xf32>
    %div3A_47 = arith.constant 1.000000e+04 : f32
    %div3A_48 = vector.broadcast %div3A_47 : f32 to vector<1x128xf32>
    %div3A_49 = arith.divf %broadcast_in_dim3A_46, %div3A_48 : vector<1x128xf32>
    %add3A_50 = arith.constant 9.99999974E-6 : f32
    %add3A_51 = vector.broadcast %add3A_50 : f32 to vector<1x128xf32>
    %add3A_52 = arith.addf %div3A_49, %add3A_51 : vector<1x128xf32>
    %rsqrt3A = math.rsqrt %add3A_52 : vector<1x128xf32>
    %mul3A_53 = vector.broadcast %rsqrt3A : vector<1x128xf32> to vector<10000x128xf32>
    %mul3A_54 = arith.mulf %sub3A_43, %mul3A_53 : vector<10000x128xf32>
    %get3A_55 = arith.constant 0 : index
    %get3A_56 = arith.constant 0 : index
    %get3A_57 = vector.load %arg6[%get3A_55, %get3A_56] : memref<1x128xf32, #tpu.memory_space<vmem>>, vector<1x128xf32>
    %mul3A_58 = vector.broadcast %get3A_57 : vector<1x128xf32> to vector<10000x128xf32>
    %mul3A_59 = arith.mulf %mul3A_54, %mul3A_58 : vector<10000x128xf32>
    %get3A_60 = arith.constant 0 : index
    %get3A_61 = arith.constant 0 : index
    %get3A_62 = vector.load %arg7[%get3A_60, %get3A_61] : memref<1x128xf32, #tpu.memory_space<vmem>>, vector<1x128xf32>
    %add3A_63 = vector.broadcast %get3A_62 : vector<1x128xf32> to vector<10000x128xf32>
    %add3A_64 = arith.addf %mul3A_59, %add3A_63 : vector<10000x128xf32>
    %swap3A = arith.constant 0 : index
    %swap3A_65 = arith.constant 0 : index
    %swap3A_66 = vector.load %arg8[%swap3A, %swap3A_65] : memref<10000x128xf32, #tpu.memory_space<vmem>>, vector<10000x128xf32>
    tpu.vector_store %arg8[%swap3A, %swap3A_65], %add3A_64 {strides = array<i32>} : memref<10000x128xf32, #tpu.memory_space<vmem>>, vector<10000x128xf32>,
    return
  }
}

module attributes {stable_mosaic.version = 14 : i64} {
  func.func @body(%arg0: memref<10000x128xf32, #tpu.memory_space<vmem>>, %arg1: memref<10000x1xi32, #tpu.memory_space<vmem>>, %arg2: memref<128x128xf32, #tpu.memory_space<vmem>>, %arg3: memref<1x128xf32, #tpu.memory_space<vmem>>, %arg4: memref<64x128xf32, #tpu.memory_space<vmem>>) attributes {dimension_semantics = [], scalar_prefetch = 0 : i64, scratch_operands = 0 : i64, tpu.core_type = #tpu.core_type<tc>} {
    %get3A = arith.constant 0 : index
    %get3A_0 = arith.constant 0 : index
    %get3A_1 = vector.load %arg1[%get3A, %get3A_0] : memref<10000x1xi32, #tpu.memory_space<vmem>>, vector<10000x1xi32>
    %iota3A = tpu.iota {dimensions = array<i32: 1>} : vector<1x64xi32>
    %eq3A = vector.broadcast %get3A_1 : vector<10000x1xi32> to vector<10000x64xi32>
    %eq3A_2 = vector.broadcast %iota3A : vector<1x64xi32> to vector<10000x64xi32>
    %eq3A_3 = arith.cmpi eq, %eq3A, %eq3A_2 : vector<10000x64xi32>
    %convert_element_type3A = arith.extui %eq3A_3 : vector<10000x64xi1> to vector<10000x64xi32>
    %convert_element_type3A_4 = arith.sitofp %convert_element_type3A : vector<10000x64xi32> to vector<10000x64xf32>
    %reduce_sum3A = arith.constant dense<0.000000e+00> : vector<64xf32>
    %reduce_sum3A_5 = vector.multi_reduction <add>, %convert_element_type3A_4, %reduce_sum3A [0] : vector<10000x64xf32> to vector<64xf32>
    %broadcast_in_dim3A = vector.shape_cast %reduce_sum3A_5 : vector<64xf32> to vector<1x64xf32>
    %max3A = arith.constant 1.000000e+00 : f32
    %max3A_6 = vector.broadcast %max3A : f32 to vector<1x64xf32>
    %max3A_7 = arith.maximumf %broadcast_in_dim3A, %max3A_6 : vector<1x64xf32>
    %div3A = arith.constant 1.000000e+00 : f32
    %div3A_8 = vector.broadcast %div3A : f32 to vector<1x64xf32>
    %div3A_9 = arith.divf %div3A_8, %max3A_7 : vector<1x64xf32>
    %mul3A = vector.broadcast %div3A_9 : vector<1x64xf32> to vector<10000x64xf32>
    %mul3A_10 = arith.mulf %convert_element_type3A_4, %mul3A : vector<10000x64xf32>
    %get3A_11 = arith.constant 0 : index
    %get3A_12 = arith.constant 0 : index
    %get3A_13 = vector.load %arg0[%get3A_11, %get3A_12] : memref<10000x128xf32, #tpu.memory_space<vmem>>, vector<10000x128xf32>
    %dot_general3A = arith.constant dense<0.000000e+00> : vector<64x128xf32>
    %dot_general3A_14 = tpu.matmul %mul3A_10, %get3A_13, %dot_general3A {dimension_numbers = #tpu.dot_dimension_numbers<[0], [0], [1], [1], [0, 1, 1, 1], [], []>, precision = #tpu.contract_precision<fp32>, transpose_lhs_hint = false} : vector<10000x64xf32>, vector<10000x128xf32>, vector<64x128xf32> -> vector<64x128xf32>
    %convert_element_type3A_15 = arith.truncf %dot_general3A_14 : vector<64x128xf32> to vector<64x128xbf16>
    %get3A_16 = arith.constant 0 : index
    %get3A_17 = arith.constant 0 : index
    %get3A_18 = vector.load %arg2[%get3A_16, %get3A_17] : memref<128x128xf32, #tpu.memory_space<vmem>>, vector<128x128xf32>
    %convert_element_type3A_19 = arith.truncf %get3A_18 : vector<128x128xf32> to vector<128x128xbf16>
    %dot_general3A_20 = arith.constant dense<0.000000e+00> : vector<64x128xf32>
    %dot_general3A_21 = tpu.matmul %convert_element_type3A_15, %convert_element_type3A_19, %dot_general3A_20 {dimension_numbers = #tpu.dot_dimension_numbers<[1], [0], [0], [1], [0, 0, 1, 1], [], []>, transpose_lhs_hint = false} : vector<64x128xbf16>, vector<128x128xbf16>, vector<64x128xf32> -> vector<64x128xf32>
    %get3A_22 = arith.constant 0 : index
    %get3A_23 = arith.constant 0 : index
    %get3A_24 = vector.load %arg3[%get3A_22, %get3A_23] : memref<1x128xf32, #tpu.memory_space<vmem>>, vector<1x128xf32>
    %add3A = vector.broadcast %get3A_24 : vector<1x128xf32> to vector<64x128xf32>
    %add3A_25 = arith.addf %dot_general3A_21, %add3A : vector<64x128xf32>
    %tanh3A = math.tanh %add3A_25 : vector<64x128xf32>
    %swap3A = arith.constant 0 : index
    %swap3A_26 = arith.constant 0 : index
    %swap3A_27 = vector.load %arg4[%swap3A, %swap3A_26] : memref<64x128xf32, #tpu.memory_space<vmem>>, vector<64x128xf32>
    tpu.vector_store %arg4[%swap3A, %swap3A_26], %tanh3A {strides = array<i32>} : memref<64x128xf32, #tpu.memory_space<vmem>>, vector<64x128xf32>,
    return
  }
}

</mosaic_0001>

<sc_bundles>
// kernel: kernel.13.cloned.1.call-start
scs
__scs_entry_jumppad:
0x0: {  	(pc) =	sbr.rel $0x88, $3  }
0x1: {  	(tag) =	ssettag $0x0;
	lr =	simm.s32 $0x1  }
0x2: {  	[smem:$0x3F96] =	sst lr;
	_ =	strace $0xD0000000  }
0x3: {  	_ = 	snop  }
0x4: {  	_ = 	snop  }
0x5: {  	_ = 	snop  }
0x6: {  	_ = 	snop  }
0x7: {  	_ = 	snop  }
__scs_overlays_trampoline_lowered:
0x8: {  	[smem:$0x3FA5] =	sst s0  }
0x9: {  	[smem:$0x3FA6] =	sst s1  }
0xa: {  	[smem:$0x3FA7] =	sst s2  }
0xb: {  	[smem:$0x3FA8] =	sst s3  }
0xc: {  	[smem:$0x3FA9] =	sst s4  }
0xd: {  	[smem:$0x3FAA] =	sst s5  }
0xe: {  	[smem:$0x3FAB] =	sst s6  }
0xf: {  	[smem:$0x3FAC] =	sst s7  }
0x10: {  	[smem:$0x3FAD] =	sst s8  }
0x11: {  	[smem:$0x3FAE] =	sst s9;
	s0 =	simm.s32 @!p0 $0x0  }
0x12: {  	s1 =	sld [smem:$0x3F94];
	s0 =	simm.s32 @p0 $0x1  }
0x13: {  	[smem:$0x3FAF] =	sst s0;
	s0 =	simm.s32 @!p1 $0x0  }
0x14: {  	s2 =	sld [smem:$0x3F93];
	s0 =	simm.s32 @p1 $0x1  }
0x15: {  	[smem:$0x3FB0] =	sst s0;
	s0 =	simm.s32 @!p2 $0x0  }
0x16: {  	s3 =	sld [smem:$0x3FDB];
	s0 =	simm.s32 @p2 $0x1  }
0x17: {  	s4 =	simm.s32 $0x1BF5;
	[smem:$0x3FB2] =	sst s0  }
0x18: {  	s0 =	sld [smem:$0x3F95];
	_ =	swait.ge [sflag:s4], $0x0  }
0x19: {  	s7 =	sld [smem:$0x3F96]  }
0x1a: {  	s8 =	sadd.s32 $0xFFFFE003, lr  }
0x1b: {  	s9 =	sadd.s32 $0xFFFFFEF7, lr;
	s5 =	simm.s32 $0xFFFFFFFF;
	p2 =	slt.u32 s8, $0xFFFFF086  }
0x1c: {  	p1 =	slt.u32 s9, $0xF7A;
	s5 =	simm.s32 @!p2 $0x0  }
0x1d: {  	s5 =	simm.s32 @p1 $0x1;
	p0 =	seq.s32 s7, s2  }
0x1e: {  	s7 =	smul.u32 @!p0 $0xF7A, s2;
	p2 =	seq.s32 @!p0 s5, $0x0  }
0x1f: {  	s9 =	smul.u32 $0xF7A, s1;
	s8 =	simm.s32 @!p0 $0x1BF5;
	p2 =	por !p2, p0  }
0x20: {  	[sflag:s8] =	ssyncset.s32 @!p0 $0xFFFFF086;
	s6 =	sadd.s32 @!p0 s3, s7;
	s7 =	simm.s32 @!p0 $0x108  }
0x21: {  	s3 =	sadd.s32 s3, s9;
	s6 =	sadd.s32 @!p0 $0x88, s6;
	s7 =	simm.s32 @p2 $0x1082  }
0x22: {  	[simem:s7], [sflag:s8] =	dma.local @!p0 [hbm:s6], $0xF7A  }
0x23: {  	s9 =	sor.u32 $0xD0000000, s2;
	s6 =	simm.s32 $0x108;
	_ =	swait.ge @!p0 [sflag:s8], $0x0  }
0x24: {  	s3 =	sadd.s32 $0x88, s3;
	s6 =	simm.s32 @!p1 $0x1082;
	[sflag:s4] =	ssyncset.s32 $0xFFFFF086  }
0x25: {  	[simem:s6], [sflag:s4] =	dma.local [hbm:s3], $0xF7A  }
0x26: {  	[smem:$0x3F96] =	sst s1;
	(tag) =	ssettag s2;
	_ =	strace s9  }
0x27: {  	s1 =	sld [smem:$0x3FA6]  }
0x28: {  	s2 =	sld [smem:$0x3FA7]  }
0x29: {  	s4 =	sld [smem:$0x3FA9]  }
0x2a: {  	p0 =	seq.s32 s5, $0x0;
	s5 =	sld [smem:$0x3FAA]  }
0x2b: {  	s6 =	sld [smem:$0x3FAB]  }
0x2c: {  	s7 =	sld [smem:$0x3FAC]  }
0x2d: {  	s3 =	simm.s32 $0x108;
	s8 =	sld [smem:$0x3FAD]  }
0x2e: {  	s3 =	simm.s32 @!p0 $0x1082;
	s9 =	sld [smem:$0x3FAE]  }
0x2f: {  	lr =	sadd.s32 s0, s3;
	s0 =	sld [smem:$0x3FA5]  }
0x30: {  	s3 =	sld [smem:$0x3FA8]  }
0x31: {  	[smem:$0x3FB1] =	sst s10  }
0x32: {  	s10 =	sld [smem:$0x3FAF];
	_ =	sdelay $0x3  }
0x33: {  	p0 =	seq.s32 s10, $0x1;
	s10 =	sld [smem:$0x3FB1];
	_ =	sdelay $0x3  }
0x34: {  	[smem:$0x3FB1] =	sst s10  }
0x35: {  	s10 =	sld [smem:$0x3FB0];
	_ =	sdelay $0x3  }
0x36: {  	p1 =	seq.s32 s10, $0x1;
	s10 =	sld [smem:$0x3FB1];
	_ =	sdelay $0x3  }
0x37: {  	[smem:$0x3FB1] =	sst s10  }
0x38: {  	s10 =	sld [smem:$0x3FB2]  }
0x39: {  	_ = 	snop;
	(pc) =	sbr.ind lr, $3  }
0x3a: {  	_ = 	snop  }
0x3b: {  	_ = 	snop  }
0x3c: {  	p2 =	seq.s32 s10, $0x1;
	s10 =	sld [smem:$0x3FB1]  }
0x3d: {  	_ =	shalt  }
0x3e: {  	_ =	shalt  }
0x3f: {  	_ =	shalt  }
0x40: {  	_ =	shalt  }
0x41: {  	_ =	shalt  }
0x42: {  	_ =	shalt  }
0x43: {  	_ =	shalt  }
0x44: {  	_ =	shalt  }
0x45: {  	_ =	shalt  }
0x46: {  	_ =	shalt  }
0x47: {  	_ =	shalt  }
0x48: {  	_ =	shalt  }
0x49: {  	_ =	shalt  }
0x4a: {  	_ =	shalt  }
0x4b: {  	_ =	shalt  }
0x4c: {  	_ =	shalt  }
0x4d: {  	_ =	shalt  }
0x4e: {  	_ =	shalt  }
0x4f: {  	_ =	shalt  }
0x50: {  	_ =	shalt  }
0x51: {  	_ =	shalt  }
0x52: {  	_ =	shalt  }
0x53: {  	_ =	shalt  }
0x54: {  	_ =	shalt  }
0x55: {  	_ =	shalt  }
0x56: {  	_ =	shalt  }
0x57: {  	_ =	shalt  }
0x58: {  	_ =	shalt  }
0x59: {  	_ =	shalt  }
0x5a: {  	_ =	shalt  }
0x5b: {  	_ =	shalt  }
0x5c: {  	_ =	shalt  }
0x5d: {  	_ =	shalt  }
0x5e: {  	_ =	shalt  }
0x5f: {  	_ =	shalt  }
0x60: {  	_ =	shalt  }
0x61: {  	_ =	shalt  }
0x62: {  	_ =	shalt  }
0x63: {  	_ =	shalt  }
0x64: {  	_ =	shalt  }
0x65: {  	_ =	shalt  }
0x66: {  	_ =	shalt  }
0x67: {  	_ =	shalt  }
0x68: {  	_ =	shalt  }
0x69: {  	_ =	shalt  }
0x6a: {  	_ =	shalt  }
0x6b: {  	_ =	shalt  }
0x6c: {  	_ =	shalt  }
0x6d: {  	_ =	shalt  }
0x6e: {  	_ =	shalt  }
0x6f: {  	_ =	shalt  }
0x70: {  	_ =	shalt  }
0x71: {  	_ =	shalt  }
0x72: {  	_ =	shalt  }
0x73: {  	_ =	shalt  }
0x74: {  	_ =	shalt  }
0x75: {  	_ =	shalt  }
0x76: {  	_ =	shalt  }
0x77: {  	_ =	shalt  }
0x78: {  	_ =	shalt  }
0x79: {  	_ =	shalt  }
0x7a: {  	_ =	shalt  }
0x7b: {  	_ =	shalt  }
0x7c: {  	_ =	shalt  }
0x7d: {  	_ =	shalt  }
0x7e: {  	_ =	shalt  }
0x7f: {  	_ =	shalt  }
0x80: {  	_ =	shalt  }
0x81: {  	_ =	shalt  }
0x82: {  	_ =	shalt  }
0x83: {  	_ =	shalt  }
0x84: {  	_ =	shalt  }
0x85: {  	_ =	shalt  }
0x86: {  	_ =	shalt  }
0x87: {  	_ =	shalt  }
.Lfunc_end0:
.L_simem_size_0:
called_computation_lowered:
.L_overlay_start_0:
0x88: {  	s2 =	sld [smem:$0x3FD9]  }
0x89: {  	s3 =	sld [smem:$0x3FFE];
	_ =	sdelay $0x1  }
0x8a: {  	s1 =	srdreg.scid  }
0x8b: {  	s0 =	sand.u32 $0x1, s1  }
0x8c: {  	s17 =	sshll.u32 s0, $0xA;
	s2 =	sadd.s32 s3, s2  }
0x8d: {  	s2 =	sadd.s32 s2, s17  }
0x8e: {  	[smem:$0x3FBD] =	sst s2  }
0x8f: {  	_ = 	snop  }
0x90: {  	s2 =	sld [smem:$0x3FC9];
	(tm) =	ssettm $0x1  }
0x91: {  	s18 =	sld [smem:$0x3FFB];
	_ =	sdelay $0x3  }
0x92: {  	_ =	strace s18  }
0x93: {  	s3 =	sld [smem:$0x3FFC];
	_ =	sdelay $0x3  }
0x94: {  	_ =	strace s3  }
0x95: {  	s3 =	sld [smem:$0x3FFD];
	_ =	sdelay $0x3  }
0x96: {  	_ =	strace s3  }
0x97: {  	_ =	strace $0x8FFFFFFF  }
0x98: {  	s19 =	sld [smem:$0x3FDB];
	_ =	sdelay $0x1  }
0x99: {  	s4 =	simm.s32 $_scs_section_size  }
0x9a: {  	s5 =	simm.s32 $_size__tile_overlayer_lowered;
	s6 =	simm.s32 $_tile_overlayer_lowered  }
0x9b: {  	s22 =	simm.s32 $0x1BFF;
	s21 =	sshll.u32 s6, $0x1;
	s3 =	sadd.s32 s4, s19  }
0x9c: {  	s7 =	simm.s32 $0x0;
	s20 =	sshll.u32 s5, $0x1;
	s5 =	sadd.s32 s21, s3  }
0x9d: {  	[timem:s7], [sflag:s22] =	dma.local [hbm:s5], s20  }
0x9e: {  	_ =	swait.ge [sflag:s22], s20  }
0x9f: {  	s4 =	ssub.s32 $0x0, s20;
	[sflag:s22] =	ssyncset.done $0x0  }
0xa0: {  	[sflag:s22] =	ssyncadd.s32 s4;
	_ =	sdelay $0x1  }
0xa1: {  	s23 =	simm.s32 $0x1B8B  }
0xa2: {  	_ =	swait.ge [sflag:s23], $0x1  }
0xa3: {  	[sflag:s23] =	ssyncset.done $0x0  }
0xa4: {  	s25 =	simm.s32 $0x1B8E;
	s24 =	sld [smem:$0x3FFE];
	[sflag:s23] =	ssyncadd.s32 $0xFFFFFFFF  }
0xa5: {  	s26 =	simm.s32 $execute0_lowered;
	[smem:$0x3FD2] =	sst s25  }
0xa6: {  	s5 =	sshll.u32 s26, $0x1;
	_ =	strace $0x80000046;
	[dreg:$0x1] =	wrdreg $0xFFFFFFFF  }
0xa7: {  	s28 =	simm.s32 $_size_execute0_lowered;
	s3 =	sadd.s32 s3, s5;
	[dreg:$0x0] =	wrdreg $0x0  }
0xa8: {  	s5 =	sshll.u32 s28, $0x1;
	[dreg:$0x2] =	wrdreg s3  }
0xa9: {  	[dreg:$0x3] =	wrdreg s5  }
0xaa: {  	[dreg:$0x4] =	wrdreg $0xC0  }
0xab: {  	_ =	task [dreg:s7], $0x5FFFF  }
0xac: {  	[dreg:$0x1] =	wrdreg $0xFFFFFFFF  }
0xad: {  	[dreg:$0x0] =	wrdreg $0x60  }
0xae: {  	[dreg:$0x2] =	wrdreg s2  }
0xaf: {  	[dreg:$0x3] =	wrdreg s24  }
0xb0: {  	[dreg:$0x4] =	wrdreg $0x7B000  }
0xb1: {  	[dreg:$0x5] =	wrdreg $0x9  }
0xb2: {  	_ =	task.clear_ibuf [dreg:s7], $0x6FFFF;
	_ =	strace $0x90000046  }
0xb3: {  	s29 =	simm.s32 $0x9;
	_ =	strace $0x80000048  }
0xb4: {  	_ =	swait.ge [sflag:s29], $0x1  }
0xb5: {  	[sflag:s29] =	ssyncadd.s32 $0xFFFFFFFF  }
0xb6: {  	_ =	strace $0x90000048  }
0xb7: {  	_ =	sfence  }
0xb8: {  	s30 =	sld [smem:$0x0];
	_ =	sdelay $0x2  }
0xb9: {  	s31 =	sshll.u32 s1, $0xD;
	s1 =	sshrl.u32 s1, $0x2  }
0xba: {  	s3 =	sand.u32 $0x4000, s31;
	s1 =	sadd.s32 s1, s30  }
0xbb: {  	s0 =	sor.u32 s3, s0;
	s1 =	sshll.u32 s1, $0x11  }
0xbc: {  	s0 =	sor.u32 s1, s0  }
0xbd: {  	s0 =	sadd.s32 $0x8F2B, s0  }
0xbe: {  	[sflag:s0] =	ssyncadd.remote.s32 $0x1  }
0xbf: {  	_ =	sfence.sel $0xFFFF  }
0xc0: {  	[dreg:$0x0] =	wrdreg $0xFFFFFFFF;
	(pc) =	sbr.abs _section_cstart, $3  }
0xc1: {  	[dreg:$0x1] =	wrdreg $0xFFFFFFFF  }
0xc2: {  	_ =	task.clear_ibuf [dreg:s7], $0x2FFFF;
	_ =	strace $0x9FFFFFFF  }
0xc3: {  	(tm) =	ssettm $0x7FFFFFFF  }
tec
execute0_lowered:
.L_overlay_start_1:
0x0: {  	(tag) =	ssettag $0x1  }
0x1: {  	s1 =	rddreg [dreg:$0x0]  }
0x2: {  	s0 =	rddreg [dreg:$0x1]  }
0x3: {  	s2 =	rddreg [dreg:$0x2];
	s3 =	simm.s32 $0x0  }
0x4: {  	s4 =	srdreg.scid;
	s19 =	stileid.u32;
	s17 =	simm.s32 $0x4  }
0x5: {  	s28 =	simm.s32 $0x80;
	s29 =	simm.s32 $0x2;
	s30 =	simm.s32 $0x180  }
0x6: {  	s31 =	simm.s32 $0x3;
	[smem:$0x7FF] =	sst s3;
	s5 =	sadd.s32 $0x4600, s0  }
0x7: {  	s6 =	sadd.s32 $0x23A00, s0;
	s4 =	sand.u32 $0x1, s4;
	s10 =	smul.u32 $0x4E000, s19  }
0x8: {  	s0 =	sadd.s32 $0x26200, s0;
	s21 =	sshll.u32 s19, $0x6;
	s22 =	smul.u32 $0x13800, s19  }
0x9: {  	s18 =	sadd.s32 $0x138000, s2;
	s24 =	smul.u32 $0x7D00, s19;
	p0 =	sne.s32 s19, $0xF  }
0xa: {  	_ =	strace $0x80000047;
	[dreg:$0x4] =	wrdreg s6;
	s11 =	smul.u32 $0x138800, s4  }
0xb: {  	s7 =	ssub.s32 $0x2, s4;
	s8 =	sshll.u32 s4, $0x4;
	s4 =	smul.u32 $0x7D000, s4  }
0xc: {  	s18 =	sshrl.u32 @!p0 s18, $0x3;
	s9 =	sshrl.u32 s7, $0x1;
	s8 =	sor.u32 s19, s8  }
0xd: {  	s20 =	sshrl.u32 s10, $0x2;
	s19 =	simm.s32 $0x50;
	s9 =	ssub.s32 s7, s9  }
0xe: {  	s8 =	smul.u32 $0x7D00, s8;
	s16 =	sadd.s32 s20, s2;
	s7 =	sor.u32 $0x1C04, s21  }
0xf: {  	s23 =	sadd.s32 s22, s11;
	s11 =	sshrl.u32 s11, $0x3;
	s4 =	sadd.s32 s24, s4  }
0x10: {  	s20 =	simm.s32 $0x300;
	s21 =	simm.s32 $0x100;
	s22 =	simm.s32 $0x2B00  }
0x11: {  	s24 =	simm.s32 $0x5;
	s25 =	sadd.s32 $0x400, s4;
	s26 =	sadd.s32 $0x200, s4  }
0x12: {  	s9 =	smax.u32 s9, $0x1;
	s13 =	sadd.s32 $0x300, s4;
	s8 =	sshrl.u32 s8, $0x3  }
0x13: {  	s16 =	sshrl.u32 s16, $0x3;
	[dreg:$0x9] =	wrdreg s9;
	s12 =	sadd.s32 s5, s8  }
0x14: {  	s8 =	sshrl.u32 s23, $0x3;
	[dreg:$0x5] =	wrdreg s12;
	s12 =	sadd.s32 $0x20, s12  }
0x15: {  	s4 =	simm.s32 $0x0;
	s8 =	sadd.s32 s0, s8;
	[dreg:$0x6] =	wrdreg s12  }
0x16: {  	s23 =	simm.s32 $0x200;
	s0 =	sadd.s32 s0, s11;
	[dreg:$0x7] =	wrdreg s8  }
0x17: {  	s0 =	sadd.s32 $0x27000, s0;
	s8 =	sshrl.u32 s26, $0x3;
	s26 =	simm.s32 $0x1  }
0x18: {  	[dreg:$0x8] =	wrdreg s0;
	s0 =	sshrl.u32 s25, $0x3;
	s15 =	sadd.s32 s8, s5  }
0x19: {  	s25 =	simm.s32 $0x5300;
	s14 =	sadd.s32 s0, s5;
	s0 =	simm.s32 $0x280  }
.LBB2_1:
0x1a: {  	s6 =	rddreg [dreg:$0x4]  }
0x1b: {  	[spmem:s16], [sflag:s7] =	dma.local [hbm:s6], $0x2700  }
0x1c: {  	_ =	swait.ge [sflag:s17], $0x2700  }
0x1d: {  	[sflag:s17] =	ssyncset.done $0x0  }
0x1e: {  	s8 =	simm.s32 @!p0 $0x4;
	[sflag:s17] =	ssyncadd.s32 $0xFFFFD900  }
0x1f: {  	[spmem:s18], [sflag:s7] =	dma.local @!p0 [hbm:s6], $0x100  }
0x20: {  	_ =	swait.ge @!p0 [sflag:s8], $0x100  }
0x21: {  	[sflag:s8] =	ssyncset.done @!p0 $0x0  }
0x22: {  	[sflag:s8] =	ssyncadd.s32 @!p0 $0xFFFFFF00  }
0x23: {  	[bflag:$0x0] =	sbarrier.arrive $0xFFFF  }
0x24: {  	s8 =	rddreg [dreg:$0x5]  }
0x25: {  	[tilespmem:s3], [sflag:$0x4] =	stream.linear.gather [hbm4b:s8+s3], $0x100, $0x38;
	[tilespmem:$0x1B380] =	vst v63  }
0x26: {  	_ =	swait.ge [sflag:s17], $0x100  }
0x27: {  	[sflag:s17] =	ssyncset.done $0x0  }
0x28: {  	[sflag:s17] =	ssyncadd.s32 $0xFFFFFF00  }
0x29: {  	[tilespmem:s20], [sflag:$0x1] =	stream.indirect.gather [hbm4b:s1+s19], $0x80, s3, s19, $0xb8;
	[tilespmem:$0x1B380] =	vst v63  }
0x2a: {  	s9 =	rddreg [dreg:$0x6]  }
0x2b: {  	[tilespmem:s21], [sflag:$0x4] =	stream.linear.gather [hbm4b:s9+s3], $0x100, $0x38;
	[tilespmem:$0x1B380] =	vst v63  }
0x2c: {  	_ =	swait.ge [sflag:s17], $0x100  }
0x2d: {  	[sflag:s17] =	ssyncset.done $0x0  }
0x2e: {  	[sflag:s17] =	ssyncadd.s32 $0xFFFFFF00  }
0x2f: {  	[tilespmem:s22], [sflag:$0x2] =	stream.indirect.gather [hbm4b:s1+s19], $0x80, s21, s19, $0xb8;
	[tilespmem:$0x1B380] =	vst v63  }
0x30: {  	s10 =	sadd.s32 $0x0, s15  }
0x31: {  	[tilespmem:s23], [sflag:$0x5] =	stream.linear.gather [hbm4b:s10+s3], $0x100, $0x38;
	[tilespmem:$0x1B380] =	vst v63  }
0x32: {  	_ =	swait.ge [sflag:s24], $0x100  }
0x33: {  	[sflag:s24] =	ssyncset.done $0x0  }
0x34: {  	[sflag:s24] =	ssyncadd.s32 $0xFFFFFF00  }
0x35: {  	[tilespmem:s25], [sflag:$0x3] =	stream.indirect.gather [hbm4b:s1+s19], $0x80, s23, s19, $0xb8;
	[tilespmem:$0x1B380] =	vst v63  }
0x36: {  	_ =	swait.ge [sflag:s26], $0x2800  }
0x37: {  	[sflag:s26] =	ssyncset.done $0x0  }
0x38: {  	[sflag:s26] =	ssyncadd.s32 $0xFFFFD800  }
0x39: {  	[spmem:s2] =	stream.indirect.scatter.add.f32 [tilespmem:s20], [sflag:$0x5], $0x80, s28, s19, $0xb8;
	[tilespmem:$0x1B380] =	vst v63  }
0x3a: {  	_ =	swait.ge [sflag:s24], $0x2800  }
0x3b: {  	s11 =	sshrl.u32 s13, $0x3;
	[sflag:s24] =	ssyncset.done $0x0  }
0x3c: {  	s8 =	sadd.s32 s5, s11;
	[sflag:s24] =	ssyncadd.s32 $0xFFFFD800  }
0x3d: {  	[tilespmem:s3], [sflag:$0x5] =	stream.linear.gather [hbm4b:s8+s3], $0x100, $0x38;
	[tilespmem:$0x1B380] =	vst v63  }
0x3e: {  	_ =	swait.ge [sflag:s24], $0x100  }
0x3f: {  	[sflag:s24] =	ssyncset.done $0x0  }
0x40: {  	[sflag:s24] =	ssyncadd.s32 $0xFFFFFF00  }
0x41: {  	[tilespmem:s20], [sflag:$0x1] =	stream.indirect.gather [hbm4b:s1+s19], $0x80, s3, s19, $0xb8;
	[tilespmem:$0x1B380] =	vst v63  }
0x42: {  	_ =	swait.ge [sflag:s29], $0x2800  }
0x43: {  	[sflag:s29] =	ssyncset.done $0x0  }
0x44: {  	[sflag:s29] =	ssyncadd.s32 $0xFFFFD800  }
0x45: {  	[spmem:s2] =	stream.indirect.scatter.add.f32 [tilespmem:s22], [sflag:$0x5], $0x80, s30, s19, $0xb8;
	[tilespmem:$0x1B380] =	vst v63  }
0x46: {  	_ =	swait.ge [sflag:s24], $0x2800  }
0x47: {  	[sflag:s24] =	ssyncset.done $0x0  }
0x48: {  	s12 =	sadd.s32 $0x0, s14;
	[sflag:s24] =	ssyncadd.s32 $0xFFFFD800  }
0x49: {  	[tilespmem:s21], [sflag:$0x5] =	stream.linear.gather [hbm4b:s12+s3], $0x100, $0x38;
	[tilespmem:$0x1B380] =	vst v63  }
0x4a: {  	_ =	swait.ge [sflag:s24], $0x100  }
0x4b: {  	[sflag:s24] =	ssyncset.done $0x0  }
0x4c: {  	[sflag:s24] =	ssyncadd.s32 $0xFFFFFF00  }
0x4d: {  	[tilespmem:s22], [sflag:$0x2] =	stream.indirect.gather [hbm4b:s1+s19], $0x80, s21, s19, $0xb8;
	[tilespmem:$0x1B380] =	vst v63  }
0x4e: {  	_ =	swait.ge [sflag:s31], $0x2800  }
0x4f: {  	[sflag:s31] =	ssyncset.done $0x0  }
0x50: {  	[sflag:s31] =	ssyncadd.s32 $0xFFFFD800  }
0x51: {  	[spmem:s2] =	stream.indirect.scatter.add.f32 [tilespmem:s25], [sflag:$0x4], $0x80, s0, s19, $0xb8;
	[tilespmem:$0x1B380] =	vst v63  }
0x52: {  	s9 =	simm.s32 $0x60;
	_ =	swait.ge [sflag:s17], $0x2800  }
0x53: {  	s10 =	sadd.s32 $0x300, s13;
	s8 =	simm.s32 $0xC0;
	[sflag:s17] =	ssyncset.done $0x0  }
.LBB2_2:
0x54: {  	s12 =	sadd.s32 s9, s15  }
0x55: {  	[sflag:s17] =	ssyncadd.s32 $0xFFFFD800;
	s6 =	smov.u32 s8;
	s11 =	sadd.s32 $0x60, s8  }
0x56: {  	[tilespmem:s23], [sflag:$0x5] =	stream.linear.gather [hbm4b:s12+s3], $0x100, $0x38;
	[tilespmem:$0x1B380] =	vst v63  }
0x57: {  	p1 =	sne.s32 s8, $0xF00;
	_ =	swait.ge [sflag:s24], $0x100  }
0x58: {  	[sflag:s24] =	ssyncset.done $0x0  }
0x59: {  	[sflag:s24] =	ssyncadd.s32 $0xFFFFFF00  }
0x5a: {  	[tilespmem:s25], [sflag:$0x3] =	stream.indirect.gather [hbm4b:s1+s19], $0x80, s23, s19, $0xb8;
	[tilespmem:$0x1B380] =	vst v63  }
0x5b: {  	_ =	swait.ge [sflag:s26], $0x2800  }
0x5c: {  	[sflag:s26] =	ssyncset.done $0x0  }
0x5d: {  	[sflag:s26] =	ssyncadd.s32 $0xFFFFD800  }
0x5e: {  	[spmem:s2] =	stream.indirect.scatter.add.f32 [tilespmem:s20], [sflag:$0x5], $0x80, s28, s19, $0xb8;
	[tilespmem:$0x1B380] =	vst v63  }
0x5f: {  	_ =	swait.ge [sflag:s24], $0x2800  }
0x60: {  	s8 =	sshrl.u32 s10, $0x3;
	[sflag:s24] =	ssyncset.done $0x0  }
0x61: {  	s8 =	sadd.s32 s5, s8;
	[sflag:s24] =	ssyncadd.s32 $0xFFFFD800  }
0x62: {  	[tilespmem:s3], [sflag:$0x5] =	stream.linear.gather [hbm4b:s8+s3], $0x100, $0x38;
	[tilespmem:$0x1B380] =	vst v63  }
0x63: {  	_ =	swait.ge [sflag:s24], $0x100  }
0x64: {  	[sflag:s24] =	ssyncset.done $0x0  }
0x65: {  	[sflag:s24] =	ssyncadd.s32 $0xFFFFFF00  }
0x66: {  	[tilespmem:s20], [sflag:$0x1] =	stream.indirect.gather [hbm4b:s1+s19], $0x80, s3, s19, $0xb8;
	[tilespmem:$0x1B380] =	vst v63  }
0x67: {  	_ =	swait.ge [sflag:s29], $0x2800  }
0x68: {  	[sflag:s29] =	ssyncset.done $0x0  }
0x69: {  	[sflag:s29] =	ssyncadd.s32 $0xFFFFD800  }
0x6a: {  	[spmem:s2] =	stream.indirect.scatter.add.f32 [tilespmem:s22], [sflag:$0x5], $0x80, s30, s19, $0xb8;
	[tilespmem:$0x1B380] =	vst v63  }
0x6b: {  	_ =	swait.ge [sflag:s24], $0x2800  }
0x6c: {  	[sflag:s24] =	ssyncset.done $0x0  }
0x6d: {  	s8 =	sadd.s32 s9, s14;
	s9 =	smov.u32 s6;
	[sflag:s24] =	ssyncadd.s32 $0xFFFFD800  }
0x6e: {  	[tilespmem:s21], [sflag:$0x5] =	stream.linear.gather [hbm4b:s8+s3], $0x100, $0x38;
	[tilespmem:$0x1B380] =	vst v63  }
0x6f: {  	_ =	swait.ge [sflag:s24], $0x100  }
0x70: {  	[sflag:s24] =	ssyncset.done $0x0  }
0x71: {  	[sflag:s24] =	ssyncadd.s32 $0xFFFFFF00  }
0x72: {  	[tilespmem:s22], [sflag:$0x2] =	stream.indirect.gather [hbm4b:s1+s19], $0x80, s21, s19, $0xb8;
	[tilespmem:$0x1B380] =	vst v63  }
0x73: {  	_ =	swait.ge [sflag:s31], $0x2800  }
.Ltmp0:
0x74: {  	[sflag:s31] =	ssyncset.done $0x0;
	(pc) =	sbr.rel @p1 .LBB2_2-.Ltmp0, $4  }
0x75: {  	[sflag:s31] =	ssyncadd.s32 $0xFFFFD800  }
0x76: {  	[spmem:s2] =	stream.indirect.scatter.add.f32 [tilespmem:s25], [sflag:$0x4], $0x80, s0, s19, $0xb8;
	[tilespmem:$0x1B380] =	vst v63  }
0x77: {  	_ =	swait.ge [sflag:s17], $0x2800  }
0x78: {  	s10 =	sadd.s32 $0x300, s10;
	s8 =	smov.u32 s11;
	[sflag:s17] =	ssyncset.done $0x0  }
0x79: {  	s6 =	sadd.s32 s9, s15;
	[sflag:s17] =	ssyncadd.s32 $0xFFFFD800  }
0x7a: {  	[tilespmem:s23], [sflag:$0x5] =	stream.linear.gather [hbm4b:s6+s3], $0x100, $0x38;
	[tilespmem:$0x1B380] =	vst v63  }
0x7b: {  	_ =	swait.ge [sflag:s24], $0x100  }
0x7c: {  	[sflag:s24] =	ssyncset.done $0x0  }
0x7d: {  	[sflag:s24] =	ssyncadd.s32 $0xFFFFFF00  }
0x7e: {  	[tilespmem:s25], [sflag:$0x3] =	stream.indirect.gather [hbm4b:s1+s19], $0x80, s23, s19, $0xb8;
	[tilespmem:$0x1B380] =	vst v63  }
0x7f: {  	_ =	swait.ge [sflag:s26], $0x2800  }
0x80: {  	[sflag:s26] =	ssyncset.done $0x0  }
0x81: {  	[sflag:s26] =	ssyncadd.s32 $0xFFFFD800  }
0x82: {  	[spmem:s2] =	stream.indirect.scatter.add.f32 [tilespmem:s20], [sflag:$0x5], $0x80, s28, s19, $0xb8;
	[tilespmem:$0x1B380] =	vst v63  }
0x83: {  	_ =	swait.ge [sflag:s24], $0x2800  }
0x84: {  	s10 =	sshrl.u32 s10, $0x3;
	[sflag:s24] =	ssyncset.done $0x0  }
0x85: {  	s6 =	sadd.s32 s5, s10;
	[sflag:s24] =	ssyncadd.s32 $0xFFFFD800  }
0x86: {  	[tilespmem:s3], [sflag:$0x5] =	stream.linear.gather [hbm4b:s6+s3], $0x100, $0x38;
	[tilespmem:$0x1B380] =	vst v63  }
0x87: {  	_ =	swait.ge [sflag:s24], $0x100  }
0x88: {  	[sflag:s24] =	ssyncset.done $0x0  }
0x89: {  	[sflag:s24] =	ssyncadd.s32 $0xFFFFFF00  }
0x8a: {  	[tilespmem:s20], [sflag:$0x1] =	stream.indirect.gather [hbm4b:s1+s19], $0x80, s3, s19, $0xb8;
	[tilespmem:$0x1B380] =	vst v63  }
0x8b: {  	_ =	swait.ge [sflag:s29], $0x2800  }
0x8c: {  	[sflag:s29] =	ssyncset.done $0x0  }
0x8d: {  	[sflag:s29] =	ssyncadd.s32 $0xFFFFD800  }
0x8e: {  	[spmem:s2] =	stream.indirect.scatter.add.f32 [tilespmem:s22], [sflag:$0x5], $0x80, s30, s19, $0xb8;
	[tilespmem:$0x1B380] =	vst v63  }
0x8f: {  	_ =	swait.ge [sflag:s24], $0x2800  }
0x90: {  	[sflag:s24] =	ssyncset.done $0x0  }
0x91: {  	s11 =	sadd.s32 s9, s14;
	[sflag:s24] =	ssyncadd.s32 $0xFFFFD800  }
0x92: {  	[tilespmem:s21], [sflag:$0x5] =	stream.linear.gather [hbm4b:s11+s3], $0x100, $0x38;
	[tilespmem:$0x1B380] =	vst v63  }
0x93: {  	_ =	swait.ge [sflag:s24], $0x100  }
0x94: {  	[sflag:s24] =	ssyncset.done $0x0  }
0x95: {  	[sflag:s24] =	ssyncadd.s32 $0xFFFFFF00  }
0x96: {  	[tilespmem:s22], [sflag:$0x2] =	stream.indirect.gather [hbm4b:s1+s19], $0x80, s21, s19, $0xb8;
	[tilespmem:$0x1B380] =	vst v63  }
0x97: {  	_ =	swait.ge [sflag:s31], $0x2800  }
0x98: {  	[sflag:s31] =	ssyncset.done $0x0  }
0x99: {  	[sflag:s31] =	ssyncadd.s32 $0xFFFFD800  }
0x9a: {  	[spmem:s2] =	stream.indirect.scatter.add.f32 [tilespmem:s25], [sflag:$0x4], $0x80, s0, s19, $0xb8;
	[tilespmem:$0x1B380] =	vst v63  }
0x9b: {  	_ =	swait.ge [sflag:s17], $0x2800  }
0x9c: {  	[sflag:s17] =	ssyncset.done $0x0  }
0x9d: {  	[sflag:s17] =	ssyncadd.s32 $0xFFFFD800  }
0x9e: {  	_ =	swait.ge [sflag:s26], $0x2800  }
0x9f: {  	[sflag:s26] =	ssyncset.done $0x0  }
0xa0: {  	[sflag:s26] =	ssyncadd.s32 $0xFFFFD800  }
0xa1: {  	[spmem:s2] =	stream.indirect.scatter.add.f32 [tilespmem:s20], [sflag:$0x5], $0x80, s28, s19, $0xb8;
	[tilespmem:$0x1B380] =	vst v63  }
0xa2: {  	_ =	swait.ge [sflag:s24], $0x2800  }
0xa3: {  	[sflag:s24] =	ssyncset.done $0x0  }
0xa4: {  	[sflag:s24] =	ssyncadd.s32 $0xFFFFD800  }
0xa5: {  	_ =	swait.ge [sflag:s29], $0x2800  }
0xa6: {  	[sflag:s29] =	ssyncset.done $0x0  }
0xa7: {  	[sflag:s29] =	ssyncadd.s32 $0xFFFFD800  }
0xa8: {  	[spmem:s2] =	stream.indirect.scatter.add.f32 [tilespmem:s22], [sflag:$0x5], $0x80, s30, s19, $0xb8;
	[tilespmem:$0x1B380] =	vst v63  }
0xa9: {  	_ =	swait.ge [sflag:s24], $0x2800  }
0xaa: {  	[sflag:s24] =	ssyncset.done $0x0  }
0xab: {  	[sflag:s24] =	ssyncadd.s32 $0xFFFFD800  }
0xac: {  	[bflag:$0x0] =	sbarrier.arrive $0xFFFF  }
0xad: {  	s12 =	rddreg [dreg:$0x7]  }
0xae: {  	[hbm:s12], [sflag:s7] =	dma.local [spmem:s16], $0x2700  }
0xaf: {  	_ =	swait.ge [sflag:s17], $0x2700  }
0xb0: {  	[sflag:s17] =	ssyncset.done $0x0  }
0xb1: {  	s6 =	rddreg [dreg:$0x8];
	[sflag:s17] =	ssyncadd.s32 $0xFFFFD900  }
0xb2: {  	[hbm:s6], [sflag:s7] =	dma.local @!p0 [spmem:s18], $0x100  }
0xb3: {  	s6 =	simm.s32 @!p0 $0x4  }
0xb4: {  	_ =	swait.ge @!p0 [sflag:s6], $0x100  }
0xb5: {  	s4 =	sadd.s32 $0x1, s4;
	s8 =	rddreg [dreg:$0x9]  }
0xb6: {  	p1 =	sne.s32 s4, s8  }
.Ltmp1:
0xb7: {  	_ = 	snop;
	(pc) =	sbr.rel @p1 .LBB2_1-.Ltmp1, $3  }
0xb8: {  	_ =	sdelay $0x1  }
0xb9: {  	[sflag:s6] =	ssyncset.done @!p0 $0x0  }
0xba: {  	[sflag:s6] =	ssyncadd.s32 @!p0 $0xFFFFFF00  }
0xbb: {  	_ =	sfence.sel $0x180000  }
0xbc: {  	[bflag:$0x0] =	sbarrier.arrive $0xFFFF  }
0xbd: {  	_ =	strace $0x90000047  }
0xbe: {  	s0 =	stileid.u32;
	[bflag:$0x2] =	sbarrier.arrive $0xFFFF  }
0xbf: {  	p0 =	sne.s32 s0, $0x0;
	s0 =	rddreg [dreg:$0x3]  }
0xc0: {  	s0 =	sadd.s32 @!p0 $0x100000, s0  }
0xc1: {  	[sflag:s0] =	ssyncadd.tile.s32 @!p0 $0x1;
	_ =	shalt  }
.Lfunc_end2:
_tile_overlayer_lowered:
.L_overlay_start_2:
0xc2: {  	(tag) =	ssettag $0x2  }
0xc3: {  	s0 =	rddreg [dreg:$0x0];
	s2 =	stileid.u32  }
0xc4: {  	s1 =	rddreg [dreg:$0x1];
	p0 =	sne.s32 s2, $0x0  }
0xc5: {  	s3 =	rddreg [dreg:$0x2];
	[bflag:$0x3] =	sbarrier.arrive $0xFFFF;
	s2 =	simm.s32 @!p0 $0x1C04  }
0xc6: {  	[timem:s3], [sflag:s2] =	dma.local @!p0 [hbm:s0], s1  }
0xc7: {  	s0 =	simm.s32 @!p0 $0x4  }
0xc8: {  	_ =	swait.ge @!p0 [sflag:s0], s1  }
0xc9: {  	s1 =	ssub.s32 @!p0 $0x0, s1;
	[sflag:s0] =	ssyncset.done @!p0 $0x0  }
0xca: {  	[sflag:s0] =	ssyncadd.s32 @!p0 s1  }
0xcb: {  	[bflag:$0x3] =	sbarrier.arrive $0xFFFF  }
0xcc: {  	_ =	shalt  }

// kernel: kernel.16.cloned.1.call-start
scs
__scs_entry_jumppad:
0x0: {  	(pc) =	sbr.rel $0x88, $3  }
0x1: {  	(tag) =	ssettag $0x0;
	lr =	simm.s32 $0x1  }
0x2: {  	[smem:$0x3F96] =	sst lr;
	_ =	strace $0xD0000000  }
0x3: {  	_ = 	snop  }
0x4: {  	_ = 	snop  }
0x5: {  	_ = 	snop  }
0x6: {  	_ = 	snop  }
0x7: {  	_ = 	snop  }
__scs_overlays_trampoline_lowered:
0x8: {  	[smem:$0x3FA5] =	sst s0  }
0x9: {  	[smem:$0x3FA6] =	sst s1  }
0xa: {  	[smem:$0x3FA7] =	sst s2  }
0xb: {  	[smem:$0x3FA8] =	sst s3  }
0xc: {  	[smem:$0x3FA9] =	sst s4  }
0xd: {  	[smem:$0x3FAA] =	sst s5  }
0xe: {  	[smem:$0x3FAB] =	sst s6  }
0xf: {  	[smem:$0x3FAC] =	sst s7  }
0x10: {  	[smem:$0x3FAD] =	sst s8  }
0x11: {  	[smem:$0x3FAE] =	sst s9;
	s0 =	simm.s32 @!p0 $0x0  }
0x12: {  	s1 =	sld [smem:$0x3F94];
	s0 =	simm.s32 @p0 $0x1  }
0x13: {  	[smem:$0x3FAF] =	sst s0;
	s0 =	simm.s32 @!p1 $0x0  }
0x14: {  	s2 =	sld [smem:$0x3F93];
	s0 =	simm.s32 @p1 $0x1  }
0x15: {  	[smem:$0x3FB0] =	sst s0;
	s0 =	simm.s32 @!p2 $0x0  }
0x16: {  	s3 =	sld [smem:$0x3FDB];
	s0 =	simm.s32 @p2 $0x1  }
0x17: {  	s4 =	simm.s32 $0x1BF5;
	[smem:$0x3FB2] =	sst s0  }
0x18: {  	s0 =	sld [smem:$0x3F95];
	_ =	swait.ge [sflag:s4], $0x0  }
0x19: {  	s7 =	sld [smem:$0x3F96]  }
0x1a: {  	s8 =	sadd.s32 $0xFFFFE003, lr  }
0x1b: {  	s9 =	sadd.s32 $0xFFFFFEF7, lr;
	s5 =	simm.s32 $0xFFFFFFFF;
	p2 =	slt.u32 s8, $0xFFFFF086  }
0x1c: {  	p1 =	slt.u32 s9, $0xF7A;
	s5 =	simm.s32 @!p2 $0x0  }
0x1d: {  	s5 =	simm.s32 @p1 $0x1;
	p0 =	seq.s32 s7, s2  }
0x1e: {  	s7 =	smul.u32 @!p0 $0xF7A, s2;
	p2 =	seq.s32 @!p0 s5, $0x0  }
0x1f: {  	s9 =	smul.u32 $0xF7A, s1;
	s8 =	simm.s32 @!p0 $0x1BF5;
	p2 =	por !p2, p0  }
0x20: {  	[sflag:s8] =	ssyncset.s32 @!p0 $0xFFFFF086;
	s6 =	sadd.s32 @!p0 s3, s7;
	s7 =	simm.s32 @!p0 $0x108  }
0x21: {  	s3 =	sadd.s32 s3, s9;
	s6 =	sadd.s32 @!p0 $0x88, s6;
	s7 =	simm.s32 @p2 $0x1082  }
0x22: {  	[simem:s7], [sflag:s8] =	dma.local @!p0 [hbm:s6], $0xF7A  }
0x23: {  	s9 =	sor.u32 $0xD0000000, s2;
	s6 =	simm.s32 $0x108;
	_ =	swait.ge @!p0 [sflag:s8], $0x0  }
0x24: {  	s3 =	sadd.s32 $0x88, s3;
	s6 =	simm.s32 @!p1 $0x1082;
	[sflag:s4] =	ssyncset.s32 $0xFFFFF086  }
0x25: {  	[simem:s6], [sflag:s4] =	dma.local [hbm:s3], $0xF7A  }
0x26: {  	[smem:$0x3F96] =	sst s1;
	(tag) =	ssettag s2;
	_ =	strace s9  }
0x27: {  	s1 =	sld [smem:$0x3FA6]  }
0x28: {  	s2 =	sld [smem:$0x3FA7]  }
0x29: {  	s4 =	sld [smem:$0x3FA9]  }
0x2a: {  	p0 =	seq.s32 s5, $0x0;
	s5 =	sld [smem:$0x3FAA]  }
0x2b: {  	s6 =	sld [smem:$0x3FAB]  }
0x2c: {  	s7 =	sld [smem:$0x3FAC]  }
0x2d: {  	s3 =	simm.s32 $0x108;
	s8 =	sld [smem:$0x3FAD]  }
0x2e: {  	s3 =	simm.s32 @!p0 $0x1082;
	s9 =	sld [smem:$0x3FAE]  }
0x2f: {  	lr =	sadd.s32 s0, s3;
	s0 =	sld [smem:$0x3FA5]  }
0x30: {  	s3 =	sld [smem:$0x3FA8]  }
0x31: {  	[smem:$0x3FB1] =	sst s10  }
0x32: {  	s10 =	sld [smem:$0x3FAF];
	_ =	sdelay $0x3  }
0x33: {  	p0 =	seq.s32 s10, $0x1;
	s10 =	sld [smem:$0x3FB1];
	_ =	sdelay $0x3  }
0x34: {  	[smem:$0x3FB1] =	sst s10  }
0x35: {  	s10 =	sld [smem:$0x3FB0];
	_ =	sdelay $0x3  }
0x36: {  	p1 =	seq.s32 s10, $0x1;
	s10 =	sld [smem:$0x3FB1];
	_ =	sdelay $0x3  }
0x37: {  	[smem:$0x3FB1] =	sst s10  }
0x38: {  	s10 =	sld [smem:$0x3FB2]  }
0x39: {  	_ = 	snop;
	(pc) =	sbr.ind lr, $3  }
0x3a: {  	_ = 	snop  }
0x3b: {  	_ = 	snop  }
0x3c: {  	p2 =	seq.s32 s10, $0x1;
	s10 =	sld [smem:$0x3FB1]  }
0x3d: {  	_ =	shalt  }
0x3e: {  	_ =	shalt  }
0x3f: {  	_ =	shalt  }
0x40: {  	_ =	shalt  }
0x41: {  	_ =	shalt  }
0x42: {  	_ =	shalt  }
0x43: {  	_ =	shalt  }
0x44: {  	_ =	shalt  }
0x45: {  	_ =	shalt  }
0x46: {  	_ =	shalt  }
0x47: {  	_ =	shalt  }
0x48: {  	_ =	shalt  }
0x49: {  	_ =	shalt  }
0x4a: {  	_ =	shalt  }
0x4b: {  	_ =	shalt  }
0x4c: {  	_ =	shalt  }
0x4d: {  	_ =	shalt  }
0x4e: {  	_ =	shalt  }
0x4f: {  	_ =	shalt  }
0x50: {  	_ =	shalt  }
0x51: {  	_ =	shalt  }
0x52: {  	_ =	shalt  }
0x53: {  	_ =	shalt  }
0x54: {  	_ =	shalt  }
0x55: {  	_ =	shalt  }
0x56: {  	_ =	shalt  }
0x57: {  	_ =	shalt  }
0x58: {  	_ =	shalt  }
0x59: {  	_ =	shalt  }
0x5a: {  	_ =	shalt  }
0x5b: {  	_ =	shalt  }
0x5c: {  	_ =	shalt  }
0x5d: {  	_ =	shalt  }
0x5e: {  	_ =	shalt  }
0x5f: {  	_ =	shalt  }
0x60: {  	_ =	shalt  }
0x61: {  	_ =	shalt  }
0x62: {  	_ =	shalt  }
0x63: {  	_ =	shalt  }
0x64: {  	_ =	shalt  }
0x65: {  	_ =	shalt  }
0x66: {  	_ =	shalt  }
0x67: {  	_ =	shalt  }
0x68: {  	_ =	shalt  }
0x69: {  	_ =	shalt  }
0x6a: {  	_ =	shalt  }
0x6b: {  	_ =	shalt  }
0x6c: {  	_ =	shalt  }
0x6d: {  	_ =	shalt  }
0x6e: {  	_ =	shalt  }
0x6f: {  	_ =	shalt  }
0x70: {  	_ =	shalt  }
0x71: {  	_ =	shalt  }
0x72: {  	_ =	shalt  }
0x73: {  	_ =	shalt  }
0x74: {  	_ =	shalt  }
0x75: {  	_ =	shalt  }
0x76: {  	_ =	shalt  }
0x77: {  	_ =	shalt  }
0x78: {  	_ =	shalt  }
0x79: {  	_ =	shalt  }
0x7a: {  	_ =	shalt  }
0x7b: {  	_ =	shalt  }
0x7c: {  	_ =	shalt  }
0x7d: {  	_ =	shalt  }
0x7e: {  	_ =	shalt  }
0x7f: {  	_ =	shalt  }
0x80: {  	_ =	shalt  }
0x81: {  	_ =	shalt  }
0x82: {  	_ =	shalt  }
0x83: {  	_ =	shalt  }
0x84: {  	_ =	shalt  }
0x85: {  	_ =	shalt  }
0x86: {  	_ =	shalt  }
0x87: {  	_ =	shalt  }
.Lfunc_end0:
.L_simem_size_0:
called_computation.1_lowered:
.L_overlay_start_0:
0x88: {  	s2 =	sld [smem:$0x3FD9]  }
0x89: {  	s3 =	sld [smem:$0x3FFE];
	_ =	sdelay $0x1  }
0x8a: {  	s1 =	srdreg.scid  }
0x8b: {  	s0 =	sand.u32 $0x1, s1  }
0x8c: {  	s16 =	sshll.u32 s0, $0xA;
	s2 =	sadd.s32 s3, s2  }
0x8d: {  	s2 =	sadd.s32 s2, s16  }
0x8e: {  	[smem:$0x3FBD] =	sst s2  }
0x8f: {  	_ = 	snop  }
0x90: {  	(tm) =	ssettm $0x1  }
0x91: {  	s17 =	sld [smem:$0x3FFB];
	_ =	sdelay $0x3  }
0x92: {  	_ =	strace s17  }
0x93: {  	s2 =	sld [smem:$0x3FFC];
	_ =	sdelay $0x3  }
0x94: {  	_ =	strace s2  }
0x95: {  	s2 =	sld [smem:$0x3FFD];
	_ =	sdelay $0x3  }
0x96: {  	_ =	strace s2  }
0x97: {  	_ =	strace $0x8FFFFFFF  }
0x98: {  	s18 =	sld [smem:$0x3FDB];
	_ =	sdelay $0x1  }
0x99: {  	s19 =	simm.s32 $_scs_section_size  }
0x9a: {  	s4 =	simm.s32 $_size__tile_overlayer_lowered;
	s5 =	simm.s32 $_tile_overlayer_lowered  }
0x9b: {  	s22 =	simm.s32 $0x1BFF;
	s21 =	sshll.u32 s5, $0x1;
	s2 =	sadd.s32 s19, s18  }
0x9c: {  	s6 =	simm.s32 $0x0;
	s20 =	sshll.u32 s4, $0x1;
	s4 =	sadd.s32 s21, s2  }
0x9d: {  	[timem:s6], [sflag:s22] =	dma.local [hbm:s4], s20  }
0x9e: {  	_ =	swait.ge [sflag:s22], s20  }
0x9f: {  	s3 =	ssub.s32 $0x0, s20;
	[sflag:s22] =	ssyncset.done $0x0  }
0xa0: {  	[sflag:s22] =	ssyncadd.s32 s3;
	_ =	sdelay $0x1  }
0xa1: {  	s23 =	simm.s32 $0x1B8B  }
0xa2: {  	_ =	swait.ge [sflag:s23], $0x1  }
0xa3: {  	[sflag:s23] =	ssyncset.done $0x0  }
0xa4: {  	s25 =	simm.s32 $0x1B8E;
	s24 =	sld [smem:$0x3FFE];
	[sflag:s23] =	ssyncadd.s32 $0xFFFFFFFF  }
0xa5: {  	s26 =	simm.s32 $execute0_lowered;
	[smem:$0x3FD2] =	sst s25  }
0xa6: {  	s4 =	sshll.u32 s26, $0x1;
	_ =	strace $0x80000049;
	[dreg:$0x1] =	wrdreg $0xFFFFFFFF  }
0xa7: {  	s28 =	simm.s32 $_size_execute0_lowered;
	s2 =	sadd.s32 s2, s4;
	[dreg:$0x0] =	wrdreg $0x0  }
0xa8: {  	s4 =	sshll.u32 s28, $0x1;
	[dreg:$0x2] =	wrdreg s2  }
0xa9: {  	[dreg:$0x3] =	wrdreg s4  }
0xaa: {  	[dreg:$0x4] =	wrdreg $0xC0  }
0xab: {  	_ =	task [dreg:s6], $0x5FFFF  }
0xac: {  	[dreg:$0x1] =	wrdreg $0xFFFFFFFF  }
0xad: {  	[dreg:$0x0] =	wrdreg $0x60  }
0xae: {  	[dreg:$0x2] =	wrdreg s24  }
0xaf: {  	[dreg:$0x3] =	wrdreg $0x7B000  }
0xb0: {  	[dreg:$0x4] =	wrdreg $0x9  }
0xb1: {  	_ =	task.clear_ibuf [dreg:s6], $0x5FFFF;
	_ =	strace $0x90000049  }
0xb2: {  	s29 =	simm.s32 $0x9;
	_ =	strace $0x8000004B  }
0xb3: {  	_ =	swait.ge [sflag:s29], $0x1  }
0xb4: {  	[sflag:s29] =	ssyncadd.s32 $0xFFFFFFFF  }
0xb5: {  	_ =	strace $0x9000004B  }
0xb6: {  	_ =	sfence  }
0xb7: {  	s30 =	sld [smem:$0x0];
	_ =	sdelay $0x2  }
0xb8: {  	s31 =	sshll.u32 s1, $0xD;
	s1 =	sshrl.u32 s1, $0x2  }
0xb9: {  	s3 =	sand.u32 $0x4000, s31;
	s1 =	sadd.s32 s1, s30  }
0xba: {  	s0 =	sor.u32 s3, s0;
	s1 =	sshll.u32 s1, $0x11  }
0xbb: {  	s0 =	sor.u32 s1, s0  }
0xbc: {  	s0 =	sadd.s32 $0x8F2B, s0  }
0xbd: {  	[sflag:s0] =	ssyncadd.remote.s32 $0x1  }
0xbe: {  	_ =	sfence.sel $0xFFFF  }
0xbf: {  	[dreg:$0x0] =	wrdreg $0xFFFFFFFF;
	(pc) =	sbr.abs _section_cstart, $3  }
0xc0: {  	[dreg:$0x1] =	wrdreg $0xFFFFFFFF  }
0xc1: {  	_ =	task.clear_ibuf [dreg:s6], $0x2FFFF;
	_ =	strace $0x9FFFFFFF  }
0xc2: {  	(tm) =	ssettm $0x7FFFFFFF  }
0xc3: {  	_ =	shalt  }
tec
execute0_lowered:
.L_overlay_start_1:
0x0: {  	(tag) =	ssettag $0x1  }
0x1: {  	s0 =	rddreg [dreg:$0x0]  }
0x2: {  	s1 =	rddreg [dreg:$0x1];
	s2 =	simm.s32 $0x0;
	s4 =	srdreg.scid  }
0x3: {  	s19 =	stileid.u32;
	s17 =	simm.s32 $0x4;
	s28 =	simm.s32 $0x80  }
0x4: {  	s29 =	simm.s32 $0x2;
	s30 =	simm.s32 $0x180;
	s31 =	simm.s32 $0x3  }
0x5: {  	[smem:$0x7FF] =	sst s2;
	s3 =	sadd.s32 $0x26200, s0;
	s5 =	sadd.s32 $0x4600, s0  }
0x6: {  	s6 =	sadd.s32 $0x23A00, s0;
	s4 =	sand.u32 $0x1, s4;
	s10 =	smul.u32 $0x4E000, s19  }
0x7: {  	s0 =	sadd.s32 $0x4D400, s0;
	s21 =	sshll.u32 s19, $0x6;
	s22 =	smul.u32 $0x13800, s19  }
0x8: {  	s18 =	sadd.s32 $0x138000, s1;
	s24 =	smul.u32 $0x7D00, s19;
	p0 =	sne.s32 s19, $0xF  }
0x9: {  	_ =	strace $0x8000004A;
	[dreg:$0x3] =	wrdreg s6;
	s11 =	smul.u32 $0x138800, s4  }
0xa: {  	s7 =	ssub.s32 $0x2, s4;
	s8 =	sshll.u32 s4, $0x4;
	s4 =	smul.u32 $0x7D000, s4  }
0xb: {  	s18 =	sshrl.u32 @!p0 s18, $0x3;
	s9 =	sshrl.u32 s7, $0x1;
	s8 =	sor.u32 s19, s8  }
0xc: {  	s20 =	sshrl.u32 s10, $0x2;
	s19 =	simm.s32 $0x50;
	s9 =	ssub.s32 s7, s9  }
0xd: {  	s8 =	smul.u32 $0x7D00, s8;
	s16 =	sadd.s32 s20, s1;
	s7 =	sor.u32 $0x1C04, s21  }
0xe: {  	s23 =	sadd.s32 s22, s11;
	s11 =	sshrl.u32 s11, $0x3;
	s4 =	sadd.s32 s24, s4  }
0xf: {  	s20 =	simm.s32 $0x300;
	s21 =	simm.s32 $0x100;
	s22 =	simm.s32 $0x2B00  }
0x10: {  	s24 =	simm.s32 $0x5;
	s25 =	sadd.s32 $0x400, s4;
	s26 =	sadd.s32 $0x200, s4  }
0x11: {  	s9 =	smax.u32 s9, $0x1;
	s13 =	sadd.s32 $0x300, s4;
	s8 =	sshrl.u32 s8, $0x3  }
0x12: {  	s16 =	sshrl.u32 s16, $0x3;
	[dreg:$0x8] =	wrdreg s9;
	s12 =	sadd.s32 s5, s8  }
0x13: {  	s8 =	sshrl.u32 s23, $0x3;
	[dreg:$0x4] =	wrdreg s12;
	s12 =	sadd.s32 $0x20, s12  }
0x14: {  	s4 =	simm.s32 $0x0;
	s8 =	sadd.s32 s0, s8;
	[dreg:$0x5] =	wrdreg s12  }
0x15: {  	s23 =	simm.s32 $0x200;
	s0 =	sadd.s32 s0, s11;
	[dreg:$0x6] =	wrdreg s8  }
0x16: {  	s0 =	sadd.s32 $0x27000, s0;
	s8 =	sshrl.u32 s26, $0x3;
	s26 =	simm.s32 $0x1  }
0x17: {  	[dreg:$0x7] =	wrdreg s0;
	s0 =	sshrl.u32 s25, $0x3;
	s15 =	sadd.s32 s8, s5  }
0x18: {  	s25 =	simm.s32 $0x5300;
	s14 =	sadd.s32 s0, s5;
	s0 =	simm.s32 $0x280  }
.LBB2_1:
0x19: {  	s6 =	rddreg [dreg:$0x3]  }
0x1a: {  	[spmem:s16], [sflag:s7] =	dma.local [hbm:s6], $0x2700  }
0x1b: {  	_ =	swait.ge [sflag:s17], $0x2700  }
0x1c: {  	[sflag:s17] =	ssyncset.done $0x0  }
0x1d: {  	s8 =	simm.s32 @!p0 $0x4;
	[sflag:s17] =	ssyncadd.s32 $0xFFFFD900  }
0x1e: {  	[spmem:s18], [sflag:s7] =	dma.local @!p0 [hbm:s6], $0x100  }
0x1f: {  	_ =	swait.ge @!p0 [sflag:s8], $0x100  }
0x20: {  	[sflag:s8] =	ssyncset.done @!p0 $0x0  }
0x21: {  	[sflag:s8] =	ssyncadd.s32 @!p0 $0xFFFFFF00  }
0x22: {  	[bflag:$0x0] =	sbarrier.arrive $0xFFFF  }
0x23: {  	s8 =	rddreg [dreg:$0x4]  }
0x24: {  	[tilespmem:s2], [sflag:$0x4] =	stream.linear.gather [hbm4b:s8+s2], $0x100, $0x38;
	[tilespmem:$0x1B380] =	vst v63  }
0x25: {  	_ =	swait.ge [sflag:s17], $0x100  }
0x26: {  	[sflag:s17] =	ssyncset.done $0x0  }
0x27: {  	[sflag:s17] =	ssyncadd.s32 $0xFFFFFF00  }
0x28: {  	[tilespmem:s20], [sflag:$0x1] =	stream.indirect.gather [hbm4b:s3+s19], $0x80, s2, s19, $0xb8;
	[tilespmem:$0x1B380] =	vst v63  }
0x29: {  	s9 =	rddreg [dreg:$0x5]  }
0x2a: {  	[tilespmem:s21], [sflag:$0x4] =	stream.linear.gather [hbm4b:s9+s2], $0x100, $0x38;
	[tilespmem:$0x1B380] =	vst v63  }
0x2b: {  	_ =	swait.ge [sflag:s17], $0x100  }
0x2c: {  	[sflag:s17] =	ssyncset.done $0x0  }
0x2d: {  	[sflag:s17] =	ssyncadd.s32 $0xFFFFFF00  }
0x2e: {  	[tilespmem:s22], [sflag:$0x2] =	stream.indirect.gather [hbm4b:s3+s19], $0x80, s21, s19, $0xb8;
	[tilespmem:$0x1B380] =	vst v63  }
0x2f: {  	s10 =	sadd.s32 $0x0, s15  }
0x30: {  	[tilespmem:s23], [sflag:$0x5] =	stream.linear.gather [hbm4b:s10+s2], $0x100, $0x38;
	[tilespmem:$0x1B380] =	vst v63  }
0x31: {  	_ =	swait.ge [sflag:s24], $0x100  }
0x32: {  	[sflag:s24] =	ssyncset.done $0x0  }
0x33: {  	[sflag:s24] =	ssyncadd.s32 $0xFFFFFF00  }
0x34: {  	[tilespmem:s25], [sflag:$0x3] =	stream.indirect.gather [hbm4b:s3+s19], $0x80, s23, s19, $0xb8;
	[tilespmem:$0x1B380] =	vst v63  }
0x35: {  	_ =	swait.ge [sflag:s26], $0x2800  }
0x36: {  	[sflag:s26] =	ssyncset.done $0x0  }
0x37: {  	[sflag:s26] =	ssyncadd.s32 $0xFFFFD800  }
0x38: {  	[spmem:s1] =	stream.indirect.scatter.add.f32 [tilespmem:s20], [sflag:$0x5], $0x80, s28, s19, $0xb8;
	[tilespmem:$0x1B380] =	vst v63  }
0x39: {  	_ =	swait.ge [sflag:s24], $0x2800  }
0x3a: {  	s11 =	sshrl.u32 s13, $0x3;
	[sflag:s24] =	ssyncset.done $0x0  }
0x3b: {  	s8 =	sadd.s32 s5, s11;
	[sflag:s24] =	ssyncadd.s32 $0xFFFFD800  }
0x3c: {  	[tilespmem:s2], [sflag:$0x5] =	stream.linear.gather [hbm4b:s8+s2], $0x100, $0x38;
	[tilespmem:$0x1B380] =	vst v63  }
0x3d: {  	_ =	swait.ge [sflag:s24], $0x100  }
0x3e: {  	[sflag:s24] =	ssyncset.done $0x0  }
0x3f: {  	[sflag:s24] =	ssyncadd.s32 $0xFFFFFF00  }
0x40: {  	[tilespmem:s20], [sflag:$0x1] =	stream.indirect.gather [hbm4b:s3+s19], $0x80, s2, s19, $0xb8;
	[tilespmem:$0x1B380] =	vst v63  }
0x41: {  	_ =	swait.ge [sflag:s29], $0x2800  }
0x42: {  	[sflag:s29] =	ssyncset.done $0x0  }
0x43: {  	[sflag:s29] =	ssyncadd.s32 $0xFFFFD800  }
0x44: {  	[spmem:s1] =	stream.indirect.scatter.add.f32 [tilespmem:s22], [sflag:$0x5], $0x80, s30, s19, $0xb8;
	[tilespmem:$0x1B380] =	vst v63  }
0x45: {  	_ =	swait.ge [sflag:s24], $0x2800  }
0x46: {  	[sflag:s24] =	ssyncset.done $0x0  }
0x47: {  	s12 =	sadd.s32 $0x0, s14;
	[sflag:s24] =	ssyncadd.s32 $0xFFFFD800  }
0x48: {  	[tilespmem:s21], [sflag:$0x5] =	stream.linear.gather [hbm4b:s12+s2], $0x100, $0x38;
	[tilespmem:$0x1B380] =	vst v63  }
0x49: {  	_ =	swait.ge [sflag:s24], $0x100  }
0x4a: {  	[sflag:s24] =	ssyncset.done $0x0  }
0x4b: {  	[sflag:s24] =	ssyncadd.s32 $0xFFFFFF00  }
0x4c: {  	[tilespmem:s22], [sflag:$0x2] =	stream.indirect.gather [hbm4b:s3+s19], $0x80, s21, s19, $0xb8;
	[tilespmem:$0x1B380] =	vst v63  }
0x4d: {  	_ =	swait.ge [sflag:s31], $0x2800  }
0x4e: {  	[sflag:s31] =	ssyncset.done $0x0  }
0x4f: {  	[sflag:s31] =	ssyncadd.s32 $0xFFFFD800  }
0x50: {  	[spmem:s1] =	stream.indirect.scatter.add.f32 [tilespmem:s25], [sflag:$0x4], $0x80, s0, s19, $0xb8;
	[tilespmem:$0x1B380] =	vst v63  }
0x51: {  	s9 =	simm.s32 $0x60;
	_ =	swait.ge [sflag:s17], $0x2800  }
0x52: {  	s10 =	sadd.s32 $0x300, s13;
	s8 =	simm.s32 $0xC0;
	[sflag:s17] =	ssyncset.done $0x0  }
.LBB2_2:
0x53: {  	s12 =	sadd.s32 s9, s15  }
0x54: {  	[sflag:s17] =	ssyncadd.s32 $0xFFFFD800;
	s6 =	smov.u32 s8;
	s11 =	sadd.s32 $0x60, s8  }
0x55: {  	[tilespmem:s23], [sflag:$0x5] =	stream.linear.gather [hbm4b:s12+s2], $0x100, $0x38;
	[tilespmem:$0x1B380] =	vst v63  }
0x56: {  	p1 =	sne.s32 s8, $0xF00;
	_ =	swait.ge [sflag:s24], $0x100  }
0x57: {  	[sflag:s24] =	ssyncset.done $0x0  }
0x58: {  	[sflag:s24] =	ssyncadd.s32 $0xFFFFFF00  }
0x59: {  	[tilespmem:s25], [sflag:$0x3] =	stream.indirect.gather [hbm4b:s3+s19], $0x80, s23, s19, $0xb8;
	[tilespmem:$0x1B380] =	vst v63  }
0x5a: {  	_ =	swait.ge [sflag:s26], $0x2800  }
0x5b: {  	[sflag:s26] =	ssyncset.done $0x0  }
0x5c: {  	[sflag:s26] =	ssyncadd.s32 $0xFFFFD800  }
0x5d: {  	[spmem:s1] =	stream.indirect.scatter.add.f32 [tilespmem:s20], [sflag:$0x5], $0x80, s28, s19, $0xb8;
	[tilespmem:$0x1B380] =	vst v63  }
0x5e: {  	_ =	swait.ge [sflag:s24], $0x2800  }
0x5f: {  	s8 =	sshrl.u32 s10, $0x3;
	[sflag:s24] =	ssyncset.done $0x0  }
0x60: {  	s8 =	sadd.s32 s5, s8;
	[sflag:s24] =	ssyncadd.s32 $0xFFFFD800  }
0x61: {  	[tilespmem:s2], [sflag:$0x5] =	stream.linear.gather [hbm4b:s8+s2], $0x100, $0x38;
	[tilespmem:$0x1B380] =	vst v63  }
0x62: {  	_ =	swait.ge [sflag:s24], $0x100  }
0x63: {  	[sflag:s24] =	ssyncset.done $0x0  }
0x64: {  	[sflag:s24] =	ssyncadd.s32 $0xFFFFFF00  }
0x65: {  	[tilespmem:s20], [sflag:$0x1] =	stream.indirect.gather [hbm4b:s3+s19], $0x80, s2, s19, $0xb8;
	[tilespmem:$0x1B380] =	vst v63  }
0x66: {  	_ =	swait.ge [sflag:s29], $0x2800  }
0x67: {  	[sflag:s29] =	ssyncset.done $0x0  }
0x68: {  	[sflag:s29] =	ssyncadd.s32 $0xFFFFD800  }
0x69: {  	[spmem:s1] =	stream.indirect.scatter.add.f32 [tilespmem:s22], [sflag:$0x5], $0x80, s30, s19, $0xb8;
	[tilespmem:$0x1B380] =	vst v63  }
0x6a: {  	_ =	swait.ge [sflag:s24], $0x2800  }
0x6b: {  	[sflag:s24] =	ssyncset.done $0x0  }
0x6c: {  	s8 =	sadd.s32 s9, s14;
	s9 =	smov.u32 s6;
	[sflag:s24] =	ssyncadd.s32 $0xFFFFD800  }
0x6d: {  	[tilespmem:s21], [sflag:$0x5] =	stream.linear.gather [hbm4b:s8+s2], $0x100, $0x38;
	[tilespmem:$0x1B380] =	vst v63  }
0x6e: {  	_ =	swait.ge [sflag:s24], $0x100  }
0x6f: {  	[sflag:s24] =	ssyncset.done $0x0  }
0x70: {  	[sflag:s24] =	ssyncadd.s32 $0xFFFFFF00  }
0x71: {  	[tilespmem:s22], [sflag:$0x2] =	stream.indirect.gather [hbm4b:s3+s19], $0x80, s21, s19, $0xb8;
	[tilespmem:$0x1B380] =	vst v63  }
0x72: {  	_ =	swait.ge [sflag:s31], $0x2800  }
.Ltmp0:
0x73: {  	[sflag:s31] =	ssyncset.done $0x0;
	(pc) =	sbr.rel @p1 .LBB2_2-.Ltmp0, $4  }
0x74: {  	[sflag:s31] =	ssyncadd.s32 $0xFFFFD800  }
0x75: {  	[spmem:s1] =	stream.indirect.scatter.add.f32 [tilespmem:s25], [sflag:$0x4], $0x80, s0, s19, $0xb8;
	[tilespmem:$0x1B380] =	vst v63  }
0x76: {  	_ =	swait.ge [sflag:s17], $0x2800  }
0x77: {  	s10 =	sadd.s32 $0x300, s10;
	s8 =	smov.u32 s11;
	[sflag:s17] =	ssyncset.done $0x0  }
0x78: {  	s6 =	sadd.s32 s9, s15;
	[sflag:s17] =	ssyncadd.s32 $0xFFFFD800  }
0x79: {  	[tilespmem:s23], [sflag:$0x5] =	stream.linear.gather [hbm4b:s6+s2], $0x100, $0x38;
	[tilespmem:$0x1B380] =	vst v63  }
0x7a: {  	_ =	swait.ge [sflag:s24], $0x100  }
0x7b: {  	[sflag:s24] =	ssyncset.done $0x0  }
0x7c: {  	[sflag:s24] =	ssyncadd.s32 $0xFFFFFF00  }
0x7d: {  	[tilespmem:s25], [sflag:$0x3] =	stream.indirect.gather [hbm4b:s3+s19], $0x80, s23, s19, $0xb8;
	[tilespmem:$0x1B380] =	vst v63  }
0x7e: {  	_ =	swait.ge [sflag:s26], $0x2800  }
0x7f: {  	[sflag:s26] =	ssyncset.done $0x0  }
0x80: {  	[sflag:s26] =	ssyncadd.s32 $0xFFFFD800  }
0x81: {  	[spmem:s1] =	stream.indirect.scatter.add.f32 [tilespmem:s20], [sflag:$0x5], $0x80, s28, s19, $0xb8;
	[tilespmem:$0x1B380] =	vst v63  }
0x82: {  	_ =	swait.ge [sflag:s24], $0x2800  }
0x83: {  	s10 =	sshrl.u32 s10, $0x3;
	[sflag:s24] =	ssyncset.done $0x0  }
0x84: {  	s6 =	sadd.s32 s5, s10;
	[sflag:s24] =	ssyncadd.s32 $0xFFFFD800  }
0x85: {  	[tilespmem:s2], [sflag:$0x5] =	stream.linear.gather [hbm4b:s6+s2], $0x100, $0x38;
	[tilespmem:$0x1B380] =	vst v63  }
0x86: {  	_ =	swait.ge [sflag:s24], $0x100  }
0x87: {  	[sflag:s24] =	ssyncset.done $0x0  }
0x88: {  	[sflag:s24] =	ssyncadd.s32 $0xFFFFFF00  }
0x89: {  	[tilespmem:s20], [sflag:$0x1] =	stream.indirect.gather [hbm4b:s3+s19], $0x80, s2, s19, $0xb8;
	[tilespmem:$0x1B380] =	vst v63  }
0x8a: {  	_ =	swait.ge [sflag:s29], $0x2800  }
0x8b: {  	[sflag:s29] =	ssyncset.done $0x0  }
0x8c: {  	[sflag:s29] =	ssyncadd.s32 $0xFFFFD800  }
0x8d: {  	[spmem:s1] =	stream.indirect.scatter.add.f32 [tilespmem:s22], [sflag:$0x5], $0x80, s30, s19, $0xb8;
	[tilespmem:$0x1B380] =	vst v63  }
0x8e: {  	_ =	swait.ge [sflag:s24], $0x2800  }
0x8f: {  	[sflag:s24] =	ssyncset.done $0x0  }
0x90: {  	s11 =	sadd.s32 s9, s14;
	[sflag:s24] =	ssyncadd.s32 $0xFFFFD800  }
0x91: {  	[tilespmem:s21], [sflag:$0x5] =	stream.linear.gather [hbm4b:s11+s2], $0x100, $0x38;
	[tilespmem:$0x1B380] =	vst v63  }
0x92: {  	_ =	swait.ge [sflag:s24], $0x100  }
0x93: {  	[sflag:s24] =	ssyncset.done $0x0  }
0x94: {  	[sflag:s24] =	ssyncadd.s32 $0xFFFFFF00  }
0x95: {  	[tilespmem:s22], [sflag:$0x2] =	stream.indirect.gather [hbm4b:s3+s19], $0x80, s21, s19, $0xb8;
	[tilespmem:$0x1B380] =	vst v63  }
0x96: {  	_ =	swait.ge [sflag:s31], $0x2800  }
0x97: {  	[sflag:s31] =	ssyncset.done $0x0  }
0x98: {  	[sflag:s31] =	ssyncadd.s32 $0xFFFFD800  }
0x99: {  	[spmem:s1] =	stream.indirect.scatter.add.f32 [tilespmem:s25], [sflag:$0x4], $0x80, s0, s19, $0xb8;
	[tilespmem:$0x1B380] =	vst v63  }
0x9a: {  	_ =	swait.ge [sflag:s17], $0x2800  }
0x9b: {  	[sflag:s17] =	ssyncset.done $0x0  }
0x9c: {  	[sflag:s17] =	ssyncadd.s32 $0xFFFFD800  }
0x9d: {  	_ =	swait.ge [sflag:s26], $0x2800  }
0x9e: {  	[sflag:s26] =	ssyncset.done $0x0  }
0x9f: {  	[sflag:s26] =	ssyncadd.s32 $0xFFFFD800  }
0xa0: {  	[spmem:s1] =	stream.indirect.scatter.add.f32 [tilespmem:s20], [sflag:$0x5], $0x80, s28, s19, $0xb8;
	[tilespmem:$0x1B380] =	vst v63  }
0xa1: {  	_ =	swait.ge [sflag:s24], $0x2800  }
0xa2: {  	[sflag:s24] =	ssyncset.done $0x0  }
0xa3: {  	[sflag:s24] =	ssyncadd.s32 $0xFFFFD800  }
0xa4: {  	_ =	swait.ge [sflag:s29], $0x2800  }
0xa5: {  	[sflag:s29] =	ssyncset.done $0x0  }
0xa6: {  	[sflag:s29] =	ssyncadd.s32 $0xFFFFD800  }
0xa7: {  	[spmem:s1] =	stream.indirect.scatter.add.f32 [tilespmem:s22], [sflag:$0x5], $0x80, s30, s19, $0xb8;
	[tilespmem:$0x1B380] =	vst v63  }
0xa8: {  	_ =	swait.ge [sflag:s24], $0x2800  }
0xa9: {  	[sflag:s24] =	ssyncset.done $0x0  }
0xaa: {  	[sflag:s24] =	ssyncadd.s32 $0xFFFFD800  }
0xab: {  	[bflag:$0x0] =	sbarrier.arrive $0xFFFF  }
0xac: {  	s12 =	rddreg [dreg:$0x6]  }
0xad: {  	[hbm:s12], [sflag:s7] =	dma.local [spmem:s16], $0x2700  }
0xae: {  	_ =	swait.ge [sflag:s17], $0x2700  }
0xaf: {  	[sflag:s17] =	ssyncset.done $0x0  }
0xb0: {  	s6 =	rddreg [dreg:$0x7];
	[sflag:s17] =	ssyncadd.s32 $0xFFFFD900  }
0xb1: {  	[hbm:s6], [sflag:s7] =	dma.local @!p0 [spmem:s18], $0x100  }
0xb2: {  	s6 =	simm.s32 @!p0 $0x4  }
0xb3: {  	_ =	swait.ge @!p0 [sflag:s6], $0x100  }
0xb4: {  	s4 =	sadd.s32 $0x1, s4;
	s8 =	rddreg [dreg:$0x8]  }
0xb5: {  	p1 =	sne.s32 s4, s8  }
.Ltmp1:
0xb6: {  	_ = 	snop;
	(pc) =	sbr.rel @p1 .LBB2_1-.Ltmp1, $3  }
0xb7: {  	_ =	sdelay $0x1  }
0xb8: {  	[sflag:s6] =	ssyncset.done @!p0 $0x0  }
0xb9: {  	[sflag:s6] =	ssyncadd.s32 @!p0 $0xFFFFFF00  }
0xba: {  	_ =	sfence.sel $0x180000  }
0xbb: {  	[bflag:$0x0] =	sbarrier.arrive $0xFFFF  }
0xbc: {  	_ =	strace $0x9000004A  }
0xbd: {  	s0 =	stileid.u32;
	[bflag:$0x2] =	sbarrier.arrive $0xFFFF  }
0xbe: {  	p0 =	sne.s32 s0, $0x0;
	s0 =	rddreg [dreg:$0x2]  }
0xbf: {  	s0 =	sadd.s32 @!p0 $0x100000, s0  }
0xc0: {  	[sflag:s0] =	ssyncadd.tile.s32 @!p0 $0x1;
	_ =	shalt  }
.Lfunc_end2:
_tile_overlayer_lowered:
.L_overlay_start_2:
0xc1: {  	(tag) =	ssettag $0x2  }
0xc2: {  	s0 =	rddreg [dreg:$0x0];
	s2 =	stileid.u32  }
0xc3: {  	s1 =	rddreg [dreg:$0x1];
	p0 =	sne.s32 s2, $0x0  }
0xc4: {  	s3 =	rddreg [dreg:$0x2];
	[bflag:$0x3] =	sbarrier.arrive $0xFFFF;
	s2 =	simm.s32 @!p0 $0x1C04  }
0xc5: {  	[timem:s3], [sflag:s2] =	dma.local @!p0 [hbm:s0], s1  }
0xc6: {  	s0 =	simm.s32 @!p0 $0x4  }
0xc7: {  	_ =	swait.ge @!p0 [sflag:s0], s1  }
0xc8: {  	s1 =	ssub.s32 @!p0 $0x0, s1;
	[sflag:s0] =	ssyncset.done @!p0 $0x0  }
0xc9: {  	[sflag:s0] =	ssyncadd.s32 @!p0 s1  }
0xca: {  	[bflag:$0x3] =	sbarrier.arrive $0xFFFF  }
0xcb: {  	_ =	shalt  }

// kernel: kernel.19.cloned.1.call-start
scs
__scs_entry_jumppad:
0x0: {  	(pc) =	sbr.rel $0x88, $3  }
0x1: {  	(tag) =	ssettag $0x0;
	lr =	simm.s32 $0x1  }
0x2: {  	[smem:$0x3F96] =	sst lr;
	_ =	strace $0xD0000000  }
0x3: {  	_ = 	snop  }
0x4: {  	_ = 	snop  }
0x5: {  	_ = 	snop  }
0x6: {  	_ = 	snop  }
0x7: {  	_ = 	snop  }
__scs_overlays_trampoline_lowered:
0x8: {  	[smem:$0x3FA5] =	sst s0  }
0x9: {  	[smem:$0x3FA6] =	sst s1  }
0xa: {  	[smem:$0x3FA7] =	sst s2  }
0xb: {  	[smem:$0x3FA8] =	sst s3  }
0xc: {  	[smem:$0x3FA9] =	sst s4  }
0xd: {  	[smem:$0x3FAA] =	sst s5  }
0xe: {  	[smem:$0x3FAB] =	sst s6  }
0xf: {  	[smem:$0x3FAC] =	sst s7  }
0x10: {  	[smem:$0x3FAD] =	sst s8  }
0x11: {  	[smem:$0x3FAE] =	sst s9;
	s0 =	simm.s32 @!p0 $0x0  }
0x12: {  	s1 =	sld [smem:$0x3F94];
	s0 =	simm.s32 @p0 $0x1  }
0x13: {  	[smem:$0x3FAF] =	sst s0;
	s0 =	simm.s32 @!p1 $0x0  }
0x14: {  	s2 =	sld [smem:$0x3F93];
	s0 =	simm.s32 @p1 $0x1  }
0x15: {  	[smem:$0x3FB0] =	sst s0;
	s0 =	simm.s32 @!p2 $0x0  }
0x16: {  	s3 =	sld [smem:$0x3FDB];
	s0 =	simm.s32 @p2 $0x1  }
0x17: {  	s4 =	simm.s32 $0x1BF5;
	[smem:$0x3FB2] =	sst s0  }
0x18: {  	s0 =	sld [smem:$0x3F95];
	_ =	swait.ge [sflag:s4], $0x0  }
0x19: {  	s7 =	sld [smem:$0x3F96]  }
0x1a: {  	s8 =	sadd.s32 $0xFFFFE003, lr  }
0x1b: {  	s9 =	sadd.s32 $0xFFFFFEF7, lr;
	s5 =	simm.s32 $0xFFFFFFFF;
	p2 =	slt.u32 s8, $0xFFFFF086  }
0x1c: {  	p1 =	slt.u32 s9, $0xF7A;
	s5 =	simm.s32 @!p2 $0x0  }
0x1d: {  	s5 =	simm.s32 @p1 $0x1;
	p0 =	seq.s32 s7, s2  }
0x1e: {  	s7 =	smul.u32 @!p0 $0xF7A, s2;
	p2 =	seq.s32 @!p0 s5, $0x0  }
0x1f: {  	s9 =	smul.u32 $0xF7A, s1;
	s8 =	simm.s32 @!p0 $0x1BF5;
	p2 =	por !p2, p0  }
0x20: {  	[sflag:s8] =	ssyncset.s32 @!p0 $0xFFFFF086;
	s6 =	sadd.s32 @!p0 s3, s7;
	s7 =	simm.s32 @!p0 $0x108  }
0x21: {  	s3 =	sadd.s32 s3, s9;
	s6 =	sadd.s32 @!p0 $0x88, s6;
	s7 =	simm.s32 @p2 $0x1082  }
0x22: {  	[simem:s7], [sflag:s8] =	dma.local @!p0 [hbm:s6], $0xF7A  }
0x23: {  	s9 =	sor.u32 $0xD0000000, s2;
	s6 =	simm.s32 $0x108;
	_ =	swait.ge @!p0 [sflag:s8], $0x0  }
0x24: {  	s3 =	sadd.s32 $0x88, s3;
	s6 =	simm.s32 @!p1 $0x1082;
	[sflag:s4] =	ssyncset.s32 $0xFFFFF086  }
0x25: {  	[simem:s6], [sflag:s4] =	dma.local [hbm:s3], $0xF7A  }
0x26: {  	[smem:$0x3F96] =	sst s1;
	(tag) =	ssettag s2;
	_ =	strace s9  }
0x27: {  	s1 =	sld [smem:$0x3FA6]  }
0x28: {  	s2 =	sld [smem:$0x3FA7]  }
0x29: {  	s4 =	sld [smem:$0x3FA9]  }
0x2a: {  	p0 =	seq.s32 s5, $0x0;
	s5 =	sld [smem:$0x3FAA]  }
0x2b: {  	s6 =	sld [smem:$0x3FAB]  }
0x2c: {  	s7 =	sld [smem:$0x3FAC]  }
0x2d: {  	s3 =	simm.s32 $0x108;
	s8 =	sld [smem:$0x3FAD]  }
0x2e: {  	s3 =	simm.s32 @!p0 $0x1082;
	s9 =	sld [smem:$0x3FAE]  }
0x2f: {  	lr =	sadd.s32 s0, s3;
	s0 =	sld [smem:$0x3FA5]  }
0x30: {  	s3 =	sld [smem:$0x3FA8]  }
0x31: {  	[smem:$0x3FB1] =	sst s10  }
0x32: {  	s10 =	sld [smem:$0x3FAF];
	_ =	sdelay $0x3  }
0x33: {  	p0 =	seq.s32 s10, $0x1;
	s10 =	sld [smem:$0x3FB1];
	_ =	sdelay $0x3  }
0x34: {  	[smem:$0x3FB1] =	sst s10  }
0x35: {  	s10 =	sld [smem:$0x3FB0];
	_ =	sdelay $0x3  }
0x36: {  	p1 =	seq.s32 s10, $0x1;
	s10 =	sld [smem:$0x3FB1];
	_ =	sdelay $0x3  }
0x37: {  	[smem:$0x3FB1] =	sst s10  }
0x38: {  	s10 =	sld [smem:$0x3FB2]  }
0x39: {  	_ = 	snop;
	(pc) =	sbr.ind lr, $3  }
0x3a: {  	_ = 	snop  }
0x3b: {  	_ = 	snop  }
0x3c: {  	p2 =	seq.s32 s10, $0x1;
	s10 =	sld [smem:$0x3FB1]  }
0x3d: {  	_ =	shalt  }
0x3e: {  	_ =	shalt  }
0x3f: {  	_ =	shalt  }
0x40: {  	_ =	shalt  }
0x41: {  	_ =	shalt  }
0x42: {  	_ =	shalt  }
0x43: {  	_ =	shalt  }
0x44: {  	_ =	shalt  }
0x45: {  	_ =	shalt  }
0x46: {  	_ =	shalt  }
0x47: {  	_ =	shalt  }
0x48: {  	_ =	shalt  }
0x49: {  	_ =	shalt  }
0x4a: {  	_ =	shalt  }
0x4b: {  	_ =	shalt  }
0x4c: {  	_ =	shalt  }
0x4d: {  	_ =	shalt  }
0x4e: {  	_ =	shalt  }
0x4f: {  	_ =	shalt  }
0x50: {  	_ =	shalt  }
0x51: {  	_ =	shalt  }
0x52: {  	_ =	shalt  }
0x53: {  	_ =	shalt  }
0x54: {  	_ =	shalt  }
0x55: {  	_ =	shalt  }
0x56: {  	_ =	shalt  }
0x57: {  	_ =	shalt  }
0x58: {  	_ =	shalt  }
0x59: {  	_ =	shalt  }
0x5a: {  	_ =	shalt  }
0x5b: {  	_ =	shalt  }
0x5c: {  	_ =	shalt  }
0x5d: {  	_ =	shalt  }
0x5e: {  	_ =	shalt  }
0x5f: {  	_ =	shalt  }
0x60: {  	_ =	shalt  }
0x61: {  	_ =	shalt  }
0x62: {  	_ =	shalt  }
0x63: {  	_ =	shalt  }
0x64: {  	_ =	shalt  }
0x65: {  	_ =	shalt  }
0x66: {  	_ =	shalt  }
0x67: {  	_ =	shalt  }
0x68: {  	_ =	shalt  }
0x69: {  	_ =	shalt  }
0x6a: {  	_ =	shalt  }
0x6b: {  	_ =	shalt  }
0x6c: {  	_ =	shalt  }
0x6d: {  	_ =	shalt  }
0x6e: {  	_ =	shalt  }
0x6f: {  	_ =	shalt  }
0x70: {  	_ =	shalt  }
0x71: {  	_ =	shalt  }
0x72: {  	_ =	shalt  }
0x73: {  	_ =	shalt  }
0x74: {  	_ =	shalt  }
0x75: {  	_ =	shalt  }
0x76: {  	_ =	shalt  }
0x77: {  	_ =	shalt  }
0x78: {  	_ =	shalt  }
0x79: {  	_ =	shalt  }
0x7a: {  	_ =	shalt  }
0x7b: {  	_ =	shalt  }
0x7c: {  	_ =	shalt  }
0x7d: {  	_ =	shalt  }
0x7e: {  	_ =	shalt  }
0x7f: {  	_ =	shalt  }
0x80: {  	_ =	shalt  }
0x81: {  	_ =	shalt  }
0x82: {  	_ =	shalt  }
0x83: {  	_ =	shalt  }
0x84: {  	_ =	shalt  }
0x85: {  	_ =	shalt  }
0x86: {  	_ =	shalt  }
0x87: {  	_ =	shalt  }
.Lfunc_end0:
.L_simem_size_0:
called_computation.2_lowered:
.L_overlay_start_0:
0x88: {  	s2 =	sld [smem:$0x3FD9]  }
0x89: {  	s3 =	sld [smem:$0x3FFE];
	_ =	sdelay $0x1  }
0x8a: {  	s1 =	srdreg.scid  }
0x8b: {  	s0 =	sand.u32 $0x1, s1  }
0x8c: {  	s16 =	sshll.u32 s0, $0xA;
	s2 =	sadd.s32 s3, s2  }
0x8d: {  	s2 =	sadd.s32 s2, s16  }
0x8e: {  	[smem:$0x3FBD] =	sst s2  }
0x8f: {  	_ = 	snop  }
0x90: {  	(tm) =	ssettm $0x1  }
0x91: {  	s17 =	sld [smem:$0x3FFB];
	_ =	sdelay $0x3  }
0x92: {  	_ =	strace s17  }
0x93: {  	s2 =	sld [smem:$0x3FFC];
	_ =	sdelay $0x3  }
0x94: {  	_ =	strace s2  }
0x95: {  	s2 =	sld [smem:$0x3FFD];
	_ =	sdelay $0x3  }
0x96: {  	_ =	strace s2  }
0x97: {  	_ =	strace $0x8FFFFFFF  }
0x98: {  	s18 =	sld [smem:$0x3FDB];
	_ =	sdelay $0x1  }
0x99: {  	s19 =	simm.s32 $_scs_section_size  }
0x9a: {  	s4 =	simm.s32 $_size__tile_overlayer_lowered;
	s5 =	simm.s32 $_tile_overlayer_lowered  }
0x9b: {  	s22 =	simm.s32 $0x1BFF;
	s21 =	sshll.u32 s5, $0x1;
	s2 =	sadd.s32 s19, s18  }
0x9c: {  	s6 =	simm.s32 $0x0;
	s20 =	sshll.u32 s4, $0x1;
	s4 =	sadd.s32 s21, s2  }
0x9d: {  	[timem:s6], [sflag:s22] =	dma.local [hbm:s4], s20  }
0x9e: {  	_ =	swait.ge [sflag:s22], s20  }
0x9f: {  	s3 =	ssub.s32 $0x0, s20;
	[sflag:s22] =	ssyncset.done $0x0  }
0xa0: {  	[sflag:s22] =	ssyncadd.s32 s3;
	_ =	sdelay $0x1  }
0xa1: {  	s23 =	simm.s32 $0x1B8B  }
0xa2: {  	_ =	swait.ge [sflag:s23], $0x1  }
0xa3: {  	[sflag:s23] =	ssyncset.done $0x0  }
0xa4: {  	s25 =	simm.s32 $0x1B8E;
	s24 =	sld [smem:$0x3FFE];
	[sflag:s23] =	ssyncadd.s32 $0xFFFFFFFF  }
0xa5: {  	s26 =	simm.s32 $execute0_lowered;
	[smem:$0x3FD2] =	sst s25  }
0xa6: {  	s4 =	sshll.u32 s26, $0x1;
	_ =	strace $0x8000004C;
	[dreg:$0x1] =	wrdreg $0xFFFFFFFF  }
0xa7: {  	s28 =	simm.s32 $_size_execute0_lowered;
	s2 =	sadd.s32 s2, s4;
	[dreg:$0x0] =	wrdreg $0x0  }
0xa8: {  	s4 =	sshll.u32 s28, $0x1;
	[dreg:$0x2] =	wrdreg s2  }
0xa9: {  	[dreg:$0x3] =	wrdreg s4  }
0xaa: {  	[dreg:$0x4] =	wrdreg $0xC0  }
0xab: {  	_ =	task [dreg:s6], $0x5FFFF  }
0xac: {  	[dreg:$0x1] =	wrdreg $0xFFFFFFFF  }
0xad: {  	[dreg:$0x0] =	wrdreg $0x60  }
0xae: {  	[dreg:$0x2] =	wrdreg s24  }
0xaf: {  	[dreg:$0x3] =	wrdreg $0x7B000  }
0xb0: {  	[dreg:$0x4] =	wrdreg $0x9  }
0xb1: {  	_ =	task.clear_ibuf [dreg:s6], $0x5FFFF;
	_ =	strace $0x9000004C  }
0xb2: {  	s29 =	simm.s32 $0x9;
	_ =	strace $0x8000004E  }
0xb3: {  	_ =	swait.ge [sflag:s29], $0x1  }
0xb4: {  	[sflag:s29] =	ssyncadd.s32 $0xFFFFFFFF  }
0xb5: {  	_ =	strace $0x9000004E  }
0xb6: {  	_ =	sfence  }
0xb7: {  	s30 =	sld [smem:$0x0];
	_ =	sdelay $0x2  }
0xb8: {  	s31 =	sshll.u32 s1, $0xD;
	s1 =	sshrl.u32 s1, $0x2  }
0xb9: {  	s3 =	sand.u32 $0x4000, s31;
	s1 =	sadd.s32 s1, s30  }
0xba: {  	s0 =	sor.u32 s3, s0;
	s1 =	sshll.u32 s1, $0x11  }
0xbb: {  	s0 =	sor.u32 s1, s0  }
0xbc: {  	s0 =	sadd.s32 $0x8F2B, s0  }
0xbd: {  	[sflag:s0] =	ssyncadd.remote.s32 $0x1  }
0xbe: {  	_ =	sfence.sel $0xFFFF  }
0xbf: {  	[dreg:$0x0] =	wrdreg $0xFFFFFFFF;
	(pc) =	sbr.abs _section_cstart, $3  }
0xc0: {  	[dreg:$0x1] =	wrdreg $0xFFFFFFFF  }
0xc1: {  	_ =	task.clear_ibuf [dreg:s6], $0x2FFFF;
	_ =	strace $0x9FFFFFFF  }
0xc2: {  	(tm) =	ssettm $0x7FFFFFFF  }
0xc3: {  	_ =	shalt  }
tec
execute0_lowered:
.L_overlay_start_1:
0x0: {  	(tag) =	ssettag $0x1  }
0x1: {  	s0 =	rddreg [dreg:$0x0]  }
0x2: {  	s1 =	rddreg [dreg:$0x1];
	s2 =	simm.s32 $0x0;
	s4 =	srdreg.scid  }
0x3: {  	s19 =	stileid.u32;
	s17 =	simm.s32 $0x4;
	s28 =	simm.s32 $0x80  }
0x4: {  	s29 =	simm.s32 $0x2;
	s30 =	simm.s32 $0x180;
	s31 =	simm.s32 $0x3  }
0x5: {  	[smem:$0x7FF] =	sst s2;
	s3 =	sadd.s32 $0x26200, s0;
	s5 =	sadd.s32 $0x4600, s0  }
0x6: {  	s6 =	sadd.s32 $0x23A00, s0;
	s4 =	sand.u32 $0x1, s4;
	s10 =	smul.u32 $0x4E000, s19  }
0x7: {  	s0 =	sadd.s32 $0x4D400, s0;
	s21 =	sshll.u32 s19, $0x6;
	s22 =	smul.u32 $0x13800, s19  }
0x8: {  	s18 =	sadd.s32 $0x138000, s1;
	s24 =	smul.u32 $0x7D00, s19;
	p0 =	sne.s32 s19, $0xF  }
0x9: {  	_ =	strace $0x8000004D;
	[dreg:$0x3] =	wrdreg s6;
	s11 =	smul.u32 $0x138800, s4  }
0xa: {  	s7 =	ssub.s32 $0x2, s4;
	s8 =	sshll.u32 s4, $0x4;
	s4 =	smul.u32 $0x7D000, s4  }
0xb: {  	s18 =	sshrl.u32 @!p0 s18, $0x3;
	s9 =	sshrl.u32 s7, $0x1;
	s8 =	sor.u32 s19, s8  }
0xc: {  	s20 =	sshrl.u32 s10, $0x2;
	s19 =	simm.s32 $0x50;
	s9 =	ssub.s32 s7, s9  }
0xd: {  	s8 =	smul.u32 $0x7D00, s8;
	s16 =	sadd.s32 s20, s1;
	s7 =	sor.u32 $0x1C04, s21  }
0xe: {  	s23 =	sadd.s32 s22, s11;
	s11 =	sshrl.u32 s11, $0x3;
	s4 =	sadd.s32 s24, s4  }
0xf: {  	s20 =	simm.s32 $0x300;
	s21 =	simm.s32 $0x100;
	s22 =	simm.s32 $0x2B00  }
0x10: {  	s24 =	simm.s32 $0x5;
	s25 =	sadd.s32 $0x400, s4;
	s26 =	sadd.s32 $0x200, s4  }
0x11: {  	s9 =	smax.u32 s9, $0x1;
	s13 =	sadd.s32 $0x300, s4;
	s8 =	sshrl.u32 s8, $0x3  }
0x12: {  	s16 =	sshrl.u32 s16, $0x3;
	[dreg:$0x8] =	wrdreg s9;
	s12 =	sadd.s32 s5, s8  }
0x13: {  	s8 =	sshrl.u32 s23, $0x3;
	[dreg:$0x4] =	wrdreg s12;
	s12 =	sadd.s32 $0x20, s12  }
0x14: {  	s4 =	simm.s32 $0x0;
	s8 =	sadd.s32 s0, s8;
	[dreg:$0x5] =	wrdreg s12  }
0x15: {  	s23 =	simm.s32 $0x200;
	s0 =	sadd.s32 s0, s11;
	[dreg:$0x6] =	wrdreg s8  }
0x16: {  	s0 =	sadd.s32 $0x27000, s0;
	s8 =	sshrl.u32 s26, $0x3;
	s26 =	simm.s32 $0x1  }
0x17: {  	[dreg:$0x7] =	wrdreg s0;
	s0 =	sshrl.u32 s25, $0x3;
	s15 =	sadd.s32 s8, s5  }
0x18: {  	s25 =	simm.s32 $0x5300;
	s14 =	sadd.s32 s0, s5;
	s0 =	simm.s32 $0x280  }
.LBB2_1:
0x19: {  	s6 =	rddreg [dreg:$0x3]  }
0x1a: {  	[spmem:s16], [sflag:s7] =	dma.local [hbm:s6], $0x2700  }
0x1b: {  	_ =	swait.ge [sflag:s17], $0x2700  }
0x1c: {  	[sflag:s17] =	ssyncset.done $0x0  }
0x1d: {  	s8 =	simm.s32 @!p0 $0x4;
	[sflag:s17] =	ssyncadd.s32 $0xFFFFD900  }
0x1e: {  	[spmem:s18], [sflag:s7] =	dma.local @!p0 [hbm:s6], $0x100  }
0x1f: {  	_ =	swait.ge @!p0 [sflag:s8], $0x100  }
0x20: {  	[sflag:s8] =	ssyncset.done @!p0 $0x0  }
0x21: {  	[sflag:s8] =	ssyncadd.s32 @!p0 $0xFFFFFF00  }
0x22: {  	[bflag:$0x0] =	sbarrier.arrive $0xFFFF  }
0x23: {  	s8 =	rddreg [dreg:$0x4]  }
0x24: {  	[tilespmem:s2], [sflag:$0x4] =	stream.linear.gather [hbm4b:s8+s2], $0x100, $0x38;
	[tilespmem:$0x1B380] =	vst v63  }
0x25: {  	_ =	swait.ge [sflag:s17], $0x100  }
0x26: {  	[sflag:s17] =	ssyncset.done $0x0  }
0x27: {  	[sflag:s17] =	ssyncadd.s32 $0xFFFFFF00  }
0x28: {  	[tilespmem:s20], [sflag:$0x1] =	stream.indirect.gather [hbm4b:s3+s19], $0x80, s2, s19, $0xb8;
	[tilespmem:$0x1B380] =	vst v63  }
0x29: {  	s9 =	rddreg [dreg:$0x5]  }
0x2a: {  	[tilespmem:s21], [sflag:$0x4] =	stream.linear.gather [hbm4b:s9+s2], $0x100, $0x38;
	[tilespmem:$0x1B380] =	vst v63  }
0x2b: {  	_ =	swait.ge [sflag:s17], $0x100  }
0x2c: {  	[sflag:s17] =	ssyncset.done $0x0  }
0x2d: {  	[sflag:s17] =	ssyncadd.s32 $0xFFFFFF00  }
0x2e: {  	[tilespmem:s22], [sflag:$0x2] =	stream.indirect.gather [hbm4b:s3+s19], $0x80, s21, s19, $0xb8;
	[tilespmem:$0x1B380] =	vst v63  }
0x2f: {  	s10 =	sadd.s32 $0x0, s15  }
0x30: {  	[tilespmem:s23], [sflag:$0x5] =	stream.linear.gather [hbm4b:s10+s2], $0x100, $0x38;
	[tilespmem:$0x1B380] =	vst v63  }
0x31: {  	_ =	swait.ge [sflag:s24], $0x100  }
0x32: {  	[sflag:s24] =	ssyncset.done $0x0  }
0x33: {  	[sflag:s24] =	ssyncadd.s32 $0xFFFFFF00  }
0x34: {  	[tilespmem:s25], [sflag:$0x3] =	stream.indirect.gather [hbm4b:s3+s19], $0x80, s23, s19, $0xb8;
	[tilespmem:$0x1B380] =	vst v63  }
0x35: {  	_ =	swait.ge [sflag:s26], $0x2800  }
0x36: {  	[sflag:s26] =	ssyncset.done $0x0  }
0x37: {  	[sflag:s26] =	ssyncadd.s32 $0xFFFFD800  }
0x38: {  	[spmem:s1] =	stream.indirect.scatter.add.f32 [tilespmem:s20], [sflag:$0x5], $0x80, s28, s19, $0xb8;
	[tilespmem:$0x1B380] =	vst v63  }
0x39: {  	_ =	swait.ge [sflag:s24], $0x2800  }
0x3a: {  	s11 =	sshrl.u32 s13, $0x3;
	[sflag:s24] =	ssyncset.done $0x0  }
0x3b: {  	s8 =	sadd.s32 s5, s11;
	[sflag:s24] =	ssyncadd.s32 $0xFFFFD800  }
0x3c: {  	[tilespmem:s2], [sflag:$0x5] =	stream.linear.gather [hbm4b:s8+s2], $0x100, $0x38;
	[tilespmem:$0x1B380] =	vst v63  }
0x3d: {  	_ =	swait.ge [sflag:s24], $0x100  }
0x3e: {  	[sflag:s24] =	ssyncset.done $0x0  }
0x3f: {  	[sflag:s24] =	ssyncadd.s32 $0xFFFFFF00  }
0x40: {  	[tilespmem:s20], [sflag:$0x1] =	stream.indirect.gather [hbm4b:s3+s19], $0x80, s2, s19, $0xb8;
	[tilespmem:$0x1B380] =	vst v63  }
0x41: {  	_ =	swait.ge [sflag:s29], $0x2800  }
0x42: {  	[sflag:s29] =	ssyncset.done $0x0  }
0x43: {  	[sflag:s29] =	ssyncadd.s32 $0xFFFFD800  }
0x44: {  	[spmem:s1] =	stream.indirect.scatter.add.f32 [tilespmem:s22], [sflag:$0x5], $0x80, s30, s19, $0xb8;
	[tilespmem:$0x1B380] =	vst v63  }
0x45: {  	_ =	swait.ge [sflag:s24], $0x2800  }
0x46: {  	[sflag:s24] =	ssyncset.done $0x0  }
0x47: {  	s12 =	sadd.s32 $0x0, s14;
	[sflag:s24] =	ssyncadd.s32 $0xFFFFD800  }
0x48: {  	[tilespmem:s21], [sflag:$0x5] =	stream.linear.gather [hbm4b:s12+s2], $0x100, $0x38;
	[tilespmem:$0x1B380] =	vst v63  }
0x49: {  	_ =	swait.ge [sflag:s24], $0x100  }
0x4a: {  	[sflag:s24] =	ssyncset.done $0x0  }
0x4b: {  	[sflag:s24] =	ssyncadd.s32 $0xFFFFFF00  }
0x4c: {  	[tilespmem:s22], [sflag:$0x2] =	stream.indirect.gather [hbm4b:s3+s19], $0x80, s21, s19, $0xb8;
	[tilespmem:$0x1B380] =	vst v63  }
0x4d: {  	_ =	swait.ge [sflag:s31], $0x2800  }
0x4e: {  	[sflag:s31] =	ssyncset.done $0x0  }
0x4f: {  	[sflag:s31] =	ssyncadd.s32 $0xFFFFD800  }
0x50: {  	[spmem:s1] =	stream.indirect.scatter.add.f32 [tilespmem:s25], [sflag:$0x4], $0x80, s0, s19, $0xb8;
	[tilespmem:$0x1B380] =	vst v63  }
0x51: {  	s9 =	simm.s32 $0x60;
	_ =	swait.ge [sflag:s17], $0x2800  }
0x52: {  	s10 =	sadd.s32 $0x300, s13;
	s8 =	simm.s32 $0xC0;
	[sflag:s17] =	ssyncset.done $0x0  }
.LBB2_2:
0x53: {  	s12 =	sadd.s32 s9, s15  }
0x54: {  	[sflag:s17] =	ssyncadd.s32 $0xFFFFD800;
	s6 =	smov.u32 s8;
	s11 =	sadd.s32 $0x60, s8  }
0x55: {  	[tilespmem:s23], [sflag:$0x5] =	stream.linear.gather [hbm4b:s12+s2], $0x100, $0x38;
	[tilespmem:$0x1B380] =	vst v63  }
0x56: {  	p1 =	sne.s32 s8, $0xF00;
	_ =	swait.ge [sflag:s24], $0x100  }
0x57: {  	[sflag:s24] =	ssyncset.done $0x0  }
0x58: {  	[sflag:s24] =	ssyncadd.s32 $0xFFFFFF00  }
0x59: {  	[tilespmem:s25], [sflag:$0x3] =	stream.indirect.gather [hbm4b:s3+s19], $0x80, s23, s19, $0xb8;
	[tilespmem:$0x1B380] =	vst v63  }
0x5a: {  	_ =	swait.ge [sflag:s26], $0x2800  }
0x5b: {  	[sflag:s26] =	ssyncset.done $0x0  }
0x5c: {  	[sflag:s26] =	ssyncadd.s32 $0xFFFFD800  }
0x5d: {  	[spmem:s1] =	stream.indirect.scatter.add.f32 [tilespmem:s20], [sflag:$0x5], $0x80, s28, s19, $0xb8;
	[tilespmem:$0x1B380] =	vst v63  }
0x5e: {  	_ =	swait.ge [sflag:s24], $0x2800  }
0x5f: {  	s8 =	sshrl.u32 s10, $0x3;
	[sflag:s24] =	ssyncset.done $0x0  }
0x60: {  	s8 =	sadd.s32 s5, s8;
	[sflag:s24] =	ssyncadd.s32 $0xFFFFD800  }
0x61: {  	[tilespmem:s2], [sflag:$0x5] =	stream.linear.gather [hbm4b:s8+s2], $0x100, $0x38;
	[tilespmem:$0x1B380] =	vst v63  }
0x62: {  	_ =	swait.ge [sflag:s24], $0x100  }
0x63: {  	[sflag:s24] =	ssyncset.done $0x0  }
0x64: {  	[sflag:s24] =	ssyncadd.s32 $0xFFFFFF00  }
0x65: {  	[tilespmem:s20], [sflag:$0x1] =	stream.indirect.gather [hbm4b:s3+s19], $0x80, s2, s19, $0xb8;
	[tilespmem:$0x1B380] =	vst v63  }
0x66: {  	_ =	swait.ge [sflag:s29], $0x2800  }
0x67: {  	[sflag:s29] =	ssyncset.done $0x0  }
0x68: {  	[sflag:s29] =	ssyncadd.s32 $0xFFFFD800  }
0x69: {  	[spmem:s1] =	stream.indirect.scatter.add.f32 [tilespmem:s22], [sflag:$0x5], $0x80, s30, s19, $0xb8;
	[tilespmem:$0x1B380] =	vst v63  }
0x6a: {  	_ =	swait.ge [sflag:s24], $0x2800  }
0x6b: {  	[sflag:s24] =	ssyncset.done $0x0  }
0x6c: {  	s8 =	sadd.s32 s9, s14;
	s9 =	smov.u32 s6;
	[sflag:s24] =	ssyncadd.s32 $0xFFFFD800  }
0x6d: {  	[tilespmem:s21], [sflag:$0x5] =	stream.linear.gather [hbm4b:s8+s2], $0x100, $0x38;
	[tilespmem:$0x1B380] =	vst v63  }
0x6e: {  	_ =	swait.ge [sflag:s24], $0x100  }
0x6f: {  	[sflag:s24] =	ssyncset.done $0x0  }
0x70: {  	[sflag:s24] =	ssyncadd.s32 $0xFFFFFF00  }
0x71: {  	[tilespmem:s22], [sflag:$0x2] =	stream.indirect.gather [hbm4b:s3+s19], $0x80, s21, s19, $0xb8;
	[tilespmem:$0x1B380] =	vst v63  }
0x72: {  	_ =	swait.ge [sflag:s31], $0x2800  }
.Ltmp0:
0x73: {  	[sflag:s31] =	ssyncset.done $0x0;
	(pc) =	sbr.rel @p1 .LBB2_2-.Ltmp0, $4  }
0x74: {  	[sflag:s31] =	ssyncadd.s32 $0xFFFFD800  }
0x75: {  	[spmem:s1] =	stream.indirect.scatter.add.f32 [tilespmem:s25], [sflag:$0x4], $0x80, s0, s19, $0xb8;
	[tilespmem:$0x1B380] =	vst v63  }
0x76: {  	_ =	swait.ge [sflag:s17], $0x2800  }
0x77: {  	s10 =	sadd.s32 $0x300, s10;
	s8 =	smov.u32 s11;
	[sflag:s17] =	ssyncset.done $0x0  }
0x78: {  	s6 =	sadd.s32 s9, s15;
	[sflag:s17] =	ssyncadd.s32 $0xFFFFD800  }
0x79: {  	[tilespmem:s23], [sflag:$0x5] =	stream.linear.gather [hbm4b:s6+s2], $0x100, $0x38;
	[tilespmem:$0x1B380] =	vst v63  }
0x7a: {  	_ =	swait.ge [sflag:s24], $0x100  }
0x7b: {  	[sflag:s24] =	ssyncset.done $0x0  }
0x7c: {  	[sflag:s24] =	ssyncadd.s32 $0xFFFFFF00  }
0x7d: {  	[tilespmem:s25], [sflag:$0x3] =	stream.indirect.gather [hbm4b:s3+s19], $0x80, s23, s19, $0xb8;
	[tilespmem:$0x1B380] =	vst v63  }
0x7e: {  	_ =	swait.ge [sflag:s26], $0x2800  }
0x7f: {  	[sflag:s26] =	ssyncset.done $0x0  }
0x80: {  	[sflag:s26] =	ssyncadd.s32 $0xFFFFD800  }
0x81: {  	[spmem:s1] =	stream.indirect.scatter.add.f32 [tilespmem:s20], [sflag:$0x5], $0x80, s28, s19, $0xb8;
	[tilespmem:$0x1B380] =	vst v63  }
0x82: {  	_ =	swait.ge [sflag:s24], $0x2800  }
0x83: {  	s10 =	sshrl.u32 s10, $0x3;
	[sflag:s24] =	ssyncset.done $0x0  }
0x84: {  	s6 =	sadd.s32 s5, s10;
	[sflag:s24] =	ssyncadd.s32 $0xFFFFD800  }
0x85: {  	[tilespmem:s2], [sflag:$0x5] =	stream.linear.gather [hbm4b:s6+s2], $0x100, $0x38;
	[tilespmem:$0x1B380] =	vst v63  }
0x86: {  	_ =	swait.ge [sflag:s24], $0x100  }
0x87: {  	[sflag:s24] =	ssyncset.done $0x0  }
0x88: {  	[sflag:s24] =	ssyncadd.s32 $0xFFFFFF00  }
0x89: {  	[tilespmem:s20], [sflag:$0x1] =	stream.indirect.gather [hbm4b:s3+s19], $0x80, s2, s19, $0xb8;
	[tilespmem:$0x1B380] =	vst v63  }
0x8a: {  	_ =	swait.ge [sflag:s29], $0x2800  }
0x8b: {  	[sflag:s29] =	ssyncset.done $0x0  }
0x8c: {  	[sflag:s29] =	ssyncadd.s32 $0xFFFFD800  }
0x8d: {  	[spmem:s1] =	stream.indirect.scatter.add.f32 [tilespmem:s22], [sflag:$0x5], $0x80, s30, s19, $0xb8;
	[tilespmem:$0x1B380] =	vst v63  }
0x8e: {  	_ =	swait.ge [sflag:s24], $0x2800  }
0x8f: {  	[sflag:s24] =	ssyncset.done $0x0  }
0x90: {  	s11 =	sadd.s32 s9, s14;
	[sflag:s24] =	ssyncadd.s32 $0xFFFFD800  }
0x91: {  	[tilespmem:s21], [sflag:$0x5] =	stream.linear.gather [hbm4b:s11+s2], $0x100, $0x38;
	[tilespmem:$0x1B380] =	vst v63  }
0x92: {  	_ =	swait.ge [sflag:s24], $0x100  }
0x93: {  	[sflag:s24] =	ssyncset.done $0x0  }
0x94: {  	[sflag:s24] =	ssyncadd.s32 $0xFFFFFF00  }
0x95: {  	[tilespmem:s22], [sflag:$0x2] =	stream.indirect.gather [hbm4b:s3+s19], $0x80, s21, s19, $0xb8;
	[tilespmem:$0x1B380] =	vst v63  }
0x96: {  	_ =	swait.ge [sflag:s31], $0x2800  }
0x97: {  	[sflag:s31] =	ssyncset.done $0x0  }
0x98: {  	[sflag:s31] =	ssyncadd.s32 $0xFFFFD800  }
0x99: {  	[spmem:s1] =	stream.indirect.scatter.add.f32 [tilespmem:s25], [sflag:$0x4], $0x80, s0, s19, $0xb8;
	[tilespmem:$0x1B380] =	vst v63  }
0x9a: {  	_ =	swait.ge [sflag:s17], $0x2800  }
0x9b: {  	[sflag:s17] =	ssyncset.done $0x0  }
0x9c: {  	[sflag:s17] =	ssyncadd.s32 $0xFFFFD800  }
0x9d: {  	_ =	swait.ge [sflag:s26], $0x2800  }
0x9e: {  	[sflag:s26] =	ssyncset.done $0x0  }
0x9f: {  	[sflag:s26] =	ssyncadd.s32 $0xFFFFD800  }
0xa0: {  	[spmem:s1] =	stream.indirect.scatter.add.f32 [tilespmem:s20], [sflag:$0x5], $0x80, s28, s19, $0xb8;
	[tilespmem:$0x1B380] =	vst v63  }
0xa1: {  	_ =	swait.ge [sflag:s24], $0x2800  }
0xa2: {  	[sflag:s24] =	ssyncset.done $0x0  }
0xa3: {  	[sflag:s24] =	ssyncadd.s32 $0xFFFFD800  }
0xa4: {  	_ =	swait.ge [sflag:s29], $0x2800  }
0xa5: {  	[sflag:s29] =	ssyncset.done $0x0  }
0xa6: {  	[sflag:s29] =	ssyncadd.s32 $0xFFFFD800  }
0xa7: {  	[spmem:s1] =	stream.indirect.scatter.add.f32 [tilespmem:s22], [sflag:$0x5], $0x80, s30, s19, $0xb8;
	[tilespmem:$0x1B380] =	vst v63  }
0xa8: {  	_ =	swait.ge [sflag:s24], $0x2800  }
0xa9: {  	[sflag:s24] =	ssyncset.done $0x0  }
0xaa: {  	[sflag:s24] =	ssyncadd.s32 $0xFFFFD800  }
0xab: {  	[bflag:$0x0] =	sbarrier.arrive $0xFFFF  }
0xac: {  	s12 =	rddreg [dreg:$0x6]  }
0xad: {  	[hbm:s12], [sflag:s7] =	dma.local [spmem:s16], $0x2700  }
0xae: {  	_ =	swait.ge [sflag:s17], $0x2700  }
0xaf: {  	[sflag:s17] =	ssyncset.done $0x0  }
0xb0: {  	s6 =	rddreg [dreg:$0x7];
	[sflag:s17] =	ssyncadd.s32 $0xFFFFD900  }
0xb1: {  	[hbm:s6], [sflag:s7] =	dma.local @!p0 [spmem:s18], $0x100  }
0xb2: {  	s6 =	simm.s32 @!p0 $0x4  }
0xb3: {  	_ =	swait.ge @!p0 [sflag:s6], $0x100  }
0xb4: {  	s4 =	sadd.s32 $0x1, s4;
	s8 =	rddreg [dreg:$0x8]  }
0xb5: {  	p1 =	sne.s32 s4, s8  }
.Ltmp1:
0xb6: {  	_ = 	snop;
	(pc) =	sbr.rel @p1 .LBB2_1-.Ltmp1, $3  }
0xb7: {  	_ =	sdelay $0x1  }
0xb8: {  	[sflag:s6] =	ssyncset.done @!p0 $0x0  }
0xb9: {  	[sflag:s6] =	ssyncadd.s32 @!p0 $0xFFFFFF00  }
0xba: {  	_ =	sfence.sel $0x180000  }
0xbb: {  	[bflag:$0x0] =	sbarrier.arrive $0xFFFF  }
0xbc: {  	_ =	strace $0x9000004D  }
0xbd: {  	s0 =	stileid.u32;
	[bflag:$0x2] =	sbarrier.arrive $0xFFFF  }
0xbe: {  	p0 =	sne.s32 s0, $0x0;
	s0 =	rddreg [dreg:$0x2]  }
0xbf: {  	s0 =	sadd.s32 @!p0 $0x100000, s0  }
0xc0: {  	[sflag:s0] =	ssyncadd.tile.s32 @!p0 $0x1;
	_ =	shalt  }
.Lfunc_end2:
_tile_overlayer_lowered:
.L_overlay_start_2:
0xc1: {  	(tag) =	ssettag $0x2  }
0xc2: {  	s0 =	rddreg [dreg:$0x0];
	s2 =	stileid.u32  }
0xc3: {  	s1 =	rddreg [dreg:$0x1];
	p0 =	sne.s32 s2, $0x0  }
0xc4: {  	s3 =	rddreg [dreg:$0x2];
	[bflag:$0x3] =	sbarrier.arrive $0xFFFF;
	s2 =	simm.s32 @!p0 $0x1C04  }
0xc5: {  	[timem:s3], [sflag:s2] =	dma.local @!p0 [hbm:s0], s1  }
0xc6: {  	s0 =	simm.s32 @!p0 $0x4  }
0xc7: {  	_ =	swait.ge @!p0 [sflag:s0], s1  }
0xc8: {  	s1 =	ssub.s32 @!p0 $0x0, s1;
	[sflag:s0] =	ssyncset.done @!p0 $0x0  }
0xc9: {  	[sflag:s0] =	ssyncadd.s32 @!p0 s1  }
0xca: {  	[bflag:$0x3] =	sbarrier.arrive $0xFFFF  }
0xcb: {  	_ =	shalt  }

// kernel: kernel.22.cloned.1.call-start
scs
__scs_entry_jumppad:
0x0: {  	(pc) =	sbr.rel $0x88, $3  }
0x1: {  	(tag) =	ssettag $0x0;
	lr =	simm.s32 $0x1  }
0x2: {  	[smem:$0x3F96] =	sst lr;
	_ =	strace $0xD0000000  }
0x3: {  	_ = 	snop  }
0x4: {  	_ = 	snop  }
0x5: {  	_ = 	snop  }
0x6: {  	_ = 	snop  }
0x7: {  	_ = 	snop  }
__scs_overlays_trampoline_lowered:
0x8: {  	[smem:$0x3FA5] =	sst s0  }
0x9: {  	[smem:$0x3FA6] =	sst s1  }
0xa: {  	[smem:$0x3FA7] =	sst s2  }
0xb: {  	[smem:$0x3FA8] =	sst s3  }
0xc: {  	[smem:$0x3FA9] =	sst s4  }
0xd: {  	[smem:$0x3FAA] =	sst s5  }
0xe: {  	[smem:$0x3FAB] =	sst s6  }
0xf: {  	[smem:$0x3FAC] =	sst s7  }
0x10: {  	[smem:$0x3FAD] =	sst s8  }
0x11: {  	[smem:$0x3FAE] =	sst s9;
	s0 =	simm.s32 @!p0 $0x0  }
0x12: {  	s1 =	sld [smem:$0x3F94];
	s0 =	simm.s32 @p0 $0x1  }
0x13: {  	[smem:$0x3FAF] =	sst s0;
	s0 =	simm.s32 @!p1 $0x0  }
0x14: {  	s2 =	sld [smem:$0x3F93];
	s0 =	simm.s32 @p1 $0x1  }
0x15: {  	[smem:$0x3FB0] =	sst s0;
	s0 =	simm.s32 @!p2 $0x0  }
0x16: {  	s3 =	sld [smem:$0x3FDB];
	s0 =	simm.s32 @p2 $0x1  }
0x17: {  	s4 =	simm.s32 $0x1BF5;
	[smem:$0x3FB2] =	sst s0  }
0x18: {  	s0 =	sld [smem:$0x3F95];
	_ =	swait.ge [sflag:s4], $0x0  }
0x19: {  	s7 =	sld [smem:$0x3F96]  }
0x1a: {  	s8 =	sadd.s32 $0xFFFFE003, lr  }
0x1b: {  	s9 =	sadd.s32 $0xFFFFFEF7, lr;
	s5 =	simm.s32 $0xFFFFFFFF;
	p2 =	slt.u32 s8, $0xFFFFF086  }
0x1c: {  	p1 =	slt.u32 s9, $0xF7A;
	s5 =	simm.s32 @!p2 $0x0  }
0x1d: {  	s5 =	simm.s32 @p1 $0x1;
	p0 =	seq.s32 s7, s2  }
0x1e: {  	s7 =	smul.u32 @!p0 $0xF7A, s2;
	p2 =	seq.s32 @!p0 s5, $0x0  }
0x1f: {  	s9 =	smul.u32 $0xF7A, s1;
	s8 =	simm.s32 @!p0 $0x1BF5;
	p2 =	por !p2, p0  }
0x20: {  	[sflag:s8] =	ssyncset.s32 @!p0 $0xFFFFF086;
	s6 =	sadd.s32 @!p0 s3, s7;
	s7 =	simm.s32 @!p0 $0x108  }
0x21: {  	s3 =	sadd.s32 s3, s9;
	s6 =	sadd.s32 @!p0 $0x88, s6;
	s7 =	simm.s32 @p2 $0x1082  }
0x22: {  	[simem:s7], [sflag:s8] =	dma.local @!p0 [hbm:s6], $0xF7A  }
0x23: {  	s9 =	sor.u32 $0xD0000000, s2;
	s6 =	simm.s32 $0x108;
	_ =	swait.ge @!p0 [sflag:s8], $0x0  }
0x24: {  	s3 =	sadd.s32 $0x88, s3;
	s6 =	simm.s32 @!p1 $0x1082;
	[sflag:s4] =	ssyncset.s32 $0xFFFFF086  }
0x25: {  	[simem:s6], [sflag:s4] =	dma.local [hbm:s3], $0xF7A  }
0x26: {  	[smem:$0x3F96] =	sst s1;
	(tag) =	ssettag s2;
	_ =	strace s9  }
0x27: {  	s1 =	sld [smem:$0x3FA6]  }
0x28: {  	s2 =	sld [smem:$0x3FA7]  }
0x29: {  	s4 =	sld [smem:$0x3FA9]  }
0x2a: {  	p0 =	seq.s32 s5, $0x0;
	s5 =	sld [smem:$0x3FAA]  }
0x2b: {  	s6 =	sld [smem:$0x3FAB]  }
0x2c: {  	s7 =	sld [smem:$0x3FAC]  }
0x2d: {  	s3 =	simm.s32 $0x108;
	s8 =	sld [smem:$0x3FAD]  }
0x2e: {  	s3 =	simm.s32 @!p0 $0x1082;
	s9 =	sld [smem:$0x3FAE]  }
0x2f: {  	lr =	sadd.s32 s0, s3;
	s0 =	sld [smem:$0x3FA5]  }
0x30: {  	s3 =	sld [smem:$0x3FA8]  }
0x31: {  	[smem:$0x3FB1] =	sst s10  }
0x32: {  	s10 =	sld [smem:$0x3FAF];
	_ =	sdelay $0x3  }
0x33: {  	p0 =	seq.s32 s10, $0x1;
	s10 =	sld [smem:$0x3FB1];
	_ =	sdelay $0x3  }
0x34: {  	[smem:$0x3FB1] =	sst s10  }
0x35: {  	s10 =	sld [smem:$0x3FB0];
	_ =	sdelay $0x3  }
0x36: {  	p1 =	seq.s32 s10, $0x1;
	s10 =	sld [smem:$0x3FB1];
	_ =	sdelay $0x3  }
0x37: {  	[smem:$0x3FB1] =	sst s10  }
0x38: {  	s10 =	sld [smem:$0x3FB2]  }
0x39: {  	_ = 	snop;
	(pc) =	sbr.ind lr, $3  }
0x3a: {  	_ = 	snop  }
0x3b: {  	_ = 	snop  }
0x3c: {  	p2 =	seq.s32 s10, $0x1;
	s10 =	sld [smem:$0x3FB1]  }
0x3d: {  	_ =	shalt  }
0x3e: {  	_ =	shalt  }
0x3f: {  	_ =	shalt  }
0x40: {  	_ =	shalt  }
0x41: {  	_ =	shalt  }
0x42: {  	_ =	shalt  }
0x43: {  	_ =	shalt  }
0x44: {  	_ =	shalt  }
0x45: {  	_ =	shalt  }
0x46: {  	_ =	shalt  }
0x47: {  	_ =	shalt  }
0x48: {  	_ =	shalt  }
0x49: {  	_ =	shalt  }
0x4a: {  	_ =	shalt  }
0x4b: {  	_ =	shalt  }
0x4c: {  	_ =	shalt  }
0x4d: {  	_ =	shalt  }
0x4e: {  	_ =	shalt  }
0x4f: {  	_ =	shalt  }
0x50: {  	_ =	shalt  }
0x51: {  	_ =	shalt  }
0x52: {  	_ =	shalt  }
0x53: {  	_ =	shalt  }
0x54: {  	_ =	shalt  }
0x55: {  	_ =	shalt  }
0x56: {  	_ =	shalt  }
0x57: {  	_ =	shalt  }
0x58: {  	_ =	shalt  }
0x59: {  	_ =	shalt  }
0x5a: {  	_ =	shalt  }
0x5b: {  	_ =	shalt  }
0x5c: {  	_ =	shalt  }
0x5d: {  	_ =	shalt  }
0x5e: {  	_ =	shalt  }
0x5f: {  	_ =	shalt  }
0x60: {  	_ =	shalt  }
0x61: {  	_ =	shalt  }
0x62: {  	_ =	shalt  }
0x63: {  	_ =	shalt  }
0x64: {  	_ =	shalt  }
0x65: {  	_ =	shalt  }
0x66: {  	_ =	shalt  }
0x67: {  	_ =	shalt  }
0x68: {  	_ =	shalt  }
0x69: {  	_ =	shalt  }
0x6a: {  	_ =	shalt  }
0x6b: {  	_ =	shalt  }
0x6c: {  	_ =	shalt  }
0x6d: {  	_ =	shalt  }
0x6e: {  	_ =	shalt  }
0x6f: {  	_ =	shalt  }
0x70: {  	_ =	shalt  }
0x71: {  	_ =	shalt  }
0x72: {  	_ =	shalt  }
0x73: {  	_ =	shalt  }
0x74: {  	_ =	shalt  }
0x75: {  	_ =	shalt  }
0x76: {  	_ =	shalt  }
0x77: {  	_ =	shalt  }
0x78: {  	_ =	shalt  }
0x79: {  	_ =	shalt  }
0x7a: {  	_ =	shalt  }
0x7b: {  	_ =	shalt  }
0x7c: {  	_ =	shalt  }
0x7d: {  	_ =	shalt  }
0x7e: {  	_ =	shalt  }
0x7f: {  	_ =	shalt  }
0x80: {  	_ =	shalt  }
0x81: {  	_ =	shalt  }
0x82: {  	_ =	shalt  }
0x83: {  	_ =	shalt  }
0x84: {  	_ =	shalt  }
0x85: {  	_ =	shalt  }
0x86: {  	_ =	shalt  }
0x87: {  	_ =	shalt  }
.Lfunc_end0:
.L_simem_size_0:
called_computation.3_lowered:
.L_overlay_start_0:
0x88: {  	s2 =	sld [smem:$0x3FD9]  }
0x89: {  	s3 =	sld [smem:$0x3FFE];
	_ =	sdelay $0x1  }
0x8a: {  	s1 =	srdreg.scid  }
0x8b: {  	s0 =	sand.u32 $0x1, s1  }
0x8c: {  	s16 =	sshll.u32 s0, $0xA;
	s2 =	sadd.s32 s3, s2  }
0x8d: {  	s2 =	sadd.s32 s2, s16  }
0x8e: {  	[smem:$0x3FBD] =	sst s2  }
0x8f: {  	_ = 	snop  }
0x90: {  	(tm) =	ssettm $0x1  }
0x91: {  	s17 =	sld [smem:$0x3FFB];
	_ =	sdelay $0x3  }
0x92: {  	_ =	strace s17  }
0x93: {  	s2 =	sld [smem:$0x3FFC];
	_ =	sdelay $0x3  }
0x94: {  	_ =	strace s2  }
0x95: {  	s2 =	sld [smem:$0x3FFD];
	_ =	sdelay $0x3  }
0x96: {  	_ =	strace s2  }
0x97: {  	_ =	strace $0x8FFFFFFF  }
0x98: {  	s18 =	sld [smem:$0x3FDB];
	_ =	sdelay $0x1  }
0x99: {  	s19 =	simm.s32 $_scs_section_size  }
0x9a: {  	s4 =	simm.s32 $_size__tile_overlayer_lowered;
	s5 =	simm.s32 $_tile_overlayer_lowered  }
0x9b: {  	s22 =	simm.s32 $0x1BFF;
	s21 =	sshll.u32 s5, $0x1;
	s2 =	sadd.s32 s19, s18  }
0x9c: {  	s6 =	simm.s32 $0x0;
	s20 =	sshll.u32 s4, $0x1;
	s4 =	sadd.s32 s21, s2  }
0x9d: {  	[timem:s6], [sflag:s22] =	dma.local [hbm:s4], s20  }
0x9e: {  	_ =	swait.ge [sflag:s22], s20  }
0x9f: {  	s3 =	ssub.s32 $0x0, s20;
	[sflag:s22] =	ssyncset.done $0x0  }
0xa0: {  	[sflag:s22] =	ssyncadd.s32 s3;
	_ =	sdelay $0x1  }
0xa1: {  	s23 =	simm.s32 $0x1B8B  }
0xa2: {  	_ =	swait.ge [sflag:s23], $0x1  }
0xa3: {  	[sflag:s23] =	ssyncset.done $0x0  }
0xa4: {  	s25 =	simm.s32 $0x1B8E;
	s24 =	sld [smem:$0x3FFE];
	[sflag:s23] =	ssyncadd.s32 $0xFFFFFFFF  }
0xa5: {  	s26 =	simm.s32 $execute0_lowered;
	[smem:$0x3FD2] =	sst s25  }
0xa6: {  	s4 =	sshll.u32 s26, $0x1;
	_ =	strace $0x8000004F;
	[dreg:$0x1] =	wrdreg $0xFFFFFFFF  }
0xa7: {  	s28 =	simm.s32 $_size_execute0_lowered;
	s2 =	sadd.s32 s2, s4;
	[dreg:$0x0] =	wrdreg $0x0  }
0xa8: {  	s4 =	sshll.u32 s28, $0x1;
	[dreg:$0x2] =	wrdreg s2  }
0xa9: {  	[dreg:$0x3] =	wrdreg s4  }
0xaa: {  	[dreg:$0x4] =	wrdreg $0xC0  }
0xab: {  	_ =	task [dreg:s6], $0x5FFFF  }
0xac: {  	[dreg:$0x1] =	wrdreg $0xFFFFFFFF  }
0xad: {  	[dreg:$0x0] =	wrdreg $0x60  }
0xae: {  	[dreg:$0x2] =	wrdreg s24  }
0xaf: {  	[dreg:$0x3] =	wrdreg $0x7B000  }
0xb0: {  	[dreg:$0x4] =	wrdreg $0x9  }
0xb1: {  	_ =	task.clear_ibuf [dreg:s6], $0x5FFFF;
	_ =	strace $0x9000004F  }
0xb2: {  	s29 =	simm.s32 $0x9;
	_ =	strace $0x80000051  }
0xb3: {  	_ =	swait.ge [sflag:s29], $0x1  }
0xb4: {  	[sflag:s29] =	ssyncadd.s32 $0xFFFFFFFF  }
0xb5: {  	_ =	strace $0x90000051  }
0xb6: {  	_ =	sfence  }
0xb7: {  	s30 =	sld [smem:$0x0];
	_ =	sdelay $0x2  }
0xb8: {  	s31 =	sshll.u32 s1, $0xD;
	s1 =	sshrl.u32 s1, $0x2  }
0xb9: {  	s3 =	sand.u32 $0x4000, s31;
	s1 =	sadd.s32 s1, s30  }
0xba: {  	s0 =	sor.u32 s3, s0;
	s1 =	sshll.u32 s1, $0x11  }
0xbb: {  	s0 =	sor.u32 s1, s0  }
0xbc: {  	s0 =	sadd.s32 $0x8F2B, s0  }
0xbd: {  	[sflag:s0] =	ssyncadd.remote.s32 $0x1  }
0xbe: {  	_ =	sfence.sel $0xFFFF  }
0xbf: {  	[dreg:$0x0] =	wrdreg $0xFFFFFFFF;
	(pc) =	sbr.abs _section_cstart, $3  }
0xc0: {  	[dreg:$0x1] =	wrdreg $0xFFFFFFFF  }
0xc1: {  	_ =	task.clear_ibuf [dreg:s6], $0x2FFFF;
	_ =	strace $0x9FFFFFFF  }
0xc2: {  	(tm) =	ssettm $0x7FFFFFFF  }
0xc3: {  	_ =	shalt  }
tec
execute0_lowered:
.L_overlay_start_1:
0x0: {  	(tag) =	ssettag $0x1  }
0x1: {  	s0 =	rddreg [dreg:$0x0]  }
0x2: {  	s1 =	rddreg [dreg:$0x1];
	s2 =	simm.s32 $0x0;
	s4 =	srdreg.scid  }
0x3: {  	s19 =	stileid.u32;
	s17 =	simm.s32 $0x4;
	s28 =	simm.s32 $0x80  }
0x4: {  	s29 =	simm.s32 $0x2;
	s30 =	simm.s32 $0x180;
	s31 =	simm.s32 $0x3  }
0x5: {  	[smem:$0x7FF] =	sst s2;
	s3 =	sadd.s32 $0x26200, s0;
	s5 =	sadd.s32 $0x4600, s0  }
0x6: {  	s6 =	sadd.s32 $0x23A00, s0;
	s4 =	sand.u32 $0x1, s4;
	s10 =	smul.u32 $0x4E000, s19  }
0x7: {  	s0 =	sadd.s32 $0x4D400, s0;
	s21 =	sshll.u32 s19, $0x6;
	s22 =	smul.u32 $0x13800, s19  }
0x8: {  	s18 =	sadd.s32 $0x138000, s1;
	s24 =	smul.u32 $0x7D00, s19;
	p0 =	sne.s32 s19, $0xF  }
0x9: {  	_ =	strace $0x80000050;
	[dreg:$0x3] =	wrdreg s6;
	s11 =	smul.u32 $0x138800, s4  }
0xa: {  	s7 =	ssub.s32 $0x2, s4;
	s8 =	sshll.u32 s4, $0x4;
	s4 =	smul.u32 $0x7D000, s4  }
0xb: {  	s18 =	sshrl.u32 @!p0 s18, $0x3;
	s9 =	sshrl.u32 s7, $0x1;
	s8 =	sor.u32 s19, s8  }
0xc: {  	s20 =	sshrl.u32 s10, $0x2;
	s19 =	simm.s32 $0x50;
	s9 =	ssub.s32 s7, s9  }
0xd: {  	s8 =	smul.u32 $0x7D00, s8;
	s16 =	sadd.s32 s20, s1;
	s7 =	sor.u32 $0x1C04, s21  }
0xe: {  	s23 =	sadd.s32 s22, s11;
	s11 =	sshrl.u32 s11, $0x3;
	s4 =	sadd.s32 s24, s4  }
0xf: {  	s20 =	simm.s32 $0x300;
	s21 =	simm.s32 $0x100;
	s22 =	simm.s32 $0x2B00  }
0x10: {  	s24 =	simm.s32 $0x5;
	s25 =	sadd.s32 $0x400, s4;
	s26 =	sadd.s32 $0x200, s4  }
0x11: {  	s9 =	smax.u32 s9, $0x1;
	s13 =	sadd.s32 $0x300, s4;
	s8 =	sshrl.u32 s8, $0x3  }
0x12: {  	s16 =	sshrl.u32 s16, $0x3;
	[dreg:$0x8] =	wrdreg s9;
	s12 =	sadd.s32 s5, s8  }
0x13: {  	s8 =	sshrl.u32 s23, $0x3;
	[dreg:$0x4] =	wrdreg s12;
	s12 =	sadd.s32 $0x20, s12  }
0x14: {  	s4 =	simm.s32 $0x0;
	s8 =	sadd.s32 s0, s8;
	[dreg:$0x5] =	wrdreg s12  }
0x15: {  	s23 =	simm.s32 $0x200;
	s0 =	sadd.s32 s0, s11;
	[dreg:$0x6] =	wrdreg s8  }
0x16: {  	s0 =	sadd.s32 $0x27000, s0;
	s8 =	sshrl.u32 s26, $0x3;
	s26 =	simm.s32 $0x1  }
0x17: {  	[dreg:$0x7] =	wrdreg s0;
	s0 =	sshrl.u32 s25, $0x3;
	s15 =	sadd.s32 s8, s5  }
0x18: {  	s25 =	simm.s32 $0x5300;
	s14 =	sadd.s32 s0, s5;
	s0 =	simm.s32 $0x280  }
.LBB2_1:
0x19: {  	s6 =	rddreg [dreg:$0x3]  }
0x1a: {  	[spmem:s16], [sflag:s7] =	dma.local [hbm:s6], $0x2700  }
0x1b: {  	_ =	swait.ge [sflag:s17], $0x2700  }
0x1c: {  	[sflag:s17] =	ssyncset.done $0x0  }
0x1d: {  	s8 =	simm.s32 @!p0 $0x4;
	[sflag:s17] =	ssyncadd.s32 $0xFFFFD900  }
0x1e: {  	[spmem:s18], [sflag:s7] =	dma.local @!p0 [hbm:s6], $0x100  }
0x1f: {  	_ =	swait.ge @!p0 [sflag:s8], $0x100  }
0x20: {  	[sflag:s8] =	ssyncset.done @!p0 $0x0  }
0x21: {  	[sflag:s8] =	ssyncadd.s32 @!p0 $0xFFFFFF00  }
0x22: {  	[bflag:$0x0] =	sbarrier.arrive $0xFFFF  }
0x23: {  	s8 =	rddreg [dreg:$0x4]  }
0x24: {  	[tilespmem:s2], [sflag:$0x4] =	stream.linear.gather [hbm4b:s8+s2], $0x100, $0x38;
	[tilespmem:$0x1B380] =	vst v63  }
0x25: {  	_ =	swait.ge [sflag:s17], $0x100  }
0x26: {  	[sflag:s17] =	ssyncset.done $0x0  }
0x27: {  	[sflag:s17] =	ssyncadd.s32 $0xFFFFFF00  }
0x28: {  	[tilespmem:s20], [sflag:$0x1] =	stream.indirect.gather [hbm4b:s3+s19], $0x80, s2, s19, $0xb8;
	[tilespmem:$0x1B380] =	vst v63  }
0x29: {  	s9 =	rddreg [dreg:$0x5]  }
0x2a: {  	[tilespmem:s21], [sflag:$0x4] =	stream.linear.gather [hbm4b:s9+s2], $0x100, $0x38;
	[tilespmem:$0x1B380] =	vst v63  }
0x2b: {  	_ =	swait.ge [sflag:s17], $0x100  }
0x2c: {  	[sflag:s17] =	ssyncset.done $0x0  }
0x2d: {  	[sflag:s17] =	ssyncadd.s32 $0xFFFFFF00  }
0x2e: {  	[tilespmem:s22], [sflag:$0x2] =	stream.indirect.gather [hbm4b:s3+s19], $0x80, s21, s19, $0xb8;
	[tilespmem:$0x1B380] =	vst v63  }
0x2f: {  	s10 =	sadd.s32 $0x0, s15  }
0x30: {  	[tilespmem:s23], [sflag:$0x5] =	stream.linear.gather [hbm4b:s10+s2], $0x100, $0x38;
	[tilespmem:$0x1B380] =	vst v63  }
0x31: {  	_ =	swait.ge [sflag:s24], $0x100  }
0x32: {  	[sflag:s24] =	ssyncset.done $0x0  }
0x33: {  	[sflag:s24] =	ssyncadd.s32 $0xFFFFFF00  }
0x34: {  	[tilespmem:s25], [sflag:$0x3] =	stream.indirect.gather [hbm4b:s3+s19], $0x80, s23, s19, $0xb8;
	[tilespmem:$0x1B380] =	vst v63  }
0x35: {  	_ =	swait.ge [sflag:s26], $0x2800  }
0x36: {  	[sflag:s26] =	ssyncset.done $0x0  }
0x37: {  	[sflag:s26] =	ssyncadd.s32 $0xFFFFD800  }
0x38: {  	[spmem:s1] =	stream.indirect.scatter.add.f32 [tilespmem:s20], [sflag:$0x5], $0x80, s28, s19, $0xb8;
	[tilespmem:$0x1B380] =	vst v63  }
0x39: {  	_ =	swait.ge [sflag:s24], $0x2800  }
0x3a: {  	s11 =	sshrl.u32 s13, $0x3;
	[sflag:s24] =	ssyncset.done $0x0  }
0x3b: {  	s8 =	sadd.s32 s5, s11;
	[sflag:s24] =	ssyncadd.s32 $0xFFFFD800  }
0x3c: {  	[tilespmem:s2], [sflag:$0x5] =	stream.linear.gather [hbm4b:s8+s2], $0x100, $0x38;
	[tilespmem:$0x1B380] =	vst v63  }
0x3d: {  	_ =	swait.ge [sflag:s24], $0x100  }
0x3e: {  	[sflag:s24] =	ssyncset.done $0x0  }
0x3f: {  	[sflag:s24] =	ssyncadd.s32 $0xFFFFFF00  }
0x40: {  	[tilespmem:s20], [sflag:$0x1] =	stream.indirect.gather [hbm4b:s3+s19], $0x80, s2, s19, $0xb8;
	[tilespmem:$0x1B380] =	vst v63  }
0x41: {  	_ =	swait.ge [sflag:s29], $0x2800  }
0x42: {  	[sflag:s29] =	ssyncset.done $0x0  }
0x43: {  	[sflag:s29] =	ssyncadd.s32 $0xFFFFD800  }
0x44: {  	[spmem:s1] =	stream.indirect.scatter.add.f32 [tilespmem:s22], [sflag:$0x5], $0x80, s30, s19, $0xb8;
	[tilespmem:$0x1B380] =	vst v63  }
0x45: {  	_ =	swait.ge [sflag:s24], $0x2800  }
0x46: {  	[sflag:s24] =	ssyncset.done $0x0  }
0x47: {  	s12 =	sadd.s32 $0x0, s14;
	[sflag:s24] =	ssyncadd.s32 $0xFFFFD800  }
0x48: {  	[tilespmem:s21], [sflag:$0x5] =	stream.linear.gather [hbm4b:s12+s2], $0x100, $0x38;
	[tilespmem:$0x1B380] =	vst v63  }
0x49: {  	_ =	swait.ge [sflag:s24], $0x100  }
0x4a: {  	[sflag:s24] =	ssyncset.done $0x0  }
0x4b: {  	[sflag:s24] =	ssyncadd.s32 $0xFFFFFF00  }
0x4c: {  	[tilespmem:s22], [sflag:$0x2] =	stream.indirect.gather [hbm4b:s3+s19], $0x80, s21, s19, $0xb8;
	[tilespmem:$0x1B380] =	vst v63  }
0x4d: {  	_ =	swait.ge [sflag:s31], $0x2800  }
0x4e: {  	[sflag:s31] =	ssyncset.done $0x0  }
0x4f: {  	[sflag:s31] =	ssyncadd.s32 $0xFFFFD800  }
0x50: {  	[spmem:s1] =	stream.indirect.scatter.add.f32 [tilespmem:s25], [sflag:$0x4], $0x80, s0, s19, $0xb8;
	[tilespmem:$0x1B380] =	vst v63  }
0x51: {  	s9 =	simm.s32 $0x60;
	_ =	swait.ge [sflag:s17], $0x2800  }
0x52: {  	s10 =	sadd.s32 $0x300, s13;
	s8 =	simm.s32 $0xC0;
	[sflag:s17] =	ssyncset.done $0x0  }
.LBB2_2:
0x53: {  	s12 =	sadd.s32 s9, s15  }
0x54: {  	[sflag:s17] =	ssyncadd.s32 $0xFFFFD800;
	s6 =	smov.u32 s8;
	s11 =	sadd.s32 $0x60, s8  }
0x55: {  	[tilespmem:s23], [sflag:$0x5] =	stream.linear.gather [hbm4b:s12+s2], $0x100, $0x38;
	[tilespmem:$0x1B380] =	vst v63  }
0x56: {  	p1 =	sne.s32 s8, $0xF00;
	_ =	swait.ge [sflag:s24], $0x100  }
0x57: {  	[sflag:s24] =	ssyncset.done $0x0  }
0x58: {  	[sflag:s24] =	ssyncadd.s32 $0xFFFFFF00  }
0x59: {  	[tilespmem:s25], [sflag:$0x3] =	stream.indirect.gather [hbm4b:s3+s19], $0x80, s23, s19, $0xb8;
	[tilespmem:$0x1B380] =	vst v63  }
0x5a: {  	_ =	swait.ge [sflag:s26], $0x2800  }
0x5b: {  	[sflag:s26] =	ssyncset.done $0x0  }
0x5c: {  	[sflag:s26] =	ssyncadd.s32 $0xFFFFD800  }
0x5d: {  	[spmem:s1] =	stream.indirect.scatter.add.f32 [tilespmem:s20], [sflag:$0x5], $0x80, s28, s19, $0xb8;
	[tilespmem:$0x1B380] =	vst v63  }
0x5e: {  	_ =	swait.ge [sflag:s24], $0x2800  }
0x5f: {  	s8 =	sshrl.u32 s10, $0x3;
	[sflag:s24] =	ssyncset.done $0x0  }
0x60: {  	s8 =	sadd.s32 s5, s8;
	[sflag:s24] =	ssyncadd.s32 $0xFFFFD800  }
0x61: {  	[tilespmem:s2], [sflag:$0x5] =	stream.linear.gather [hbm4b:s8+s2], $0x100, $0x38;
	[tilespmem:$0x1B380] =	vst v63  }
0x62: {  	_ =	swait.ge [sflag:s24], $0x100  }
0x63: {  	[sflag:s24] =	ssyncset.done $0x0  }
0x64: {  	[sflag:s24] =	ssyncadd.s32 $0xFFFFFF00  }
0x65: {  	[tilespmem:s20], [sflag:$0x1] =	stream.indirect.gather [hbm4b:s3+s19], $0x80, s2, s19, $0xb8;
	[tilespmem:$0x1B380] =	vst v63  }
0x66: {  	_ =	swait.ge [sflag:s29], $0x2800  }
0x67: {  	[sflag:s29] =	ssyncset.done $0x0  }
0x68: {  	[sflag:s29] =	ssyncadd.s32 $0xFFFFD800  }
0x69: {  	[spmem:s1] =	stream.indirect.scatter.add.f32 [tilespmem:s22], [sflag:$0x5], $0x80, s30, s19, $0xb8;
	[tilespmem:$0x1B380] =	vst v63  }
0x6a: {  	_ =	swait.ge [sflag:s24], $0x2800  }
0x6b: {  	[sflag:s24] =	ssyncset.done $0x0  }
0x6c: {  	s8 =	sadd.s32 s9, s14;
	s9 =	smov.u32 s6;
	[sflag:s24] =	ssyncadd.s32 $0xFFFFD800  }
0x6d: {  	[tilespmem:s21], [sflag:$0x5] =	stream.linear.gather [hbm4b:s8+s2], $0x100, $0x38;
	[tilespmem:$0x1B380] =	vst v63  }
0x6e: {  	_ =	swait.ge [sflag:s24], $0x100  }
0x6f: {  	[sflag:s24] =	ssyncset.done $0x0  }
0x70: {  	[sflag:s24] =	ssyncadd.s32 $0xFFFFFF00  }
0x71: {  	[tilespmem:s22], [sflag:$0x2] =	stream.indirect.gather [hbm4b:s3+s19], $0x80, s21, s19, $0xb8;
	[tilespmem:$0x1B380] =	vst v63  }
0x72: {  	_ =	swait.ge [sflag:s31], $0x2800  }
.Ltmp0:
0x73: {  	[sflag:s31] =	ssyncset.done $0x0;
	(pc) =	sbr.rel @p1 .LBB2_2-.Ltmp0, $4  }
0x74: {  	[sflag:s31] =	ssyncadd.s32 $0xFFFFD800  }
0x75: {  	[spmem:s1] =	stream.indirect.scatter.add.f32 [tilespmem:s25], [sflag:$0x4], $0x80, s0, s19, $0xb8;
	[tilespmem:$0x1B380] =	vst v63  }
0x76: {  	_ =	swait.ge [sflag:s17], $0x2800  }
0x77: {  	s10 =	sadd.s32 $0x300, s10;
	s8 =	smov.u32 s11;
	[sflag:s17] =	ssyncset.done $0x0  }
0x78: {  	s6 =	sadd.s32 s9, s15;
	[sflag:s17] =	ssyncadd.s32 $0xFFFFD800  }
0x79: {  	[tilespmem:s23], [sflag:$0x5] =	stream.linear.gather [hbm4b:s6+s2], $0x100, $0x38;
	[tilespmem:$0x1B380] =	vst v63  }
0x7a: {  	_ =	swait.ge [sflag:s24], $0x100  }
0x7b: {  	[sflag:s24] =	ssyncset.done $0x0  }
0x7c: {  	[sflag:s24] =	ssyncadd.s32 $0xFFFFFF00  }
0x7d: {  	[tilespmem:s25], [sflag:$0x3] =	stream.indirect.gather [hbm4b:s3+s19], $0x80, s23, s19, $0xb8;
	[tilespmem:$0x1B380] =	vst v63  }
0x7e: {  	_ =	swait.ge [sflag:s26], $0x2800  }
0x7f: {  	[sflag:s26] =	ssyncset.done $0x0  }
0x80: {  	[sflag:s26] =	ssyncadd.s32 $0xFFFFD800  }
0x81: {  	[spmem:s1] =	stream.indirect.scatter.add.f32 [tilespmem:s20], [sflag:$0x5], $0x80, s28, s19, $0xb8;
	[tilespmem:$0x1B380] =	vst v63  }
0x82: {  	_ =	swait.ge [sflag:s24], $0x2800  }
0x83: {  	s10 =	sshrl.u32 s10, $0x3;
	[sflag:s24] =	ssyncset.done $0x0  }
0x84: {  	s6 =	sadd.s32 s5, s10;
	[sflag:s24] =	ssyncadd.s32 $0xFFFFD800  }
0x85: {  	[tilespmem:s2], [sflag:$0x5] =	stream.linear.gather [hbm4b:s6+s2], $0x100, $0x38;
	[tilespmem:$0x1B380] =	vst v63  }
0x86: {  	_ =	swait.ge [sflag:s24], $0x100  }
0x87: {  	[sflag:s24] =	ssyncset.done $0x0  }
0x88: {  	[sflag:s24] =	ssyncadd.s32 $0xFFFFFF00  }
0x89: {  	[tilespmem:s20], [sflag:$0x1] =	stream.indirect.gather [hbm4b:s3+s19], $0x80, s2, s19, $0xb8;
	[tilespmem:$0x1B380] =	vst v63  }
0x8a: {  	_ =	swait.ge [sflag:s29], $0x2800  }
0x8b: {  	[sflag:s29] =	ssyncset.done $0x0  }
0x8c: {  	[sflag:s29] =	ssyncadd.s32 $0xFFFFD800  }
0x8d: {  	[spmem:s1] =	stream.indirect.scatter.add.f32 [tilespmem:s22], [sflag:$0x5], $0x80, s30, s19, $0xb8;
	[tilespmem:$0x1B380] =	vst v63  }
0x8e: {  	_ =	swait.ge [sflag:s24], $0x2800  }
0x8f: {  	[sflag:s24] =	ssyncset.done $0x0  }
0x90: {  	s11 =	sadd.s32 s9, s14;
	[sflag:s24] =	ssyncadd.s32 $0xFFFFD800  }
0x91: {  	[tilespmem:s21], [sflag:$0x5] =	stream.linear.gather [hbm4b:s11+s2], $0x100, $0x38;
	[tilespmem:$0x1B380] =	vst v63  }
0x92: {  	_ =	swait.ge [sflag:s24], $0x100  }
0x93: {  	[sflag:s24] =	ssyncset.done $0x0  }
0x94: {  	[sflag:s24] =	ssyncadd.s32 $0xFFFFFF00  }
0x95: {  	[tilespmem:s22], [sflag:$0x2] =	stream.indirect.gather [hbm4b:s3+s19], $0x80, s21, s19, $0xb8;
	[tilespmem:$0x1B380] =	vst v63  }
0x96: {  	_ =	swait.ge [sflag:s31], $0x2800  }
0x97: {  	[sflag:s31] =	ssyncset.done $0x0  }
0x98: {  	[sflag:s31] =	ssyncadd.s32 $0xFFFFD800  }
0x99: {  	[spmem:s1] =	stream.indirect.scatter.add.f32 [tilespmem:s25], [sflag:$0x4], $0x80, s0, s19, $0xb8;
	[tilespmem:$0x1B380] =	vst v63  }
0x9a: {  	_ =	swait.ge [sflag:s17], $0x2800  }
0x9b: {  	[sflag:s17] =	ssyncset.done $0x0  }
0x9c: {  	[sflag:s17] =	ssyncadd.s32 $0xFFFFD800  }
0x9d: {  	_ =	swait.ge [sflag:s26], $0x2800  }
0x9e: {  	[sflag:s26] =	ssyncset.done $0x0  }
0x9f: {  	[sflag:s26] =	ssyncadd.s32 $0xFFFFD800  }
0xa0: {  	[spmem:s1] =	stream.indirect.scatter.add.f32 [tilespmem:s20], [sflag:$0x5], $0x80, s28, s19, $0xb8;
	[tilespmem:$0x1B380] =	vst v63  }
0xa1: {  	_ =	swait.ge [sflag:s24], $0x2800  }
0xa2: {  	[sflag:s24] =	ssyncset.done $0x0  }
0xa3: {  	[sflag:s24] =	ssyncadd.s32 $0xFFFFD800  }
0xa4: {  	_ =	swait.ge [sflag:s29], $0x2800  }
0xa5: {  	[sflag:s29] =	ssyncset.done $0x0  }
0xa6: {  	[sflag:s29] =	ssyncadd.s32 $0xFFFFD800  }
0xa7: {  	[spmem:s1] =	stream.indirect.scatter.add.f32 [tilespmem:s22], [sflag:$0x5], $0x80, s30, s19, $0xb8;
	[tilespmem:$0x1B380] =	vst v63  }
0xa8: {  	_ =	swait.ge [sflag:s24], $0x2800  }
0xa9: {  	[sflag:s24] =	ssyncset.done $0x0  }
0xaa: {  	[sflag:s24] =	ssyncadd.s32 $0xFFFFD800  }
0xab: {  	[bflag:$0x0] =	sbarrier.arrive $0xFFFF  }
0xac: {  	s12 =	rddreg [dreg:$0x6]  }
0xad: {  	[hbm:s12], [sflag:s7] =	dma.local [spmem:s16], $0x2700  }
0xae: {  	_ =	swait.ge [sflag:s17], $0x2700  }
0xaf: {  	[sflag:s17] =	ssyncset.done $0x0  }
0xb0: {  	s6 =	rddreg [dreg:$0x7];
	[sflag:s17] =	ssyncadd.s32 $0xFFFFD900  }
0xb1: {  	[hbm:s6], [sflag:s7] =	dma.local @!p0 [spmem:s18], $0x100  }
0xb2: {  	s6 =	simm.s32 @!p0 $0x4  }
0xb3: {  	_ =	swait.ge @!p0 [sflag:s6], $0x100  }
0xb4: {  	s4 =	sadd.s32 $0x1, s4;
	s8 =	rddreg [dreg:$0x8]  }
0xb5: {  	p1 =	sne.s32 s4, s8  }
.Ltmp1:
0xb6: {  	_ = 	snop;
	(pc) =	sbr.rel @p1 .LBB2_1-.Ltmp1, $3  }
0xb7: {  	_ =	sdelay $0x1  }
0xb8: {  	[sflag:s6] =	ssyncset.done @!p0 $0x0  }
0xb9: {  	[sflag:s6] =	ssyncadd.s32 @!p0 $0xFFFFFF00  }
0xba: {  	_ =	sfence.sel $0x180000  }
0xbb: {  	[bflag:$0x0] =	sbarrier.arrive $0xFFFF  }
0xbc: {  	_ =	strace $0x90000050  }
0xbd: {  	s0 =	stileid.u32;
	[bflag:$0x2] =	sbarrier.arrive $0xFFFF  }
0xbe: {  	p0 =	sne.s32 s0, $0x0;
	s0 =	rddreg [dreg:$0x2]  }
0xbf: {  	s0 =	sadd.s32 @!p0 $0x100000, s0  }
0xc0: {  	[sflag:s0] =	ssyncadd.tile.s32 @!p0 $0x1;
	_ =	shalt  }
.Lfunc_end2:
_tile_overlayer_lowered:
.L_overlay_start_2:
0xc1: {  	(tag) =	ssettag $0x2  }
0xc2: {  	s0 =	rddreg [dreg:$0x0];
	s2 =	stileid.u32  }
0xc3: {  	s1 =	rddreg [dreg:$0x1];
	p0 =	sne.s32 s2, $0x0  }
0xc4: {  	s3 =	rddreg [dreg:$0x2];
	[bflag:$0x3] =	sbarrier.arrive $0xFFFF;
	s2 =	simm.s32 @!p0 $0x1C04  }
0xc5: {  	[timem:s3], [sflag:s2] =	dma.local @!p0 [hbm:s0], s1  }
0xc6: {  	s0 =	simm.s32 @!p0 $0x4  }
0xc7: {  	_ =	swait.ge @!p0 [sflag:s0], s1  }
0xc8: {  	s1 =	ssub.s32 @!p0 $0x0, s1;
	[sflag:s0] =	ssyncset.done @!p0 $0x0  }
0xc9: {  	[sflag:s0] =	ssyncadd.s32 @!p0 s1  }
0xca: {  	[bflag:$0x3] =	sbarrier.arrive $0xFFFF  }
0xcb: {  	_ =	shalt  }

// kernel: kernel.25.cloned.1.call-start
scs
__scs_entry_jumppad:
0x0: {  	(pc) =	sbr.rel $0x88, $3  }
0x1: {  	(tag) =	ssettag $0x0;
	lr =	simm.s32 $0x1  }
0x2: {  	[smem:$0x3F96] =	sst lr;
	_ =	strace $0xD0000000  }
0x3: {  	_ = 	snop  }
0x4: {  	_ = 	snop  }
0x5: {  	_ = 	snop  }
0x6: {  	_ = 	snop  }
0x7: {  	_ = 	snop  }
__scs_overlays_trampoline_lowered:
0x8: {  	[smem:$0x3FA5] =	sst s0  }
0x9: {  	[smem:$0x3FA6] =	sst s1  }
0xa: {  	[smem:$0x3FA7] =	sst s2  }
0xb: {  	[smem:$0x3FA8] =	sst s3  }
0xc: {  	[smem:$0x3FA9] =	sst s4  }
0xd: {  	[smem:$0x3FAA] =	sst s5  }
0xe: {  	[smem:$0x3FAB] =	sst s6  }
0xf: {  	[smem:$0x3FAC] =	sst s7  }
0x10: {  	[smem:$0x3FAD] =	sst s8  }
0x11: {  	[smem:$0x3FAE] =	sst s9;
	s0 =	simm.s32 @!p0 $0x0  }
0x12: {  	s1 =	sld [smem:$0x3F94];
	s0 =	simm.s32 @p0 $0x1  }
0x13: {  	[smem:$0x3FAF] =	sst s0;
	s0 =	simm.s32 @!p1 $0x0  }
0x14: {  	s2 =	sld [smem:$0x3F93];
	s0 =	simm.s32 @p1 $0x1  }
0x15: {  	[smem:$0x3FB0] =	sst s0;
	s0 =	simm.s32 @!p2 $0x0  }
0x16: {  	s3 =	sld [smem:$0x3FDB];
	s0 =	simm.s32 @p2 $0x1  }
0x17: {  	s4 =	simm.s32 $0x1BF5;
	[smem:$0x3FB2] =	sst s0  }
0x18: {  	s0 =	sld [smem:$0x3F95];
	_ =	swait.ge [sflag:s4], $0x0  }
0x19: {  	s7 =	sld [smem:$0x3F96]  }
0x1a: {  	s8 =	sadd.s32 $0xFFFFE003, lr  }
0x1b: {  	s9 =	sadd.s32 $0xFFFFFEF7, lr;
	s5 =	simm.s32 $0xFFFFFFFF;
	p2 =	slt.u32 s8, $0xFFFFF086  }
0x1c: {  	p1 =	slt.u32 s9, $0xF7A;
	s5 =	simm.s32 @!p2 $0x0  }
0x1d: {  	s5 =	simm.s32 @p1 $0x1;
	p0 =	seq.s32 s7, s2  }
0x1e: {  	s7 =	smul.u32 @!p0 $0xF7A, s2;
	p2 =	seq.s32 @!p0 s5, $0x0  }
0x1f: {  	s9 =	smul.u32 $0xF7A, s1;
	s8 =	simm.s32 @!p0 $0x1BF5;
	p2 =	por !p2, p0  }
0x20: {  	[sflag:s8] =	ssyncset.s32 @!p0 $0xFFFFF086;
	s6 =	sadd.s32 @!p0 s3, s7;
	s7 =	simm.s32 @!p0 $0x108  }
0x21: {  	s3 =	sadd.s32 s3, s9;
	s6 =	sadd.s32 @!p0 $0x88, s6;
	s7 =	simm.s32 @p2 $0x1082  }
0x22: {  	[simem:s7], [sflag:s8] =	dma.local @!p0 [hbm:s6], $0xF7A  }
0x23: {  	s9 =	sor.u32 $0xD0000000, s2;
	s6 =	simm.s32 $0x108;
	_ =	swait.ge @!p0 [sflag:s8], $0x0  }
0x24: {  	s3 =	sadd.s32 $0x88, s3;
	s6 =	simm.s32 @!p1 $0x1082;
	[sflag:s4] =	ssyncset.s32 $0xFFFFF086  }
0x25: {  	[simem:s6], [sflag:s4] =	dma.local [hbm:s3], $0xF7A  }
0x26: {  	[smem:$0x3F96] =	sst s1;
	(tag) =	ssettag s2;
	_ =	strace s9  }
0x27: {  	s1 =	sld [smem:$0x3FA6]  }
0x28: {  	s2 =	sld [smem:$0x3FA7]  }
0x29: {  	s4 =	sld [smem:$0x3FA9]  }
0x2a: {  	p0 =	seq.s32 s5, $0x0;
	s5 =	sld [smem:$0x3FAA]  }
0x2b: {  	s6 =	sld [smem:$0x3FAB]  }
0x2c: {  	s7 =	sld [smem:$0x3FAC]  }
0x2d: {  	s3 =	simm.s32 $0x108;
	s8 =	sld [smem:$0x3FAD]  }
0x2e: {  	s3 =	simm.s32 @!p0 $0x1082;
	s9 =	sld [smem:$0x3FAE]  }
0x2f: {  	lr =	sadd.s32 s0, s3;
	s0 =	sld [smem:$0x3FA5]  }
0x30: {  	s3 =	sld [smem:$0x3FA8]  }
0x31: {  	[smem:$0x3FB1] =	sst s10  }
0x32: {  	s10 =	sld [smem:$0x3FAF];
	_ =	sdelay $0x3  }
0x33: {  	p0 =	seq.s32 s10, $0x1;
	s10 =	sld [smem:$0x3FB1];
	_ =	sdelay $0x3  }
0x34: {  	[smem:$0x3FB1] =	sst s10  }
0x35: {  	s10 =	sld [smem:$0x3FB0];
	_ =	sdelay $0x3  }
0x36: {  	p1 =	seq.s32 s10, $0x1;
	s10 =	sld [smem:$0x3FB1];
	_ =	sdelay $0x3  }
0x37: {  	[smem:$0x3FB1] =	sst s10  }
0x38: {  	s10 =	sld [smem:$0x3FB2]  }
0x39: {  	_ = 	snop;
	(pc) =	sbr.ind lr, $3  }
0x3a: {  	_ = 	snop  }
0x3b: {  	_ = 	snop  }
0x3c: {  	p2 =	seq.s32 s10, $0x1;
	s10 =	sld [smem:$0x3FB1]  }
0x3d: {  	_ =	shalt  }
0x3e: {  	_ =	shalt  }
0x3f: {  	_ =	shalt  }
0x40: {  	_ =	shalt  }
0x41: {  	_ =	shalt  }
0x42: {  	_ =	shalt  }
0x43: {  	_ =	shalt  }
0x44: {  	_ =	shalt  }
0x45: {  	_ =	shalt  }
0x46: {  	_ =	shalt  }
0x47: {  	_ =	shalt  }
0x48: {  	_ =	shalt  }
0x49: {  	_ =	shalt  }
0x4a: {  	_ =	shalt  }
0x4b: {  	_ =	shalt  }
0x4c: {  	_ =	shalt  }
0x4d: {  	_ =	shalt  }
0x4e: {  	_ =	shalt  }
0x4f: {  	_ =	shalt  }
0x50: {  	_ =	shalt  }
0x51: {  	_ =	shalt  }
0x52: {  	_ =	shalt  }
0x53: {  	_ =	shalt  }
0x54: {  	_ =	shalt  }
0x55: {  	_ =	shalt  }
0x56: {  	_ =	shalt  }
0x57: {  	_ =	shalt  }
0x58: {  	_ =	shalt  }
0x59: {  	_ =	shalt  }
0x5a: {  	_ =	shalt  }
0x5b: {  	_ =	shalt  }
0x5c: {  	_ =	shalt  }
0x5d: {  	_ =	shalt  }
0x5e: {  	_ =	shalt  }
0x5f: {  	_ =	shalt  }
0x60: {  	_ =	shalt  }
0x61: {  	_ =	shalt  }
0x62: {  	_ =	shalt  }
0x63: {  	_ =	shalt  }
0x64: {  	_ =	shalt  }
0x65: {  	_ =	shalt  }
0x66: {  	_ =	shalt  }
0x67: {  	_ =	shalt  }
0x68: {  	_ =	shalt  }
0x69: {  	_ =	shalt  }
0x6a: {  	_ =	shalt  }
0x6b: {  	_ =	shalt  }
0x6c: {  	_ =	shalt  }
0x6d: {  	_ =	shalt  }
0x6e: {  	_ =	shalt  }
0x6f: {  	_ =	shalt  }
0x70: {  	_ =	shalt  }
0x71: {  	_ =	shalt  }
0x72: {  	_ =	shalt  }
0x73: {  	_ =	shalt  }
0x74: {  	_ =	shalt  }
0x75: {  	_ =	shalt  }
0x76: {  	_ =	shalt  }
0x77: {  	_ =	shalt  }
0x78: {  	_ =	shalt  }
0x79: {  	_ =	shalt  }
0x7a: {  	_ =	shalt  }
0x7b: {  	_ =	shalt  }
0x7c: {  	_ =	shalt  }
0x7d: {  	_ =	shalt  }
0x7e: {  	_ =	shalt  }
0x7f: {  	_ =	shalt  }
0x80: {  	_ =	shalt  }
0x81: {  	_ =	shalt  }
0x82: {  	_ =	shalt  }
0x83: {  	_ =	shalt  }
0x84: {  	_ =	shalt  }
0x85: {  	_ =	shalt  }
0x86: {  	_ =	shalt  }
0x87: {  	_ =	shalt  }
.Lfunc_end0:
.L_simem_size_0:
called_computation.4_lowered:
.L_overlay_start_0:
0x88: {  	s2 =	sld [smem:$0x3FD9]  }
0x89: {  	s3 =	sld [smem:$0x3FFE];
	_ =	sdelay $0x1  }
0x8a: {  	s1 =	srdreg.scid  }
0x8b: {  	s0 =	sand.u32 $0x1, s1  }
0x8c: {  	s16 =	sshll.u32 s0, $0xA;
	s2 =	sadd.s32 s3, s2  }
0x8d: {  	s2 =	sadd.s32 s2, s16  }
0x8e: {  	[smem:$0x3FBD] =	sst s2  }
0x8f: {  	_ = 	snop  }
0x90: {  	(tm) =	ssettm $0x1  }
0x91: {  	s17 =	sld [smem:$0x3FFB];
	_ =	sdelay $0x3  }
0x92: {  	_ =	strace s17  }
0x93: {  	s2 =	sld [smem:$0x3FFC];
	_ =	sdelay $0x3  }
0x94: {  	_ =	strace s2  }
0x95: {  	s2 =	sld [smem:$0x3FFD];
	_ =	sdelay $0x3  }
0x96: {  	_ =	strace s2  }
0x97: {  	_ =	strace $0x8FFFFFFF  }
0x98: {  	s18 =	sld [smem:$0x3FDB];
	_ =	sdelay $0x1  }
0x99: {  	s19 =	simm.s32 $_scs_section_size  }
0x9a: {  	s4 =	simm.s32 $_size__tile_overlayer_lowered;
	s5 =	simm.s32 $_tile_overlayer_lowered  }
0x9b: {  	s22 =	simm.s32 $0x1BFF;
	s21 =	sshll.u32 s5, $0x1;
	s2 =	sadd.s32 s19, s18  }
0x9c: {  	s6 =	simm.s32 $0x0;
	s20 =	sshll.u32 s4, $0x1;
	s4 =	sadd.s32 s21, s2  }
0x9d: {  	[timem:s6], [sflag:s22] =	dma.local [hbm:s4], s20  }
0x9e: {  	_ =	swait.ge [sflag:s22], s20  }
0x9f: {  	s3 =	ssub.s32 $0x0, s20;
	[sflag:s22] =	ssyncset.done $0x0  }
0xa0: {  	[sflag:s22] =	ssyncadd.s32 s3;
	_ =	sdelay $0x1  }
0xa1: {  	s23 =	simm.s32 $0x1B8B  }
0xa2: {  	_ =	swait.ge [sflag:s23], $0x1  }
0xa3: {  	[sflag:s23] =	ssyncset.done $0x0  }
0xa4: {  	s25 =	simm.s32 $0x1B8E;
	s24 =	sld [smem:$0x3FFE];
	[sflag:s23] =	ssyncadd.s32 $0xFFFFFFFF  }
0xa5: {  	s26 =	simm.s32 $execute0_lowered;
	[smem:$0x3FD2] =	sst s25  }
0xa6: {  	s4 =	sshll.u32 s26, $0x1;
	_ =	strace $0x80000052;
	[dreg:$0x1] =	wrdreg $0xFFFFFFFF  }
0xa7: {  	s28 =	simm.s32 $_size_execute0_lowered;
	s2 =	sadd.s32 s2, s4;
	[dreg:$0x0] =	wrdreg $0x0  }
0xa8: {  	s4 =	sshll.u32 s28, $0x1;
	[dreg:$0x2] =	wrdreg s2  }
0xa9: {  	[dreg:$0x3] =	wrdreg s4  }
0xaa: {  	[dreg:$0x4] =	wrdreg $0xC0  }
0xab: {  	_ =	task [dreg:s6], $0x5FFFF  }
0xac: {  	[dreg:$0x1] =	wrdreg $0xFFFFFFFF  }
0xad: {  	[dreg:$0x0] =	wrdreg $0x60  }
0xae: {  	[dreg:$0x2] =	wrdreg s24  }
0xaf: {  	[dreg:$0x3] =	wrdreg $0x7B000  }
0xb0: {  	[dreg:$0x4] =	wrdreg $0x9  }
0xb1: {  	_ =	task.clear_ibuf [dreg:s6], $0x5FFFF;
	_ =	strace $0x90000052  }
0xb2: {  	s29 =	simm.s32 $0x9;
	_ =	strace $0x80000054  }
0xb3: {  	_ =	swait.ge [sflag:s29], $0x1  }
0xb4: {  	[sflag:s29] =	ssyncadd.s32 $0xFFFFFFFF  }
0xb5: {  	_ =	strace $0x90000054  }
0xb6: {  	_ =	sfence  }
0xb7: {  	s30 =	sld [smem:$0x0];
	_ =	sdelay $0x2  }
0xb8: {  	s31 =	sshll.u32 s1, $0xD;
	s1 =	sshrl.u32 s1, $0x2  }
0xb9: {  	s3 =	sand.u32 $0x4000, s31;
	s1 =	sadd.s32 s1, s30  }
0xba: {  	s0 =	sor.u32 s3, s0;
	s1 =	sshll.u32 s1, $0x11  }
0xbb: {  	s0 =	sor.u32 s1, s0  }
0xbc: {  	s0 =	sadd.s32 $0x8F2B, s0  }
0xbd: {  	[sflag:s0] =	ssyncadd.remote.s32 $0x1  }
0xbe: {  	_ =	sfence.sel $0xFFFF  }
0xbf: {  	[dreg:$0x0] =	wrdreg $0xFFFFFFFF;
	(pc) =	sbr.abs _section_cstart, $3  }
0xc0: {  	[dreg:$0x1] =	wrdreg $0xFFFFFFFF  }
0xc1: {  	_ =	task.clear_ibuf [dreg:s6], $0x2FFFF;
	_ =	strace $0x9FFFFFFF  }
0xc2: {  	(tm) =	ssettm $0x7FFFFFFF  }
0xc3: {  	_ =	shalt  }
tec
execute0_lowered:
.L_overlay_start_1:
0x0: {  	(tag) =	ssettag $0x1  }
0x1: {  	s0 =	rddreg [dreg:$0x0]  }
0x2: {  	s1 =	rddreg [dreg:$0x1];
	s2 =	simm.s32 $0x0;
	s4 =	srdreg.scid  }
0x3: {  	s19 =	stileid.u32;
	s17 =	simm.s32 $0x4;
	s28 =	simm.s32 $0x80  }
0x4: {  	s29 =	simm.s32 $0x2;
	s30 =	simm.s32 $0x180;
	s31 =	simm.s32 $0x3  }
0x5: {  	[smem:$0x7FF] =	sst s2;
	s3 =	sadd.s32 $0x26200, s0;
	s5 =	sadd.s32 $0x4600, s0  }
0x6: {  	s6 =	sadd.s32 $0x23A00, s0;
	s4 =	sand.u32 $0x1, s4;
	s10 =	smul.u32 $0x4E000, s19  }
0x7: {  	s0 =	sadd.s32 $0x4D400, s0;
	s21 =	sshll.u32 s19, $0x6;
	s22 =	smul.u32 $0x13800, s19  }
0x8: {  	s18 =	sadd.s32 $0x138000, s1;
	s24 =	smul.u32 $0x7D00, s19;
	p0 =	sne.s32 s19, $0xF  }
0x9: {  	_ =	strace $0x80000053;
	[dreg:$0x3] =	wrdreg s6;
	s11 =	smul.u32 $0x138800, s4  }
0xa: {  	s7 =	ssub.s32 $0x2, s4;
	s8 =	sshll.u32 s4, $0x4;
	s4 =	smul.u32 $0x7D000, s4  }
0xb: {  	s18 =	sshrl.u32 @!p0 s18, $0x3;
	s9 =	sshrl.u32 s7, $0x1;
	s8 =	sor.u32 s19, s8  }
0xc: {  	s20 =	sshrl.u32 s10, $0x2;
	s19 =	simm.s32 $0x50;
	s9 =	ssub.s32 s7, s9  }
0xd: {  	s8 =	smul.u32 $0x7D00, s8;
	s16 =	sadd.s32 s20, s1;
	s7 =	sor.u32 $0x1C04, s21  }
0xe: {  	s23 =	sadd.s32 s22, s11;
	s11 =	sshrl.u32 s11, $0x3;
	s4 =	sadd.s32 s24, s4  }
0xf: {  	s20 =	simm.s32 $0x300;
	s21 =	simm.s32 $0x100;
	s22 =	simm.s32 $0x2B00  }
0x10: {  	s24 =	simm.s32 $0x5;
	s25 =	sadd.s32 $0x400, s4;
	s26 =	sadd.s32 $0x200, s4  }
0x11: {  	s9 =	smax.u32 s9, $0x1;
	s13 =	sadd.s32 $0x300, s4;
	s8 =	sshrl.u32 s8, $0x3  }
0x12: {  	s16 =	sshrl.u32 s16, $0x3;
	[dreg:$0x8] =	wrdreg s9;
	s12 =	sadd.s32 s5, s8  }
0x13: {  	s8 =	sshrl.u32 s23, $0x3;
	[dreg:$0x4] =	wrdreg s12;
	s12 =	sadd.s32 $0x20, s12  }
0x14: {  	s4 =	simm.s32 $0x0;
	s8 =	sadd.s32 s0, s8;
	[dreg:$0x5] =	wrdreg s12  }
0x15: {  	s23 =	simm.s32 $0x200;
	s0 =	sadd.s32 s0, s11;
	[dreg:$0x6] =	wrdreg s8  }
0x16: {  	s0 =	sadd.s32 $0x27000, s0;
	s8 =	sshrl.u32 s26, $0x3;
	s26 =	simm.s32 $0x1  }
0x17: {  	[dreg:$0x7] =	wrdreg s0;
	s0 =	sshrl.u32 s25, $0x3;
	s15 =	sadd.s32 s8, s5  }
0x18: {  	s25 =	simm.s32 $0x5300;
	s14 =	sadd.s32 s0, s5;
	s0 =	simm.s32 $0x280  }
.LBB2_1:
0x19: {  	s6 =	rddreg [dreg:$0x3]  }
0x1a: {  	[spmem:s16], [sflag:s7] =	dma.local [hbm:s6], $0x2700  }
0x1b: {  	_ =	swait.ge [sflag:s17], $0x2700  }
0x1c: {  	[sflag:s17] =	ssyncset.done $0x0  }
0x1d: {  	s8 =	simm.s32 @!p0 $0x4;
	[sflag:s17] =	ssyncadd.s32 $0xFFFFD900  }
0x1e: {  	[spmem:s18], [sflag:s7] =	dma.local @!p0 [hbm:s6], $0x100  }
0x1f: {  	_ =	swait.ge @!p0 [sflag:s8], $0x100  }
0x20: {  	[sflag:s8] =	ssyncset.done @!p0 $0x0  }
0x21: {  	[sflag:s8] =	ssyncadd.s32 @!p0 $0xFFFFFF00  }
0x22: {  	[bflag:$0x0] =	sbarrier.arrive $0xFFFF  }
0x23: {  	s8 =	rddreg [dreg:$0x4]  }
0x24: {  	[tilespmem:s2], [sflag:$0x4] =	stream.linear.gather [hbm4b:s8+s2], $0x100, $0x38;
	[tilespmem:$0x1B380] =	vst v63  }
0x25: {  	_ =	swait.ge [sflag:s17], $0x100  }
0x26: {  	[sflag:s17] =	ssyncset.done $0x0  }
0x27: {  	[sflag:s17] =	ssyncadd.s32 $0xFFFFFF00  }
0x28: {  	[tilespmem:s20], [sflag:$0x1] =	stream.indirect.gather [hbm4b:s3+s19], $0x80, s2, s19, $0xb8;
	[tilespmem:$0x1B380] =	vst v63  }
0x29: {  	s9 =	rddreg [dreg:$0x5]  }
0x2a: {  	[tilespmem:s21], [sflag:$0x4] =	stream.linear.gather [hbm4b:s9+s2], $0x100, $0x38;
	[tilespmem:$0x1B380] =	vst v63  }
0x2b: {  	_ =	swait.ge [sflag:s17], $0x100  }
0x2c: {  	[sflag:s17] =	ssyncset.done $0x0  }
0x2d: {  	[sflag:s17] =	ssyncadd.s32 $0xFFFFFF00  }
0x2e: {  	[tilespmem:s22], [sflag:$0x2] =	stream.indirect.gather [hbm4b:s3+s19], $0x80, s21, s19, $0xb8;
	[tilespmem:$0x1B380] =	vst v63  }
0x2f: {  	s10 =	sadd.s32 $0x0, s15  }
0x30: {  	[tilespmem:s23], [sflag:$0x5] =	stream.linear.gather [hbm4b:s10+s2], $0x100, $0x38;
	[tilespmem:$0x1B380] =	vst v63  }
0x31: {  	_ =	swait.ge [sflag:s24], $0x100  }
0x32: {  	[sflag:s24] =	ssyncset.done $0x0  }
0x33: {  	[sflag:s24] =	ssyncadd.s32 $0xFFFFFF00  }
0x34: {  	[tilespmem:s25], [sflag:$0x3] =	stream.indirect.gather [hbm4b:s3+s19], $0x80, s23, s19, $0xb8;
	[tilespmem:$0x1B380] =	vst v63  }
0x35: {  	_ =	swait.ge [sflag:s26], $0x2800  }
0x36: {  	[sflag:s26] =	ssyncset.done $0x0  }
0x37: {  	[sflag:s26] =	ssyncadd.s32 $0xFFFFD800  }
0x38: {  	[spmem:s1] =	stream.indirect.scatter.add.f32 [tilespmem:s20], [sflag:$0x5], $0x80, s28, s19, $0xb8;
	[tilespmem:$0x1B380] =	vst v63  }
0x39: {  	_ =	swait.ge [sflag:s24], $0x2800  }
0x3a: {  	s11 =	sshrl.u32 s13, $0x3;
	[sflag:s24] =	ssyncset.done $0x0  }
0x3b: {  	s8 =	sadd.s32 s5, s11;
	[sflag:s24] =	ssyncadd.s32 $0xFFFFD800  }
0x3c: {  	[tilespmem:s2], [sflag:$0x5] =	stream.linear.gather [hbm4b:s8+s2], $0x100, $0x38;
	[tilespmem:$0x1B380] =	vst v63  }
0x3d: {  	_ =	swait.ge [sflag:s24], $0x100  }
0x3e: {  	[sflag:s24] =	ssyncset.done $0x0  }
0x3f: {  	[sflag:s24] =	ssyncadd.s32 $0xFFFFFF00  }
0x40: {  	[tilespmem:s20], [sflag:$0x1] =	stream.indirect.gather [hbm4b:s3+s19], $0x80, s2, s19, $0xb8;
	[tilespmem:$0x1B380] =	vst v63  }
0x41: {  	_ =	swait.ge [sflag:s29], $0x2800  }
0x42: {  	[sflag:s29] =	ssyncset.done $0x0  }
0x43: {  	[sflag:s29] =	ssyncadd.s32 $0xFFFFD800  }
0x44: {  	[spmem:s1] =	stream.indirect.scatter.add.f32 [tilespmem:s22], [sflag:$0x5], $0x80, s30, s19, $0xb8;
	[tilespmem:$0x1B380] =	vst v63  }
0x45: {  	_ =	swait.ge [sflag:s24], $0x2800  }
0x46: {  	[sflag:s24] =	ssyncset.done $0x0  }
0x47: {  	s12 =	sadd.s32 $0x0, s14;
	[sflag:s24] =	ssyncadd.s32 $0xFFFFD800  }
0x48: {  	[tilespmem:s21], [sflag:$0x5] =	stream.linear.gather [hbm4b:s12+s2], $0x100, $0x38;
	[tilespmem:$0x1B380] =	vst v63  }
0x49: {  	_ =	swait.ge [sflag:s24], $0x100  }
0x4a: {  	[sflag:s24] =	ssyncset.done $0x0  }
0x4b: {  	[sflag:s24] =	ssyncadd.s32 $0xFFFFFF00  }
0x4c: {  	[tilespmem:s22], [sflag:$0x2] =	stream.indirect.gather [hbm4b:s3+s19], $0x80, s21, s19, $0xb8;
	[tilespmem:$0x1B380] =	vst v63  }
0x4d: {  	_ =	swait.ge [sflag:s31], $0x2800  }
0x4e: {  	[sflag:s31] =	ssyncset.done $0x0  }
0x4f: {  	[sflag:s31] =	ssyncadd.s32 $0xFFFFD800  }
0x50: {  	[spmem:s1] =	stream.indirect.scatter.add.f32 [tilespmem:s25], [sflag:$0x4], $0x80, s0, s19, $0xb8;
	[tilespmem:$0x1B380] =	vst v63  }
0x51: {  	s9 =	simm.s32 $0x60;
	_ =	swait.ge [sflag:s17], $0x2800  }
0x52: {  	s10 =	sadd.s32 $0x300, s13;
	s8 =	simm.s32 $0xC0;
	[sflag:s17] =	ssyncset.done $0x0  }
.LBB2_2:
0x53: {  	s12 =	sadd.s32 s9, s15  }
0x54: {  	[sflag:s17] =	ssyncadd.s32 $0xFFFFD800;
	s6 =	smov.u32 s8;
	s11 =	sadd.s32 $0x60, s8  }
0x55: {  	[tilespmem:s23], [sflag:$0x5] =	stream.linear.gather [hbm4b:s12+s2], $0x100, $0x38;
	[tilespmem:$0x1B380] =	vst v63  }
0x56: {  	p1 =	sne.s32 s8, $0xF00;
	_ =	swait.ge [sflag:s24], $0x100  }
0x57: {  	[sflag:s24] =	ssyncset.done $0x0  }
0x58: {  	[sflag:s24] =	ssyncadd.s32 $0xFFFFFF00  }
0x59: {  	[tilespmem:s25], [sflag:$0x3] =	stream.indirect.gather [hbm4b:s3+s19], $0x80, s23, s19, $0xb8;
	[tilespmem:$0x1B380] =	vst v63  }
0x5a: {  	_ =	swait.ge [sflag:s26], $0x2800  }
0x5b: {  	[sflag:s26] =	ssyncset.done $0x0  }
0x5c: {  	[sflag:s26] =	ssyncadd.s32 $0xFFFFD800  }
0x5d: {  	[spmem:s1] =	stream.indirect.scatter.add.f32 [tilespmem:s20], [sflag:$0x5], $0x80, s28, s19, $0xb8;
	[tilespmem:$0x1B380] =	vst v63  }
0x5e: {  	_ =	swait.ge [sflag:s24], $0x2800  }
0x5f: {  	s8 =	sshrl.u32 s10, $0x3;
	[sflag:s24] =	ssyncset.done $0x0  }
0x60: {  	s8 =	sadd.s32 s5, s8;
	[sflag:s24] =	ssyncadd.s32 $0xFFFFD800  }
0x61: {  	[tilespmem:s2], [sflag:$0x5] =	stream.linear.gather [hbm4b:s8+s2], $0x100, $0x38;
	[tilespmem:$0x1B380] =	vst v63  }
0x62: {  	_ =	swait.ge [sflag:s24], $0x100  }
0x63: {  	[sflag:s24] =	ssyncset.done $0x0  }
0x64: {  	[sflag:s24] =	ssyncadd.s32 $0xFFFFFF00  }
0x65: {  	[tilespmem:s20], [sflag:$0x1] =	stream.indirect.gather [hbm4b:s3+s19], $0x80, s2, s19, $0xb8;
	[tilespmem:$0x1B380] =	vst v63  }
0x66: {  	_ =	swait.ge [sflag:s29], $0x2800  }
0x67: {  	[sflag:s29] =	ssyncset.done $0x0  }
0x68: {  	[sflag:s29] =	ssyncadd.s32 $0xFFFFD800  }
0x69: {  	[spmem:s1] =	stream.indirect.scatter.add.f32 [tilespmem:s22], [sflag:$0x5], $0x80, s30, s19, $0xb8;
	[tilespmem:$0x1B380] =	vst v63  }
0x6a: {  	_ =	swait.ge [sflag:s24], $0x2800  }
0x6b: {  	[sflag:s24] =	ssyncset.done $0x0  }
0x6c: {  	s8 =	sadd.s32 s9, s14;
	s9 =	smov.u32 s6;
	[sflag:s24] =	ssyncadd.s32 $0xFFFFD800  }
0x6d: {  	[tilespmem:s21], [sflag:$0x5] =	stream.linear.gather [hbm4b:s8+s2], $0x100, $0x38;
	[tilespmem:$0x1B380] =	vst v63  }
0x6e: {  	_ =	swait.ge [sflag:s24], $0x100  }
0x6f: {  	[sflag:s24] =	ssyncset.done $0x0  }
0x70: {  	[sflag:s24] =	ssyncadd.s32 $0xFFFFFF00  }
0x71: {  	[tilespmem:s22], [sflag:$0x2] =	stream.indirect.gather [hbm4b:s3+s19], $0x80, s21, s19, $0xb8;
	[tilespmem:$0x1B380] =	vst v63  }
0x72: {  	_ =	swait.ge [sflag:s31], $0x2800  }
.Ltmp0:
0x73: {  	[sflag:s31] =	ssyncset.done $0x0;
	(pc) =	sbr.rel @p1 .LBB2_2-.Ltmp0, $4  }
0x74: {  	[sflag:s31] =	ssyncadd.s32 $0xFFFFD800  }
0x75: {  	[spmem:s1] =	stream.indirect.scatter.add.f32 [tilespmem:s25], [sflag:$0x4], $0x80, s0, s19, $0xb8;
	[tilespmem:$0x1B380] =	vst v63  }
0x76: {  	_ =	swait.ge [sflag:s17], $0x2800  }
0x77: {  	s10 =	sadd.s32 $0x300, s10;
	s8 =	smov.u32 s11;
	[sflag:s17] =	ssyncset.done $0x0  }
0x78: {  	s6 =	sadd.s32 s9, s15;
	[sflag:s17] =	ssyncadd.s32 $0xFFFFD800  }
0x79: {  	[tilespmem:s23], [sflag:$0x5] =	stream.linear.gather [hbm4b:s6+s2], $0x100, $0x38;
	[tilespmem:$0x1B380] =	vst v63  }
0x7a: {  	_ =	swait.ge [sflag:s24], $0x100  }
0x7b: {  	[sflag:s24] =	ssyncset.done $0x0  }
0x7c: {  	[sflag:s24] =	ssyncadd.s32 $0xFFFFFF00  }
0x7d: {  	[tilespmem:s25], [sflag:$0x3] =	stream.indirect.gather [hbm4b:s3+s19], $0x80, s23, s19, $0xb8;
	[tilespmem:$0x1B380] =	vst v63  }
0x7e: {  	_ =	swait.ge [sflag:s26], $0x2800  }
0x7f: {  	[sflag:s26] =	ssyncset.done $0x0  }
0x80: {  	[sflag:s26] =	ssyncadd.s32 $0xFFFFD800  }
0x81: {  	[spmem:s1] =	stream.indirect.scatter.add.f32 [tilespmem:s20], [sflag:$0x5], $0x80, s28, s19, $0xb8;
	[tilespmem:$0x1B380] =	vst v63  }
0x82: {  	_ =	swait.ge [sflag:s24], $0x2800  }
0x83: {  	s10 =	sshrl.u32 s10, $0x3;
	[sflag:s24] =	ssyncset.done $0x0  }
0x84: {  	s6 =	sadd.s32 s5, s10;
	[sflag:s24] =	ssyncadd.s32 $0xFFFFD800  }
0x85: {  	[tilespmem:s2], [sflag:$0x5] =	stream.linear.gather [hbm4b:s6+s2], $0x100, $0x38;
	[tilespmem:$0x1B380] =	vst v63  }
0x86: {  	_ =	swait.ge [sflag:s24], $0x100  }
0x87: {  	[sflag:s24] =	ssyncset.done $0x0  }
0x88: {  	[sflag:s24] =	ssyncadd.s32 $0xFFFFFF00  }
0x89: {  	[tilespmem:s20], [sflag:$0x1] =	stream.indirect.gather [hbm4b:s3+s19], $0x80, s2, s19, $0xb8;
	[tilespmem:$0x1B380] =	vst v63  }
0x8a: {  	_ =	swait.ge [sflag:s29], $0x2800  }
0x8b: {  	[sflag:s29] =	ssyncset.done $0x0  }
0x8c: {  	[sflag:s29] =	ssyncadd.s32 $0xFFFFD800  }
0x8d: {  	[spmem:s1] =	stream.indirect.scatter.add.f32 [tilespmem:s22], [sflag:$0x5], $0x80, s30, s19, $0xb8;
	[tilespmem:$0x1B380] =	vst v63  }
0x8e: {  	_ =	swait.ge [sflag:s24], $0x2800  }
0x8f: {  	[sflag:s24] =	ssyncset.done $0x0  }
0x90: {  	s11 =	sadd.s32 s9, s14;
	[sflag:s24] =	ssyncadd.s32 $0xFFFFD800  }
0x91: {  	[tilespmem:s21], [sflag:$0x5] =	stream.linear.gather [hbm4b:s11+s2], $0x100, $0x38;
	[tilespmem:$0x1B380] =	vst v63  }
0x92: {  	_ =	swait.ge [sflag:s24], $0x100  }
0x93: {  	[sflag:s24] =	ssyncset.done $0x0  }
0x94: {  	[sflag:s24] =	ssyncadd.s32 $0xFFFFFF00  }
0x95: {  	[tilespmem:s22], [sflag:$0x2] =	stream.indirect.gather [hbm4b:s3+s19], $0x80, s21, s19, $0xb8;
	[tilespmem:$0x1B380] =	vst v63  }
0x96: {  	_ =	swait.ge [sflag:s31], $0x2800  }
0x97: {  	[sflag:s31] =	ssyncset.done $0x0  }
0x98: {  	[sflag:s31] =	ssyncadd.s32 $0xFFFFD800  }
0x99: {  	[spmem:s1] =	stream.indirect.scatter.add.f32 [tilespmem:s25], [sflag:$0x4], $0x80, s0, s19, $0xb8;
	[tilespmem:$0x1B380] =	vst v63  }
0x9a: {  	_ =	swait.ge [sflag:s17], $0x2800  }
0x9b: {  	[sflag:s17] =	ssyncset.done $0x0  }
0x9c: {  	[sflag:s17] =	ssyncadd.s32 $0xFFFFD800  }
0x9d: {  	_ =	swait.ge [sflag:s26], $0x2800  }
0x9e: {  	[sflag:s26] =	ssyncset.done $0x0  }
0x9f: {  	[sflag:s26] =	ssyncadd.s32 $0xFFFFD800  }
0xa0: {  	[spmem:s1] =	stream.indirect.scatter.add.f32 [tilespmem:s20], [sflag:$0x5], $0x80, s28, s19, $0xb8;
	[tilespmem:$0x1B380] =	vst v63  }
0xa1: {  	_ =	swait.ge [sflag:s24], $0x2800  }
0xa2: {  	[sflag:s24] =	ssyncset.done $0x0  }
0xa3: {  	[sflag:s24] =	ssyncadd.s32 $0xFFFFD800  }
0xa4: {  	_ =	swait.ge [sflag:s29], $0x2800  }
0xa5: {  	[sflag:s29] =	ssyncset.done $0x0  }
0xa6: {  	[sflag:s29] =	ssyncadd.s32 $0xFFFFD800  }
0xa7: {  	[spmem:s1] =	stream.indirect.scatter.add.f32 [tilespmem:s22], [sflag:$0x5], $0x80, s30, s19, $0xb8;
	[tilespmem:$0x1B380] =	vst v63  }
0xa8: {  	_ =	swait.ge [sflag:s24], $0x2800  }
0xa9: {  	[sflag:s24] =	ssyncset.done $0x0  }
0xaa: {  	[sflag:s24] =	ssyncadd.s32 $0xFFFFD800  }
0xab: {  	[bflag:$0x0] =	sbarrier.arrive $0xFFFF  }
0xac: {  	s12 =	rddreg [dreg:$0x6]  }
0xad: {  	[hbm:s12], [sflag:s7] =	dma.local [spmem:s16], $0x2700  }
0xae: {  	_ =	swait.ge [sflag:s17], $0x2700  }
0xaf: {  	[sflag:s17] =	ssyncset.done $0x0  }
0xb0: {  	s6 =	rddreg [dreg:$0x7];
	[sflag:s17] =	ssyncadd.s32 $0xFFFFD900  }
0xb1: {  	[hbm:s6], [sflag:s7] =	dma.local @!p0 [spmem:s18], $0x100  }
0xb2: {  	s6 =	simm.s32 @!p0 $0x4  }
0xb3: {  	_ =	swait.ge @!p0 [sflag:s6], $0x100  }
0xb4: {  	s4 =	sadd.s32 $0x1, s4;
	s8 =	rddreg [dreg:$0x8]  }
0xb5: {  	p1 =	sne.s32 s4, s8  }
.Ltmp1:
0xb6: {  	_ = 	snop;
	(pc) =	sbr.rel @p1 .LBB2_1-.Ltmp1, $3  }
0xb7: {  	_ =	sdelay $0x1  }
0xb8: {  	[sflag:s6] =	ssyncset.done @!p0 $0x0  }
0xb9: {  	[sflag:s6] =	ssyncadd.s32 @!p0 $0xFFFFFF00  }
0xba: {  	_ =	sfence.sel $0x180000  }
0xbb: {  	[bflag:$0x0] =	sbarrier.arrive $0xFFFF  }
0xbc: {  	_ =	strace $0x90000053  }
0xbd: {  	s0 =	stileid.u32;
	[bflag:$0x2] =	sbarrier.arrive $0xFFFF  }
0xbe: {  	p0 =	sne.s32 s0, $0x0;
	s0 =	rddreg [dreg:$0x2]  }
0xbf: {  	s0 =	sadd.s32 @!p0 $0x100000, s0  }
0xc0: {  	[sflag:s0] =	ssyncadd.tile.s32 @!p0 $0x1;
	_ =	shalt  }
.Lfunc_end2:
_tile_overlayer_lowered:
.L_overlay_start_2:
0xc1: {  	(tag) =	ssettag $0x2  }
0xc2: {  	s0 =	rddreg [dreg:$0x0];
	s2 =	stileid.u32  }
0xc3: {  	s1 =	rddreg [dreg:$0x1];
	p0 =	sne.s32 s2, $0x0  }
0xc4: {  	s3 =	rddreg [dreg:$0x2];
	[bflag:$0x3] =	sbarrier.arrive $0xFFFF;
	s2 =	simm.s32 @!p0 $0x1C04  }
0xc5: {  	[timem:s3], [sflag:s2] =	dma.local @!p0 [hbm:s0], s1  }
0xc6: {  	s0 =	simm.s32 @!p0 $0x4  }
0xc7: {  	_ =	swait.ge @!p0 [sflag:s0], s1  }
0xc8: {  	s1 =	ssub.s32 @!p0 $0x0, s1;
	[sflag:s0] =	ssyncset.done @!p0 $0x0  }
0xc9: {  	[sflag:s0] =	ssyncadd.s32 @!p0 s1  }
0xca: {  	[bflag:$0x3] =	sbarrier.arrive $0xFFFF  }
0xcb: {  	_ =	shalt  }

</sc_bundles>
